<compile_context>
chip_gen: v7x
topology: tpu7x:2x2x1
jax: 0.10.2.dev20260603
libtpu: 0.0.44.dev20260713+nightly
codegen_flags: <defaults>
</compile_context>

<pallas_src>
import functools

import jax
import jax.numpy as jnp
from jax import lax
from jax.experimental import pallas as pl
from jax.experimental.pallas import tpu as pltpu
from jax.experimental.pallas import tpu_sc as plsc

NC = 2
NS = 16
NW = NC * NS
CHUNK = 128
BLK = 512


def _sc_mesh():
  return plsc.VectorSubcoreMesh(
      core_axis_name="c", subcore_axis_name="s",
      num_cores=NC, num_subcores=NS)


@functools.lru_cache(maxsize=None)
def _seg_sum_kernel(n_pad, h, k):
  rps = n_pad // NS

  @functools.partial(
      pl.kernel, mesh=_sc_mesh(),
      compiler_params=pltpu.CompilerParams(use_tc_tiling_on_sc=False),
      out_type=jax.ShapeDtypeStruct((NC * n_pad, h), jnp.float32),
      scratch_types=[
          pltpu.VMEM((2, CHUNK), jnp.int32),
          pltpu.VMEM((2, CHUNK), jnp.int32),
          pltpu.VMEM((CHUNK, h), jnp.float32),
          pltpu.VMEM((CHUNK, h), jnp.float32),
          pltpu.VMEM_SHARED((n_pad, h), jnp.float32),
          pltpu.SemaphoreType.DMA,
          pltpu.SemaphoreType.DMA,
          pltpu.SemaphoreType.DMA,
          pltpu.SemaphoreType.DMA,
      ])
  def seg(hs_hbm, sidx_hbm, zero_hbm, out_hbm,
          idx_a, idx_b, buf_a, buf_b, acc, sem_ia, sem_ib, sem_ra, sem_rb):
    c = lax.axis_index("c")
    s = lax.axis_index("s")
    w = c * NS + s
    r0 = s * rps
    cj0 = w * k
    pltpu.sync_copy(zero_hbm.at[pl.ds(r0, rps)], acc.at[pl.ds(r0, rps)])
    plsc.subcore_barrier()

    pltpu.async_copy(sidx_hbm.at[cj0], idx_a, sem_ia)
    pltpu.async_copy(sidx_hbm.at[cj0 + 1], idx_b, sem_ib)
    pltpu.make_async_copy(sidx_hbm.at[cj0], idx_a, sem_ia).wait()
    pltpu.async_copy(hs_hbm.at[idx_a.at[0]], buf_a, sem_ra)

    def pair(jj, carry):
      j = cj0 + 2 * jj
      pltpu.make_async_copy(sidx_hbm.at[j + 1], idx_b, sem_ib).wait()
      pltpu.async_copy(hs_hbm.at[idx_b.at[0]], buf_b, sem_rb)

      pltpu.make_async_copy(hs_hbm.at[idx_a.at[0]], buf_a, sem_ra).wait()
      pltpu.sync_copy(buf_a, acc.at[idx_a.at[1]], add=True)

      @pl.when(2 * jj + 2 < k)
      def _():
        pltpu.async_copy(sidx_hbm.at[j + 2], idx_a, sem_ia)
        pltpu.make_async_copy(sidx_hbm.at[j + 2], idx_a, sem_ia).wait()
        pltpu.async_copy(hs_hbm.at[idx_a.at[0]], buf_a, sem_ra)

      pltpu.make_async_copy(hs_hbm.at[idx_b.at[0]], buf_b, sem_rb).wait()
      pltpu.sync_copy(buf_b, acc.at[idx_b.at[1]], add=True)

      @pl.when(2 * jj + 3 < k)
      def _():
        pltpu.async_copy(sidx_hbm.at[j + 3], idx_b, sem_ib)

      return carry

    lax.fori_loop(0, k // 2, pair, 0, unroll=2)
    plsc.subcore_barrier()
    pltpu.sync_copy(acc.at[pl.ds(r0, rps)],
                    out_hbm.at[pl.ds(c * n_pad + r0, rps)])

  return seg


@functools.lru_cache(maxsize=None)
def _deg_kernel(n_pad, k):
  wdeg = 16
  rps = n_pad // NS

  @functools.partial(
      pl.kernel, mesh=_sc_mesh(),
      compiler_params=pltpu.CompilerParams(use_tc_tiling_on_sc=False),
      out_type=jax.ShapeDtypeStruct((NC * n_pad, wdeg), jnp.float32),
      scratch_types=[
          pltpu.VMEM((k, CHUNK), jnp.int32),
          pltpu.VMEM((CHUNK, wdeg), jnp.float32),
          pltpu.VMEM_SHARED((n_pad, wdeg), jnp.float32),
          pltpu.SemaphoreType.DMA,
      ])
  def deg(dst_hbm, ones_hbm, zero_hbm, out_hbm, dst_v, ones_v, acc, sem):
    c = lax.axis_index("c")
    s = lax.axis_index("s")
    w = c * NS + s
    r0 = s * rps
    pltpu.sync_copy(zero_hbm.at[pl.ds(r0, rps)], acc.at[pl.ds(r0, rps)])
    pltpu.sync_copy(dst_hbm.at[w], dst_v)
    pltpu.sync_copy(ones_hbm, ones_v)
    plsc.subcore_barrier()

    def body(j, carry):
      pltpu.async_copy(ones_v, acc.at[dst_v.at[j]], sem, add=True)
      return carry

    lax.fori_loop(0, k, body, 0)

    def drain(j, carry):
      pltpu.make_async_copy(ones_v, acc.at[dst_v.at[0]], sem).wait()
      return carry

    lax.fori_loop(0, k, drain, 0)
    plsc.subcore_barrier()
    pltpu.sync_copy(acc.at[pl.ds(r0, rps)],
                    out_hbm.at[pl.ds(c * n_pad + r0, rps)])

  return deg


def _row_specs(n_pad, widths):
  return [pl.BlockSpec((BLK, w), lambda i: (i, 0)) for w in widths]


def _tc_call(body, n_pad, in_specs, out_widths, *args):
  grid = (n_pad // BLK,)
  outs = [jax.ShapeDtypeStruct((n_pad, w), jnp.float32) for w in out_widths]
  res = pl.pallas_call(
      body, grid=grid, in_specs=in_specs,
      out_specs=[pl.BlockSpec((BLK, w), lambda i: (i, 0)) for w in out_widths],
      out_shape=outs)(*args)
  return res


def _shift_spec(n_pad, w):
  off = n_pad // BLK
  return pl.BlockSpec((BLK, w), lambda i: (i + off, 0))


def _tc0_body(x, w1, disr, o_hs):
  z = jnp.dot(x[:], w1[:], preferred_element_type=jnp.float32)
  o_hs[:] = z * disr[:]


def _tc_mid_body(s0, s1, hs, disr, w, b, o_hs):
  pre = disr[:] * (s0[:] + s1[:] + hs[:]) + b[:]
  hrelu = jnp.maximum(pre, 0.0)
  o_hs[:] = disr[:] * jnp.dot(hrelu, w[:],
                              preferred_element_type=jnp.float32)


def _tc4_body(s0, s1, hs, disr, b, w3p, disr16, o_hs):
  pre = disr[:] * (s0[:] + s1[:] + hs[:]) + b[:]
  h4 = jnp.maximum(pre, 0.0)
  o_hs[:] = disr16[:] * jnp.dot(h4, w3p[:],
                                preferred_element_type=jnp.float32)


def _tc_final_body(s0, s1, hs, disr16, b3p, o):
  o[:] = disr16[:] * (s0[:] + s1[:] + hs[:]) + b3p[:]


def kernel(x, edge_index, W1, b1, W20, b20, W21, b21, W22, b22, W3, b3):
  n, d_in = x.shape
  h = W1.shape[1]
  e = edge_index.shape[1]
  n_pad = -(-(n + NS) // BLK) * BLK
  k = -(-e // (NW * CHUNK))
  k += k % 2
  e_pad = NW * CHUNK * k
  p = e_pad - e

  pad_rows = n_pad - n
  pad_idx = (n + jnp.arange(p, dtype=jnp.int32) % pad_rows)
  srcp = jnp.concatenate([edge_index[0], pad_idx]).reshape(NW, k, CHUNK)
  dstp = jnp.concatenate([edge_index[1], pad_idx]).reshape(NW, k, CHUNK)
  sidx = jnp.stack([srcp, dstp], axis=2).reshape(NW * k, 2, CHUNK)

  x_pad = jnp.zeros((n_pad, d_in), jnp.float32).at[:n].set(x)
  zeros_h = jnp.zeros((n_pad, h), jnp.float32)
  zeros_16 = jnp.zeros((n_pad, 16), jnp.float32)
  ones_16 = jnp.ones((CHUNK, 16), jnp.float32)
  w3p = jnp.zeros((h, 16), jnp.float32).at[:, :1].set(W3)
  b3p = jnp.zeros((1, 16), jnp.float32).at[0, 0].set(b3[0])
  b1r, b20r, b21r, b22r = (v.reshape(1, h) for v in (b1, b20, b21, b22))

  seg = _seg_sum_kernel(n_pad, h, k)
  deg = _deg_kernel(n_pad, k)

  sd = deg(dstp, ones_16, zeros_16)

  degv = sd[:n_pad, 0] + sd[n_pad:, 0] + 1.0
  dis = jnp.where(degv > 0, degv ** -0.5, 0.0)
  disr = dis[:, None] * jnp.ones((1, h), jnp.float32)
  disr16 = dis[:, None] * jnp.ones((1, 16), jnp.float32)

  specs0 = [_row_specs(n_pad, [d_in])[0],
            pl.BlockSpec((d_in, h), lambda i: (0, 0)),
            _row_specs(n_pad, [h])[0]]
  (hs1,) = _tc_call(_tc0_body, n_pad, specs0, [h], x_pad, W1, disr)

  hs = hs1
  for wmat, bvec in ((W20, b1r), (W21, b20r), (W22, b21r)):
    s_part = seg(hs, sidx, zeros_h)
    sp = [_row_specs(n_pad, [h])[0], _shift_spec(n_pad, h),
          _row_specs(n_pad, [h])[0], _row_specs(n_pad, [h])[0],
          pl.BlockSpec((h, h), lambda i: (0, 0)),
          pl.BlockSpec((1, h), lambda i: (0, 0))]
    (hs,) = _tc_call(_tc_mid_body, n_pad, sp, [h],
                     s_part, s_part, hs, disr, wmat, bvec)

  s_part = seg(hs, sidx, zeros_h)
  sp = [_row_specs(n_pad, [h])[0], _shift_spec(n_pad, h),
        _row_specs(n_pad, [h])[0], _row_specs(n_pad, [h])[0],
        pl.BlockSpec((1, h), lambda i: (0, 0)),
        pl.BlockSpec((h, 16), lambda i: (0, 0)),
        _row_specs(n_pad, [16])[0]]
  (hs5w,) = _tc_call(_tc4_body, n_pad, sp, [16],
                     s_part, s_part, hs, disr, b22r, w3p, disr16)

  seg16 = _seg_sum_kernel(n_pad, 16, k)
  s_part = seg16(hs5w, sidx, zeros_16)
  sp = [_row_specs(n_pad, [16])[0], _shift_spec(n_pad, 16),
        _row_specs(n_pad, [16])[0], _row_specs(n_pad, [16])[0],
        pl.BlockSpec((1, 16), lambda i: (0, 0))]
  (outp,) = _tc_call(_tc_final_body, n_pad, sp, [16],
                     s_part, s_part, hs5w, disr16, b3p)
  return outp[:n, :1]

# --- scband reference (transcript-rebuilt; emitter-appended) ---
"""Pipeline reference for scband-gactor-78417512890496 (READ-ONLY COPY).

The authoritative reference and input builder live on the scoring server;
editing this copy changes nothing except your own understanding.
"""

import jax, jax.numpy as jnp
import numpy as np

N = 10000
E = 320000
D = 128
H = 128


def gcn_conv(x, edge_index, W, b):
    n = x.shape[0]
    loop = jnp.arange(n, dtype=edge_index.dtype)
    src = jnp.concatenate([edge_index[0], loop])
    dst = jnp.concatenate([edge_index[1], loop])
    deg = jnp.zeros((n,), x.dtype).at[dst].add(1.0)
    dis = jnp.where(deg > 0, deg ** -0.5, 0.0)
    norm = dis[src] * dis[dst]
    h = x @ W
    msg = h[src] * norm[:, None]
    out = jnp.zeros((n, W.shape[1]), x.dtype).at[dst].add(msg)
    return out + b


def setup_inputs(seed: int = 0):
    key = jax.random.key(seed)
    ks = jax.random.split(key, 16)
    x = jax.random.normal(ks[0], (N, D), jnp.float32)
    edge_index = jax.random.randint(ks[1], (2, E), 0, N, dtype=jnp.int32)
    s_in = 1.0 / np.sqrt(D)
    s_h = 1.0 / np.sqrt(H)
    W1 = jax.random.uniform(ks[2], (D, H), jnp.float32, -s_in, s_in)
    b1 = jnp.zeros((H,), jnp.float32)
    W20 = jax.random.uniform(ks[3], (H, H), jnp.float32, -s_h, s_h)
    b20 = jnp.zeros((H,), jnp.float32)
    W21 = jax.random.uniform(ks[4], (H, H), jnp.float32, -s_h, s_h)
    b21 = jnp.zeros((H,), jnp.float32)
    W22 = jax.random.uniform(ks[5], (H, H), jnp.float32, -s_h, s_h)
    b22 = jnp.zeros((H,), jnp.float32)
    W3 = jax.random.uniform(ks[6], (H, 1), jnp.float32, -s_h, s_h)
    b3 = jnp.zeros((1,), jnp.float32)
    return {"x": x, "edge_index": edge_index, "W1": W1, "b1": b1,
            "W20": W20, "b20": b20, "W21": W21, "b21": b21,
            "W22": W22, "b22": b22, "W3": W3, "b3": b3}


def reference(x, edge_index, W1, b1, W20, b20, W21, b21, W22, b22, W3, b3):
    h = jax.nn.relu(gcn_conv(x, edge_index, W1, b1))
    for W, b in ((W20, b20), (W21, b21), (W22, b22)):
        h = jax.nn.relu(gcn_conv(h, edge_index, W, b))
    out = gcn_conv(h, edge_index, W3, b3)
    return out

if __name__ == "__main__":
    import jax
    _d = setup_inputs()
    print(jax.jit(kernel)(*tuple(_d.values())))

</pallas_src>

<mosaic_0001>
#map = affine_map<(d0, d1) -> (0, 0, 0)>
#map1 = affine_map<(d0, d1) -> (0, 0)>
module attributes {stable_mosaic.version = 14 : i64} {
  func.func @deg(%arg0: i32, %arg1: i32, %arg2: memref<32x80x128xi32, #tpu.memory_space<hbm>>, %arg3: memref<128x16xf32, #tpu.memory_space<hbm>>, %arg4: memref<10240x16xf32, #tpu.memory_space<hbm>>, %arg5: memref<20480x16xf32, #tpu.memory_space<hbm>>, %arg6: memref<80x128xi32, #tpu.memory_space<vmem>>, %arg7: memref<128x16xf32, #tpu.memory_space<vmem>>, %arg8: memref<10240x16xf32, #tpu.memory_space<vmem_shared>>, %arg9: memref<!tpu.dma_semaphore, #tpu.memory_space<semaphore_mem>>) attributes {dimension_semantics = [#tpu.dimension_semantics<core_parallel>, #tpu.dimension_semantics<subcore_parallel>], iteration_bounds = array<i64: 2, 16>, scalar_prefetch = 0 : i64, scratch_operands = 4 : i64, tpu.core_type = #tpu.core_type<sc_vector_subcore>, window_params = [{transform_indices = #map}, {transform_indices = #map1}, {transform_indices = #map1}, {transform_indices = #map1}]} {
    %mul3A = arith.constant 16 : i32
    %mul3A_0 = arith.muli %arg0, %mul3A : i32
    %add3A = arith.addi %mul3A_0, %arg1 : i32
    %mul3A_1 = arith.constant 640 : i32
    %mul3A_2 = arith.muli %arg1, %mul3A_1 : i32
    "tpu.region"() ({
      %run_scoped3A = tpu.sem_alloc : memref<!tpu.dma_semaphore, #tpu.memory_space<semaphore_mem>>
      %dma_start3A = arith.constant 0 : i32
      %dma_start3A_18 = tpu.memref_slice %arg8[%mul3A_2, %dma_start3A] : memref<10240x16xf32, #tpu.memory_space<vmem_shared>> -> memref<640x16xf32, #tpu.memory_space<vmem_shared>>
      %dma_start3A_19 = arith.constant 0 : i32
      %dma_start3A_20 = tpu.memref_slice %arg4[%mul3A_2, %dma_start3A_19] : memref<10240x16xf32, #tpu.memory_space<hbm>> -> memref<640x16xf32, #tpu.memory_space<hbm>>
      tpu.enqueue_dma source(%dma_start3A_20 : memref<640x16xf32, #tpu.memory_space<hbm>>) target(%dma_start3A_18 : memref<640x16xf32, #tpu.memory_space<vmem_shared>>) target_semaphore(%run_scoped3A : memref<!tpu.dma_semaphore, #tpu.memory_space<semaphore_mem>>)
      %dma_wait3A = arith.constant 0 : i32
      %dma_wait3A_21 = tpu.memref_slice %arg8[%mul3A_2, %dma_wait3A] : memref<10240x16xf32, #tpu.memory_space<vmem_shared>> -> memref<640x16xf32, #tpu.memory_space<vmem_shared>>
      %dma_wait3A_22 = arith.constant 0 : i32
      %dma_wait3A_23 = tpu.memref_slice %arg4[%mul3A_2, %dma_wait3A_22] : memref<10240x16xf32, #tpu.memory_space<hbm>> -> memref<640x16xf32, #tpu.memory_space<hbm>>
      tpu.wait_dma2 semaphore(%run_scoped3A : memref<!tpu.dma_semaphore, #tpu.memory_space<semaphore_mem>>) src(%dma_wait3A_23 : memref<640x16xf32, #tpu.memory_space<hbm>>) dst(%dma_wait3A_21 : memref<640x16xf32, #tpu.memory_space<vmem_shared>>)
      tpu.yield
    }) : () -> ()
    "tpu.region"() ({
      %run_scoped3A = tpu.sem_alloc : memref<!tpu.dma_semaphore, #tpu.memory_space<semaphore_mem>>
      %dma_start3A = arith.constant 0 : i32
      %dma_start3A_18 = arith.constant 0 : i32
      %dma_start3A_19 = tpu.memref_slice %arg2[%add3A, %dma_start3A, %dma_start3A_18] : memref<32x80x128xi32, #tpu.memory_space<hbm>> -> memref<1x80x128xi32, #tpu.memory_space<hbm>>
      %dma_start3A_20 = tpu.memref_squeeze %dma_start3A_19 : memref<1x80x128xi32, #tpu.memory_space<hbm>> -> memref<80x128xi32, #tpu.memory_space<hbm>>
      %dma_start3A_21 = arith.constant 0 : i32
      %dma_start3A_22 = arith.constant 0 : i32
      %dma_start3A_23 = tpu.memref_slice %arg2[%add3A, %dma_start3A_21, %dma_start3A_22] : memref<32x80x128xi32, #tpu.memory_space<hbm>> -> memref<1x80x128xi32, #tpu.memory_space<hbm>>
      %dma_start3A_24 = tpu.memref_squeeze %dma_start3A_23 : memref<1x80x128xi32, #tpu.memory_space<hbm>> -> memref<80x128xi32, #tpu.memory_space<hbm>>
      tpu.enqueue_dma source(%dma_start3A_24 : memref<80x128xi32, #tpu.memory_space<hbm>>) target(%arg6 : memref<80x128xi32, #tpu.memory_space<vmem>>) target_semaphore(%run_scoped3A : memref<!tpu.dma_semaphore, #tpu.memory_space<semaphore_mem>>)
      %dma_wait3A = arith.constant 0 : i32
      %dma_wait3A_25 = arith.constant 0 : i32
      %dma_wait3A_26 = tpu.memref_slice %arg2[%add3A, %dma_wait3A, %dma_wait3A_25] : memref<32x80x128xi32, #tpu.memory_space<hbm>> -> memref<1x80x128xi32, #tpu.memory_space<hbm>>
      %dma_wait3A_27 = tpu.memref_squeeze %dma_wait3A_26 : memref<1x80x128xi32, #tpu.memory_space<hbm>> -> memref<80x128xi32, #tpu.memory_space<hbm>>
      %dma_wait3A_28 = arith.constant 0 : i32
      %dma_wait3A_29 = arith.constant 0 : i32
      %dma_wait3A_30 = tpu.memref_slice %arg2[%add3A, %dma_wait3A_28, %dma_wait3A_29] : memref<32x80x128xi32, #tpu.memory_space<hbm>> -> memref<1x80x128xi32, #tpu.memory_space<hbm>>
      %dma_wait3A_31 = tpu.memref_squeeze %dma_wait3A_30 : memref<1x80x128xi32, #tpu.memory_space<hbm>> -> memref<80x128xi32, #tpu.memory_space<hbm>>
      tpu.wait_dma2 semaphore(%run_scoped3A : memref<!tpu.dma_semaphore, #tpu.memory_space<semaphore_mem>>) src(%dma_wait3A_31 : memref<80x128xi32, #tpu.memory_space<hbm>>) dst(%arg6 : memref<80x128xi32, #tpu.memory_space<vmem>>)
      tpu.yield
    }) : () -> ()
    "tpu.region"() ({
      %run_scoped3A = tpu.sem_alloc : memref<!tpu.dma_semaphore, #tpu.memory_space<semaphore_mem>>
      tpu.enqueue_dma source(%arg3 : memref<128x16xf32, #tpu.memory_space<hbm>>) target(%arg7 : memref<128x16xf32, #tpu.memory_space<vmem>>) target_semaphore(%run_scoped3A : memref<!tpu.dma_semaphore, #tpu.memory_space<semaphore_mem>>)
      tpu.wait_dma2 semaphore(%run_scoped3A : memref<!tpu.dma_semaphore, #tpu.memory_space<semaphore_mem>>) src(%arg3 : memref<128x16xf32, #tpu.memory_space<hbm>>) dst(%arg7 : memref<128x16xf32, #tpu.memory_space<vmem>>)
      tpu.yield
    }) : () -> ()
    %barrier3A = arith.constant 0 : index
    tpu.barrier barrier_id(%barrier3A)
    %scan3A = arith.constant 0 : i32
    %scan3A_3 = arith.constant 0 : i32
    %scan3A_4 = arith.constant 80 : i32
    %scan3A_5 = arith.addi %scan3A_3, %scan3A_4 : i32
    %scan3A_6 = arith.constant 1 : i32
    scf.for %scan3A_18 = %scan3A_3 to %scan3A_5 step %scan3A_6  : i32 {
      %dma_start3A = arith.constant 0 : i32
      %dma_start3A_19 = tpu.memref_slice %arg6[%scan3A_18, %dma_start3A] : memref<80x128xi32, #tpu.memory_space<vmem>> -> memref<1x128xi32, #tpu.memory_space<vmem>>
      %dma_start3A_20 = tpu.memref_squeeze %dma_start3A_19 : memref<1x128xi32, #tpu.memory_space<vmem>> -> memref<128xi32, #tpu.memory_space<vmem>>
      %dma_start3A_21 = arith.constant 0 : i32
      %dma_start3A_22 = arith.constant 0 : i32
      %dma_start3A_23 = tpu.memref_slice %arg8[%dma_start3A_21, %dma_start3A_22] : memref<10240x16xf32, #tpu.memory_space<vmem_shared>> -> memref<10240x16xf32, #tpu.memory_space<vmem_shared>>
      tpu.enqueue_indirect_dma source(%arg7 : memref<128x16xf32, #tpu.memory_space<vmem>>) target(%dma_start3A_23 : memref<10240x16xf32, #tpu.memory_space<vmem_shared>>) offsets(%dma_start3A_20 : memref<128xi32, #tpu.memory_space<vmem>>) semaphore(%arg9 : memref<!tpu.dma_semaphore, #tpu.memory_space<semaphore_mem>>) {add = true}
    }
    %scan3A_7 = arith.constant 80 : i32
    %scan3A_8 = arith.constant 0 : i32
    %scan3A_9 = arith.constant 0 : i32
    %scan3A_10 = arith.constant 80 : i32
    %scan3A_11 = arith.addi %scan3A_9, %scan3A_10 : i32
    %scan3A_12 = arith.constant 1 : i32
    scf.for %scan3A_18 = %scan3A_9 to %scan3A_11 step %scan3A_12  : i32 {
      %dma_wait3A = arith.constant 0 : i32
      %dma_wait3A_19 = arith.constant 0 : i32
      %dma_wait3A_20 = tpu.memref_slice %arg6[%dma_wait3A, %dma_wait3A_19] : memref<80x128xi32, #tpu.memory_space<vmem>> -> memref<1x128xi32, #tpu.memory_space<vmem>>
      %dma_wait3A_21 = tpu.memref_squeeze %dma_wait3A_20 : memref<1x128xi32, #tpu.memory_space<vmem>> -> memref<128xi32, #tpu.memory_space<vmem>>
      %dma_wait3A_22 = arith.constant 0 : i32
      %dma_wait3A_23 = arith.constant 0 : i32
      %dma_wait3A_24 = tpu.memref_slice %arg8[%dma_wait3A_22, %dma_wait3A_23] : memref<10240x16xf32, #tpu.memory_space<vmem_shared>> -> memref<10240x16xf32, #tpu.memory_space<vmem_shared>>
      tpu.wait_indirect_dma semaphore(%arg9 : memref<!tpu.dma_semaphore, #tpu.memory_space<semaphore_mem>>) src(%arg7 : memref<128x16xf32, #tpu.memory_space<vmem>>) dst(%dma_wait3A_24 : memref<10240x16xf32, #tpu.memory_space<vmem_shared>>)
    }
    %scan3A_13 = arith.constant 80 : i32
    %barrier3A_14 = arith.constant 0 : index
    tpu.barrier barrier_id(%barrier3A_14)
    %mul3A_15 = arith.constant 10240 : i32
    %mul3A_16 = arith.muli %arg0, %mul3A_15 : i32
    %add3A_17 = arith.addi %mul3A_16, %mul3A_2 : i32
    "tpu.region"() ({
      %run_scoped3A = tpu.sem_alloc : memref<!tpu.dma_semaphore, #tpu.memory_space<semaphore_mem>>
      %dma_start3A = arith.constant 0 : i32
      %dma_start3A_18 = tpu.memref_slice %arg5[%add3A_17, %dma_start3A] : memref<20480x16xf32, #tpu.memory_space<hbm>> -> memref<640x16xf32, #tpu.memory_space<hbm>>
      %dma_start3A_19 = arith.constant 0 : i32
      %dma_start3A_20 = tpu.memref_slice %arg8[%mul3A_2, %dma_start3A_19] : memref<10240x16xf32, #tpu.memory_space<vmem_shared>> -> memref<640x16xf32, #tpu.memory_space<vmem_shared>>
      tpu.enqueue_dma source(%dma_start3A_20 : memref<640x16xf32, #tpu.memory_space<vmem_shared>>) target(%dma_start3A_18 : memref<640x16xf32, #tpu.memory_space<hbm>>) target_semaphore(%run_scoped3A : memref<!tpu.dma_semaphore, #tpu.memory_space<semaphore_mem>>)
      %dma_wait3A = arith.constant 0 : i32
      %dma_wait3A_21 = tpu.memref_slice %arg5[%add3A_17, %dma_wait3A] : memref<20480x16xf32, #tpu.memory_space<hbm>> -> memref<640x16xf32, #tpu.memory_space<hbm>>
      %dma_wait3A_22 = arith.constant 0 : i32
      %dma_wait3A_23 = tpu.memref_slice %arg8[%mul3A_2, %dma_wait3A_22] : memref<10240x16xf32, #tpu.memory_space<vmem_shared>> -> memref<640x16xf32, #tpu.memory_space<vmem_shared>>
      tpu.wait_dma2 semaphore(%run_scoped3A : memref<!tpu.dma_semaphore, #tpu.memory_space<semaphore_mem>>) src(%dma_wait3A_23 : memref<640x16xf32, #tpu.memory_space<vmem_shared>>) dst(%dma_wait3A_21 : memref<640x16xf32, #tpu.memory_space<hbm>>)
      tpu.yield
    }) : () -> ()
    return
  }
}

#map = affine_map<(d0, d1) -> (0, 0)>
#map1 = affine_map<(d0, d1) -> (0, 0, 0)>
module attributes {stable_mosaic.version = 14 : i64} {
  func.func @seg(%arg0: i32, %arg1: i32, %arg2: memref<10240x128xf32, #tpu.memory_space<hbm>>, %arg3: memref<2560x2x128xi32, #tpu.memory_space<hbm>>, %arg4: memref<10240x128xf32, #tpu.memory_space<hbm>>, %arg5: memref<20480x128xf32, #tpu.memory_space<hbm>>, %arg6: memref<2x128xi32, #tpu.memory_space<vmem>>, %arg7: memref<2x128xi32, #tpu.memory_space<vmem>>, %arg8: memref<128x128xf32, #tpu.memory_space<vmem>>, %arg9: memref<128x128xf32, #tpu.memory_space<vmem>>, %arg10: memref<10240x128xf32, #tpu.memory_space<vmem_shared>>, %arg11: memref<!tpu.dma_semaphore, #tpu.memory_space<semaphore_mem>>, %arg12: memref<!tpu.dma_semaphore, #tpu.memory_space<semaphore_mem>>, %arg13: memref<!tpu.dma_semaphore, #tpu.memory_space<semaphore_mem>>, %arg14: memref<!tpu.dma_semaphore, #tpu.memory_space<semaphore_mem>>) attributes {dimension_semantics = [#tpu.dimension_semantics<core_parallel>, #tpu.dimension_semantics<subcore_parallel>], iteration_bounds = array<i64: 2, 16>, scalar_prefetch = 0 : i64, scratch_operands = 9 : i64, tpu.core_type = #tpu.core_type<sc_vector_subcore>, window_params = [{transform_indices = #map}, {transform_indices = #map1}, {transform_indices = #map}, {transform_indices = #map}]} {
    %mul3A = arith.constant 16 : i32
    %mul3A_0 = arith.muli %arg0, %mul3A : i32
    %add3A = arith.addi %mul3A_0, %arg1 : i32
    %mul3A_1 = arith.constant 640 : i32
    %mul3A_2 = arith.muli %arg1, %mul3A_1 : i32
    %mul3A_3 = arith.constant 80 : i32
    %mul3A_4 = arith.muli %add3A, %mul3A_3 : i32
    "tpu.region"() ({
      %run_scoped3A = tpu.sem_alloc : memref<!tpu.dma_semaphore, #tpu.memory_space<semaphore_mem>>
      %dma_start3A_45 = arith.constant 0 : i32
      %dma_start3A_46 = tpu.memref_slice %arg10[%mul3A_2, %dma_start3A_45] : memref<10240x128xf32, #tpu.memory_space<vmem_shared>> -> memref<640x128xf32, #tpu.memory_space<vmem_shared>>
      %dma_start3A_47 = arith.constant 0 : i32
      %dma_start3A_48 = tpu.memref_slice %arg4[%mul3A_2, %dma_start3A_47] : memref<10240x128xf32, #tpu.memory_space<hbm>> -> memref<640x128xf32, #tpu.memory_space<hbm>>
      tpu.enqueue_dma source(%dma_start3A_48 : memref<640x128xf32, #tpu.memory_space<hbm>>) target(%dma_start3A_46 : memref<640x128xf32, #tpu.memory_space<vmem_shared>>) target_semaphore(%run_scoped3A : memref<!tpu.dma_semaphore, #tpu.memory_space<semaphore_mem>>)
      %dma_wait3A_49 = arith.constant 0 : i32
      %dma_wait3A_50 = tpu.memref_slice %arg10[%mul3A_2, %dma_wait3A_49] : memref<10240x128xf32, #tpu.memory_space<vmem_shared>> -> memref<640x128xf32, #tpu.memory_space<vmem_shared>>
      %dma_wait3A_51 = arith.constant 0 : i32
      %dma_wait3A_52 = tpu.memref_slice %arg4[%mul3A_2, %dma_wait3A_51] : memref<10240x128xf32, #tpu.memory_space<hbm>> -> memref<640x128xf32, #tpu.memory_space<hbm>>
      tpu.wait_dma2 semaphore(%run_scoped3A : memref<!tpu.dma_semaphore, #tpu.memory_space<semaphore_mem>>) src(%dma_wait3A_52 : memref<640x128xf32, #tpu.memory_space<hbm>>) dst(%dma_wait3A_50 : memref<640x128xf32, #tpu.memory_space<vmem_shared>>)
      tpu.yield
    }) : () -> ()
    %barrier3A = arith.constant 0 : index
    tpu.barrier barrier_id(%barrier3A)
    %dma_start3A = arith.constant 0 : i32
    %dma_start3A_5 = arith.constant 0 : i32
    %dma_start3A_6 = tpu.memref_slice %arg3[%mul3A_4, %dma_start3A, %dma_start3A_5] : memref<2560x2x128xi32, #tpu.memory_space<hbm>> -> memref<1x2x128xi32, #tpu.memory_space<hbm>>
    %dma_start3A_7 = tpu.memref_squeeze %dma_start3A_6 : memref<1x2x128xi32, #tpu.memory_space<hbm>> -> memref<2x128xi32, #tpu.memory_space<hbm>>
    %dma_start3A_8 = arith.constant 0 : i32
    %dma_start3A_9 = arith.constant 0 : i32
    %dma_start3A_10 = tpu.memref_slice %arg3[%mul3A_4, %dma_start3A_8, %dma_start3A_9] : memref<2560x2x128xi32, #tpu.memory_space<hbm>> -> memref<1x2x128xi32, #tpu.memory_space<hbm>>
    %dma_start3A_11 = tpu.memref_squeeze %dma_start3A_10 : memref<1x2x128xi32, #tpu.memory_space<hbm>> -> memref<2x128xi32, #tpu.memory_space<hbm>>
    tpu.enqueue_dma source(%dma_start3A_11 : memref<2x128xi32, #tpu.memory_space<hbm>>) target(%arg6 : memref<2x128xi32, #tpu.memory_space<vmem>>) target_semaphore(%arg11 : memref<!tpu.dma_semaphore, #tpu.memory_space<semaphore_mem>>)
    %add3A_12 = arith.constant 1 : i32
    %add3A_13 = arith.addi %mul3A_4, %add3A_12 : i32
    %dma_start3A_14 = arith.constant 0 : i32
    %dma_start3A_15 = arith.constant 0 : i32
    %dma_start3A_16 = tpu.memref_slice %arg3[%add3A_13, %dma_start3A_14, %dma_start3A_15] : memref<2560x2x128xi32, #tpu.memory_space<hbm>> -> memref<1x2x128xi32, #tpu.memory_space<hbm>>
    %dma_start3A_17 = tpu.memref_squeeze %dma_start3A_16 : memref<1x2x128xi32, #tpu.memory_space<hbm>> -> memref<2x128xi32, #tpu.memory_space<hbm>>
    %dma_start3A_18 = arith.constant 0 : i32
    %dma_start3A_19 = arith.constant 0 : i32
    %dma_start3A_20 = tpu.memref_slice %arg3[%add3A_13, %dma_start3A_18, %dma_start3A_19] : memref<2560x2x128xi32, #tpu.memory_space<hbm>> -> memref<1x2x128xi32, #tpu.memory_space<hbm>>
    %dma_start3A_21 = tpu.memref_squeeze %dma_start3A_20 : memref<1x2x128xi32, #tpu.memory_space<hbm>> -> memref<2x128xi32, #tpu.memory_space<hbm>>
    tpu.enqueue_dma source(%dma_start3A_21 : memref<2x128xi32, #tpu.memory_space<hbm>>) target(%arg7 : memref<2x128xi32, #tpu.memory_space<vmem>>) target_semaphore(%arg12 : memref<!tpu.dma_semaphore, #tpu.memory_space<semaphore_mem>>)
    %dma_wait3A = arith.constant 0 : i32
    %dma_wait3A_22 = arith.constant 0 : i32
    %dma_wait3A_23 = tpu.memref_slice %arg3[%mul3A_4, %dma_wait3A, %dma_wait3A_22] : memref<2560x2x128xi32, #tpu.memory_space<hbm>> -> memref<1x2x128xi32, #tpu.memory_space<hbm>>
    %dma_wait3A_24 = tpu.memref_squeeze %dma_wait3A_23 : memref<1x2x128xi32, #tpu.memory_space<hbm>> -> memref<2x128xi32, #tpu.memory_space<hbm>>
    %dma_wait3A_25 = arith.constant 0 : i32
    %dma_wait3A_26 = arith.constant 0 : i32
    %dma_wait3A_27 = tpu.memref_slice %arg3[%mul3A_4, %dma_wait3A_25, %dma_wait3A_26] : memref<2560x2x128xi32, #tpu.memory_space<hbm>> -> memref<1x2x128xi32, #tpu.memory_space<hbm>>
    %dma_wait3A_28 = tpu.memref_squeeze %dma_wait3A_27 : memref<1x2x128xi32, #tpu.memory_space<hbm>> -> memref<2x128xi32, #tpu.memory_space<hbm>>
    tpu.wait_dma2 semaphore(%arg11 : memref<!tpu.dma_semaphore, #tpu.memory_space<semaphore_mem>>) src(%dma_wait3A_28 : memref<2x128xi32, #tpu.memory_space<hbm>>) dst(%arg6 : memref<2x128xi32, #tpu.memory_space<vmem>>)
    %dma_start3A_29 = arith.constant 0 : i32
    %dma_start3A_30 = arith.constant 0 : i32
    %dma_start3A_31 = tpu.memref_slice %arg6[%dma_start3A_29, %dma_start3A_30] : memref<2x128xi32, #tpu.memory_space<vmem>> -> memref<1x128xi32, #tpu.memory_space<vmem>>
    %dma_start3A_32 = tpu.memref_squeeze %dma_start3A_31 : memref<1x128xi32, #tpu.memory_space<vmem>> -> memref<128xi32, #tpu.memory_space<vmem>>
    %dma_start3A_33 = arith.constant 0 : i32
    %dma_start3A_34 = arith.constant 0 : i32
    %dma_start3A_35 = tpu.memref_slice %arg2[%dma_start3A_33, %dma_start3A_34] : memref<10240x128xf32, #tpu.memory_space<hbm>> -> memref<10240x128xf32, #tpu.memory_space<hbm>>
    tpu.enqueue_indirect_dma source(%dma_start3A_35 : memref<10240x128xf32, #tpu.memory_space<hbm>>) target(%arg8 : memref<128x128xf32, #tpu.memory_space<vmem>>) offsets(%dma_start3A_32 : memref<128xi32, #tpu.memory_space<vmem>>) semaphore(%arg13 : memref<!tpu.dma_semaphore, #tpu.memory_space<semaphore_mem>>)
    %scan3A = arith.constant 0 : i32
    %scan3A_36 = arith.constant 0 : i32
    %scan3A_37 = arith.constant 40 : i32
    %scan3A_38 = arith.addi %scan3A_36, %scan3A_37 : i32
    %scan3A_39 = arith.constant 2 : i32
    scf.for %scan3A_45 = %scan3A_36 to %scan3A_38 step %scan3A_39  : i32 {
      %mul3A_46 = arith.constant 2 : i32
      %mul3A_47 = arith.muli %mul3A_46, %scan3A_45 : i32
      %add3A_48 = arith.addi %mul3A_4, %mul3A_47 : i32
      %add3A_49 = arith.constant 1 : i32
      %add3A_50 = arith.addi %add3A_48, %add3A_49 : i32
      %dma_wait3A_51 = arith.constant 0 : i32
      %dma_wait3A_52 = arith.constant 0 : i32
      %dma_wait3A_53 = tpu.memref_slice %arg3[%add3A_50, %dma_wait3A_51, %dma_wait3A_52] : memref<2560x2x128xi32, #tpu.memory_space<hbm>> -> memref<1x2x128xi32, #tpu.memory_space<hbm>>
      %dma_wait3A_54 = tpu.memref_squeeze %dma_wait3A_53 : memref<1x2x128xi32, #tpu.memory_space<hbm>> -> memref<2x128xi32, #tpu.memory_space<hbm>>
      %dma_wait3A_55 = arith.constant 0 : i32
      %dma_wait3A_56 = arith.constant 0 : i32
      %dma_wait3A_57 = tpu.memref_slice %arg3[%add3A_50, %dma_wait3A_55, %dma_wait3A_56] : memref<2560x2x128xi32, #tpu.memory_space<hbm>> -> memref<1x2x128xi32, #tpu.memory_space<hbm>>
      %dma_wait3A_58 = tpu.memref_squeeze %dma_wait3A_57 : memref<1x2x128xi32, #tpu.memory_space<hbm>> -> memref<2x128xi32, #tpu.memory_space<hbm>>
      tpu.wait_dma2 semaphore(%arg12 : memref<!tpu.dma_semaphore, #tpu.memory_space<semaphore_mem>>) src(%dma_wait3A_58 : memref<2x128xi32, #tpu.memory_space<hbm>>) dst(%arg7 : memref<2x128xi32, #tpu.memory_space<vmem>>)
      %dma_start3A_59 = arith.constant 0 : i32
      %dma_start3A_60 = arith.constant 0 : i32
      %dma_start3A_61 = tpu.memref_slice %arg7[%dma_start3A_59, %dma_start3A_60] : memref<2x128xi32, #tpu.memory_space<vmem>> -> memref<1x128xi32, #tpu.memory_space<vmem>>
      %dma_start3A_62 = tpu.memref_squeeze %dma_start3A_61 : memref<1x128xi32, #tpu.memory_space<vmem>> -> memref<128xi32, #tpu.memory_space<vmem>>
      %dma_start3A_63 = arith.constant 0 : i32
      %dma_start3A_64 = arith.constant 0 : i32
      %dma_start3A_65 = tpu.memref_slice %arg2[%dma_start3A_63, %dma_start3A_64] : memref<10240x128xf32, #tpu.memory_space<hbm>> -> memref<10240x128xf32, #tpu.memory_space<hbm>>
      tpu.enqueue_indirect_dma source(%dma_start3A_65 : memref<10240x128xf32, #tpu.memory_space<hbm>>) target(%arg9 : memref<128x128xf32, #tpu.memory_space<vmem>>) offsets(%dma_start3A_62 : memref<128xi32, #tpu.memory_space<vmem>>) semaphore(%arg14 : memref<!tpu.dma_semaphore, #tpu.memory_space<semaphore_mem>>)
      %dma_wait3A_66 = arith.constant 0 : i32
      %dma_wait3A_67 = arith.constant 0 : i32
      %dma_wait3A_68 = tpu.memref_slice %arg6[%dma_wait3A_66, %dma_wait3A_67] : memref<2x128xi32, #tpu.memory_space<vmem>> -> memref<1x128xi32, #tpu.memory_space<vmem>>
      %dma_wait3A_69 = tpu.memref_squeeze %dma_wait3A_68 : memref<1x128xi32, #tpu.memory_space<vmem>> -> memref<128xi32, #tpu.memory_space<vmem>>
      %dma_wait3A_70 = arith.constant 0 : i32
      %dma_wait3A_71 = arith.constant 0 : i32
      %dma_wait3A_72 = tpu.memref_slice %arg2[%dma_wait3A_70, %dma_wait3A_71] : memref<10240x128xf32, #tpu.memory_space<hbm>> -> memref<10240x128xf32, #tpu.memory_space<hbm>>
      tpu.wait_indirect_dma semaphore(%arg13 : memref<!tpu.dma_semaphore, #tpu.memory_space<semaphore_mem>>) src(%dma_wait3A_72 : memref<10240x128xf32, #tpu.memory_space<hbm>>) dst(%arg8 : memref<128x128xf32, #tpu.memory_space<vmem>>)
      %run_scoped3A = arith.constant 1 : i32
      "tpu.region"() ({
        %run_scoped3A_152 = tpu.sem_alloc : memref<!tpu.dma_semaphore, #tpu.memory_space<semaphore_mem>>
        %dma_start3A_153 = arith.constant 0 : i32
        %dma_start3A_154 = tpu.memref_slice %arg6[%run_scoped3A, %dma_start3A_153] : memref<2x128xi32, #tpu.memory_space<vmem>> -> memref<1x128xi32, #tpu.memory_space<vmem>>
        %dma_start3A_155 = tpu.memref_squeeze %dma_start3A_154 : memref<1x128xi32, #tpu.memory_space<vmem>> -> memref<128xi32, #tpu.memory_space<vmem>>
        %dma_start3A_156 = arith.constant 0 : i32
        %dma_start3A_157 = arith.constant 0 : i32
        %dma_start3A_158 = tpu.memref_slice %arg10[%dma_start3A_156, %dma_start3A_157] : memref<10240x128xf32, #tpu.memory_space<vmem_shared>> -> memref<10240x128xf32, #tpu.memory_space<vmem_shared>>
        tpu.enqueue_indirect_dma source(%arg8 : memref<128x128xf32, #tpu.memory_space<vmem>>) target(%dma_start3A_158 : memref<10240x128xf32, #tpu.memory_space<vmem_shared>>) offsets(%dma_start3A_155 : memref<128xi32, #tpu.memory_space<vmem>>) semaphore(%run_scoped3A_152 : memref<!tpu.dma_semaphore, #tpu.memory_space<semaphore_mem>>) {add = true}
        %dma_wait3A_159 = arith.constant 0 : i32
        %dma_wait3A_160 = tpu.memref_slice %arg6[%run_scoped3A, %dma_wait3A_159] : memref<2x128xi32, #tpu.memory_space<vmem>> -> memref<1x128xi32, #tpu.memory_space<vmem>>
        %dma_wait3A_161 = tpu.memref_squeeze %dma_wait3A_160 : memref<1x128xi32, #tpu.memory_space<vmem>> -> memref<128xi32, #tpu.memory_space<vmem>>
        %dma_wait3A_162 = arith.constant 0 : i32
        %dma_wait3A_163 = arith.constant 0 : i32
        %dma_wait3A_164 = tpu.memref_slice %arg10[%dma_wait3A_162, %dma_wait3A_163] : memref<10240x128xf32, #tpu.memory_space<vmem_shared>> -> memref<10240x128xf32, #tpu.memory_space<vmem_shared>>
        tpu.wait_indirect_dma semaphore(%run_scoped3A_152 : memref<!tpu.dma_semaphore, #tpu.memory_space<semaphore_mem>>) src(%arg8 : memref<128x128xf32, #tpu.memory_space<vmem>>) dst(%dma_wait3A_164 : memref<10240x128xf32, #tpu.memory_space<vmem_shared>>)
        tpu.yield
      }) : () -> ()
      %mul3A_73 = arith.constant 2 : i32
      %mul3A_74 = arith.muli %mul3A_73, %scan3A_45 : i32
      %add3A_75 = arith.constant 2 : i32
      %add3A_76 = arith.addi %mul3A_74, %add3A_75 : i32
      %lt3A = arith.constant 80 : i32
      %lt3A_77 = arith.cmpi slt, %add3A_76, %lt3A : i32
      %convert_element_type3A = arith.extui %lt3A_77 : i1 to i32
      %cond3A = arith.constant 0 : i32
      %cond3A_78 = arith.cmpi ne, %convert_element_type3A, %cond3A : i32
      scf.if %cond3A_78 {
        %add3A_152 = arith.constant 2 : i32
        %add3A_153 = arith.addi %add3A_48, %add3A_152 : i32
        %dma_start3A_154 = arith.constant 0 : i32
        %dma_start3A_155 = arith.constant 0 : i32
        %dma_start3A_156 = tpu.memref_slice %arg3[%add3A_153, %dma_start3A_154, %dma_start3A_155] : memref<2560x2x128xi32, #tpu.memory_space<hbm>> -> memref<1x2x128xi32, #tpu.memory_space<hbm>>
        %dma_start3A_157 = tpu.memref_squeeze %dma_start3A_156 : memref<1x2x128xi32, #tpu.memory_space<hbm>> -> memref<2x128xi32, #tpu.memory_space<hbm>>
        %dma_start3A_158 = arith.constant 0 : i32
        %dma_start3A_159 = arith.constant 0 : i32
        %dma_start3A_160 = tpu.memref_slice %arg3[%add3A_153, %dma_start3A_158, %dma_start3A_159] : memref<2560x2x128xi32, #tpu.memory_space<hbm>> -> memref<1x2x128xi32, #tpu.memory_space<hbm>>
        %dma_start3A_161 = tpu.memref_squeeze %dma_start3A_160 : memref<1x2x128xi32, #tpu.memory_space<hbm>> -> memref<2x128xi32, #tpu.memory_space<hbm>>
        tpu.enqueue_dma source(%dma_start3A_161 : memref<2x128xi32, #tpu.memory_space<hbm>>) target(%arg6 : memref<2x128xi32, #tpu.memory_space<vmem>>) target_semaphore(%arg11 : memref<!tpu.dma_semaphore, #tpu.memory_space<semaphore_mem>>)
        %add3A_162 = arith.constant 2 : i32
        %add3A_163 = arith.addi %add3A_48, %add3A_162 : i32
        %dma_wait3A_164 = arith.constant 0 : i32
        %dma_wait3A_165 = arith.constant 0 : i32
        %dma_wait3A_166 = tpu.memref_slice %arg3[%add3A_163, %dma_wait3A_164, %dma_wait3A_165] : memref<2560x2x128xi32, #tpu.memory_space<hbm>> -> memref<1x2x128xi32, #tpu.memory_space<hbm>>
        %dma_wait3A_167 = tpu.memref_squeeze %dma_wait3A_166 : memref<1x2x128xi32, #tpu.memory_space<hbm>> -> memref<2x128xi32, #tpu.memory_space<hbm>>
        %dma_wait3A_168 = arith.constant 0 : i32
        %dma_wait3A_169 = arith.constant 0 : i32
        %dma_wait3A_170 = tpu.memref_slice %arg3[%add3A_163, %dma_wait3A_168, %dma_wait3A_169] : memref<2560x2x128xi32, #tpu.memory_space<hbm>> -> memref<1x2x128xi32, #tpu.memory_space<hbm>>
        %dma_wait3A_171 = tpu.memref_squeeze %dma_wait3A_170 : memref<1x2x128xi32, #tpu.memory_space<hbm>> -> memref<2x128xi32, #tpu.memory_space<hbm>>
        tpu.wait_dma2 semaphore(%arg11 : memref<!tpu.dma_semaphore, #tpu.memory_space<semaphore_mem>>) src(%dma_wait3A_171 : memref<2x128xi32, #tpu.memory_space<hbm>>) dst(%arg6 : memref<2x128xi32, #tpu.memory_space<vmem>>)
        %dma_start3A_172 = arith.constant 0 : i32
        %dma_start3A_173 = arith.constant 0 : i32
        %dma_start3A_174 = tpu.memref_slice %arg6[%dma_start3A_172, %dma_start3A_173] : memref<2x128xi32, #tpu.memory_space<vmem>> -> memref<1x128xi32, #tpu.memory_space<vmem>>
        %dma_start3A_175 = tpu.memref_squeeze %dma_start3A_174 : memref<1x128xi32, #tpu.memory_space<vmem>> -> memref<128xi32, #tpu.memory_space<vmem>>
        %dma_start3A_176 = arith.constant 0 : i32
        %dma_start3A_177 = arith.constant 0 : i32
        %dma_start3A_178 = tpu.memref_slice %arg2[%dma_start3A_176, %dma_start3A_177] : memref<10240x128xf32, #tpu.memory_space<hbm>> -> memref<10240x128xf32, #tpu.memory_space<hbm>>
        tpu.enqueue_indirect_dma source(%dma_start3A_178 : memref<10240x128xf32, #tpu.memory_space<hbm>>) target(%arg8 : memref<128x128xf32, #tpu.memory_space<vmem>>) offsets(%dma_start3A_175 : memref<128xi32, #tpu.memory_space<vmem>>) semaphore(%arg13 : memref<!tpu.dma_semaphore, #tpu.memory_space<semaphore_mem>>)
      } else {
      }
      %dma_wait3A_79 = arith.constant 0 : i32
      %dma_wait3A_80 = arith.constant 0 : i32
      %dma_wait3A_81 = tpu.memref_slice %arg7[%dma_wait3A_79, %dma_wait3A_80] : memref<2x128xi32, #tpu.memory_space<vmem>> -> memref<1x128xi32, #tpu.memory_space<vmem>>
      %dma_wait3A_82 = tpu.memref_squeeze %dma_wait3A_81 : memref<1x128xi32, #tpu.memory_space<vmem>> -> memref<128xi32, #tpu.memory_space<vmem>>
      %dma_wait3A_83 = arith.constant 0 : i32
      %dma_wait3A_84 = arith.constant 0 : i32
      %dma_wait3A_85 = tpu.memref_slice %arg2[%dma_wait3A_83, %dma_wait3A_84] : memref<10240x128xf32, #tpu.memory_space<hbm>> -> memref<10240x128xf32, #tpu.memory_space<hbm>>
      tpu.wait_indirect_dma semaphore(%arg14 : memref<!tpu.dma_semaphore, #tpu.memory_space<semaphore_mem>>) src(%dma_wait3A_85 : memref<10240x128xf32, #tpu.memory_space<hbm>>) dst(%arg9 : memref<128x128xf32, #tpu.memory_space<vmem>>)
      %run_scoped3A_86 = arith.constant 1 : i32
      "tpu.region"() ({
        %run_scoped3A_152 = tpu.sem_alloc : memref<!tpu.dma_semaphore, #tpu.memory_space<semaphore_mem>>
        %dma_start3A_153 = arith.constant 0 : i32
        %dma_start3A_154 = tpu.memref_slice %arg7[%run_scoped3A_86, %dma_start3A_153] : memref<2x128xi32, #tpu.memory_space<vmem>> -> memref<1x128xi32, #tpu.memory_space<vmem>>
        %dma_start3A_155 = tpu.memref_squeeze %dma_start3A_154 : memref<1x128xi32, #tpu.memory_space<vmem>> -> memref<128xi32, #tpu.memory_space<vmem>>
        %dma_start3A_156 = arith.constant 0 : i32
        %dma_start3A_157 = arith.constant 0 : i32
        %dma_start3A_158 = tpu.memref_slice %arg10[%dma_start3A_156, %dma_start3A_157] : memref<10240x128xf32, #tpu.memory_space<vmem_shared>> -> memref<10240x128xf32, #tpu.memory_space<vmem_shared>>
        tpu.enqueue_indirect_dma source(%arg9 : memref<128x128xf32, #tpu.memory_space<vmem>>) target(%dma_start3A_158 : memref<10240x128xf32, #tpu.memory_space<vmem_shared>>) offsets(%dma_start3A_155 : memref<128xi32, #tpu.memory_space<vmem>>) semaphore(%run_scoped3A_152 : memref<!tpu.dma_semaphore, #tpu.memory_space<semaphore_mem>>) {add = true}
        %dma_wait3A_159 = arith.constant 0 : i32
        %dma_wait3A_160 = tpu.memref_slice %arg7[%run_scoped3A_86, %dma_wait3A_159] : memref<2x128xi32, #tpu.memory_space<vmem>> -> memref<1x128xi32, #tpu.memory_space<vmem>>
        %dma_wait3A_161 = tpu.memref_squeeze %dma_wait3A_160 : memref<1x128xi32, #tpu.memory_space<vmem>> -> memref<128xi32, #tpu.memory_space<vmem>>
        %dma_wait3A_162 = arith.constant 0 : i32
        %dma_wait3A_163 = arith.constant 0 : i32
        %dma_wait3A_164 = tpu.memref_slice %arg10[%dma_wait3A_162, %dma_wait3A_163] : memref<10240x128xf32, #tpu.memory_space<vmem_shared>> -> memref<10240x128xf32, #tpu.memory_space<vmem_shared>>
        tpu.wait_indirect_dma semaphore(%run_scoped3A_152 : memref<!tpu.dma_semaphore, #tpu.memory_space<semaphore_mem>>) src(%arg9 : memref<128x128xf32, #tpu.memory_space<vmem>>) dst(%dma_wait3A_164 : memref<10240x128xf32, #tpu.memory_space<vmem_shared>>)
        tpu.yield
      }) : () -> ()
      %mul3A_87 = arith.constant 2 : i32
      %mul3A_88 = arith.muli %mul3A_87, %scan3A_45 : i32
      %add3A_89 = arith.constant 3 : i32
      %add3A_90 = arith.addi %mul3A_88, %add3A_89 : i32
      %lt3A_91 = arith.constant 80 : i32
      %lt3A_92 = arith.cmpi slt, %add3A_90, %lt3A_91 : i32
      %convert_element_type3A_93 = arith.extui %lt3A_92 : i1 to i32
      %cond3A_94 = arith.constant 0 : i32
      %cond3A_95 = arith.cmpi ne, %convert_element_type3A_93, %cond3A_94 : i32
      scf.if %cond3A_95 {
        %add3A_152 = arith.constant 3 : i32
        %add3A_153 = arith.addi %add3A_48, %add3A_152 : i32
        %dma_start3A_154 = arith.constant 0 : i32
        %dma_start3A_155 = arith.constant 0 : i32
        %dma_start3A_156 = tpu.memref_slice %arg3[%add3A_153, %dma_start3A_154, %dma_start3A_155] : memref<2560x2x128xi32, #tpu.memory_space<hbm>> -> memref<1x2x128xi32, #tpu.memory_space<hbm>>
        %dma_start3A_157 = tpu.memref_squeeze %dma_start3A_156 : memref<1x2x128xi32, #tpu.memory_space<hbm>> -> memref<2x128xi32, #tpu.memory_space<hbm>>
        %dma_start3A_158 = arith.constant 0 : i32
        %dma_start3A_159 = arith.constant 0 : i32
        %dma_start3A_160 = tpu.memref_slice %arg3[%add3A_153, %dma_start3A_158, %dma_start3A_159] : memref<2560x2x128xi32, #tpu.memory_space<hbm>> -> memref<1x2x128xi32, #tpu.memory_space<hbm>>
        %dma_start3A_161 = tpu.memref_squeeze %dma_start3A_160 : memref<1x2x128xi32, #tpu.memory_space<hbm>> -> memref<2x128xi32, #tpu.memory_space<hbm>>
        tpu.enqueue_dma source(%dma_start3A_161 : memref<2x128xi32, #tpu.memory_space<hbm>>) target(%arg7 : memref<2x128xi32, #tpu.memory_space<vmem>>) target_semaphore(%arg12 : memref<!tpu.dma_semaphore, #tpu.memory_space<semaphore_mem>>)
      } else {
      }
      %scan3A_96 = arith.constant 1 : i32
      %scan3A_97 = arith.addi %scan3A_45, %scan3A_96 : i32
      %mul3A_98 = arith.constant 2 : i32
      %mul3A_99 = arith.muli %mul3A_98, %scan3A_97 : i32
      %add3A_100 = arith.addi %mul3A_4, %mul3A_99 : i32
      %add3A_101 = arith.constant 1 : i32
      %add3A_102 = arith.addi %add3A_100, %add3A_101 : i32
      %dma_wait3A_103 = arith.constant 0 : i32
      %dma_wait3A_104 = arith.constant 0 : i32
      %dma_wait3A_105 = tpu.memref_slice %arg3[%add3A_102, %dma_wait3A_103, %dma_wait3A_104] : memref<2560x2x128xi32, #tpu.memory_space<hbm>> -> memref<1x2x128xi32, #tpu.memory_space<hbm>>
      %dma_wait3A_106 = tpu.memref_squeeze %dma_wait3A_105 : memref<1x2x128xi32, #tpu.memory_space<hbm>> -> memref<2x128xi32, #tpu.memory_space<hbm>>
      %dma_wait3A_107 = arith.constant 0 : i32
      %dma_wait3A_108 = arith.constant 0 : i32
      %dma_wait3A_109 = tpu.memref_slice %arg3[%add3A_102, %dma_wait3A_107, %dma_wait3A_108] : memref<2560x2x128xi32, #tpu.memory_space<hbm>> -> memref<1x2x128xi32, #tpu.memory_space<hbm>>
      %dma_wait3A_110 = tpu.memref_squeeze %dma_wait3A_109 : memref<1x2x128xi32, #tpu.memory_space<hbm>> -> memref<2x128xi32, #tpu.memory_space<hbm>>
      tpu.wait_dma2 semaphore(%arg12 : memref<!tpu.dma_semaphore, #tpu.memory_space<semaphore_mem>>) src(%dma_wait3A_110 : memref<2x128xi32, #tpu.memory_space<hbm>>) dst(%arg7 : memref<2x128xi32, #tpu.memory_space<vmem>>)
      %dma_start3A_111 = arith.constant 0 : i32
      %dma_start3A_112 = arith.constant 0 : i32
      %dma_start3A_113 = tpu.memref_slice %arg7[%dma_start3A_111, %dma_start3A_112] : memref<2x128xi32, #tpu.memory_space<vmem>> -> memref<1x128xi32, #tpu.memory_space<vmem>>
      %dma_start3A_114 = tpu.memref_squeeze %dma_start3A_113 : memref<1x128xi32, #tpu.memory_space<vmem>> -> memref<128xi32, #tpu.memory_space<vmem>>
      %dma_start3A_115 = arith.constant 0 : i32
      %dma_start3A_116 = arith.constant 0 : i32
      %dma_start3A_117 = tpu.memref_slice %arg2[%dma_start3A_115, %dma_start3A_116] : memref<10240x128xf32, #tpu.memory_space<hbm>> -> memref<10240x128xf32, #tpu.memory_space<hbm>>
      tpu.enqueue_indirect_dma source(%dma_start3A_117 : memref<10240x128xf32, #tpu.memory_space<hbm>>) target(%arg9 : memref<128x128xf32, #tpu.memory_space<vmem>>) offsets(%dma_start3A_114 : memref<128xi32, #tpu.memory_space<vmem>>) semaphore(%arg14 : memref<!tpu.dma_semaphore, #tpu.memory_space<semaphore_mem>>)
      %dma_wait3A_118 = arith.constant 0 : i32
      %dma_wait3A_119 = arith.constant 0 : i32
      %dma_wait3A_120 = tpu.memref_slice %arg6[%dma_wait3A_118, %dma_wait3A_119] : memref<2x128xi32, #tpu.memory_space<vmem>> -> memref<1x128xi32, #tpu.memory_space<vmem>>
      %dma_wait3A_121 = tpu.memref_squeeze %dma_wait3A_120 : memref<1x128xi32, #tpu.memory_space<vmem>> -> memref<128xi32, #tpu.memory_space<vmem>>
      %dma_wait3A_122 = arith.constant 0 : i32
      %dma_wait3A_123 = arith.constant 0 : i32
      %dma_wait3A_124 = tpu.memref_slice %arg2[%dma_wait3A_122, %dma_wait3A_123] : memref<10240x128xf32, #tpu.memory_space<hbm>> -> memref<10240x128xf32, #tpu.memory_space<hbm>>
      tpu.wait_indirect_dma semaphore(%arg13 : memref<!tpu.dma_semaphore, #tpu.memory_space<semaphore_mem>>) src(%dma_wait3A_124 : memref<10240x128xf32, #tpu.memory_space<hbm>>) dst(%arg8 : memref<128x128xf32, #tpu.memory_space<vmem>>)
      %run_scoped3A_125 = arith.constant 1 : i32
      "tpu.region"() ({
        %run_scoped3A_152 = tpu.sem_alloc : memref<!tpu.dma_semaphore, #tpu.memory_space<semaphore_mem>>
        %dma_start3A_153 = arith.constant 0 : i32
        %dma_start3A_154 = tpu.memref_slice %arg6[%run_scoped3A_125, %dma_start3A_153] : memref<2x128xi32, #tpu.memory_space<vmem>> -> memref<1x128xi32, #tpu.memory_space<vmem>>
        %dma_start3A_155 = tpu.memref_squeeze %dma_start3A_154 : memref<1x128xi32, #tpu.memory_space<vmem>> -> memref<128xi32, #tpu.memory_space<vmem>>
        %dma_start3A_156 = arith.constant 0 : i32
        %dma_start3A_157 = arith.constant 0 : i32
        %dma_start3A_158 = tpu.memref_slice %arg10[%dma_start3A_156, %dma_start3A_157] : memref<10240x128xf32, #tpu.memory_space<vmem_shared>> -> memref<10240x128xf32, #tpu.memory_space<vmem_shared>>
        tpu.enqueue_indirect_dma source(%arg8 : memref<128x128xf32, #tpu.memory_space<vmem>>) target(%dma_start3A_158 : memref<10240x128xf32, #tpu.memory_space<vmem_shared>>) offsets(%dma_start3A_155 : memref<128xi32, #tpu.memory_space<vmem>>) semaphore(%run_scoped3A_152 : memref<!tpu.dma_semaphore, #tpu.memory_space<semaphore_mem>>) {add = true}
        %dma_wait3A_159 = arith.constant 0 : i32
        %dma_wait3A_160 = tpu.memref_slice %arg6[%run_scoped3A_125, %dma_wait3A_159] : memref<2x128xi32, #tpu.memory_space<vmem>> -> memref<1x128xi32, #tpu.memory_space<vmem>>
        %dma_wait3A_161 = tpu.memref_squeeze %dma_wait3A_160 : memref<1x128xi32, #tpu.memory_space<vmem>> -> memref<128xi32, #tpu.memory_space<vmem>>
        %dma_wait3A_162 = arith.constant 0 : i32
        %dma_wait3A_163 = arith.constant 0 : i32
        %dma_wait3A_164 = tpu.memref_slice %arg10[%dma_wait3A_162, %dma_wait3A_163] : memref<10240x128xf32, #tpu.memory_space<vmem_shared>> -> memref<10240x128xf32, #tpu.memory_space<vmem_shared>>
        tpu.wait_indirect_dma semaphore(%run_scoped3A_152 : memref<!tpu.dma_semaphore, #tpu.memory_space<semaphore_mem>>) src(%arg8 : memref<128x128xf32, #tpu.memory_space<vmem>>) dst(%dma_wait3A_164 : memref<10240x128xf32, #tpu.memory_space<vmem_shared>>)
        tpu.yield
      }) : () -> ()
      %mul3A_126 = arith.constant 2 : i32
      %mul3A_127 = arith.muli %mul3A_126, %scan3A_97 : i32
      %add3A_128 = arith.constant 2 : i32
      %add3A_129 = arith.addi %mul3A_127, %add3A_128 : i32
      %lt3A_130 = arith.constant 80 : i32
      %lt3A_131 = arith.cmpi slt, %add3A_129, %lt3A_130 : i32
      %convert_element_type3A_132 = arith.extui %lt3A_131 : i1 to i32
      %cond3A_133 = arith.constant 0 : i32
      %cond3A_134 = arith.cmpi ne, %convert_element_type3A_132, %cond3A_133 : i32
      scf.if %cond3A_134 {
        %add3A_152 = arith.constant 2 : i32
        %add3A_153 = arith.addi %add3A_100, %add3A_152 : i32
        %dma_start3A_154 = arith.constant 0 : i32
        %dma_start3A_155 = arith.constant 0 : i32
        %dma_start3A_156 = tpu.memref_slice %arg3[%add3A_153, %dma_start3A_154, %dma_start3A_155] : memref<2560x2x128xi32, #tpu.memory_space<hbm>> -> memref<1x2x128xi32, #tpu.memory_space<hbm>>
        %dma_start3A_157 = tpu.memref_squeeze %dma_start3A_156 : memref<1x2x128xi32, #tpu.memory_space<hbm>> -> memref<2x128xi32, #tpu.memory_space<hbm>>
        %dma_start3A_158 = arith.constant 0 : i32
        %dma_start3A_159 = arith.constant 0 : i32
        %dma_start3A_160 = tpu.memref_slice %arg3[%add3A_153, %dma_start3A_158, %dma_start3A_159] : memref<2560x2x128xi32, #tpu.memory_space<hbm>> -> memref<1x2x128xi32, #tpu.memory_space<hbm>>
        %dma_start3A_161 = tpu.memref_squeeze %dma_start3A_160 : memref<1x2x128xi32, #tpu.memory_space<hbm>> -> memref<2x128xi32, #tpu.memory_space<hbm>>
        tpu.enqueue_dma source(%dma_start3A_161 : memref<2x128xi32, #tpu.memory_space<hbm>>) target(%arg6 : memref<2x128xi32, #tpu.memory_space<vmem>>) target_semaphore(%arg11 : memref<!tpu.dma_semaphore, #tpu.memory_space<semaphore_mem>>)
        %add3A_162 = arith.constant 2 : i32
        %add3A_163 = arith.addi %add3A_100, %add3A_162 : i32
        %dma_wait3A_164 = arith.constant 0 : i32
        %dma_wait3A_165 = arith.constant 0 : i32
        %dma_wait3A_166 = tpu.memref_slice %arg3[%add3A_163, %dma_wait3A_164, %dma_wait3A_165] : memref<2560x2x128xi32, #tpu.memory_space<hbm>> -> memref<1x2x128xi32, #tpu.memory_space<hbm>>
        %dma_wait3A_167 = tpu.memref_squeeze %dma_wait3A_166 : memref<1x2x128xi32, #tpu.memory_space<hbm>> -> memref<2x128xi32, #tpu.memory_space<hbm>>
        %dma_wait3A_168 = arith.constant 0 : i32
        %dma_wait3A_169 = arith.constant 0 : i32
        %dma_wait3A_170 = tpu.memref_slice %arg3[%add3A_163, %dma_wait3A_168, %dma_wait3A_169] : memref<2560x2x128xi32, #tpu.memory_space<hbm>> -> memref<1x2x128xi32, #tpu.memory_space<hbm>>
        %dma_wait3A_171 = tpu.memref_squeeze %dma_wait3A_170 : memref<1x2x128xi32, #tpu.memory_space<hbm>> -> memref<2x128xi32, #tpu.memory_space<hbm>>
        tpu.wait_dma2 semaphore(%arg11 : memref<!tpu.dma_semaphore, #tpu.memory_space<semaphore_mem>>) src(%dma_wait3A_171 : memref<2x128xi32, #tpu.memory_space<hbm>>) dst(%arg6 : memref<2x128xi32, #tpu.memory_space<vmem>>)
        %dma_start3A_172 = arith.constant 0 : i32
        %dma_start3A_173 = arith.constant 0 : i32
        %dma_start3A_174 = tpu.memref_slice %arg6[%dma_start3A_172, %dma_start3A_173] : memref<2x128xi32, #tpu.memory_space<vmem>> -> memref<1x128xi32, #tpu.memory_space<vmem>>
        %dma_start3A_175 = tpu.memref_squeeze %dma_start3A_174 : memref<1x128xi32, #tpu.memory_space<vmem>> -> memref<128xi32, #tpu.memory_space<vmem>>
        %dma_start3A_176 = arith.constant 0 : i32
        %dma_start3A_177 = arith.constant 0 : i32
        %dma_start3A_178 = tpu.memref_slice %arg2[%dma_start3A_176, %dma_start3A_177] : memref<10240x128xf32, #tpu.memory_space<hbm>> -> memref<10240x128xf32, #tpu.memory_space<hbm>>
        tpu.enqueue_indirect_dma source(%dma_start3A_178 : memref<10240x128xf32, #tpu.memory_space<hbm>>) target(%arg8 : memref<128x128xf32, #tpu.memory_space<vmem>>) offsets(%dma_start3A_175 : memref<128xi32, #tpu.memory_space<vmem>>) semaphore(%arg13 : memref<!tpu.dma_semaphore, #tpu.memory_space<semaphore_mem>>)
      } else {
      }
      %dma_wait3A_135 = arith.constant 0 : i32
      %dma_wait3A_136 = arith.constant 0 : i32
      %dma_wait3A_137 = tpu.memref_slice %arg7[%dma_wait3A_135, %dma_wait3A_136] : memref<2x128xi32, #tpu.memory_space<vmem>> -> memref<1x128xi32, #tpu.memory_space<vmem>>
      %dma_wait3A_138 = tpu.memref_squeeze %dma_wait3A_137 : memref<1x128xi32, #tpu.memory_space<vmem>> -> memref<128xi32, #tpu.memory_space<vmem>>
      %dma_wait3A_139 = arith.constant 0 : i32
      %dma_wait3A_140 = arith.constant 0 : i32
      %dma_wait3A_141 = tpu.memref_slice %arg2[%dma_wait3A_139, %dma_wait3A_140] : memref<10240x128xf32, #tpu.memory_space<hbm>> -> memref<10240x128xf32, #tpu.memory_space<hbm>>
      tpu.wait_indirect_dma semaphore(%arg14 : memref<!tpu.dma_semaphore, #tpu.memory_space<semaphore_mem>>) src(%dma_wait3A_141 : memref<10240x128xf32, #tpu.memory_space<hbm>>) dst(%arg9 : memref<128x128xf32, #tpu.memory_space<vmem>>)
      %run_scoped3A_142 = arith.constant 1 : i32
      "tpu.region"() ({
        %run_scoped3A_152 = tpu.sem_alloc : memref<!tpu.dma_semaphore, #tpu.memory_space<semaphore_mem>>
        %dma_start3A_153 = arith.constant 0 : i32
        %dma_start3A_154 = tpu.memref_slice %arg7[%run_scoped3A_142, %dma_start3A_153] : memref<2x128xi32, #tpu.memory_space<vmem>> -> memref<1x128xi32, #tpu.memory_space<vmem>>
        %dma_start3A_155 = tpu.memref_squeeze %dma_start3A_154 : memref<1x128xi32, #tpu.memory_space<vmem>> -> memref<128xi32, #tpu.memory_space<vmem>>
        %dma_start3A_156 = arith.constant 0 : i32
        %dma_start3A_157 = arith.constant 0 : i32
        %dma_start3A_158 = tpu.memref_slice %arg10[%dma_start3A_156, %dma_start3A_157] : memref<10240x128xf32, #tpu.memory_space<vmem_shared>> -> memref<10240x128xf32, #tpu.memory_space<vmem_shared>>
        tpu.enqueue_indirect_dma source(%arg9 : memref<128x128xf32, #tpu.memory_space<vmem>>) target(%dma_start3A_158 : memref<10240x128xf32, #tpu.memory_space<vmem_shared>>) offsets(%dma_start3A_155 : memref<128xi32, #tpu.memory_space<vmem>>) semaphore(%run_scoped3A_152 : memref<!tpu.dma_semaphore, #tpu.memory_space<semaphore_mem>>) {add = true}
        %dma_wait3A_159 = arith.constant 0 : i32
        %dma_wait3A_160 = tpu.memref_slice %arg7[%run_scoped3A_142, %dma_wait3A_159] : memref<2x128xi32, #tpu.memory_space<vmem>> -> memref<1x128xi32, #tpu.memory_space<vmem>>
        %dma_wait3A_161 = tpu.memref_squeeze %dma_wait3A_160 : memref<1x128xi32, #tpu.memory_space<vmem>> -> memref<128xi32, #tpu.memory_space<vmem>>
        %dma_wait3A_162 = arith.constant 0 : i32
        %dma_wait3A_163 = arith.constant 0 : i32
        %dma_wait3A_164 = tpu.memref_slice %arg10[%dma_wait3A_162, %dma_wait3A_163] : memref<10240x128xf32, #tpu.memory_space<vmem_shared>> -> memref<10240x128xf32, #tpu.memory_space<vmem_shared>>
        tpu.wait_indirect_dma semaphore(%run_scoped3A_152 : memref<!tpu.dma_semaphore, #tpu.memory_space<semaphore_mem>>) src(%arg9 : memref<128x128xf32, #tpu.memory_space<vmem>>) dst(%dma_wait3A_164 : memref<10240x128xf32, #tpu.memory_space<vmem_shared>>)
        tpu.yield
      }) : () -> ()
      %mul3A_143 = arith.constant 2 : i32
      %mul3A_144 = arith.muli %mul3A_143, %scan3A_97 : i32
      %add3A_145 = arith.constant 3 : i32
      %add3A_146 = arith.addi %mul3A_144, %add3A_145 : i32
      %lt3A_147 = arith.constant 80 : i32
      %lt3A_148 = arith.cmpi slt, %add3A_146, %lt3A_147 : i32
      %convert_element_type3A_149 = arith.extui %lt3A_148 : i1 to i32
      %cond3A_150 = arith.constant 0 : i32
      %cond3A_151 = arith.cmpi ne, %convert_element_type3A_149, %cond3A_150 : i32
      scf.if %cond3A_151 {
        %add3A_152 = arith.constant 3 : i32
        %add3A_153 = arith.addi %add3A_100, %add3A_152 : i32
        %dma_start3A_154 = arith.constant 0 : i32
        %dma_start3A_155 = arith.constant 0 : i32
        %dma_start3A_156 = tpu.memref_slice %arg3[%add3A_153, %dma_start3A_154, %dma_start3A_155] : memref<2560x2x128xi32, #tpu.memory_space<hbm>> -> memref<1x2x128xi32, #tpu.memory_space<hbm>>
        %dma_start3A_157 = tpu.memref_squeeze %dma_start3A_156 : memref<1x2x128xi32, #tpu.memory_space<hbm>> -> memref<2x128xi32, #tpu.memory_space<hbm>>
        %dma_start3A_158 = arith.constant 0 : i32
        %dma_start3A_159 = arith.constant 0 : i32
        %dma_start3A_160 = tpu.memref_slice %arg3[%add3A_153, %dma_start3A_158, %dma_start3A_159] : memref<2560x2x128xi32, #tpu.memory_space<hbm>> -> memref<1x2x128xi32, #tpu.memory_space<hbm>>
        %dma_start3A_161 = tpu.memref_squeeze %dma_start3A_160 : memref<1x2x128xi32, #tpu.memory_space<hbm>> -> memref<2x128xi32, #tpu.memory_space<hbm>>
        tpu.enqueue_dma source(%dma_start3A_161 : memref<2x128xi32, #tpu.memory_space<hbm>>) target(%arg7 : memref<2x128xi32, #tpu.memory_space<vmem>>) target_semaphore(%arg12 : memref<!tpu.dma_semaphore, #tpu.memory_space<semaphore_mem>>)
      } else {
      }
    }
    %scan3A_40 = arith.constant 40 : i32
    %barrier3A_41 = arith.constant 0 : index
    tpu.barrier barrier_id(%barrier3A_41)
    %mul3A_42 = arith.constant 10240 : i32
    %mul3A_43 = arith.muli %arg0, %mul3A_42 : i32
    %add3A_44 = arith.addi %mul3A_43, %mul3A_2 : i32
    "tpu.region"() ({
      %run_scoped3A = tpu.sem_alloc : memref<!tpu.dma_semaphore, #tpu.memory_space<semaphore_mem>>
      %dma_start3A_45 = arith.constant 0 : i32
      %dma_start3A_46 = tpu.memref_slice %arg5[%add3A_44, %dma_start3A_45] : memref<20480x128xf32, #tpu.memory_space<hbm>> -> memref<640x128xf32, #tpu.memory_space<hbm>>
      %dma_start3A_47 = arith.constant 0 : i32
      %dma_start3A_48 = tpu.memref_slice %arg10[%mul3A_2, %dma_start3A_47] : memref<10240x128xf32, #tpu.memory_space<vmem_shared>> -> memref<640x128xf32, #tpu.memory_space<vmem_shared>>
      tpu.enqueue_dma source(%dma_start3A_48 : memref<640x128xf32, #tpu.memory_space<vmem_shared>>) target(%dma_start3A_46 : memref<640x128xf32, #tpu.memory_space<hbm>>) target_semaphore(%run_scoped3A : memref<!tpu.dma_semaphore, #tpu.memory_space<semaphore_mem>>)
      %dma_wait3A_49 = arith.constant 0 : i32
      %dma_wait3A_50 = tpu.memref_slice %arg5[%add3A_44, %dma_wait3A_49] : memref<20480x128xf32, #tpu.memory_space<hbm>> -> memref<640x128xf32, #tpu.memory_space<hbm>>
      %dma_wait3A_51 = arith.constant 0 : i32
      %dma_wait3A_52 = tpu.memref_slice %arg10[%mul3A_2, %dma_wait3A_51] : memref<10240x128xf32, #tpu.memory_space<vmem_shared>> -> memref<640x128xf32, #tpu.memory_space<vmem_shared>>
      tpu.wait_dma2 semaphore(%run_scoped3A : memref<!tpu.dma_semaphore, #tpu.memory_space<semaphore_mem>>) src(%dma_wait3A_52 : memref<640x128xf32, #tpu.memory_space<vmem_shared>>) dst(%dma_wait3A_50 : memref<640x128xf32, #tpu.memory_space<hbm>>)
      tpu.yield
    }) : () -> ()
    return
  }
}

#map = affine_map<(d0, d1) -> (0, 0)>
#map1 = affine_map<(d0, d1) -> (0, 0, 0)>
module attributes {stable_mosaic.version = 14 : i64} {
  func.func @seg(%arg0: i32, %arg1: i32, %arg2: memref<10240x128xf32, #tpu.memory_space<hbm>>, %arg3: memref<2560x2x128xi32, #tpu.memory_space<hbm>>, %arg4: memref<10240x128xf32, #tpu.memory_space<hbm>>, %arg5: memref<20480x128xf32, #tpu.memory_space<hbm>>, %arg6: memref<2x128xi32, #tpu.memory_space<vmem>>, %arg7: memref<2x128xi32, #tpu.memory_space<vmem>>, %arg8: memref<128x128xf32, #tpu.memory_space<vmem>>, %arg9: memref<128x128xf32, #tpu.memory_space<vmem>>, %arg10: memref<10240x128xf32, #tpu.memory_space<vmem_shared>>, %arg11: memref<!tpu.dma_semaphore, #tpu.memory_space<semaphore_mem>>, %arg12: memref<!tpu.dma_semaphore, #tpu.memory_space<semaphore_mem>>, %arg13: memref<!tpu.dma_semaphore, #tpu.memory_space<semaphore_mem>>, %arg14: memref<!tpu.dma_semaphore, #tpu.memory_space<semaphore_mem>>) attributes {dimension_semantics = [#tpu.dimension_semantics<core_parallel>, #tpu.dimension_semantics<subcore_parallel>], iteration_bounds = array<i64: 2, 16>, scalar_prefetch = 0 : i64, scratch_operands = 9 : i64, tpu.core_type = #tpu.core_type<sc_vector_subcore>, window_params = [{transform_indices = #map}, {transform_indices = #map1}, {transform_indices = #map}, {transform_indices = #map}]} {
    %mul3A = arith.constant 16 : i32
    %mul3A_0 = arith.muli %arg0, %mul3A : i32
    %add3A = arith.addi %mul3A_0, %arg1 : i32
    %mul3A_1 = arith.constant 640 : i32
    %mul3A_2 = arith.muli %arg1, %mul3A_1 : i32
    %mul3A_3 = arith.constant 80 : i32
    %mul3A_4 = arith.muli %add3A, %mul3A_3 : i32
    "tpu.region"() ({
      %run_scoped3A = tpu.sem_alloc : memref<!tpu.dma_semaphore, #tpu.memory_space<semaphore_mem>>
      %dma_start3A_45 = arith.constant 0 : i32
      %dma_start3A_46 = tpu.memref_slice %arg10[%mul3A_2, %dma_start3A_45] : memref<10240x128xf32, #tpu.memory_space<vmem_shared>> -> memref<640x128xf32, #tpu.memory_space<vmem_shared>>
      %dma_start3A_47 = arith.constant 0 : i32
      %dma_start3A_48 = tpu.memref_slice %arg4[%mul3A_2, %dma_start3A_47] : memref<10240x128xf32, #tpu.memory_space<hbm>> -> memref<640x128xf32, #tpu.memory_space<hbm>>
      tpu.enqueue_dma source(%dma_start3A_48 : memref<640x128xf32, #tpu.memory_space<hbm>>) target(%dma_start3A_46 : memref<640x128xf32, #tpu.memory_space<vmem_shared>>) target_semaphore(%run_scoped3A : memref<!tpu.dma_semaphore, #tpu.memory_space<semaphore_mem>>)
      %dma_wait3A_49 = arith.constant 0 : i32
      %dma_wait3A_50 = tpu.memref_slice %arg10[%mul3A_2, %dma_wait3A_49] : memref<10240x128xf32, #tpu.memory_space<vmem_shared>> -> memref<640x128xf32, #tpu.memory_space<vmem_shared>>
      %dma_wait3A_51 = arith.constant 0 : i32
      %dma_wait3A_52 = tpu.memref_slice %arg4[%mul3A_2, %dma_wait3A_51] : memref<10240x128xf32, #tpu.memory_space<hbm>> -> memref<640x128xf32, #tpu.memory_space<hbm>>
      tpu.wait_dma2 semaphore(%run_scoped3A : memref<!tpu.dma_semaphore, #tpu.memory_space<semaphore_mem>>) src(%dma_wait3A_52 : memref<640x128xf32, #tpu.memory_space<hbm>>) dst(%dma_wait3A_50 : memref<640x128xf32, #tpu.memory_space<vmem_shared>>)
      tpu.yield
    }) : () -> ()
    %barrier3A = arith.constant 0 : index
    tpu.barrier barrier_id(%barrier3A)
    %dma_start3A = arith.constant 0 : i32
    %dma_start3A_5 = arith.constant 0 : i32
    %dma_start3A_6 = tpu.memref_slice %arg3[%mul3A_4, %dma_start3A, %dma_start3A_5] : memref<2560x2x128xi32, #tpu.memory_space<hbm>> -> memref<1x2x128xi32, #tpu.memory_space<hbm>>
    %dma_start3A_7 = tpu.memref_squeeze %dma_start3A_6 : memref<1x2x128xi32, #tpu.memory_space<hbm>> -> memref<2x128xi32, #tpu.memory_space<hbm>>
    %dma_start3A_8 = arith.constant 0 : i32
    %dma_start3A_9 = arith.constant 0 : i32
    %dma_start3A_10 = tpu.memref_slice %arg3[%mul3A_4, %dma_start3A_8, %dma_start3A_9] : memref<2560x2x128xi32, #tpu.memory_space<hbm>> -> memref<1x2x128xi32, #tpu.memory_space<hbm>>
    %dma_start3A_11 = tpu.memref_squeeze %dma_start3A_10 : memref<1x2x128xi32, #tpu.memory_space<hbm>> -> memref<2x128xi32, #tpu.memory_space<hbm>>
    tpu.enqueue_dma source(%dma_start3A_11 : memref<2x128xi32, #tpu.memory_space<hbm>>) target(%arg6 : memref<2x128xi32, #tpu.memory_space<vmem>>) target_semaphore(%arg11 : memref<!tpu.dma_semaphore, #tpu.memory_space<semaphore_mem>>)
    %add3A_12 = arith.constant 1 : i32
    %add3A_13 = arith.addi %mul3A_4, %add3A_12 : i32
    %dma_start3A_14 = arith.constant 0 : i32
    %dma_start3A_15 = arith.constant 0 : i32
    %dma_start3A_16 = tpu.memref_slice %arg3[%add3A_13, %dma_start3A_14, %dma_start3A_15] : memref<2560x2x128xi32, #tpu.memory_space<hbm>> -> memref<1x2x128xi32, #tpu.memory_space<hbm>>
    %dma_start3A_17 = tpu.memref_squeeze %dma_start3A_16 : memref<1x2x128xi32, #tpu.memory_space<hbm>> -> memref<2x128xi32, #tpu.memory_space<hbm>>
    %dma_start3A_18 = arith.constant 0 : i32
    %dma_start3A_19 = arith.constant 0 : i32
    %dma_start3A_20 = tpu.memref_slice %arg3[%add3A_13, %dma_start3A_18, %dma_start3A_19] : memref<2560x2x128xi32, #tpu.memory_space<hbm>> -> memref<1x2x128xi32, #tpu.memory_space<hbm>>
    %dma_start3A_21 = tpu.memref_squeeze %dma_start3A_20 : memref<1x2x128xi32, #tpu.memory_space<hbm>> -> memref<2x128xi32, #tpu.memory_space<hbm>>
    tpu.enqueue_dma source(%dma_start3A_21 : memref<2x128xi32, #tpu.memory_space<hbm>>) target(%arg7 : memref<2x128xi32, #tpu.memory_space<vmem>>) target_semaphore(%arg12 : memref<!tpu.dma_semaphore, #tpu.memory_space<semaphore_mem>>)
    %dma_wait3A = arith.constant 0 : i32
    %dma_wait3A_22 = arith.constant 0 : i32
    %dma_wait3A_23 = tpu.memref_slice %arg3[%mul3A_4, %dma_wait3A, %dma_wait3A_22] : memref<2560x2x128xi32, #tpu.memory_space<hbm>> -> memref<1x2x128xi32, #tpu.memory_space<hbm>>
    %dma_wait3A_24 = tpu.memref_squeeze %dma_wait3A_23 : memref<1x2x128xi32, #tpu.memory_space<hbm>> -> memref<2x128xi32, #tpu.memory_space<hbm>>
    %dma_wait3A_25 = arith.constant 0 : i32
    %dma_wait3A_26 = arith.constant 0 : i32
    %dma_wait3A_27 = tpu.memref_slice %arg3[%mul3A_4, %dma_wait3A_25, %dma_wait3A_26] : memref<2560x2x128xi32, #tpu.memory_space<hbm>> -> memref<1x2x128xi32, #tpu.memory_space<hbm>>
    %dma_wait3A_28 = tpu.memref_squeeze %dma_wait3A_27 : memref<1x2x128xi32, #tpu.memory_space<hbm>> -> memref<2x128xi32, #tpu.memory_space<hbm>>
    tpu.wait_dma2 semaphore(%arg11 : memref<!tpu.dma_semaphore, #tpu.memory_space<semaphore_mem>>) src(%dma_wait3A_28 : memref<2x128xi32, #tpu.memory_space<hbm>>) dst(%arg6 : memref<2x128xi32, #tpu.memory_space<vmem>>)
    %dma_start3A_29 = arith.constant 0 : i32
    %dma_start3A_30 = arith.constant 0 : i32
    %dma_start3A_31 = tpu.memref_slice %arg6[%dma_start3A_29, %dma_start3A_30] : memref<2x128xi32, #tpu.memory_space<vmem>> -> memref<1x128xi32, #tpu.memory_space<vmem>>
    %dma_start3A_32 = tpu.memref_squeeze %dma_start3A_31 : memref<1x128xi32, #tpu.memory_space<vmem>> -> memref<128xi32, #tpu.memory_space<vmem>>
    %dma_start3A_33 = arith.constant 0 : i32
    %dma_start3A_34 = arith.constant 0 : i32
    %dma_start3A_35 = tpu.memref_slice %arg2[%dma_start3A_33, %dma_start3A_34] : memref<10240x128xf32, #tpu.memory_space<hbm>> -> memref<10240x128xf32, #tpu.memory_space<hbm>>
    tpu.enqueue_indirect_dma source(%dma_start3A_35 : memref<10240x128xf32, #tpu.memory_space<hbm>>) target(%arg8 : memref<128x128xf32, #tpu.memory_space<vmem>>) offsets(%dma_start3A_32 : memref<128xi32, #tpu.memory_space<vmem>>) semaphore(%arg13 : memref<!tpu.dma_semaphore, #tpu.memory_space<semaphore_mem>>)
    %scan3A = arith.constant 0 : i32
    %scan3A_36 = arith.constant 0 : i32
    %scan3A_37 = arith.constant 40 : i32
    %scan3A_38 = arith.addi %scan3A_36, %scan3A_37 : i32
    %scan3A_39 = arith.constant 2 : i32
    scf.for %scan3A_45 = %scan3A_36 to %scan3A_38 step %scan3A_39  : i32 {
      %mul3A_46 = arith.constant 2 : i32
      %mul3A_47 = arith.muli %mul3A_46, %scan3A_45 : i32
      %add3A_48 = arith.addi %mul3A_4, %mul3A_47 : i32
      %add3A_49 = arith.constant 1 : i32
      %add3A_50 = arith.addi %add3A_48, %add3A_49 : i32
      %dma_wait3A_51 = arith.constant 0 : i32
      %dma_wait3A_52 = arith.constant 0 : i32
      %dma_wait3A_53 = tpu.memref_slice %arg3[%add3A_50, %dma_wait3A_51, %dma_wait3A_52] : memref<2560x2x128xi32, #tpu.memory_space<hbm>> -> memref<1x2x128xi32, #tpu.memory_space<hbm>>
      %dma_wait3A_54 = tpu.memref_squeeze %dma_wait3A_53 : memref<1x2x128xi32, #tpu.memory_space<hbm>> -> memref<2x128xi32, #tpu.memory_space<hbm>>
      %dma_wait3A_55 = arith.constant 0 : i32
      %dma_wait3A_56 = arith.constant 0 : i32
      %dma_wait3A_57 = tpu.memref_slice %arg3[%add3A_50, %dma_wait3A_55, %dma_wait3A_56] : memref<2560x2x128xi32, #tpu.memory_space<hbm>> -> memref<1x2x128xi32, #tpu.memory_space<hbm>>
      %dma_wait3A_58 = tpu.memref_squeeze %dma_wait3A_57 : memref<1x2x128xi32, #tpu.memory_space<hbm>> -> memref<2x128xi32, #tpu.memory_space<hbm>>
      tpu.wait_dma2 semaphore(%arg12 : memref<!tpu.dma_semaphore, #tpu.memory_space<semaphore_mem>>) src(%dma_wait3A_58 : memref<2x128xi32, #tpu.memory_space<hbm>>) dst(%arg7 : memref<2x128xi32, #tpu.memory_space<vmem>>)
      %dma_start3A_59 = arith.constant 0 : i32
      %dma_start3A_60 = arith.constant 0 : i32
      %dma_start3A_61 = tpu.memref_slice %arg7[%dma_start3A_59, %dma_start3A_60] : memref<2x128xi32, #tpu.memory_space<vmem>> -> memref<1x128xi32, #tpu.memory_space<vmem>>
      %dma_start3A_62 = tpu.memref_squeeze %dma_start3A_61 : memref<1x128xi32, #tpu.memory_space<vmem>> -> memref<128xi32, #tpu.memory_space<vmem>>
      %dma_start3A_63 = arith.constant 0 : i32
      %dma_start3A_64 = arith.constant 0 : i32
      %dma_start3A_65 = tpu.memref_slice %arg2[%dma_start3A_63, %dma_start3A_64] : memref<10240x128xf32, #tpu.memory_space<hbm>> -> memref<10240x128xf32, #tpu.memory_space<hbm>>
      tpu.enqueue_indirect_dma source(%dma_start3A_65 : memref<10240x128xf32, #tpu.memory_space<hbm>>) target(%arg9 : memref<128x128xf32, #tpu.memory_space<vmem>>) offsets(%dma_start3A_62 : memref<128xi32, #tpu.memory_space<vmem>>) semaphore(%arg14 : memref<!tpu.dma_semaphore, #tpu.memory_space<semaphore_mem>>)
      %dma_wait3A_66 = arith.constant 0 : i32
      %dma_wait3A_67 = arith.constant 0 : i32
      %dma_wait3A_68 = tpu.memref_slice %arg6[%dma_wait3A_66, %dma_wait3A_67] : memref<2x128xi32, #tpu.memory_space<vmem>> -> memref<1x128xi32, #tpu.memory_space<vmem>>
      %dma_wait3A_69 = tpu.memref_squeeze %dma_wait3A_68 : memref<1x128xi32, #tpu.memory_space<vmem>> -> memref<128xi32, #tpu.memory_space<vmem>>
      %dma_wait3A_70 = arith.constant 0 : i32
      %dma_wait3A_71 = arith.constant 0 : i32
      %dma_wait3A_72 = tpu.memref_slice %arg2[%dma_wait3A_70, %dma_wait3A_71] : memref<10240x128xf32, #tpu.memory_space<hbm>> -> memref<10240x128xf32, #tpu.memory_space<hbm>>
      tpu.wait_indirect_dma semaphore(%arg13 : memref<!tpu.dma_semaphore, #tpu.memory_space<semaphore_mem>>) src(%dma_wait3A_72 : memref<10240x128xf32, #tpu.memory_space<hbm>>) dst(%arg8 : memref<128x128xf32, #tpu.memory_space<vmem>>)
      %run_scoped3A = arith.constant 1 : i32
      "tpu.region"() ({
        %run_scoped3A_152 = tpu.sem_alloc : memref<!tpu.dma_semaphore, #tpu.memory_space<semaphore_mem>>
        %dma_start3A_153 = arith.constant 0 : i32
        %dma_start3A_154 = tpu.memref_slice %arg6[%run_scoped3A, %dma_start3A_153] : memref<2x128xi32, #tpu.memory_space<vmem>> -> memref<1x128xi32, #tpu.memory_space<vmem>>
        %dma_start3A_155 = tpu.memref_squeeze %dma_start3A_154 : memref<1x128xi32, #tpu.memory_space<vmem>> -> memref<128xi32, #tpu.memory_space<vmem>>
        %dma_start3A_156 = arith.constant 0 : i32
        %dma_start3A_157 = arith.constant 0 : i32
        %dma_start3A_158 = tpu.memref_slice %arg10[%dma_start3A_156, %dma_start3A_157] : memref<10240x128xf32, #tpu.memory_space<vmem_shared>> -> memref<10240x128xf32, #tpu.memory_space<vmem_shared>>
        tpu.enqueue_indirect_dma source(%arg8 : memref<128x128xf32, #tpu.memory_space<vmem>>) target(%dma_start3A_158 : memref<10240x128xf32, #tpu.memory_space<vmem_shared>>) offsets(%dma_start3A_155 : memref<128xi32, #tpu.memory_space<vmem>>) semaphore(%run_scoped3A_152 : memref<!tpu.dma_semaphore, #tpu.memory_space<semaphore_mem>>) {add = true}
        %dma_wait3A_159 = arith.constant 0 : i32
        %dma_wait3A_160 = tpu.memref_slice %arg6[%run_scoped3A, %dma_wait3A_159] : memref<2x128xi32, #tpu.memory_space<vmem>> -> memref<1x128xi32, #tpu.memory_space<vmem>>
        %dma_wait3A_161 = tpu.memref_squeeze %dma_wait3A_160 : memref<1x128xi32, #tpu.memory_space<vmem>> -> memref<128xi32, #tpu.memory_space<vmem>>
        %dma_wait3A_162 = arith.constant 0 : i32
        %dma_wait3A_163 = arith.constant 0 : i32
        %dma_wait3A_164 = tpu.memref_slice %arg10[%dma_wait3A_162, %dma_wait3A_163] : memref<10240x128xf32, #tpu.memory_space<vmem_shared>> -> memref<10240x128xf32, #tpu.memory_space<vmem_shared>>
        tpu.wait_indirect_dma semaphore(%run_scoped3A_152 : memref<!tpu.dma_semaphore, #tpu.memory_space<semaphore_mem>>) src(%arg8 : memref<128x128xf32, #tpu.memory_space<vmem>>) dst(%dma_wait3A_164 : memref<10240x128xf32, #tpu.memory_space<vmem_shared>>)
        tpu.yield
      }) : () -> ()
      %mul3A_73 = arith.constant 2 : i32
      %mul3A_74 = arith.muli %mul3A_73, %scan3A_45 : i32
      %add3A_75 = arith.constant 2 : i32
      %add3A_76 = arith.addi %mul3A_74, %add3A_75 : i32
      %lt3A = arith.constant 80 : i32
      %lt3A_77 = arith.cmpi slt, %add3A_76, %lt3A : i32
      %convert_element_type3A = arith.extui %lt3A_77 : i1 to i32
      %cond3A = arith.constant 0 : i32
      %cond3A_78 = arith.cmpi ne, %convert_element_type3A, %cond3A : i32
      scf.if %cond3A_78 {
        %add3A_152 = arith.constant 2 : i32
        %add3A_153 = arith.addi %add3A_48, %add3A_152 : i32
        %dma_start3A_154 = arith.constant 0 : i32
        %dma_start3A_155 = arith.constant 0 : i32
        %dma_start3A_156 = tpu.memref_slice %arg3[%add3A_153, %dma_start3A_154, %dma_start3A_155] : memref<2560x2x128xi32, #tpu.memory_space<hbm>> -> memref<1x2x128xi32, #tpu.memory_space<hbm>>
        %dma_start3A_157 = tpu.memref_squeeze %dma_start3A_156 : memref<1x2x128xi32, #tpu.memory_space<hbm>> -> memref<2x128xi32, #tpu.memory_space<hbm>>
        %dma_start3A_158 = arith.constant 0 : i32
        %dma_start3A_159 = arith.constant 0 : i32
        %dma_start3A_160 = tpu.memref_slice %arg3[%add3A_153, %dma_start3A_158, %dma_start3A_159] : memref<2560x2x128xi32, #tpu.memory_space<hbm>> -> memref<1x2x128xi32, #tpu.memory_space<hbm>>
        %dma_start3A_161 = tpu.memref_squeeze %dma_start3A_160 : memref<1x2x128xi32, #tpu.memory_space<hbm>> -> memref<2x128xi32, #tpu.memory_space<hbm>>
        tpu.enqueue_dma source(%dma_start3A_161 : memref<2x128xi32, #tpu.memory_space<hbm>>) target(%arg6 : memref<2x128xi32, #tpu.memory_space<vmem>>) target_semaphore(%arg11 : memref<!tpu.dma_semaphore, #tpu.memory_space<semaphore_mem>>)
        %add3A_162 = arith.constant 2 : i32
        %add3A_163 = arith.addi %add3A_48, %add3A_162 : i32
        %dma_wait3A_164 = arith.constant 0 : i32
        %dma_wait3A_165 = arith.constant 0 : i32
        %dma_wait3A_166 = tpu.memref_slice %arg3[%add3A_163, %dma_wait3A_164, %dma_wait3A_165] : memref<2560x2x128xi32, #tpu.memory_space<hbm>> -> memref<1x2x128xi32, #tpu.memory_space<hbm>>
        %dma_wait3A_167 = tpu.memref_squeeze %dma_wait3A_166 : memref<1x2x128xi32, #tpu.memory_space<hbm>> -> memref<2x128xi32, #tpu.memory_space<hbm>>
        %dma_wait3A_168 = arith.constant 0 : i32
        %dma_wait3A_169 = arith.constant 0 : i32
        %dma_wait3A_170 = tpu.memref_slice %arg3[%add3A_163, %dma_wait3A_168, %dma_wait3A_169] : memref<2560x2x128xi32, #tpu.memory_space<hbm>> -> memref<1x2x128xi32, #tpu.memory_space<hbm>>
        %dma_wait3A_171 = tpu.memref_squeeze %dma_wait3A_170 : memref<1x2x128xi32, #tpu.memory_space<hbm>> -> memref<2x128xi32, #tpu.memory_space<hbm>>
        tpu.wait_dma2 semaphore(%arg11 : memref<!tpu.dma_semaphore, #tpu.memory_space<semaphore_mem>>) src(%dma_wait3A_171 : memref<2x128xi32, #tpu.memory_space<hbm>>) dst(%arg6 : memref<2x128xi32, #tpu.memory_space<vmem>>)
        %dma_start3A_172 = arith.constant 0 : i32
        %dma_start3A_173 = arith.constant 0 : i32
        %dma_start3A_174 = tpu.memref_slice %arg6[%dma_start3A_172, %dma_start3A_173] : memref<2x128xi32, #tpu.memory_space<vmem>> -> memref<1x128xi32, #tpu.memory_space<vmem>>
        %dma_start3A_175 = tpu.memref_squeeze %dma_start3A_174 : memref<1x128xi32, #tpu.memory_space<vmem>> -> memref<128xi32, #tpu.memory_space<vmem>>
        %dma_start3A_176 = arith.constant 0 : i32
        %dma_start3A_177 = arith.constant 0 : i32
        %dma_start3A_178 = tpu.memref_slice %arg2[%dma_start3A_176, %dma_start3A_177] : memref<10240x128xf32, #tpu.memory_space<hbm>> -> memref<10240x128xf32, #tpu.memory_space<hbm>>
        tpu.enqueue_indirect_dma source(%dma_start3A_178 : memref<10240x128xf32, #tpu.memory_space<hbm>>) target(%arg8 : memref<128x128xf32, #tpu.memory_space<vmem>>) offsets(%dma_start3A_175 : memref<128xi32, #tpu.memory_space<vmem>>) semaphore(%arg13 : memref<!tpu.dma_semaphore, #tpu.memory_space<semaphore_mem>>)
      } else {
      }
      %dma_wait3A_79 = arith.constant 0 : i32
      %dma_wait3A_80 = arith.constant 0 : i32
      %dma_wait3A_81 = tpu.memref_slice %arg7[%dma_wait3A_79, %dma_wait3A_80] : memref<2x128xi32, #tpu.memory_space<vmem>> -> memref<1x128xi32, #tpu.memory_space<vmem>>
      %dma_wait3A_82 = tpu.memref_squeeze %dma_wait3A_81 : memref<1x128xi32, #tpu.memory_space<vmem>> -> memref<128xi32, #tpu.memory_space<vmem>>
      %dma_wait3A_83 = arith.constant 0 : i32
      %dma_wait3A_84 = arith.constant 0 : i32
      %dma_wait3A_85 = tpu.memref_slice %arg2[%dma_wait3A_83, %dma_wait3A_84] : memref<10240x128xf32, #tpu.memory_space<hbm>> -> memref<10240x128xf32, #tpu.memory_space<hbm>>
      tpu.wait_indirect_dma semaphore(%arg14 : memref<!tpu.dma_semaphore, #tpu.memory_space<semaphore_mem>>) src(%dma_wait3A_85 : memref<10240x128xf32, #tpu.memory_space<hbm>>) dst(%arg9 : memref<128x128xf32, #tpu.memory_space<vmem>>)
      %run_scoped3A_86 = arith.constant 1 : i32
      "tpu.region"() ({
        %run_scoped3A_152 = tpu.sem_alloc : memref<!tpu.dma_semaphore, #tpu.memory_space<semaphore_mem>>
        %dma_start3A_153 = arith.constant 0 : i32
        %dma_start3A_154 = tpu.memref_slice %arg7[%run_scoped3A_86, %dma_start3A_153] : memref<2x128xi32, #tpu.memory_space<vmem>> -> memref<1x128xi32, #tpu.memory_space<vmem>>
        %dma_start3A_155 = tpu.memref_squeeze %dma_start3A_154 : memref<1x128xi32, #tpu.memory_space<vmem>> -> memref<128xi32, #tpu.memory_space<vmem>>
        %dma_start3A_156 = arith.constant 0 : i32
        %dma_start3A_157 = arith.constant 0 : i32
        %dma_start3A_158 = tpu.memref_slice %arg10[%dma_start3A_156, %dma_start3A_157] : memref<10240x128xf32, #tpu.memory_space<vmem_shared>> -> memref<10240x128xf32, #tpu.memory_space<vmem_shared>>
        tpu.enqueue_indirect_dma source(%arg9 : memref<128x128xf32, #tpu.memory_space<vmem>>) target(%dma_start3A_158 : memref<10240x128xf32, #tpu.memory_space<vmem_shared>>) offsets(%dma_start3A_155 : memref<128xi32, #tpu.memory_space<vmem>>) semaphore(%run_scoped3A_152 : memref<!tpu.dma_semaphore, #tpu.memory_space<semaphore_mem>>) {add = true}
        %dma_wait3A_159 = arith.constant 0 : i32
        %dma_wait3A_160 = tpu.memref_slice %arg7[%run_scoped3A_86, %dma_wait3A_159] : memref<2x128xi32, #tpu.memory_space<vmem>> -> memref<1x128xi32, #tpu.memory_space<vmem>>
        %dma_wait3A_161 = tpu.memref_squeeze %dma_wait3A_160 : memref<1x128xi32, #tpu.memory_space<vmem>> -> memref<128xi32, #tpu.memory_space<vmem>>
        %dma_wait3A_162 = arith.constant 0 : i32
        %dma_wait3A_163 = arith.constant 0 : i32
        %dma_wait3A_164 = tpu.memref_slice %arg10[%dma_wait3A_162, %dma_wait3A_163] : memref<10240x128xf32, #tpu.memory_space<vmem_shared>> -> memref<10240x128xf32, #tpu.memory_space<vmem_shared>>
        tpu.wait_indirect_dma semaphore(%run_scoped3A_152 : memref<!tpu.dma_semaphore, #tpu.memory_space<semaphore_mem>>) src(%arg9 : memref<128x128xf32, #tpu.memory_space<vmem>>) dst(%dma_wait3A_164 : memref<10240x128xf32, #tpu.memory_space<vmem_shared>>)
        tpu.yield
      }) : () -> ()
      %mul3A_87 = arith.constant 2 : i32
      %mul3A_88 = arith.muli %mul3A_87, %scan3A_45 : i32
      %add3A_89 = arith.constant 3 : i32
      %add3A_90 = arith.addi %mul3A_88, %add3A_89 : i32
      %lt3A_91 = arith.constant 80 : i32
      %lt3A_92 = arith.cmpi slt, %add3A_90, %lt3A_91 : i32
      %convert_element_type3A_93 = arith.extui %lt3A_92 : i1 to i32
      %cond3A_94 = arith.constant 0 : i32
      %cond3A_95 = arith.cmpi ne, %convert_element_type3A_93, %cond3A_94 : i32
      scf.if %cond3A_95 {
        %add3A_152 = arith.constant 3 : i32
        %add3A_153 = arith.addi %add3A_48, %add3A_152 : i32
        %dma_start3A_154 = arith.constant 0 : i32
        %dma_start3A_155 = arith.constant 0 : i32
        %dma_start3A_156 = tpu.memref_slice %arg3[%add3A_153, %dma_start3A_154, %dma_start3A_155] : memref<2560x2x128xi32, #tpu.memory_space<hbm>> -> memref<1x2x128xi32, #tpu.memory_space<hbm>>
        %dma_start3A_157 = tpu.memref_squeeze %dma_start3A_156 : memref<1x2x128xi32, #tpu.memory_space<hbm>> -> memref<2x128xi32, #tpu.memory_space<hbm>>
        %dma_start3A_158 = arith.constant 0 : i32
        %dma_start3A_159 = arith.constant 0 : i32
        %dma_start3A_160 = tpu.memref_slice %arg3[%add3A_153, %dma_start3A_158, %dma_start3A_159] : memref<2560x2x128xi32, #tpu.memory_space<hbm>> -> memref<1x2x128xi32, #tpu.memory_space<hbm>>
        %dma_start3A_161 = tpu.memref_squeeze %dma_start3A_160 : memref<1x2x128xi32, #tpu.memory_space<hbm>> -> memref<2x128xi32, #tpu.memory_space<hbm>>
        tpu.enqueue_dma source(%dma_start3A_161 : memref<2x128xi32, #tpu.memory_space<hbm>>) target(%arg7 : memref<2x128xi32, #tpu.memory_space<vmem>>) target_semaphore(%arg12 : memref<!tpu.dma_semaphore, #tpu.memory_space<semaphore_mem>>)
      } else {
      }
      %scan3A_96 = arith.constant 1 : i32
      %scan3A_97 = arith.addi %scan3A_45, %scan3A_96 : i32
      %mul3A_98 = arith.constant 2 : i32
      %mul3A_99 = arith.muli %mul3A_98, %scan3A_97 : i32
      %add3A_100 = arith.addi %mul3A_4, %mul3A_99 : i32
      %add3A_101 = arith.constant 1 : i32
      %add3A_102 = arith.addi %add3A_100, %add3A_101 : i32
      %dma_wait3A_103 = arith.constant 0 : i32
      %dma_wait3A_104 = arith.constant 0 : i32
      %dma_wait3A_105 = tpu.memref_slice %arg3[%add3A_102, %dma_wait3A_103, %dma_wait3A_104] : memref<2560x2x128xi32, #tpu.memory_space<hbm>> -> memref<1x2x128xi32, #tpu.memory_space<hbm>>
      %dma_wait3A_106 = tpu.memref_squeeze %dma_wait3A_105 : memref<1x2x128xi32, #tpu.memory_space<hbm>> -> memref<2x128xi32, #tpu.memory_space<hbm>>
      %dma_wait3A_107 = arith.constant 0 : i32
      %dma_wait3A_108 = arith.constant 0 : i32
      %dma_wait3A_109 = tpu.memref_slice %arg3[%add3A_102, %dma_wait3A_107, %dma_wait3A_108] : memref<2560x2x128xi32, #tpu.memory_space<hbm>> -> memref<1x2x128xi32, #tpu.memory_space<hbm>>
      %dma_wait3A_110 = tpu.memref_squeeze %dma_wait3A_109 : memref<1x2x128xi32, #tpu.memory_space<hbm>> -> memref<2x128xi32, #tpu.memory_space<hbm>>
      tpu.wait_dma2 semaphore(%arg12 : memref<!tpu.dma_semaphore, #tpu.memory_space<semaphore_mem>>) src(%dma_wait3A_110 : memref<2x128xi32, #tpu.memory_space<hbm>>) dst(%arg7 : memref<2x128xi32, #tpu.memory_space<vmem>>)
      %dma_start3A_111 = arith.constant 0 : i32
      %dma_start3A_112 = arith.constant 0 : i32
      %dma_start3A_113 = tpu.memref_slice %arg7[%dma_start3A_111, %dma_start3A_112] : memref<2x128xi32, #tpu.memory_space<vmem>> -> memref<1x128xi32, #tpu.memory_space<vmem>>
      %dma_start3A_114 = tpu.memref_squeeze %dma_start3A_113 : memref<1x128xi32, #tpu.memory_space<vmem>> -> memref<128xi32, #tpu.memory_space<vmem>>
      %dma_start3A_115 = arith.constant 0 : i32
      %dma_start3A_116 = arith.constant 0 : i32
      %dma_start3A_117 = tpu.memref_slice %arg2[%dma_start3A_115, %dma_start3A_116] : memref<10240x128xf32, #tpu.memory_space<hbm>> -> memref<10240x128xf32, #tpu.memory_space<hbm>>
      tpu.enqueue_indirect_dma source(%dma_start3A_117 : memref<10240x128xf32, #tpu.memory_space<hbm>>) target(%arg9 : memref<128x128xf32, #tpu.memory_space<vmem>>) offsets(%dma_start3A_114 : memref<128xi32, #tpu.memory_space<vmem>>) semaphore(%arg14 : memref<!tpu.dma_semaphore, #tpu.memory_space<semaphore_mem>>)
      %dma_wait3A_118 = arith.constant 0 : i32
      %dma_wait3A_119 = arith.constant 0 : i32
      %dma_wait3A_120 = tpu.memref_slice %arg6[%dma_wait3A_118, %dma_wait3A_119] : memref<2x128xi32, #tpu.memory_space<vmem>> -> memref<1x128xi32, #tpu.memory_space<vmem>>
      %dma_wait3A_121 = tpu.memref_squeeze %dma_wait3A_120 : memref<1x128xi32, #tpu.memory_space<vmem>> -> memref<128xi32, #tpu.memory_space<vmem>>
      %dma_wait3A_122 = arith.constant 0 : i32
      %dma_wait3A_123 = arith.constant 0 : i32
      %dma_wait3A_124 = tpu.memref_slice %arg2[%dma_wait3A_122, %dma_wait3A_123] : memref<10240x128xf32, #tpu.memory_space<hbm>> -> memref<10240x128xf32, #tpu.memory_space<hbm>>
      tpu.wait_indirect_dma semaphore(%arg13 : memref<!tpu.dma_semaphore, #tpu.memory_space<semaphore_mem>>) src(%dma_wait3A_124 : memref<10240x128xf32, #tpu.memory_space<hbm>>) dst(%arg8 : memref<128x128xf32, #tpu.memory_space<vmem>>)
      %run_scoped3A_125 = arith.constant 1 : i32
      "tpu.region"() ({
        %run_scoped3A_152 = tpu.sem_alloc : memref<!tpu.dma_semaphore, #tpu.memory_space<semaphore_mem>>
        %dma_start3A_153 = arith.constant 0 : i32
        %dma_start3A_154 = tpu.memref_slice %arg6[%run_scoped3A_125, %dma_start3A_153] : memref<2x128xi32, #tpu.memory_space<vmem>> -> memref<1x128xi32, #tpu.memory_space<vmem>>
        %dma_start3A_155 = tpu.memref_squeeze %dma_start3A_154 : memref<1x128xi32, #tpu.memory_space<vmem>> -> memref<128xi32, #tpu.memory_space<vmem>>
        %dma_start3A_156 = arith.constant 0 : i32
        %dma_start3A_157 = arith.constant 0 : i32
        %dma_start3A_158 = tpu.memref_slice %arg10[%dma_start3A_156, %dma_start3A_157] : memref<10240x128xf32, #tpu.memory_space<vmem_shared>> -> memref<10240x128xf32, #tpu.memory_space<vmem_shared>>
        tpu.enqueue_indirect_dma source(%arg8 : memref<128x128xf32, #tpu.memory_space<vmem>>) target(%dma_start3A_158 : memref<10240x128xf32, #tpu.memory_space<vmem_shared>>) offsets(%dma_start3A_155 : memref<128xi32, #tpu.memory_space<vmem>>) semaphore(%run_scoped3A_152 : memref<!tpu.dma_semaphore, #tpu.memory_space<semaphore_mem>>) {add = true}
        %dma_wait3A_159 = arith.constant 0 : i32
        %dma_wait3A_160 = tpu.memref_slice %arg6[%run_scoped3A_125, %dma_wait3A_159] : memref<2x128xi32, #tpu.memory_space<vmem>> -> memref<1x128xi32, #tpu.memory_space<vmem>>
        %dma_wait3A_161 = tpu.memref_squeeze %dma_wait3A_160 : memref<1x128xi32, #tpu.memory_space<vmem>> -> memref<128xi32, #tpu.memory_space<vmem>>
        %dma_wait3A_162 = arith.constant 0 : i32
        %dma_wait3A_163 = arith.constant 0 : i32
        %dma_wait3A_164 = tpu.memref_slice %arg10[%dma_wait3A_162, %dma_wait3A_163] : memref<10240x128xf32, #tpu.memory_space<vmem_shared>> -> memref<10240x128xf32, #tpu.memory_space<vmem_shared>>
        tpu.wait_indirect_dma semaphore(%run_scoped3A_152 : memref<!tpu.dma_semaphore, #tpu.memory_space<semaphore_mem>>) src(%arg8 : memref<128x128xf32, #tpu.memory_space<vmem>>) dst(%dma_wait3A_164 : memref<10240x128xf32, #tpu.memory_space<vmem_shared>>)
        tpu.yield
      }) : () -> ()
      %mul3A_126 = arith.constant 2 : i32
      %mul3A_127 = arith.muli %mul3A_126, %scan3A_97 : i32
      %add3A_128 = arith.constant 2 : i32
      %add3A_129 = arith.addi %mul3A_127, %add3A_128 : i32
      %lt3A_130 = arith.constant 80 : i32
      %lt3A_131 = arith.cmpi slt, %add3A_129, %lt3A_130 : i32
      %convert_element_type3A_132 = arith.extui %lt3A_131 : i1 to i32
      %cond3A_133 = arith.constant 0 : i32
      %cond3A_134 = arith.cmpi ne, %convert_element_type3A_132, %cond3A_133 : i32
      scf.if %cond3A_134 {
        %add3A_152 = arith.constant 2 : i32
        %add3A_153 = arith.addi %add3A_100, %add3A_152 : i32
        %dma_start3A_154 = arith.constant 0 : i32
        %dma_start3A_155 = arith.constant 0 : i32
        %dma_start3A_156 = tpu.memref_slice %arg3[%add3A_153, %dma_start3A_154, %dma_start3A_155] : memref<2560x2x128xi32, #tpu.memory_space<hbm>> -> memref<1x2x128xi32, #tpu.memory_space<hbm>>
        %dma_start3A_157 = tpu.memref_squeeze %dma_start3A_156 : memref<1x2x128xi32, #tpu.memory_space<hbm>> -> memref<2x128xi32, #tpu.memory_space<hbm>>
        %dma_start3A_158 = arith.constant 0 : i32
        %dma_start3A_159 = arith.constant 0 : i32
        %dma_start3A_160 = tpu.memref_slice %arg3[%add3A_153, %dma_start3A_158, %dma_start3A_159] : memref<2560x2x128xi32, #tpu.memory_space<hbm>> -> memref<1x2x128xi32, #tpu.memory_space<hbm>>
        %dma_start3A_161 = tpu.memref_squeeze %dma_start3A_160 : memref<1x2x128xi32, #tpu.memory_space<hbm>> -> memref<2x128xi32, #tpu.memory_space<hbm>>
        tpu.enqueue_dma source(%dma_start3A_161 : memref<2x128xi32, #tpu.memory_space<hbm>>) target(%arg6 : memref<2x128xi32, #tpu.memory_space<vmem>>) target_semaphore(%arg11 : memref<!tpu.dma_semaphore, #tpu.memory_space<semaphore_mem>>)
        %add3A_162 = arith.constant 2 : i32
        %add3A_163 = arith.addi %add3A_100, %add3A_162 : i32
        %dma_wait3A_164 = arith.constant 0 : i32
        %dma_wait3A_165 = arith.constant 0 : i32
        %dma_wait3A_166 = tpu.memref_slice %arg3[%add3A_163, %dma_wait3A_164, %dma_wait3A_165] : memref<2560x2x128xi32, #tpu.memory_space<hbm>> -> memref<1x2x128xi32, #tpu.memory_space<hbm>>
        %dma_wait3A_167 = tpu.memref_squeeze %dma_wait3A_166 : memref<1x2x128xi32, #tpu.memory_space<hbm>> -> memref<2x128xi32, #tpu.memory_space<hbm>>
        %dma_wait3A_168 = arith.constant 0 : i32
        %dma_wait3A_169 = arith.constant 0 : i32
        %dma_wait3A_170 = tpu.memref_slice %arg3[%add3A_163, %dma_wait3A_168, %dma_wait3A_169] : memref<2560x2x128xi32, #tpu.memory_space<hbm>> -> memref<1x2x128xi32, #tpu.memory_space<hbm>>
        %dma_wait3A_171 = tpu.memref_squeeze %dma_wait3A_170 : memref<1x2x128xi32, #tpu.memory_space<hbm>> -> memref<2x128xi32, #tpu.memory_space<hbm>>
        tpu.wait_dma2 semaphore(%arg11 : memref<!tpu.dma_semaphore, #tpu.memory_space<semaphore_mem>>) src(%dma_wait3A_171 : memref<2x128xi32, #tpu.memory_space<hbm>>) dst(%arg6 : memref<2x128xi32, #tpu.memory_space<vmem>>)
        %dma_start3A_172 = arith.constant 0 : i32
        %dma_start3A_173 = arith.constant 0 : i32
        %dma_start3A_174 = tpu.memref_slice %arg6[%dma_start3A_172, %dma_start3A_173] : memref<2x128xi32, #tpu.memory_space<vmem>> -> memref<1x128xi32, #tpu.memory_space<vmem>>
        %dma_start3A_175 = tpu.memref_squeeze %dma_start3A_174 : memref<1x128xi32, #tpu.memory_space<vmem>> -> memref<128xi32, #tpu.memory_space<vmem>>
        %dma_start3A_176 = arith.constant 0 : i32
        %dma_start3A_177 = arith.constant 0 : i32
        %dma_start3A_178 = tpu.memref_slice %arg2[%dma_start3A_176, %dma_start3A_177] : memref<10240x128xf32, #tpu.memory_space<hbm>> -> memref<10240x128xf32, #tpu.memory_space<hbm>>
        tpu.enqueue_indirect_dma source(%dma_start3A_178 : memref<10240x128xf32, #tpu.memory_space<hbm>>) target(%arg8 : memref<128x128xf32, #tpu.memory_space<vmem>>) offsets(%dma_start3A_175 : memref<128xi32, #tpu.memory_space<vmem>>) semaphore(%arg13 : memref<!tpu.dma_semaphore, #tpu.memory_space<semaphore_mem>>)
      } else {
      }
      %dma_wait3A_135 = arith.constant 0 : i32
      %dma_wait3A_136 = arith.constant 0 : i32
      %dma_wait3A_137 = tpu.memref_slice %arg7[%dma_wait3A_135, %dma_wait3A_136] : memref<2x128xi32, #tpu.memory_space<vmem>> -> memref<1x128xi32, #tpu.memory_space<vmem>>
      %dma_wait3A_138 = tpu.memref_squeeze %dma_wait3A_137 : memref<1x128xi32, #tpu.memory_space<vmem>> -> memref<128xi32, #tpu.memory_space<vmem>>
      %dma_wait3A_139 = arith.constant 0 : i32
      %dma_wait3A_140 = arith.constant 0 : i32
      %dma_wait3A_141 = tpu.memref_slice %arg2[%dma_wait3A_139, %dma_wait3A_140] : memref<10240x128xf32, #tpu.memory_space<hbm>> -> memref<10240x128xf32, #tpu.memory_space<hbm>>
      tpu.wait_indirect_dma semaphore(%arg14 : memref<!tpu.dma_semaphore, #tpu.memory_space<semaphore_mem>>) src(%dma_wait3A_141 : memref<10240x128xf32, #tpu.memory_space<hbm>>) dst(%arg9 : memref<128x128xf32, #tpu.memory_space<vmem>>)
      %run_scoped3A_142 = arith.constant 1 : i32
      "tpu.region"() ({
        %run_scoped3A_152 = tpu.sem_alloc : memref<!tpu.dma_semaphore, #tpu.memory_space<semaphore_mem>>
        %dma_start3A_153 = arith.constant 0 : i32
        %dma_start3A_154 = tpu.memref_slice %arg7[%run_scoped3A_142, %dma_start3A_153] : memref<2x128xi32, #tpu.memory_space<vmem>> -> memref<1x128xi32, #tpu.memory_space<vmem>>
        %dma_start3A_155 = tpu.memref_squeeze %dma_start3A_154 : memref<1x128xi32, #tpu.memory_space<vmem>> -> memref<128xi32, #tpu.memory_space<vmem>>
        %dma_start3A_156 = arith.constant 0 : i32
        %dma_start3A_157 = arith.constant 0 : i32
        %dma_start3A_158 = tpu.memref_slice %arg10[%dma_start3A_156, %dma_start3A_157] : memref<10240x128xf32, #tpu.memory_space<vmem_shared>> -> memref<10240x128xf32, #tpu.memory_space<vmem_shared>>
        tpu.enqueue_indirect_dma source(%arg9 : memref<128x128xf32, #tpu.memory_space<vmem>>) target(%dma_start3A_158 : memref<10240x128xf32, #tpu.memory_space<vmem_shared>>) offsets(%dma_start3A_155 : memref<128xi32, #tpu.memory_space<vmem>>) semaphore(%run_scoped3A_152 : memref<!tpu.dma_semaphore, #tpu.memory_space<semaphore_mem>>) {add = true}
        %dma_wait3A_159 = arith.constant 0 : i32
        %dma_wait3A_160 = tpu.memref_slice %arg7[%run_scoped3A_142, %dma_wait3A_159] : memref<2x128xi32, #tpu.memory_space<vmem>> -> memref<1x128xi32, #tpu.memory_space<vmem>>
        %dma_wait3A_161 = tpu.memref_squeeze %dma_wait3A_160 : memref<1x128xi32, #tpu.memory_space<vmem>> -> memref<128xi32, #tpu.memory_space<vmem>>
        %dma_wait3A_162 = arith.constant 0 : i32
        %dma_wait3A_163 = arith.constant 0 : i32
        %dma_wait3A_164 = tpu.memref_slice %arg10[%dma_wait3A_162, %dma_wait3A_163] : memref<10240x128xf32, #tpu.memory_space<vmem_shared>> -> memref<10240x128xf32, #tpu.memory_space<vmem_shared>>
        tpu.wait_indirect_dma semaphore(%run_scoped3A_152 : memref<!tpu.dma_semaphore, #tpu.memory_space<semaphore_mem>>) src(%arg9 : memref<128x128xf32, #tpu.memory_space<vmem>>) dst(%dma_wait3A_164 : memref<10240x128xf32, #tpu.memory_space<vmem_shared>>)
        tpu.yield
      }) : () -> ()
      %mul3A_143 = arith.constant 2 : i32
      %mul3A_144 = arith.muli %mul3A_143, %scan3A_97 : i32
      %add3A_145 = arith.constant 3 : i32
      %add3A_146 = arith.addi %mul3A_144, %add3A_145 : i32
      %lt3A_147 = arith.constant 80 : i32
      %lt3A_148 = arith.cmpi slt, %add3A_146, %lt3A_147 : i32
      %convert_element_type3A_149 = arith.extui %lt3A_148 : i1 to i32
      %cond3A_150 = arith.constant 0 : i32
      %cond3A_151 = arith.cmpi ne, %convert_element_type3A_149, %cond3A_150 : i32
      scf.if %cond3A_151 {
        %add3A_152 = arith.constant 3 : i32
        %add3A_153 = arith.addi %add3A_100, %add3A_152 : i32
        %dma_start3A_154 = arith.constant 0 : i32
        %dma_start3A_155 = arith.constant 0 : i32
        %dma_start3A_156 = tpu.memref_slice %arg3[%add3A_153, %dma_start3A_154, %dma_start3A_155] : memref<2560x2x128xi32, #tpu.memory_space<hbm>> -> memref<1x2x128xi32, #tpu.memory_space<hbm>>
        %dma_start3A_157 = tpu.memref_squeeze %dma_start3A_156 : memref<1x2x128xi32, #tpu.memory_space<hbm>> -> memref<2x128xi32, #tpu.memory_space<hbm>>
        %dma_start3A_158 = arith.constant 0 : i32
        %dma_start3A_159 = arith.constant 0 : i32
        %dma_start3A_160 = tpu.memref_slice %arg3[%add3A_153, %dma_start3A_158, %dma_start3A_159] : memref<2560x2x128xi32, #tpu.memory_space<hbm>> -> memref<1x2x128xi32, #tpu.memory_space<hbm>>
        %dma_start3A_161 = tpu.memref_squeeze %dma_start3A_160 : memref<1x2x128xi32, #tpu.memory_space<hbm>> -> memref<2x128xi32, #tpu.memory_space<hbm>>
        tpu.enqueue_dma source(%dma_start3A_161 : memref<2x128xi32, #tpu.memory_space<hbm>>) target(%arg7 : memref<2x128xi32, #tpu.memory_space<vmem>>) target_semaphore(%arg12 : memref<!tpu.dma_semaphore, #tpu.memory_space<semaphore_mem>>)
      } else {
      }
    }
    %scan3A_40 = arith.constant 40 : i32
    %barrier3A_41 = arith.constant 0 : index
    tpu.barrier barrier_id(%barrier3A_41)
    %mul3A_42 = arith.constant 10240 : i32
    %mul3A_43 = arith.muli %arg0, %mul3A_42 : i32
    %add3A_44 = arith.addi %mul3A_43, %mul3A_2 : i32
    "tpu.region"() ({
      %run_scoped3A = tpu.sem_alloc : memref<!tpu.dma_semaphore, #tpu.memory_space<semaphore_mem>>
      %dma_start3A_45 = arith.constant 0 : i32
      %dma_start3A_46 = tpu.memref_slice %arg5[%add3A_44, %dma_start3A_45] : memref<20480x128xf32, #tpu.memory_space<hbm>> -> memref<640x128xf32, #tpu.memory_space<hbm>>
      %dma_start3A_47 = arith.constant 0 : i32
      %dma_start3A_48 = tpu.memref_slice %arg10[%mul3A_2, %dma_start3A_47] : memref<10240x128xf32, #tpu.memory_space<vmem_shared>> -> memref<640x128xf32, #tpu.memory_space<vmem_shared>>
      tpu.enqueue_dma source(%dma_start3A_48 : memref<640x128xf32, #tpu.memory_space<vmem_shared>>) target(%dma_start3A_46 : memref<640x128xf32, #tpu.memory_space<hbm>>) target_semaphore(%run_scoped3A : memref<!tpu.dma_semaphore, #tpu.memory_space<semaphore_mem>>)
      %dma_wait3A_49 = arith.constant 0 : i32
      %dma_wait3A_50 = tpu.memref_slice %arg5[%add3A_44, %dma_wait3A_49] : memref<20480x128xf32, #tpu.memory_space<hbm>> -> memref<640x128xf32, #tpu.memory_space<hbm>>
      %dma_wait3A_51 = arith.constant 0 : i32
      %dma_wait3A_52 = tpu.memref_slice %arg10[%mul3A_2, %dma_wait3A_51] : memref<10240x128xf32, #tpu.memory_space<vmem_shared>> -> memref<640x128xf32, #tpu.memory_space<vmem_shared>>
      tpu.wait_dma2 semaphore(%run_scoped3A : memref<!tpu.dma_semaphore, #tpu.memory_space<semaphore_mem>>) src(%dma_wait3A_52 : memref<640x128xf32, #tpu.memory_space<vmem_shared>>) dst(%dma_wait3A_50 : memref<640x128xf32, #tpu.memory_space<hbm>>)
      tpu.yield
    }) : () -> ()
    return
  }
}

#map = affine_map<(d0, d1) -> (0, 0)>
#map1 = affine_map<(d0, d1) -> (0, 0, 0)>
module attributes {stable_mosaic.version = 14 : i64} {
  func.func @seg(%arg0: i32, %arg1: i32, %arg2: memref<10240x128xf32, #tpu.memory_space<hbm>>, %arg3: memref<2560x2x128xi32, #tpu.memory_space<hbm>>, %arg4: memref<10240x128xf32, #tpu.memory_space<hbm>>, %arg5: memref<20480x128xf32, #tpu.memory_space<hbm>>, %arg6: memref<2x128xi32, #tpu.memory_space<vmem>>, %arg7: memref<2x128xi32, #tpu.memory_space<vmem>>, %arg8: memref<128x128xf32, #tpu.memory_space<vmem>>, %arg9: memref<128x128xf32, #tpu.memory_space<vmem>>, %arg10: memref<10240x128xf32, #tpu.memory_space<vmem_shared>>, %arg11: memref<!tpu.dma_semaphore, #tpu.memory_space<semaphore_mem>>, %arg12: memref<!tpu.dma_semaphore, #tpu.memory_space<semaphore_mem>>, %arg13: memref<!tpu.dma_semaphore, #tpu.memory_space<semaphore_mem>>, %arg14: memref<!tpu.dma_semaphore, #tpu.memory_space<semaphore_mem>>) attributes {dimension_semantics = [#tpu.dimension_semantics<core_parallel>, #tpu.dimension_semantics<subcore_parallel>], iteration_bounds = array<i64: 2, 16>, scalar_prefetch = 0 : i64, scratch_operands = 9 : i64, tpu.core_type = #tpu.core_type<sc_vector_subcore>, window_params = [{transform_indices = #map}, {transform_indices = #map1}, {transform_indices = #map}, {transform_indices = #map}]} {
    %mul3A = arith.constant 16 : i32
    %mul3A_0 = arith.muli %arg0, %mul3A : i32
    %add3A = arith.addi %mul3A_0, %arg1 : i32
    %mul3A_1 = arith.constant 640 : i32
    %mul3A_2 = arith.muli %arg1, %mul3A_1 : i32
    %mul3A_3 = arith.constant 80 : i32
    %mul3A_4 = arith.muli %add3A, %mul3A_3 : i32
    "tpu.region"() ({
      %run_scoped3A = tpu.sem_alloc : memref<!tpu.dma_semaphore, #tpu.memory_space<semaphore_mem>>
      %dma_start3A_45 = arith.constant 0 : i32
      %dma_start3A_46 = tpu.memref_slice %arg10[%mul3A_2, %dma_start3A_45] : memref<10240x128xf32, #tpu.memory_space<vmem_shared>> -> memref<640x128xf32, #tpu.memory_space<vmem_shared>>
      %dma_start3A_47 = arith.constant 0 : i32
      %dma_start3A_48 = tpu.memref_slice %arg4[%mul3A_2, %dma_start3A_47] : memref<10240x128xf32, #tpu.memory_space<hbm>> -> memref<640x128xf32, #tpu.memory_space<hbm>>
      tpu.enqueue_dma source(%dma_start3A_48 : memref<640x128xf32, #tpu.memory_space<hbm>>) target(%dma_start3A_46 : memref<640x128xf32, #tpu.memory_space<vmem_shared>>) target_semaphore(%run_scoped3A : memref<!tpu.dma_semaphore, #tpu.memory_space<semaphore_mem>>)
      %dma_wait3A_49 = arith.constant 0 : i32
      %dma_wait3A_50 = tpu.memref_slice %arg10[%mul3A_2, %dma_wait3A_49] : memref<10240x128xf32, #tpu.memory_space<vmem_shared>> -> memref<640x128xf32, #tpu.memory_space<vmem_shared>>
      %dma_wait3A_51 = arith.constant 0 : i32
      %dma_wait3A_52 = tpu.memref_slice %arg4[%mul3A_2, %dma_wait3A_51] : memref<10240x128xf32, #tpu.memory_space<hbm>> -> memref<640x128xf32, #tpu.memory_space<hbm>>
      tpu.wait_dma2 semaphore(%run_scoped3A : memref<!tpu.dma_semaphore, #tpu.memory_space<semaphore_mem>>) src(%dma_wait3A_52 : memref<640x128xf32, #tpu.memory_space<hbm>>) dst(%dma_wait3A_50 : memref<640x128xf32, #tpu.memory_space<vmem_shared>>)
      tpu.yield
    }) : () -> ()
    %barrier3A = arith.constant 0 : index
    tpu.barrier barrier_id(%barrier3A)
    %dma_start3A = arith.constant 0 : i32
    %dma_start3A_5 = arith.constant 0 : i32
    %dma_start3A_6 = tpu.memref_slice %arg3[%mul3A_4, %dma_start3A, %dma_start3A_5] : memref<2560x2x128xi32, #tpu.memory_space<hbm>> -> memref<1x2x128xi32, #tpu.memory_space<hbm>>
    %dma_start3A_7 = tpu.memref_squeeze %dma_start3A_6 : memref<1x2x128xi32, #tpu.memory_space<hbm>> -> memref<2x128xi32, #tpu.memory_space<hbm>>
    %dma_start3A_8 = arith.constant 0 : i32
    %dma_start3A_9 = arith.constant 0 : i32
    %dma_start3A_10 = tpu.memref_slice %arg3[%mul3A_4, %dma_start3A_8, %dma_start3A_9] : memref<2560x2x128xi32, #tpu.memory_space<hbm>> -> memref<1x2x128xi32, #tpu.memory_space<hbm>>
    %dma_start3A_11 = tpu.memref_squeeze %dma_start3A_10 : memref<1x2x128xi32, #tpu.memory_space<hbm>> -> memref<2x128xi32, #tpu.memory_space<hbm>>
    tpu.enqueue_dma source(%dma_start3A_11 : memref<2x128xi32, #tpu.memory_space<hbm>>) target(%arg6 : memref<2x128xi32, #tpu.memory_space<vmem>>) target_semaphore(%arg11 : memref<!tpu.dma_semaphore, #tpu.memory_space<semaphore_mem>>)
    %add3A_12 = arith.constant 1 : i32
    %add3A_13 = arith.addi %mul3A_4, %add3A_12 : i32
    %dma_start3A_14 = arith.constant 0 : i32
    %dma_start3A_15 = arith.constant 0 : i32
    %dma_start3A_16 = tpu.memref_slice %arg3[%add3A_13, %dma_start3A_14, %dma_start3A_15] : memref<2560x2x128xi32, #tpu.memory_space<hbm>> -> memref<1x2x128xi32, #tpu.memory_space<hbm>>
    %dma_start3A_17 = tpu.memref_squeeze %dma_start3A_16 : memref<1x2x128xi32, #tpu.memory_space<hbm>> -> memref<2x128xi32, #tpu.memory_space<hbm>>
    %dma_start3A_18 = arith.constant 0 : i32
    %dma_start3A_19 = arith.constant 0 : i32
    %dma_start3A_20 = tpu.memref_slice %arg3[%add3A_13, %dma_start3A_18, %dma_start3A_19] : memref<2560x2x128xi32, #tpu.memory_space<hbm>> -> memref<1x2x128xi32, #tpu.memory_space<hbm>>
    %dma_start3A_21 = tpu.memref_squeeze %dma_start3A_20 : memref<1x2x128xi32, #tpu.memory_space<hbm>> -> memref<2x128xi32, #tpu.memory_space<hbm>>
    tpu.enqueue_dma source(%dma_start3A_21 : memref<2x128xi32, #tpu.memory_space<hbm>>) target(%arg7 : memref<2x128xi32, #tpu.memory_space<vmem>>) target_semaphore(%arg12 : memref<!tpu.dma_semaphore, #tpu.memory_space<semaphore_mem>>)
    %dma_wait3A = arith.constant 0 : i32
    %dma_wait3A_22 = arith.constant 0 : i32
    %dma_wait3A_23 = tpu.memref_slice %arg3[%mul3A_4, %dma_wait3A, %dma_wait3A_22] : memref<2560x2x128xi32, #tpu.memory_space<hbm>> -> memref<1x2x128xi32, #tpu.memory_space<hbm>>
    %dma_wait3A_24 = tpu.memref_squeeze %dma_wait3A_23 : memref<1x2x128xi32, #tpu.memory_space<hbm>> -> memref<2x128xi32, #tpu.memory_space<hbm>>
    %dma_wait3A_25 = arith.constant 0 : i32
    %dma_wait3A_26 = arith.constant 0 : i32
    %dma_wait3A_27 = tpu.memref_slice %arg3[%mul3A_4, %dma_wait3A_25, %dma_wait3A_26] : memref<2560x2x128xi32, #tpu.memory_space<hbm>> -> memref<1x2x128xi32, #tpu.memory_space<hbm>>
    %dma_wait3A_28 = tpu.memref_squeeze %dma_wait3A_27 : memref<1x2x128xi32, #tpu.memory_space<hbm>> -> memref<2x128xi32, #tpu.memory_space<hbm>>
    tpu.wait_dma2 semaphore(%arg11 : memref<!tpu.dma_semaphore, #tpu.memory_space<semaphore_mem>>) src(%dma_wait3A_28 : memref<2x128xi32, #tpu.memory_space<hbm>>) dst(%arg6 : memref<2x128xi32, #tpu.memory_space<vmem>>)
    %dma_start3A_29 = arith.constant 0 : i32
    %dma_start3A_30 = arith.constant 0 : i32
    %dma_start3A_31 = tpu.memref_slice %arg6[%dma_start3A_29, %dma_start3A_30] : memref<2x128xi32, #tpu.memory_space<vmem>> -> memref<1x128xi32, #tpu.memory_space<vmem>>
    %dma_start3A_32 = tpu.memref_squeeze %dma_start3A_31 : memref<1x128xi32, #tpu.memory_space<vmem>> -> memref<128xi32, #tpu.memory_space<vmem>>
    %dma_start3A_33 = arith.constant 0 : i32
    %dma_start3A_34 = arith.constant 0 : i32
    %dma_start3A_35 = tpu.memref_slice %arg2[%dma_start3A_33, %dma_start3A_34] : memref<10240x128xf32, #tpu.memory_space<hbm>> -> memref<10240x128xf32, #tpu.memory_space<hbm>>
    tpu.enqueue_indirect_dma source(%dma_start3A_35 : memref<10240x128xf32, #tpu.memory_space<hbm>>) target(%arg8 : memref<128x128xf32, #tpu.memory_space<vmem>>) offsets(%dma_start3A_32 : memref<128xi32, #tpu.memory_space<vmem>>) semaphore(%arg13 : memref<!tpu.dma_semaphore, #tpu.memory_space<semaphore_mem>>)
    %scan3A = arith.constant 0 : i32
    %scan3A_36 = arith.constant 0 : i32
    %scan3A_37 = arith.constant 40 : i32
    %scan3A_38 = arith.addi %scan3A_36, %scan3A_37 : i32
    %scan3A_39 = arith.constant 2 : i32
    scf.for %scan3A_45 = %scan3A_36 to %scan3A_38 step %scan3A_39  : i32 {
      %mul3A_46 = arith.constant 2 : i32
      %mul3A_47 = arith.muli %mul3A_46, %scan3A_45 : i32
      %add3A_48 = arith.addi %mul3A_4, %mul3A_47 : i32
      %add3A_49 = arith.constant 1 : i32
      %add3A_50 = arith.addi %add3A_48, %add3A_49 : i32
      %dma_wait3A_51 = arith.constant 0 : i32
      %dma_wait3A_52 = arith.constant 0 : i32
      %dma_wait3A_53 = tpu.memref_slice %arg3[%add3A_50, %dma_wait3A_51, %dma_wait3A_52] : memref<2560x2x128xi32, #tpu.memory_space<hbm>> -> memref<1x2x128xi32, #tpu.memory_space<hbm>>
      %dma_wait3A_54 = tpu.memref_squeeze %dma_wait3A_53 : memref<1x2x128xi32, #tpu.memory_space<hbm>> -> memref<2x128xi32, #tpu.memory_space<hbm>>
      %dma_wait3A_55 = arith.constant 0 : i32
      %dma_wait3A_56 = arith.constant 0 : i32
      %dma_wait3A_57 = tpu.memref_slice %arg3[%add3A_50, %dma_wait3A_55, %dma_wait3A_56] : memref<2560x2x128xi32, #tpu.memory_space<hbm>> -> memref<1x2x128xi32, #tpu.memory_space<hbm>>
      %dma_wait3A_58 = tpu.memref_squeeze %dma_wait3A_57 : memref<1x2x128xi32, #tpu.memory_space<hbm>> -> memref<2x128xi32, #tpu.memory_space<hbm>>
      tpu.wait_dma2 semaphore(%arg12 : memref<!tpu.dma_semaphore, #tpu.memory_space<semaphore_mem>>) src(%dma_wait3A_58 : memref<2x128xi32, #tpu.memory_space<hbm>>) dst(%arg7 : memref<2x128xi32, #tpu.memory_space<vmem>>)
      %dma_start3A_59 = arith.constant 0 : i32
      %dma_start3A_60 = arith.constant 0 : i32
      %dma_start3A_61 = tpu.memref_slice %arg7[%dma_start3A_59, %dma_start3A_60] : memref<2x128xi32, #tpu.memory_space<vmem>> -> memref<1x128xi32, #tpu.memory_space<vmem>>
      %dma_start3A_62 = tpu.memref_squeeze %dma_start3A_61 : memref<1x128xi32, #tpu.memory_space<vmem>> -> memref<128xi32, #tpu.memory_space<vmem>>
      %dma_start3A_63 = arith.constant 0 : i32
      %dma_start3A_64 = arith.constant 0 : i32
      %dma_start3A_65 = tpu.memref_slice %arg2[%dma_start3A_63, %dma_start3A_64] : memref<10240x128xf32, #tpu.memory_space<hbm>> -> memref<10240x128xf32, #tpu.memory_space<hbm>>
      tpu.enqueue_indirect_dma source(%dma_start3A_65 : memref<10240x128xf32, #tpu.memory_space<hbm>>) target(%arg9 : memref<128x128xf32, #tpu.memory_space<vmem>>) offsets(%dma_start3A_62 : memref<128xi32, #tpu.memory_space<vmem>>) semaphore(%arg14 : memref<!tpu.dma_semaphore, #tpu.memory_space<semaphore_mem>>)
      %dma_wait3A_66 = arith.constant 0 : i32
      %dma_wait3A_67 = arith.constant 0 : i32
      %dma_wait3A_68 = tpu.memref_slice %arg6[%dma_wait3A_66, %dma_wait3A_67] : memref<2x128xi32, #tpu.memory_space<vmem>> -> memref<1x128xi32, #tpu.memory_space<vmem>>
      %dma_wait3A_69 = tpu.memref_squeeze %dma_wait3A_68 : memref<1x128xi32, #tpu.memory_space<vmem>> -> memref<128xi32, #tpu.memory_space<vmem>>
      %dma_wait3A_70 = arith.constant 0 : i32
      %dma_wait3A_71 = arith.constant 0 : i32
      %dma_wait3A_72 = tpu.memref_slice %arg2[%dma_wait3A_70, %dma_wait3A_71] : memref<10240x128xf32, #tpu.memory_space<hbm>> -> memref<10240x128xf32, #tpu.memory_space<hbm>>
      tpu.wait_indirect_dma semaphore(%arg13 : memref<!tpu.dma_semaphore, #tpu.memory_space<semaphore_mem>>) src(%dma_wait3A_72 : memref<10240x128xf32, #tpu.memory_space<hbm>>) dst(%arg8 : memref<128x128xf32, #tpu.memory_space<vmem>>)
      %run_scoped3A = arith.constant 1 : i32
      "tpu.region"() ({
        %run_scoped3A_152 = tpu.sem_alloc : memref<!tpu.dma_semaphore, #tpu.memory_space<semaphore_mem>>
        %dma_start3A_153 = arith.constant 0 : i32
        %dma_start3A_154 = tpu.memref_slice %arg6[%run_scoped3A, %dma_start3A_153] : memref<2x128xi32, #tpu.memory_space<vmem>> -> memref<1x128xi32, #tpu.memory_space<vmem>>
        %dma_start3A_155 = tpu.memref_squeeze %dma_start3A_154 : memref<1x128xi32, #tpu.memory_space<vmem>> -> memref<128xi32, #tpu.memory_space<vmem>>
        %dma_start3A_156 = arith.constant 0 : i32
        %dma_start3A_157 = arith.constant 0 : i32
        %dma_start3A_158 = tpu.memref_slice %arg10[%dma_start3A_156, %dma_start3A_157] : memref<10240x128xf32, #tpu.memory_space<vmem_shared>> -> memref<10240x128xf32, #tpu.memory_space<vmem_shared>>
        tpu.enqueue_indirect_dma source(%arg8 : memref<128x128xf32, #tpu.memory_space<vmem>>) target(%dma_start3A_158 : memref<10240x128xf32, #tpu.memory_space<vmem_shared>>) offsets(%dma_start3A_155 : memref<128xi32, #tpu.memory_space<vmem>>) semaphore(%run_scoped3A_152 : memref<!tpu.dma_semaphore, #tpu.memory_space<semaphore_mem>>) {add = true}
        %dma_wait3A_159 = arith.constant 0 : i32
        %dma_wait3A_160 = tpu.memref_slice %arg6[%run_scoped3A, %dma_wait3A_159] : memref<2x128xi32, #tpu.memory_space<vmem>> -> memref<1x128xi32, #tpu.memory_space<vmem>>
        %dma_wait3A_161 = tpu.memref_squeeze %dma_wait3A_160 : memref<1x128xi32, #tpu.memory_space<vmem>> -> memref<128xi32, #tpu.memory_space<vmem>>
        %dma_wait3A_162 = arith.constant 0 : i32
        %dma_wait3A_163 = arith.constant 0 : i32
        %dma_wait3A_164 = tpu.memref_slice %arg10[%dma_wait3A_162, %dma_wait3A_163] : memref<10240x128xf32, #tpu.memory_space<vmem_shared>> -> memref<10240x128xf32, #tpu.memory_space<vmem_shared>>
        tpu.wait_indirect_dma semaphore(%run_scoped3A_152 : memref<!tpu.dma_semaphore, #tpu.memory_space<semaphore_mem>>) src(%arg8 : memref<128x128xf32, #tpu.memory_space<vmem>>) dst(%dma_wait3A_164 : memref<10240x128xf32, #tpu.memory_space<vmem_shared>>)
        tpu.yield
      }) : () -> ()
      %mul3A_73 = arith.constant 2 : i32
      %mul3A_74 = arith.muli %mul3A_73, %scan3A_45 : i32
      %add3A_75 = arith.constant 2 : i32
      %add3A_76 = arith.addi %mul3A_74, %add3A_75 : i32
      %lt3A = arith.constant 80 : i32
      %lt3A_77 = arith.cmpi slt, %add3A_76, %lt3A : i32
      %convert_element_type3A = arith.extui %lt3A_77 : i1 to i32
      %cond3A = arith.constant 0 : i32
      %cond3A_78 = arith.cmpi ne, %convert_element_type3A, %cond3A : i32
      scf.if %cond3A_78 {
        %add3A_152 = arith.constant 2 : i32
        %add3A_153 = arith.addi %add3A_48, %add3A_152 : i32
        %dma_start3A_154 = arith.constant 0 : i32
        %dma_start3A_155 = arith.constant 0 : i32
        %dma_start3A_156 = tpu.memref_slice %arg3[%add3A_153, %dma_start3A_154, %dma_start3A_155] : memref<2560x2x128xi32, #tpu.memory_space<hbm>> -> memref<1x2x128xi32, #tpu.memory_space<hbm>>
        %dma_start3A_157 = tpu.memref_squeeze %dma_start3A_156 : memref<1x2x128xi32, #tpu.memory_space<hbm>> -> memref<2x128xi32, #tpu.memory_space<hbm>>
        %dma_start3A_158 = arith.constant 0 : i32
        %dma_start3A_159 = arith.constant 0 : i32
        %dma_start3A_160 = tpu.memref_slice %arg3[%add3A_153, %dma_start3A_158, %dma_start3A_159] : memref<2560x2x128xi32, #tpu.memory_space<hbm>> -> memref<1x2x128xi32, #tpu.memory_space<hbm>>
        %dma_start3A_161 = tpu.memref_squeeze %dma_start3A_160 : memref<1x2x128xi32, #tpu.memory_space<hbm>> -> memref<2x128xi32, #tpu.memory_space<hbm>>
        tpu.enqueue_dma source(%dma_start3A_161 : memref<2x128xi32, #tpu.memory_space<hbm>>) target(%arg6 : memref<2x128xi32, #tpu.memory_space<vmem>>) target_semaphore(%arg11 : memref<!tpu.dma_semaphore, #tpu.memory_space<semaphore_mem>>)
        %add3A_162 = arith.constant 2 : i32
        %add3A_163 = arith.addi %add3A_48, %add3A_162 : i32
        %dma_wait3A_164 = arith.constant 0 : i32
        %dma_wait3A_165 = arith.constant 0 : i32
        %dma_wait3A_166 = tpu.memref_slice %arg3[%add3A_163, %dma_wait3A_164, %dma_wait3A_165] : memref<2560x2x128xi32, #tpu.memory_space<hbm>> -> memref<1x2x128xi32, #tpu.memory_space<hbm>>
        %dma_wait3A_167 = tpu.memref_squeeze %dma_wait3A_166 : memref<1x2x128xi32, #tpu.memory_space<hbm>> -> memref<2x128xi32, #tpu.memory_space<hbm>>
        %dma_wait3A_168 = arith.constant 0 : i32
        %dma_wait3A_169 = arith.constant 0 : i32
        %dma_wait3A_170 = tpu.memref_slice %arg3[%add3A_163, %dma_wait3A_168, %dma_wait3A_169] : memref<2560x2x128xi32, #tpu.memory_space<hbm>> -> memref<1x2x128xi32, #tpu.memory_space<hbm>>
        %dma_wait3A_171 = tpu.memref_squeeze %dma_wait3A_170 : memref<1x2x128xi32, #tpu.memory_space<hbm>> -> memref<2x128xi32, #tpu.memory_space<hbm>>
        tpu.wait_dma2 semaphore(%arg11 : memref<!tpu.dma_semaphore, #tpu.memory_space<semaphore_mem>>) src(%dma_wait3A_171 : memref<2x128xi32, #tpu.memory_space<hbm>>) dst(%arg6 : memref<2x128xi32, #tpu.memory_space<vmem>>)
        %dma_start3A_172 = arith.constant 0 : i32
        %dma_start3A_173 = arith.constant 0 : i32
        %dma_start3A_174 = tpu.memref_slice %arg6[%dma_start3A_172, %dma_start3A_173] : memref<2x128xi32, #tpu.memory_space<vmem>> -> memref<1x128xi32, #tpu.memory_space<vmem>>
        %dma_start3A_175 = tpu.memref_squeeze %dma_start3A_174 : memref<1x128xi32, #tpu.memory_space<vmem>> -> memref<128xi32, #tpu.memory_space<vmem>>
        %dma_start3A_176 = arith.constant 0 : i32
        %dma_start3A_177 = arith.constant 0 : i32
        %dma_start3A_178 = tpu.memref_slice %arg2[%dma_start3A_176, %dma_start3A_177] : memref<10240x128xf32, #tpu.memory_space<hbm>> -> memref<10240x128xf32, #tpu.memory_space<hbm>>
        tpu.enqueue_indirect_dma source(%dma_start3A_178 : memref<10240x128xf32, #tpu.memory_space<hbm>>) target(%arg8 : memref<128x128xf32, #tpu.memory_space<vmem>>) offsets(%dma_start3A_175 : memref<128xi32, #tpu.memory_space<vmem>>) semaphore(%arg13 : memref<!tpu.dma_semaphore, #tpu.memory_space<semaphore_mem>>)
      } else {
      }
      %dma_wait3A_79 = arith.constant 0 : i32
      %dma_wait3A_80 = arith.constant 0 : i32
      %dma_wait3A_81 = tpu.memref_slice %arg7[%dma_wait3A_79, %dma_wait3A_80] : memref<2x128xi32, #tpu.memory_space<vmem>> -> memref<1x128xi32, #tpu.memory_space<vmem>>
      %dma_wait3A_82 = tpu.memref_squeeze %dma_wait3A_81 : memref<1x128xi32, #tpu.memory_space<vmem>> -> memref<128xi32, #tpu.memory_space<vmem>>
      %dma_wait3A_83 = arith.constant 0 : i32
      %dma_wait3A_84 = arith.constant 0 : i32
      %dma_wait3A_85 = tpu.memref_slice %arg2[%dma_wait3A_83, %dma_wait3A_84] : memref<10240x128xf32, #tpu.memory_space<hbm>> -> memref<10240x128xf32, #tpu.memory_space<hbm>>
      tpu.wait_indirect_dma semaphore(%arg14 : memref<!tpu.dma_semaphore, #tpu.memory_space<semaphore_mem>>) src(%dma_wait3A_85 : memref<10240x128xf32, #tpu.memory_space<hbm>>) dst(%arg9 : memref<128x128xf32, #tpu.memory_space<vmem>>)
      %run_scoped3A_86 = arith.constant 1 : i32
      "tpu.region"() ({
        %run_scoped3A_152 = tpu.sem_alloc : memref<!tpu.dma_semaphore, #tpu.memory_space<semaphore_mem>>
        %dma_start3A_153 = arith.constant 0 : i32
        %dma_start3A_154 = tpu.memref_slice %arg7[%run_scoped3A_86, %dma_start3A_153] : memref<2x128xi32, #tpu.memory_space<vmem>> -> memref<1x128xi32, #tpu.memory_space<vmem>>
        %dma_start3A_155 = tpu.memref_squeeze %dma_start3A_154 : memref<1x128xi32, #tpu.memory_space<vmem>> -> memref<128xi32, #tpu.memory_space<vmem>>
        %dma_start3A_156 = arith.constant 0 : i32
        %dma_start3A_157 = arith.constant 0 : i32
        %dma_start3A_158 = tpu.memref_slice %arg10[%dma_start3A_156, %dma_start3A_157] : memref<10240x128xf32, #tpu.memory_space<vmem_shared>> -> memref<10240x128xf32, #tpu.memory_space<vmem_shared>>
        tpu.enqueue_indirect_dma source(%arg9 : memref<128x128xf32, #tpu.memory_space<vmem>>) target(%dma_start3A_158 : memref<10240x128xf32, #tpu.memory_space<vmem_shared>>) offsets(%dma_start3A_155 : memref<128xi32, #tpu.memory_space<vmem>>) semaphore(%run_scoped3A_152 : memref<!tpu.dma_semaphore, #tpu.memory_space<semaphore_mem>>) {add = true}
        %dma_wait3A_159 = arith.constant 0 : i32
        %dma_wait3A_160 = tpu.memref_slice %arg7[%run_scoped3A_86, %dma_wait3A_159] : memref<2x128xi32, #tpu.memory_space<vmem>> -> memref<1x128xi32, #tpu.memory_space<vmem>>
        %dma_wait3A_161 = tpu.memref_squeeze %dma_wait3A_160 : memref<1x128xi32, #tpu.memory_space<vmem>> -> memref<128xi32, #tpu.memory_space<vmem>>
        %dma_wait3A_162 = arith.constant 0 : i32
        %dma_wait3A_163 = arith.constant 0 : i32
        %dma_wait3A_164 = tpu.memref_slice %arg10[%dma_wait3A_162, %dma_wait3A_163] : memref<10240x128xf32, #tpu.memory_space<vmem_shared>> -> memref<10240x128xf32, #tpu.memory_space<vmem_shared>>
        tpu.wait_indirect_dma semaphore(%run_scoped3A_152 : memref<!tpu.dma_semaphore, #tpu.memory_space<semaphore_mem>>) src(%arg9 : memref<128x128xf32, #tpu.memory_space<vmem>>) dst(%dma_wait3A_164 : memref<10240x128xf32, #tpu.memory_space<vmem_shared>>)
        tpu.yield
      }) : () -> ()
      %mul3A_87 = arith.constant 2 : i32
      %mul3A_88 = arith.muli %mul3A_87, %scan3A_45 : i32
      %add3A_89 = arith.constant 3 : i32
      %add3A_90 = arith.addi %mul3A_88, %add3A_89 : i32
      %lt3A_91 = arith.constant 80 : i32
      %lt3A_92 = arith.cmpi slt, %add3A_90, %lt3A_91 : i32
      %convert_element_type3A_93 = arith.extui %lt3A_92 : i1 to i32
      %cond3A_94 = arith.constant 0 : i32
      %cond3A_95 = arith.cmpi ne, %convert_element_type3A_93, %cond3A_94 : i32
      scf.if %cond3A_95 {
        %add3A_152 = arith.constant 3 : i32
        %add3A_153 = arith.addi %add3A_48, %add3A_152 : i32
        %dma_start3A_154 = arith.constant 0 : i32
        %dma_start3A_155 = arith.constant 0 : i32
        %dma_start3A_156 = tpu.memref_slice %arg3[%add3A_153, %dma_start3A_154, %dma_start3A_155] : memref<2560x2x128xi32, #tpu.memory_space<hbm>> -> memref<1x2x128xi32, #tpu.memory_space<hbm>>
        %dma_start3A_157 = tpu.memref_squeeze %dma_start3A_156 : memref<1x2x128xi32, #tpu.memory_space<hbm>> -> memref<2x128xi32, #tpu.memory_space<hbm>>
        %dma_start3A_158 = arith.constant 0 : i32
        %dma_start3A_159 = arith.constant 0 : i32
        %dma_start3A_160 = tpu.memref_slice %arg3[%add3A_153, %dma_start3A_158, %dma_start3A_159] : memref<2560x2x128xi32, #tpu.memory_space<hbm>> -> memref<1x2x128xi32, #tpu.memory_space<hbm>>
        %dma_start3A_161 = tpu.memref_squeeze %dma_start3A_160 : memref<1x2x128xi32, #tpu.memory_space<hbm>> -> memref<2x128xi32, #tpu.memory_space<hbm>>
        tpu.enqueue_dma source(%dma_start3A_161 : memref<2x128xi32, #tpu.memory_space<hbm>>) target(%arg7 : memref<2x128xi32, #tpu.memory_space<vmem>>) target_semaphore(%arg12 : memref<!tpu.dma_semaphore, #tpu.memory_space<semaphore_mem>>)
      } else {
      }
      %scan3A_96 = arith.constant 1 : i32
      %scan3A_97 = arith.addi %scan3A_45, %scan3A_96 : i32
      %mul3A_98 = arith.constant 2 : i32
      %mul3A_99 = arith.muli %mul3A_98, %scan3A_97 : i32
      %add3A_100 = arith.addi %mul3A_4, %mul3A_99 : i32
      %add3A_101 = arith.constant 1 : i32
      %add3A_102 = arith.addi %add3A_100, %add3A_101 : i32
      %dma_wait3A_103 = arith.constant 0 : i32
      %dma_wait3A_104 = arith.constant 0 : i32
      %dma_wait3A_105 = tpu.memref_slice %arg3[%add3A_102, %dma_wait3A_103, %dma_wait3A_104] : memref<2560x2x128xi32, #tpu.memory_space<hbm>> -> memref<1x2x128xi32, #tpu.memory_space<hbm>>
      %dma_wait3A_106 = tpu.memref_squeeze %dma_wait3A_105 : memref<1x2x128xi32, #tpu.memory_space<hbm>> -> memref<2x128xi32, #tpu.memory_space<hbm>>
      %dma_wait3A_107 = arith.constant 0 : i32
      %dma_wait3A_108 = arith.constant 0 : i32
      %dma_wait3A_109 = tpu.memref_slice %arg3[%add3A_102, %dma_wait3A_107, %dma_wait3A_108] : memref<2560x2x128xi32, #tpu.memory_space<hbm>> -> memref<1x2x128xi32, #tpu.memory_space<hbm>>
      %dma_wait3A_110 = tpu.memref_squeeze %dma_wait3A_109 : memref<1x2x128xi32, #tpu.memory_space<hbm>> -> memref<2x128xi32, #tpu.memory_space<hbm>>
      tpu.wait_dma2 semaphore(%arg12 : memref<!tpu.dma_semaphore, #tpu.memory_space<semaphore_mem>>) src(%dma_wait3A_110 : memref<2x128xi32, #tpu.memory_space<hbm>>) dst(%arg7 : memref<2x128xi32, #tpu.memory_space<vmem>>)
      %dma_start3A_111 = arith.constant 0 : i32
      %dma_start3A_112 = arith.constant 0 : i32
      %dma_start3A_113 = tpu.memref_slice %arg7[%dma_start3A_111, %dma_start3A_112] : memref<2x128xi32, #tpu.memory_space<vmem>> -> memref<1x128xi32, #tpu.memory_space<vmem>>
      %dma_start3A_114 = tpu.memref_squeeze %dma_start3A_113 : memref<1x128xi32, #tpu.memory_space<vmem>> -> memref<128xi32, #tpu.memory_space<vmem>>
      %dma_start3A_115 = arith.constant 0 : i32
      %dma_start3A_116 = arith.constant 0 : i32
      %dma_start3A_117 = tpu.memref_slice %arg2[%dma_start3A_115, %dma_start3A_116] : memref<10240x128xf32, #tpu.memory_space<hbm>> -> memref<10240x128xf32, #tpu.memory_space<hbm>>
      tpu.enqueue_indirect_dma source(%dma_start3A_117 : memref<10240x128xf32, #tpu.memory_space<hbm>>) target(%arg9 : memref<128x128xf32, #tpu.memory_space<vmem>>) offsets(%dma_start3A_114 : memref<128xi32, #tpu.memory_space<vmem>>) semaphore(%arg14 : memref<!tpu.dma_semaphore, #tpu.memory_space<semaphore_mem>>)
      %dma_wait3A_118 = arith.constant 0 : i32
      %dma_wait3A_119 = arith.constant 0 : i32
      %dma_wait3A_120 = tpu.memref_slice %arg6[%dma_wait3A_118, %dma_wait3A_119] : memref<2x128xi32, #tpu.memory_space<vmem>> -> memref<1x128xi32, #tpu.memory_space<vmem>>
      %dma_wait3A_121 = tpu.memref_squeeze %dma_wait3A_120 : memref<1x128xi32, #tpu.memory_space<vmem>> -> memref<128xi32, #tpu.memory_space<vmem>>
      %dma_wait3A_122 = arith.constant 0 : i32
      %dma_wait3A_123 = arith.constant 0 : i32
      %dma_wait3A_124 = tpu.memref_slice %arg2[%dma_wait3A_122, %dma_wait3A_123] : memref<10240x128xf32, #tpu.memory_space<hbm>> -> memref<10240x128xf32, #tpu.memory_space<hbm>>
      tpu.wait_indirect_dma semaphore(%arg13 : memref<!tpu.dma_semaphore, #tpu.memory_space<semaphore_mem>>) src(%dma_wait3A_124 : memref<10240x128xf32, #tpu.memory_space<hbm>>) dst(%arg8 : memref<128x128xf32, #tpu.memory_space<vmem>>)
      %run_scoped3A_125 = arith.constant 1 : i32
      "tpu.region"() ({
        %run_scoped3A_152 = tpu.sem_alloc : memref<!tpu.dma_semaphore, #tpu.memory_space<semaphore_mem>>
        %dma_start3A_153 = arith.constant 0 : i32
        %dma_start3A_154 = tpu.memref_slice %arg6[%run_scoped3A_125, %dma_start3A_153] : memref<2x128xi32, #tpu.memory_space<vmem>> -> memref<1x128xi32, #tpu.memory_space<vmem>>
        %dma_start3A_155 = tpu.memref_squeeze %dma_start3A_154 : memref<1x128xi32, #tpu.memory_space<vmem>> -> memref<128xi32, #tpu.memory_space<vmem>>
        %dma_start3A_156 = arith.constant 0 : i32
        %dma_start3A_157 = arith.constant 0 : i32
        %dma_start3A_158 = tpu.memref_slice %arg10[%dma_start3A_156, %dma_start3A_157] : memref<10240x128xf32, #tpu.memory_space<vmem_shared>> -> memref<10240x128xf32, #tpu.memory_space<vmem_shared>>
        tpu.enqueue_indirect_dma source(%arg8 : memref<128x128xf32, #tpu.memory_space<vmem>>) target(%dma_start3A_158 : memref<10240x128xf32, #tpu.memory_space<vmem_shared>>) offsets(%dma_start3A_155 : memref<128xi32, #tpu.memory_space<vmem>>) semaphore(%run_scoped3A_152 : memref<!tpu.dma_semaphore, #tpu.memory_space<semaphore_mem>>) {add = true}
        %dma_wait3A_159 = arith.constant 0 : i32
        %dma_wait3A_160 = tpu.memref_slice %arg6[%run_scoped3A_125, %dma_wait3A_159] : memref<2x128xi32, #tpu.memory_space<vmem>> -> memref<1x128xi32, #tpu.memory_space<vmem>>
        %dma_wait3A_161 = tpu.memref_squeeze %dma_wait3A_160 : memref<1x128xi32, #tpu.memory_space<vmem>> -> memref<128xi32, #tpu.memory_space<vmem>>
        %dma_wait3A_162 = arith.constant 0 : i32
        %dma_wait3A_163 = arith.constant 0 : i32
        %dma_wait3A_164 = tpu.memref_slice %arg10[%dma_wait3A_162, %dma_wait3A_163] : memref<10240x128xf32, #tpu.memory_space<vmem_shared>> -> memref<10240x128xf32, #tpu.memory_space<vmem_shared>>
        tpu.wait_indirect_dma semaphore(%run_scoped3A_152 : memref<!tpu.dma_semaphore, #tpu.memory_space<semaphore_mem>>) src(%arg8 : memref<128x128xf32, #tpu.memory_space<vmem>>) dst(%dma_wait3A_164 : memref<10240x128xf32, #tpu.memory_space<vmem_shared>>)
        tpu.yield
      }) : () -> ()
      %mul3A_126 = arith.constant 2 : i32
      %mul3A_127 = arith.muli %mul3A_126, %scan3A_97 : i32
      %add3A_128 = arith.constant 2 : i32
      %add3A_129 = arith.addi %mul3A_127, %add3A_128 : i32
      %lt3A_130 = arith.constant 80 : i32
      %lt3A_131 = arith.cmpi slt, %add3A_129, %lt3A_130 : i32
      %convert_element_type3A_132 = arith.extui %lt3A_131 : i1 to i32
      %cond3A_133 = arith.constant 0 : i32
      %cond3A_134 = arith.cmpi ne, %convert_element_type3A_132, %cond3A_133 : i32
      scf.if %cond3A_134 {
        %add3A_152 = arith.constant 2 : i32
        %add3A_153 = arith.addi %add3A_100, %add3A_152 : i32
        %dma_start3A_154 = arith.constant 0 : i32
        %dma_start3A_155 = arith.constant 0 : i32
        %dma_start3A_156 = tpu.memref_slice %arg3[%add3A_153, %dma_start3A_154, %dma_start3A_155] : memref<2560x2x128xi32, #tpu.memory_space<hbm>> -> memref<1x2x128xi32, #tpu.memory_space<hbm>>
        %dma_start3A_157 = tpu.memref_squeeze %dma_start3A_156 : memref<1x2x128xi32, #tpu.memory_space<hbm>> -> memref<2x128xi32, #tpu.memory_space<hbm>>
        %dma_start3A_158 = arith.constant 0 : i32
        %dma_start3A_159 = arith.constant 0 : i32
        %dma_start3A_160 = tpu.memref_slice %arg3[%add3A_153, %dma_start3A_158, %dma_start3A_159] : memref<2560x2x128xi32, #tpu.memory_space<hbm>> -> memref<1x2x128xi32, #tpu.memory_space<hbm>>
        %dma_start3A_161 = tpu.memref_squeeze %dma_start3A_160 : memref<1x2x128xi32, #tpu.memory_space<hbm>> -> memref<2x128xi32, #tpu.memory_space<hbm>>
        tpu.enqueue_dma source(%dma_start3A_161 : memref<2x128xi32, #tpu.memory_space<hbm>>) target(%arg6 : memref<2x128xi32, #tpu.memory_space<vmem>>) target_semaphore(%arg11 : memref<!tpu.dma_semaphore, #tpu.memory_space<semaphore_mem>>)
        %add3A_162 = arith.constant 2 : i32
        %add3A_163 = arith.addi %add3A_100, %add3A_162 : i32
        %dma_wait3A_164 = arith.constant 0 : i32
        %dma_wait3A_165 = arith.constant 0 : i32
        %dma_wait3A_166 = tpu.memref_slice %arg3[%add3A_163, %dma_wait3A_164, %dma_wait3A_165] : memref<2560x2x128xi32, #tpu.memory_space<hbm>> -> memref<1x2x128xi32, #tpu.memory_space<hbm>>
        %dma_wait3A_167 = tpu.memref_squeeze %dma_wait3A_166 : memref<1x2x128xi32, #tpu.memory_space<hbm>> -> memref<2x128xi32, #tpu.memory_space<hbm>>
        %dma_wait3A_168 = arith.constant 0 : i32
        %dma_wait3A_169 = arith.constant 0 : i32
        %dma_wait3A_170 = tpu.memref_slice %arg3[%add3A_163, %dma_wait3A_168, %dma_wait3A_169] : memref<2560x2x128xi32, #tpu.memory_space<hbm>> -> memref<1x2x128xi32, #tpu.memory_space<hbm>>
        %dma_wait3A_171 = tpu.memref_squeeze %dma_wait3A_170 : memref<1x2x128xi32, #tpu.memory_space<hbm>> -> memref<2x128xi32, #tpu.memory_space<hbm>>
        tpu.wait_dma2 semaphore(%arg11 : memref<!tpu.dma_semaphore, #tpu.memory_space<semaphore_mem>>) src(%dma_wait3A_171 : memref<2x128xi32, #tpu.memory_space<hbm>>) dst(%arg6 : memref<2x128xi32, #tpu.memory_space<vmem>>)
        %dma_start3A_172 = arith.constant 0 : i32
        %dma_start3A_173 = arith.constant 0 : i32
        %dma_start3A_174 = tpu.memref_slice %arg6[%dma_start3A_172, %dma_start3A_173] : memref<2x128xi32, #tpu.memory_space<vmem>> -> memref<1x128xi32, #tpu.memory_space<vmem>>
        %dma_start3A_175 = tpu.memref_squeeze %dma_start3A_174 : memref<1x128xi32, #tpu.memory_space<vmem>> -> memref<128xi32, #tpu.memory_space<vmem>>
        %dma_start3A_176 = arith.constant 0 : i32
        %dma_start3A_177 = arith.constant 0 : i32
        %dma_start3A_178 = tpu.memref_slice %arg2[%dma_start3A_176, %dma_start3A_177] : memref<10240x128xf32, #tpu.memory_space<hbm>> -> memref<10240x128xf32, #tpu.memory_space<hbm>>
        tpu.enqueue_indirect_dma source(%dma_start3A_178 : memref<10240x128xf32, #tpu.memory_space<hbm>>) target(%arg8 : memref<128x128xf32, #tpu.memory_space<vmem>>) offsets(%dma_start3A_175 : memref<128xi32, #tpu.memory_space<vmem>>) semaphore(%arg13 : memref<!tpu.dma_semaphore, #tpu.memory_space<semaphore_mem>>)
      } else {
      }
      %dma_wait3A_135 = arith.constant 0 : i32
      %dma_wait3A_136 = arith.constant 0 : i32
      %dma_wait3A_137 = tpu.memref_slice %arg7[%dma_wait3A_135, %dma_wait3A_136] : memref<2x128xi32, #tpu.memory_space<vmem>> -> memref<1x128xi32, #tpu.memory_space<vmem>>
      %dma_wait3A_138 = tpu.memref_squeeze %dma_wait3A_137 : memref<1x128xi32, #tpu.memory_space<vmem>> -> memref<128xi32, #tpu.memory_space<vmem>>
      %dma_wait3A_139 = arith.constant 0 : i32
      %dma_wait3A_140 = arith.constant 0 : i32
      %dma_wait3A_141 = tpu.memref_slice %arg2[%dma_wait3A_139, %dma_wait3A_140] : memref<10240x128xf32, #tpu.memory_space<hbm>> -> memref<10240x128xf32, #tpu.memory_space<hbm>>
      tpu.wait_indirect_dma semaphore(%arg14 : memref<!tpu.dma_semaphore, #tpu.memory_space<semaphore_mem>>) src(%dma_wait3A_141 : memref<10240x128xf32, #tpu.memory_space<hbm>>) dst(%arg9 : memref<128x128xf32, #tpu.memory_space<vmem>>)
      %run_scoped3A_142 = arith.constant 1 : i32
      "tpu.region"() ({
        %run_scoped3A_152 = tpu.sem_alloc : memref<!tpu.dma_semaphore, #tpu.memory_space<semaphore_mem>>
        %dma_start3A_153 = arith.constant 0 : i32
        %dma_start3A_154 = tpu.memref_slice %arg7[%run_scoped3A_142, %dma_start3A_153] : memref<2x128xi32, #tpu.memory_space<vmem>> -> memref<1x128xi32, #tpu.memory_space<vmem>>
        %dma_start3A_155 = tpu.memref_squeeze %dma_start3A_154 : memref<1x128xi32, #tpu.memory_space<vmem>> -> memref<128xi32, #tpu.memory_space<vmem>>
        %dma_start3A_156 = arith.constant 0 : i32
        %dma_start3A_157 = arith.constant 0 : i32
        %dma_start3A_158 = tpu.memref_slice %arg10[%dma_start3A_156, %dma_start3A_157] : memref<10240x128xf32, #tpu.memory_space<vmem_shared>> -> memref<10240x128xf32, #tpu.memory_space<vmem_shared>>
        tpu.enqueue_indirect_dma source(%arg9 : memref<128x128xf32, #tpu.memory_space<vmem>>) target(%dma_start3A_158 : memref<10240x128xf32, #tpu.memory_space<vmem_shared>>) offsets(%dma_start3A_155 : memref<128xi32, #tpu.memory_space<vmem>>) semaphore(%run_scoped3A_152 : memref<!tpu.dma_semaphore, #tpu.memory_space<semaphore_mem>>) {add = true}
        %dma_wait3A_159 = arith.constant 0 : i32
        %dma_wait3A_160 = tpu.memref_slice %arg7[%run_scoped3A_142, %dma_wait3A_159] : memref<2x128xi32, #tpu.memory_space<vmem>> -> memref<1x128xi32, #tpu.memory_space<vmem>>
        %dma_wait3A_161 = tpu.memref_squeeze %dma_wait3A_160 : memref<1x128xi32, #tpu.memory_space<vmem>> -> memref<128xi32, #tpu.memory_space<vmem>>
        %dma_wait3A_162 = arith.constant 0 : i32
        %dma_wait3A_163 = arith.constant 0 : i32
        %dma_wait3A_164 = tpu.memref_slice %arg10[%dma_wait3A_162, %dma_wait3A_163] : memref<10240x128xf32, #tpu.memory_space<vmem_shared>> -> memref<10240x128xf32, #tpu.memory_space<vmem_shared>>
        tpu.wait_indirect_dma semaphore(%run_scoped3A_152 : memref<!tpu.dma_semaphore, #tpu.memory_space<semaphore_mem>>) src(%arg9 : memref<128x128xf32, #tpu.memory_space<vmem>>) dst(%dma_wait3A_164 : memref<10240x128xf32, #tpu.memory_space<vmem_shared>>)
        tpu.yield
      }) : () -> ()
      %mul3A_143 = arith.constant 2 : i32
      %mul3A_144 = arith.muli %mul3A_143, %scan3A_97 : i32
      %add3A_145 = arith.constant 3 : i32
      %add3A_146 = arith.addi %mul3A_144, %add3A_145 : i32
      %lt3A_147 = arith.constant 80 : i32
      %lt3A_148 = arith.cmpi slt, %add3A_146, %lt3A_147 : i32
      %convert_element_type3A_149 = arith.extui %lt3A_148 : i1 to i32
      %cond3A_150 = arith.constant 0 : i32
      %cond3A_151 = arith.cmpi ne, %convert_element_type3A_149, %cond3A_150 : i32
      scf.if %cond3A_151 {
        %add3A_152 = arith.constant 3 : i32
        %add3A_153 = arith.addi %add3A_100, %add3A_152 : i32
        %dma_start3A_154 = arith.constant 0 : i32
        %dma_start3A_155 = arith.constant 0 : i32
        %dma_start3A_156 = tpu.memref_slice %arg3[%add3A_153, %dma_start3A_154, %dma_start3A_155] : memref<2560x2x128xi32, #tpu.memory_space<hbm>> -> memref<1x2x128xi32, #tpu.memory_space<hbm>>
        %dma_start3A_157 = tpu.memref_squeeze %dma_start3A_156 : memref<1x2x128xi32, #tpu.memory_space<hbm>> -> memref<2x128xi32, #tpu.memory_space<hbm>>
        %dma_start3A_158 = arith.constant 0 : i32
        %dma_start3A_159 = arith.constant 0 : i32
        %dma_start3A_160 = tpu.memref_slice %arg3[%add3A_153, %dma_start3A_158, %dma_start3A_159] : memref<2560x2x128xi32, #tpu.memory_space<hbm>> -> memref<1x2x128xi32, #tpu.memory_space<hbm>>
        %dma_start3A_161 = tpu.memref_squeeze %dma_start3A_160 : memref<1x2x128xi32, #tpu.memory_space<hbm>> -> memref<2x128xi32, #tpu.memory_space<hbm>>
        tpu.enqueue_dma source(%dma_start3A_161 : memref<2x128xi32, #tpu.memory_space<hbm>>) target(%arg7 : memref<2x128xi32, #tpu.memory_space<vmem>>) target_semaphore(%arg12 : memref<!tpu.dma_semaphore, #tpu.memory_space<semaphore_mem>>)
      } else {
      }
    }
    %scan3A_40 = arith.constant 40 : i32
    %barrier3A_41 = arith.constant 0 : index
    tpu.barrier barrier_id(%barrier3A_41)
    %mul3A_42 = arith.constant 10240 : i32
    %mul3A_43 = arith.muli %arg0, %mul3A_42 : i32
    %add3A_44 = arith.addi %mul3A_43, %mul3A_2 : i32
    "tpu.region"() ({
      %run_scoped3A = tpu.sem_alloc : memref<!tpu.dma_semaphore, #tpu.memory_space<semaphore_mem>>
      %dma_start3A_45 = arith.constant 0 : i32
      %dma_start3A_46 = tpu.memref_slice %arg5[%add3A_44, %dma_start3A_45] : memref<20480x128xf32, #tpu.memory_space<hbm>> -> memref<640x128xf32, #tpu.memory_space<hbm>>
      %dma_start3A_47 = arith.constant 0 : i32
      %dma_start3A_48 = tpu.memref_slice %arg10[%mul3A_2, %dma_start3A_47] : memref<10240x128xf32, #tpu.memory_space<vmem_shared>> -> memref<640x128xf32, #tpu.memory_space<vmem_shared>>
      tpu.enqueue_dma source(%dma_start3A_48 : memref<640x128xf32, #tpu.memory_space<vmem_shared>>) target(%dma_start3A_46 : memref<640x128xf32, #tpu.memory_space<hbm>>) target_semaphore(%run_scoped3A : memref<!tpu.dma_semaphore, #tpu.memory_space<semaphore_mem>>)
      %dma_wait3A_49 = arith.constant 0 : i32
      %dma_wait3A_50 = tpu.memref_slice %arg5[%add3A_44, %dma_wait3A_49] : memref<20480x128xf32, #tpu.memory_space<hbm>> -> memref<640x128xf32, #tpu.memory_space<hbm>>
      %dma_wait3A_51 = arith.constant 0 : i32
      %dma_wait3A_52 = tpu.memref_slice %arg10[%mul3A_2, %dma_wait3A_51] : memref<10240x128xf32, #tpu.memory_space<vmem_shared>> -> memref<640x128xf32, #tpu.memory_space<vmem_shared>>
      tpu.wait_dma2 semaphore(%run_scoped3A : memref<!tpu.dma_semaphore, #tpu.memory_space<semaphore_mem>>) src(%dma_wait3A_52 : memref<640x128xf32, #tpu.memory_space<vmem_shared>>) dst(%dma_wait3A_50 : memref<640x128xf32, #tpu.memory_space<hbm>>)
      tpu.yield
    }) : () -> ()
    return
  }
}

#map = affine_map<(d0, d1) -> (0, 0)>
#map1 = affine_map<(d0, d1) -> (0, 0, 0)>
module attributes {stable_mosaic.version = 14 : i64} {
  func.func @seg(%arg0: i32, %arg1: i32, %arg2: memref<10240x128xf32, #tpu.memory_space<hbm>>, %arg3: memref<2560x2x128xi32, #tpu.memory_space<hbm>>, %arg4: memref<10240x128xf32, #tpu.memory_space<hbm>>, %arg5: memref<20480x128xf32, #tpu.memory_space<hbm>>, %arg6: memref<2x128xi32, #tpu.memory_space<vmem>>, %arg7: memref<2x128xi32, #tpu.memory_space<vmem>>, %arg8: memref<128x128xf32, #tpu.memory_space<vmem>>, %arg9: memref<128x128xf32, #tpu.memory_space<vmem>>, %arg10: memref<10240x128xf32, #tpu.memory_space<vmem_shared>>, %arg11: memref<!tpu.dma_semaphore, #tpu.memory_space<semaphore_mem>>, %arg12: memref<!tpu.dma_semaphore, #tpu.memory_space<semaphore_mem>>, %arg13: memref<!tpu.dma_semaphore, #tpu.memory_space<semaphore_mem>>, %arg14: memref<!tpu.dma_semaphore, #tpu.memory_space<semaphore_mem>>) attributes {dimension_semantics = [#tpu.dimension_semantics<core_parallel>, #tpu.dimension_semantics<subcore_parallel>], iteration_bounds = array<i64: 2, 16>, scalar_prefetch = 0 : i64, scratch_operands = 9 : i64, tpu.core_type = #tpu.core_type<sc_vector_subcore>, window_params = [{transform_indices = #map}, {transform_indices = #map1}, {transform_indices = #map}, {transform_indices = #map}]} {
    %mul3A = arith.constant 16 : i32
    %mul3A_0 = arith.muli %arg0, %mul3A : i32
    %add3A = arith.addi %mul3A_0, %arg1 : i32
    %mul3A_1 = arith.constant 640 : i32
    %mul3A_2 = arith.muli %arg1, %mul3A_1 : i32
    %mul3A_3 = arith.constant 80 : i32
    %mul3A_4 = arith.muli %add3A, %mul3A_3 : i32
    "tpu.region"() ({
      %run_scoped3A = tpu.sem_alloc : memref<!tpu.dma_semaphore, #tpu.memory_space<semaphore_mem>>
      %dma_start3A_45 = arith.constant 0 : i32
      %dma_start3A_46 = tpu.memref_slice %arg10[%mul3A_2, %dma_start3A_45] : memref<10240x128xf32, #tpu.memory_space<vmem_shared>> -> memref<640x128xf32, #tpu.memory_space<vmem_shared>>
      %dma_start3A_47 = arith.constant 0 : i32
      %dma_start3A_48 = tpu.memref_slice %arg4[%mul3A_2, %dma_start3A_47] : memref<10240x128xf32, #tpu.memory_space<hbm>> -> memref<640x128xf32, #tpu.memory_space<hbm>>
      tpu.enqueue_dma source(%dma_start3A_48 : memref<640x128xf32, #tpu.memory_space<hbm>>) target(%dma_start3A_46 : memref<640x128xf32, #tpu.memory_space<vmem_shared>>) target_semaphore(%run_scoped3A : memref<!tpu.dma_semaphore, #tpu.memory_space<semaphore_mem>>)
      %dma_wait3A_49 = arith.constant 0 : i32
      %dma_wait3A_50 = tpu.memref_slice %arg10[%mul3A_2, %dma_wait3A_49] : memref<10240x128xf32, #tpu.memory_space<vmem_shared>> -> memref<640x128xf32, #tpu.memory_space<vmem_shared>>
      %dma_wait3A_51 = arith.constant 0 : i32
      %dma_wait3A_52 = tpu.memref_slice %arg4[%mul3A_2, %dma_wait3A_51] : memref<10240x128xf32, #tpu.memory_space<hbm>> -> memref<640x128xf32, #tpu.memory_space<hbm>>
      tpu.wait_dma2 semaphore(%run_scoped3A : memref<!tpu.dma_semaphore, #tpu.memory_space<semaphore_mem>>) src(%dma_wait3A_52 : memref<640x128xf32, #tpu.memory_space<hbm>>) dst(%dma_wait3A_50 : memref<640x128xf32, #tpu.memory_space<vmem_shared>>)
      tpu.yield
    }) : () -> ()
    %barrier3A = arith.constant 0 : index
    tpu.barrier barrier_id(%barrier3A)
    %dma_start3A = arith.constant 0 : i32
    %dma_start3A_5 = arith.constant 0 : i32
    %dma_start3A_6 = tpu.memref_slice %arg3[%mul3A_4, %dma_start3A, %dma_start3A_5] : memref<2560x2x128xi32, #tpu.memory_space<hbm>> -> memref<1x2x128xi32, #tpu.memory_space<hbm>>
    %dma_start3A_7 = tpu.memref_squeeze %dma_start3A_6 : memref<1x2x128xi32, #tpu.memory_space<hbm>> -> memref<2x128xi32, #tpu.memory_space<hbm>>
    %dma_start3A_8 = arith.constant 0 : i32
    %dma_start3A_9 = arith.constant 0 : i32
    %dma_start3A_10 = tpu.memref_slice %arg3[%mul3A_4, %dma_start3A_8, %dma_start3A_9] : memref<2560x2x128xi32, #tpu.memory_space<hbm>> -> memref<1x2x128xi32, #tpu.memory_space<hbm>>
    %dma_start3A_11 = tpu.memref_squeeze %dma_start3A_10 : memref<1x2x128xi32, #tpu.memory_space<hbm>> -> memref<2x128xi32, #tpu.memory_space<hbm>>
    tpu.enqueue_dma source(%dma_start3A_11 : memref<2x128xi32, #tpu.memory_space<hbm>>) target(%arg6 : memref<2x128xi32, #tpu.memory_space<vmem>>) target_semaphore(%arg11 : memref<!tpu.dma_semaphore, #tpu.memory_space<semaphore_mem>>)
    %add3A_12 = arith.constant 1 : i32
    %add3A_13 = arith.addi %mul3A_4, %add3A_12 : i32
    %dma_start3A_14 = arith.constant 0 : i32
    %dma_start3A_15 = arith.constant 0 : i32
    %dma_start3A_16 = tpu.memref_slice %arg3[%add3A_13, %dma_start3A_14, %dma_start3A_15] : memref<2560x2x128xi32, #tpu.memory_space<hbm>> -> memref<1x2x128xi32, #tpu.memory_space<hbm>>
    %dma_start3A_17 = tpu.memref_squeeze %dma_start3A_16 : memref<1x2x128xi32, #tpu.memory_space<hbm>> -> memref<2x128xi32, #tpu.memory_space<hbm>>
    %dma_start3A_18 = arith.constant 0 : i32
    %dma_start3A_19 = arith.constant 0 : i32
    %dma_start3A_20 = tpu.memref_slice %arg3[%add3A_13, %dma_start3A_18, %dma_start3A_19] : memref<2560x2x128xi32, #tpu.memory_space<hbm>> -> memref<1x2x128xi32, #tpu.memory_space<hbm>>
    %dma_start3A_21 = tpu.memref_squeeze %dma_start3A_20 : memref<1x2x128xi32, #tpu.memory_space<hbm>> -> memref<2x128xi32, #tpu.memory_space<hbm>>
    tpu.enqueue_dma source(%dma_start3A_21 : memref<2x128xi32, #tpu.memory_space<hbm>>) target(%arg7 : memref<2x128xi32, #tpu.memory_space<vmem>>) target_semaphore(%arg12 : memref<!tpu.dma_semaphore, #tpu.memory_space<semaphore_mem>>)
    %dma_wait3A = arith.constant 0 : i32
    %dma_wait3A_22 = arith.constant 0 : i32
    %dma_wait3A_23 = tpu.memref_slice %arg3[%mul3A_4, %dma_wait3A, %dma_wait3A_22] : memref<2560x2x128xi32, #tpu.memory_space<hbm>> -> memref<1x2x128xi32, #tpu.memory_space<hbm>>
    %dma_wait3A_24 = tpu.memref_squeeze %dma_wait3A_23 : memref<1x2x128xi32, #tpu.memory_space<hbm>> -> memref<2x128xi32, #tpu.memory_space<hbm>>
    %dma_wait3A_25 = arith.constant 0 : i32
    %dma_wait3A_26 = arith.constant 0 : i32
    %dma_wait3A_27 = tpu.memref_slice %arg3[%mul3A_4, %dma_wait3A_25, %dma_wait3A_26] : memref<2560x2x128xi32, #tpu.memory_space<hbm>> -> memref<1x2x128xi32, #tpu.memory_space<hbm>>
    %dma_wait3A_28 = tpu.memref_squeeze %dma_wait3A_27 : memref<1x2x128xi32, #tpu.memory_space<hbm>> -> memref<2x128xi32, #tpu.memory_space<hbm>>
    tpu.wait_dma2 semaphore(%arg11 : memref<!tpu.dma_semaphore, #tpu.memory_space<semaphore_mem>>) src(%dma_wait3A_28 : memref<2x128xi32, #tpu.memory_space<hbm>>) dst(%arg6 : memref<2x128xi32, #tpu.memory_space<vmem>>)
    %dma_start3A_29 = arith.constant 0 : i32
    %dma_start3A_30 = arith.constant 0 : i32
    %dma_start3A_31 = tpu.memref_slice %arg6[%dma_start3A_29, %dma_start3A_30] : memref<2x128xi32, #tpu.memory_space<vmem>> -> memref<1x128xi32, #tpu.memory_space<vmem>>
    %dma_start3A_32 = tpu.memref_squeeze %dma_start3A_31 : memref<1x128xi32, #tpu.memory_space<vmem>> -> memref<128xi32, #tpu.memory_space<vmem>>
    %dma_start3A_33 = arith.constant 0 : i32
    %dma_start3A_34 = arith.constant 0 : i32
    %dma_start3A_35 = tpu.memref_slice %arg2[%dma_start3A_33, %dma_start3A_34] : memref<10240x128xf32, #tpu.memory_space<hbm>> -> memref<10240x128xf32, #tpu.memory_space<hbm>>
    tpu.enqueue_indirect_dma source(%dma_start3A_35 : memref<10240x128xf32, #tpu.memory_space<hbm>>) target(%arg8 : memref<128x128xf32, #tpu.memory_space<vmem>>) offsets(%dma_start3A_32 : memref<128xi32, #tpu.memory_space<vmem>>) semaphore(%arg13 : memref<!tpu.dma_semaphore, #tpu.memory_space<semaphore_mem>>)
    %scan3A = arith.constant 0 : i32
    %scan3A_36 = arith.constant 0 : i32
    %scan3A_37 = arith.constant 40 : i32
    %scan3A_38 = arith.addi %scan3A_36, %scan3A_37 : i32
    %scan3A_39 = arith.constant 2 : i32
    scf.for %scan3A_45 = %scan3A_36 to %scan3A_38 step %scan3A_39  : i32 {
      %mul3A_46 = arith.constant 2 : i32
      %mul3A_47 = arith.muli %mul3A_46, %scan3A_45 : i32
      %add3A_48 = arith.addi %mul3A_4, %mul3A_47 : i32
      %add3A_49 = arith.constant 1 : i32
      %add3A_50 = arith.addi %add3A_48, %add3A_49 : i32
      %dma_wait3A_51 = arith.constant 0 : i32
      %dma_wait3A_52 = arith.constant 0 : i32
      %dma_wait3A_53 = tpu.memref_slice %arg3[%add3A_50, %dma_wait3A_51, %dma_wait3A_52] : memref<2560x2x128xi32, #tpu.memory_space<hbm>> -> memref<1x2x128xi32, #tpu.memory_space<hbm>>
      %dma_wait3A_54 = tpu.memref_squeeze %dma_wait3A_53 : memref<1x2x128xi32, #tpu.memory_space<hbm>> -> memref<2x128xi32, #tpu.memory_space<hbm>>
      %dma_wait3A_55 = arith.constant 0 : i32
      %dma_wait3A_56 = arith.constant 0 : i32
      %dma_wait3A_57 = tpu.memref_slice %arg3[%add3A_50, %dma_wait3A_55, %dma_wait3A_56] : memref<2560x2x128xi32, #tpu.memory_space<hbm>> -> memref<1x2x128xi32, #tpu.memory_space<hbm>>
      %dma_wait3A_58 = tpu.memref_squeeze %dma_wait3A_57 : memref<1x2x128xi32, #tpu.memory_space<hbm>> -> memref<2x128xi32, #tpu.memory_space<hbm>>
      tpu.wait_dma2 semaphore(%arg12 : memref<!tpu.dma_semaphore, #tpu.memory_space<semaphore_mem>>) src(%dma_wait3A_58 : memref<2x128xi32, #tpu.memory_space<hbm>>) dst(%arg7 : memref<2x128xi32, #tpu.memory_space<vmem>>)
      %dma_start3A_59 = arith.constant 0 : i32
      %dma_start3A_60 = arith.constant 0 : i32
      %dma_start3A_61 = tpu.memref_slice %arg7[%dma_start3A_59, %dma_start3A_60] : memref<2x128xi32, #tpu.memory_space<vmem>> -> memref<1x128xi32, #tpu.memory_space<vmem>>
      %dma_start3A_62 = tpu.memref_squeeze %dma_start3A_61 : memref<1x128xi32, #tpu.memory_space<vmem>> -> memref<128xi32, #tpu.memory_space<vmem>>
      %dma_start3A_63 = arith.constant 0 : i32
      %dma_start3A_64 = arith.constant 0 : i32
      %dma_start3A_65 = tpu.memref_slice %arg2[%dma_start3A_63, %dma_start3A_64] : memref<10240x128xf32, #tpu.memory_space<hbm>> -> memref<10240x128xf32, #tpu.memory_space<hbm>>
      tpu.enqueue_indirect_dma source(%dma_start3A_65 : memref<10240x128xf32, #tpu.memory_space<hbm>>) target(%arg9 : memref<128x128xf32, #tpu.memory_space<vmem>>) offsets(%dma_start3A_62 : memref<128xi32, #tpu.memory_space<vmem>>) semaphore(%arg14 : memref<!tpu.dma_semaphore, #tpu.memory_space<semaphore_mem>>)
      %dma_wait3A_66 = arith.constant 0 : i32
      %dma_wait3A_67 = arith.constant 0 : i32
      %dma_wait3A_68 = tpu.memref_slice %arg6[%dma_wait3A_66, %dma_wait3A_67] : memref<2x128xi32, #tpu.memory_space<vmem>> -> memref<1x128xi32, #tpu.memory_space<vmem>>
      %dma_wait3A_69 = tpu.memref_squeeze %dma_wait3A_68 : memref<1x128xi32, #tpu.memory_space<vmem>> -> memref<128xi32, #tpu.memory_space<vmem>>
      %dma_wait3A_70 = arith.constant 0 : i32
      %dma_wait3A_71 = arith.constant 0 : i32
      %dma_wait3A_72 = tpu.memref_slice %arg2[%dma_wait3A_70, %dma_wait3A_71] : memref<10240x128xf32, #tpu.memory_space<hbm>> -> memref<10240x128xf32, #tpu.memory_space<hbm>>
      tpu.wait_indirect_dma semaphore(%arg13 : memref<!tpu.dma_semaphore, #tpu.memory_space<semaphore_mem>>) src(%dma_wait3A_72 : memref<10240x128xf32, #tpu.memory_space<hbm>>) dst(%arg8 : memref<128x128xf32, #tpu.memory_space<vmem>>)
      %run_scoped3A = arith.constant 1 : i32
      "tpu.region"() ({
        %run_scoped3A_152 = tpu.sem_alloc : memref<!tpu.dma_semaphore, #tpu.memory_space<semaphore_mem>>
        %dma_start3A_153 = arith.constant 0 : i32
        %dma_start3A_154 = tpu.memref_slice %arg6[%run_scoped3A, %dma_start3A_153] : memref<2x128xi32, #tpu.memory_space<vmem>> -> memref<1x128xi32, #tpu.memory_space<vmem>>
        %dma_start3A_155 = tpu.memref_squeeze %dma_start3A_154 : memref<1x128xi32, #tpu.memory_space<vmem>> -> memref<128xi32, #tpu.memory_space<vmem>>
        %dma_start3A_156 = arith.constant 0 : i32
        %dma_start3A_157 = arith.constant 0 : i32
        %dma_start3A_158 = tpu.memref_slice %arg10[%dma_start3A_156, %dma_start3A_157] : memref<10240x128xf32, #tpu.memory_space<vmem_shared>> -> memref<10240x128xf32, #tpu.memory_space<vmem_shared>>
        tpu.enqueue_indirect_dma source(%arg8 : memref<128x128xf32, #tpu.memory_space<vmem>>) target(%dma_start3A_158 : memref<10240x128xf32, #tpu.memory_space<vmem_shared>>) offsets(%dma_start3A_155 : memref<128xi32, #tpu.memory_space<vmem>>) semaphore(%run_scoped3A_152 : memref<!tpu.dma_semaphore, #tpu.memory_space<semaphore_mem>>) {add = true}
        %dma_wait3A_159 = arith.constant 0 : i32
        %dma_wait3A_160 = tpu.memref_slice %arg6[%run_scoped3A, %dma_wait3A_159] : memref<2x128xi32, #tpu.memory_space<vmem>> -> memref<1x128xi32, #tpu.memory_space<vmem>>
        %dma_wait3A_161 = tpu.memref_squeeze %dma_wait3A_160 : memref<1x128xi32, #tpu.memory_space<vmem>> -> memref<128xi32, #tpu.memory_space<vmem>>
        %dma_wait3A_162 = arith.constant 0 : i32
        %dma_wait3A_163 = arith.constant 0 : i32
        %dma_wait3A_164 = tpu.memref_slice %arg10[%dma_wait3A_162, %dma_wait3A_163] : memref<10240x128xf32, #tpu.memory_space<vmem_shared>> -> memref<10240x128xf32, #tpu.memory_space<vmem_shared>>
        tpu.wait_indirect_dma semaphore(%run_scoped3A_152 : memref<!tpu.dma_semaphore, #tpu.memory_space<semaphore_mem>>) src(%arg8 : memref<128x128xf32, #tpu.memory_space<vmem>>) dst(%dma_wait3A_164 : memref<10240x128xf32, #tpu.memory_space<vmem_shared>>)
        tpu.yield
      }) : () -> ()
      %mul3A_73 = arith.constant 2 : i32
      %mul3A_74 = arith.muli %mul3A_73, %scan3A_45 : i32
      %add3A_75 = arith.constant 2 : i32
      %add3A_76 = arith.addi %mul3A_74, %add3A_75 : i32
      %lt3A = arith.constant 80 : i32
      %lt3A_77 = arith.cmpi slt, %add3A_76, %lt3A : i32
      %convert_element_type3A = arith.extui %lt3A_77 : i1 to i32
      %cond3A = arith.constant 0 : i32
      %cond3A_78 = arith.cmpi ne, %convert_element_type3A, %cond3A : i32
      scf.if %cond3A_78 {
        %add3A_152 = arith.constant 2 : i32
        %add3A_153 = arith.addi %add3A_48, %add3A_152 : i32
        %dma_start3A_154 = arith.constant 0 : i32
        %dma_start3A_155 = arith.constant 0 : i32
        %dma_start3A_156 = tpu.memref_slice %arg3[%add3A_153, %dma_start3A_154, %dma_start3A_155] : memref<2560x2x128xi32, #tpu.memory_space<hbm>> -> memref<1x2x128xi32, #tpu.memory_space<hbm>>
        %dma_start3A_157 = tpu.memref_squeeze %dma_start3A_156 : memref<1x2x128xi32, #tpu.memory_space<hbm>> -> memref<2x128xi32, #tpu.memory_space<hbm>>
        %dma_start3A_158 = arith.constant 0 : i32
        %dma_start3A_159 = arith.constant 0 : i32
        %dma_start3A_160 = tpu.memref_slice %arg3[%add3A_153, %dma_start3A_158, %dma_start3A_159] : memref<2560x2x128xi32, #tpu.memory_space<hbm>> -> memref<1x2x128xi32, #tpu.memory_space<hbm>>
        %dma_start3A_161 = tpu.memref_squeeze %dma_start3A_160 : memref<1x2x128xi32, #tpu.memory_space<hbm>> -> memref<2x128xi32, #tpu.memory_space<hbm>>
        tpu.enqueue_dma source(%dma_start3A_161 : memref<2x128xi32, #tpu.memory_space<hbm>>) target(%arg6 : memref<2x128xi32, #tpu.memory_space<vmem>>) target_semaphore(%arg11 : memref<!tpu.dma_semaphore, #tpu.memory_space<semaphore_mem>>)
        %add3A_162 = arith.constant 2 : i32
        %add3A_163 = arith.addi %add3A_48, %add3A_162 : i32
        %dma_wait3A_164 = arith.constant 0 : i32
        %dma_wait3A_165 = arith.constant 0 : i32
        %dma_wait3A_166 = tpu.memref_slice %arg3[%add3A_163, %dma_wait3A_164, %dma_wait3A_165] : memref<2560x2x128xi32, #tpu.memory_space<hbm>> -> memref<1x2x128xi32, #tpu.memory_space<hbm>>
        %dma_wait3A_167 = tpu.memref_squeeze %dma_wait3A_166 : memref<1x2x128xi32, #tpu.memory_space<hbm>> -> memref<2x128xi32, #tpu.memory_space<hbm>>
        %dma_wait3A_168 = arith.constant 0 : i32
        %dma_wait3A_169 = arith.constant 0 : i32
        %dma_wait3A_170 = tpu.memref_slice %arg3[%add3A_163, %dma_wait3A_168, %dma_wait3A_169] : memref<2560x2x128xi32, #tpu.memory_space<hbm>> -> memref<1x2x128xi32, #tpu.memory_space<hbm>>
        %dma_wait3A_171 = tpu.memref_squeeze %dma_wait3A_170 : memref<1x2x128xi32, #tpu.memory_space<hbm>> -> memref<2x128xi32, #tpu.memory_space<hbm>>
        tpu.wait_dma2 semaphore(%arg11 : memref<!tpu.dma_semaphore, #tpu.memory_space<semaphore_mem>>) src(%dma_wait3A_171 : memref<2x128xi32, #tpu.memory_space<hbm>>) dst(%arg6 : memref<2x128xi32, #tpu.memory_space<vmem>>)
        %dma_start3A_172 = arith.constant 0 : i32
        %dma_start3A_173 = arith.constant 0 : i32
        %dma_start3A_174 = tpu.memref_slice %arg6[%dma_start3A_172, %dma_start3A_173] : memref<2x128xi32, #tpu.memory_space<vmem>> -> memref<1x128xi32, #tpu.memory_space<vmem>>
        %dma_start3A_175 = tpu.memref_squeeze %dma_start3A_174 : memref<1x128xi32, #tpu.memory_space<vmem>> -> memref<128xi32, #tpu.memory_space<vmem>>
        %dma_start3A_176 = arith.constant 0 : i32
        %dma_start3A_177 = arith.constant 0 : i32
        %dma_start3A_178 = tpu.memref_slice %arg2[%dma_start3A_176, %dma_start3A_177] : memref<10240x128xf32, #tpu.memory_space<hbm>> -> memref<10240x128xf32, #tpu.memory_space<hbm>>
        tpu.enqueue_indirect_dma source(%dma_start3A_178 : memref<10240x128xf32, #tpu.memory_space<hbm>>) target(%arg8 : memref<128x128xf32, #tpu.memory_space<vmem>>) offsets(%dma_start3A_175 : memref<128xi32, #tpu.memory_space<vmem>>) semaphore(%arg13 : memref<!tpu.dma_semaphore, #tpu.memory_space<semaphore_mem>>)
      } else {
      }
      %dma_wait3A_79 = arith.constant 0 : i32
      %dma_wait3A_80 = arith.constant 0 : i32
      %dma_wait3A_81 = tpu.memref_slice %arg7[%dma_wait3A_79, %dma_wait3A_80] : memref<2x128xi32, #tpu.memory_space<vmem>> -> memref<1x128xi32, #tpu.memory_space<vmem>>
      %dma_wait3A_82 = tpu.memref_squeeze %dma_wait3A_81 : memref<1x128xi32, #tpu.memory_space<vmem>> -> memref<128xi32, #tpu.memory_space<vmem>>
      %dma_wait3A_83 = arith.constant 0 : i32
      %dma_wait3A_84 = arith.constant 0 : i32
      %dma_wait3A_85 = tpu.memref_slice %arg2[%dma_wait3A_83, %dma_wait3A_84] : memref<10240x128xf32, #tpu.memory_space<hbm>> -> memref<10240x128xf32, #tpu.memory_space<hbm>>
      tpu.wait_indirect_dma semaphore(%arg14 : memref<!tpu.dma_semaphore, #tpu.memory_space<semaphore_mem>>) src(%dma_wait3A_85 : memref<10240x128xf32, #tpu.memory_space<hbm>>) dst(%arg9 : memref<128x128xf32, #tpu.memory_space<vmem>>)
      %run_scoped3A_86 = arith.constant 1 : i32
      "tpu.region"() ({
        %run_scoped3A_152 = tpu.sem_alloc : memref<!tpu.dma_semaphore, #tpu.memory_space<semaphore_mem>>
        %dma_start3A_153 = arith.constant 0 : i32
        %dma_start3A_154 = tpu.memref_slice %arg7[%run_scoped3A_86, %dma_start3A_153] : memref<2x128xi32, #tpu.memory_space<vmem>> -> memref<1x128xi32, #tpu.memory_space<vmem>>
        %dma_start3A_155 = tpu.memref_squeeze %dma_start3A_154 : memref<1x128xi32, #tpu.memory_space<vmem>> -> memref<128xi32, #tpu.memory_space<vmem>>
        %dma_start3A_156 = arith.constant 0 : i32
        %dma_start3A_157 = arith.constant 0 : i32
        %dma_start3A_158 = tpu.memref_slice %arg10[%dma_start3A_156, %dma_start3A_157] : memref<10240x128xf32, #tpu.memory_space<vmem_shared>> -> memref<10240x128xf32, #tpu.memory_space<vmem_shared>>
        tpu.enqueue_indirect_dma source(%arg9 : memref<128x128xf32, #tpu.memory_space<vmem>>) target(%dma_start3A_158 : memref<10240x128xf32, #tpu.memory_space<vmem_shared>>) offsets(%dma_start3A_155 : memref<128xi32, #tpu.memory_space<vmem>>) semaphore(%run_scoped3A_152 : memref<!tpu.dma_semaphore, #tpu.memory_space<semaphore_mem>>) {add = true}
        %dma_wait3A_159 = arith.constant 0 : i32
        %dma_wait3A_160 = tpu.memref_slice %arg7[%run_scoped3A_86, %dma_wait3A_159] : memref<2x128xi32, #tpu.memory_space<vmem>> -> memref<1x128xi32, #tpu.memory_space<vmem>>
        %dma_wait3A_161 = tpu.memref_squeeze %dma_wait3A_160 : memref<1x128xi32, #tpu.memory_space<vmem>> -> memref<128xi32, #tpu.memory_space<vmem>>
        %dma_wait3A_162 = arith.constant 0 : i32
        %dma_wait3A_163 = arith.constant 0 : i32
        %dma_wait3A_164 = tpu.memref_slice %arg10[%dma_wait3A_162, %dma_wait3A_163] : memref<10240x128xf32, #tpu.memory_space<vmem_shared>> -> memref<10240x128xf32, #tpu.memory_space<vmem_shared>>
        tpu.wait_indirect_dma semaphore(%run_scoped3A_152 : memref<!tpu.dma_semaphore, #tpu.memory_space<semaphore_mem>>) src(%arg9 : memref<128x128xf32, #tpu.memory_space<vmem>>) dst(%dma_wait3A_164 : memref<10240x128xf32, #tpu.memory_space<vmem_shared>>)
        tpu.yield
      }) : () -> ()
      %mul3A_87 = arith.constant 2 : i32
      %mul3A_88 = arith.muli %mul3A_87, %scan3A_45 : i32
      %add3A_89 = arith.constant 3 : i32
      %add3A_90 = arith.addi %mul3A_88, %add3A_89 : i32
      %lt3A_91 = arith.constant 80 : i32
      %lt3A_92 = arith.cmpi slt, %add3A_90, %lt3A_91 : i32
      %convert_element_type3A_93 = arith.extui %lt3A_92 : i1 to i32
      %cond3A_94 = arith.constant 0 : i32
      %cond3A_95 = arith.cmpi ne, %convert_element_type3A_93, %cond3A_94 : i32
      scf.if %cond3A_95 {
        %add3A_152 = arith.constant 3 : i32
        %add3A_153 = arith.addi %add3A_48, %add3A_152 : i32
        %dma_start3A_154 = arith.constant 0 : i32
        %dma_start3A_155 = arith.constant 0 : i32
        %dma_start3A_156 = tpu.memref_slice %arg3[%add3A_153, %dma_start3A_154, %dma_start3A_155] : memref<2560x2x128xi32, #tpu.memory_space<hbm>> -> memref<1x2x128xi32, #tpu.memory_space<hbm>>
        %dma_start3A_157 = tpu.memref_squeeze %dma_start3A_156 : memref<1x2x128xi32, #tpu.memory_space<hbm>> -> memref<2x128xi32, #tpu.memory_space<hbm>>
        %dma_start3A_158 = arith.constant 0 : i32
        %dma_start3A_159 = arith.constant 0 : i32
        %dma_start3A_160 = tpu.memref_slice %arg3[%add3A_153, %dma_start3A_158, %dma_start3A_159] : memref<2560x2x128xi32, #tpu.memory_space<hbm>> -> memref<1x2x128xi32, #tpu.memory_space<hbm>>
        %dma_start3A_161 = tpu.memref_squeeze %dma_start3A_160 : memref<1x2x128xi32, #tpu.memory_space<hbm>> -> memref<2x128xi32, #tpu.memory_space<hbm>>
        tpu.enqueue_dma source(%dma_start3A_161 : memref<2x128xi32, #tpu.memory_space<hbm>>) target(%arg7 : memref<2x128xi32, #tpu.memory_space<vmem>>) target_semaphore(%arg12 : memref<!tpu.dma_semaphore, #tpu.memory_space<semaphore_mem>>)
      } else {
      }
      %scan3A_96 = arith.constant 1 : i32
      %scan3A_97 = arith.addi %scan3A_45, %scan3A_96 : i32
      %mul3A_98 = arith.constant 2 : i32
      %mul3A_99 = arith.muli %mul3A_98, %scan3A_97 : i32
      %add3A_100 = arith.addi %mul3A_4, %mul3A_99 : i32
      %add3A_101 = arith.constant 1 : i32
      %add3A_102 = arith.addi %add3A_100, %add3A_101 : i32
      %dma_wait3A_103 = arith.constant 0 : i32
      %dma_wait3A_104 = arith.constant 0 : i32
      %dma_wait3A_105 = tpu.memref_slice %arg3[%add3A_102, %dma_wait3A_103, %dma_wait3A_104] : memref<2560x2x128xi32, #tpu.memory_space<hbm>> -> memref<1x2x128xi32, #tpu.memory_space<hbm>>
      %dma_wait3A_106 = tpu.memref_squeeze %dma_wait3A_105 : memref<1x2x128xi32, #tpu.memory_space<hbm>> -> memref<2x128xi32, #tpu.memory_space<hbm>>
      %dma_wait3A_107 = arith.constant 0 : i32
      %dma_wait3A_108 = arith.constant 0 : i32
      %dma_wait3A_109 = tpu.memref_slice %arg3[%add3A_102, %dma_wait3A_107, %dma_wait3A_108] : memref<2560x2x128xi32, #tpu.memory_space<hbm>> -> memref<1x2x128xi32, #tpu.memory_space<hbm>>
      %dma_wait3A_110 = tpu.memref_squeeze %dma_wait3A_109 : memref<1x2x128xi32, #tpu.memory_space<hbm>> -> memref<2x128xi32, #tpu.memory_space<hbm>>
      tpu.wait_dma2 semaphore(%arg12 : memref<!tpu.dma_semaphore, #tpu.memory_space<semaphore_mem>>) src(%dma_wait3A_110 : memref<2x128xi32, #tpu.memory_space<hbm>>) dst(%arg7 : memref<2x128xi32, #tpu.memory_space<vmem>>)
      %dma_start3A_111 = arith.constant 0 : i32
      %dma_start3A_112 = arith.constant 0 : i32
      %dma_start3A_113 = tpu.memref_slice %arg7[%dma_start3A_111, %dma_start3A_112] : memref<2x128xi32, #tpu.memory_space<vmem>> -> memref<1x128xi32, #tpu.memory_space<vmem>>
      %dma_start3A_114 = tpu.memref_squeeze %dma_start3A_113 : memref<1x128xi32, #tpu.memory_space<vmem>> -> memref<128xi32, #tpu.memory_space<vmem>>
      %dma_start3A_115 = arith.constant 0 : i32
      %dma_start3A_116 = arith.constant 0 : i32
      %dma_start3A_117 = tpu.memref_slice %arg2[%dma_start3A_115, %dma_start3A_116] : memref<10240x128xf32, #tpu.memory_space<hbm>> -> memref<10240x128xf32, #tpu.memory_space<hbm>>
      tpu.enqueue_indirect_dma source(%dma_start3A_117 : memref<10240x128xf32, #tpu.memory_space<hbm>>) target(%arg9 : memref<128x128xf32, #tpu.memory_space<vmem>>) offsets(%dma_start3A_114 : memref<128xi32, #tpu.memory_space<vmem>>) semaphore(%arg14 : memref<!tpu.dma_semaphore, #tpu.memory_space<semaphore_mem>>)
      %dma_wait3A_118 = arith.constant 0 : i32
      %dma_wait3A_119 = arith.constant 0 : i32
      %dma_wait3A_120 = tpu.memref_slice %arg6[%dma_wait3A_118, %dma_wait3A_119] : memref<2x128xi32, #tpu.memory_space<vmem>> -> memref<1x128xi32, #tpu.memory_space<vmem>>
      %dma_wait3A_121 = tpu.memref_squeeze %dma_wait3A_120 : memref<1x128xi32, #tpu.memory_space<vmem>> -> memref<128xi32, #tpu.memory_space<vmem>>
      %dma_wait3A_122 = arith.constant 0 : i32
      %dma_wait3A_123 = arith.constant 0 : i32
      %dma_wait3A_124 = tpu.memref_slice %arg2[%dma_wait3A_122, %dma_wait3A_123] : memref<10240x128xf32, #tpu.memory_space<hbm>> -> memref<10240x128xf32, #tpu.memory_space<hbm>>
      tpu.wait_indirect_dma semaphore(%arg13 : memref<!tpu.dma_semaphore, #tpu.memory_space<semaphore_mem>>) src(%dma_wait3A_124 : memref<10240x128xf32, #tpu.memory_space<hbm>>) dst(%arg8 : memref<128x128xf32, #tpu.memory_space<vmem>>)
      %run_scoped3A_125 = arith.constant 1 : i32
      "tpu.region"() ({
        %run_scoped3A_152 = tpu.sem_alloc : memref<!tpu.dma_semaphore, #tpu.memory_space<semaphore_mem>>
        %dma_start3A_153 = arith.constant 0 : i32
        %dma_start3A_154 = tpu.memref_slice %arg6[%run_scoped3A_125, %dma_start3A_153] : memref<2x128xi32, #tpu.memory_space<vmem>> -> memref<1x128xi32, #tpu.memory_space<vmem>>
        %dma_start3A_155 = tpu.memref_squeeze %dma_start3A_154 : memref<1x128xi32, #tpu.memory_space<vmem>> -> memref<128xi32, #tpu.memory_space<vmem>>
        %dma_start3A_156 = arith.constant 0 : i32
        %dma_start3A_157 = arith.constant 0 : i32
        %dma_start3A_158 = tpu.memref_slice %arg10[%dma_start3A_156, %dma_start3A_157] : memref<10240x128xf32, #tpu.memory_space<vmem_shared>> -> memref<10240x128xf32, #tpu.memory_space<vmem_shared>>
        tpu.enqueue_indirect_dma source(%arg8 : memref<128x128xf32, #tpu.memory_space<vmem>>) target(%dma_start3A_158 : memref<10240x128xf32, #tpu.memory_space<vmem_shared>>) offsets(%dma_start3A_155 : memref<128xi32, #tpu.memory_space<vmem>>) semaphore(%run_scoped3A_152 : memref<!tpu.dma_semaphore, #tpu.memory_space<semaphore_mem>>) {add = true}
        %dma_wait3A_159 = arith.constant 0 : i32
        %dma_wait3A_160 = tpu.memref_slice %arg6[%run_scoped3A_125, %dma_wait3A_159] : memref<2x128xi32, #tpu.memory_space<vmem>> -> memref<1x128xi32, #tpu.memory_space<vmem>>
        %dma_wait3A_161 = tpu.memref_squeeze %dma_wait3A_160 : memref<1x128xi32, #tpu.memory_space<vmem>> -> memref<128xi32, #tpu.memory_space<vmem>>
        %dma_wait3A_162 = arith.constant 0 : i32
        %dma_wait3A_163 = arith.constant 0 : i32
        %dma_wait3A_164 = tpu.memref_slice %arg10[%dma_wait3A_162, %dma_wait3A_163] : memref<10240x128xf32, #tpu.memory_space<vmem_shared>> -> memref<10240x128xf32, #tpu.memory_space<vmem_shared>>
        tpu.wait_indirect_dma semaphore(%run_scoped3A_152 : memref<!tpu.dma_semaphore, #tpu.memory_space<semaphore_mem>>) src(%arg8 : memref<128x128xf32, #tpu.memory_space<vmem>>) dst(%dma_wait3A_164 : memref<10240x128xf32, #tpu.memory_space<vmem_shared>>)
        tpu.yield
      }) : () -> ()
      %mul3A_126 = arith.constant 2 : i32
      %mul3A_127 = arith.muli %mul3A_126, %scan3A_97 : i32
      %add3A_128 = arith.constant 2 : i32
      %add3A_129 = arith.addi %mul3A_127, %add3A_128 : i32
      %lt3A_130 = arith.constant 80 : i32
      %lt3A_131 = arith.cmpi slt, %add3A_129, %lt3A_130 : i32
      %convert_element_type3A_132 = arith.extui %lt3A_131 : i1 to i32
      %cond3A_133 = arith.constant 0 : i32
      %cond3A_134 = arith.cmpi ne, %convert_element_type3A_132, %cond3A_133 : i32
      scf.if %cond3A_134 {
        %add3A_152 = arith.constant 2 : i32
        %add3A_153 = arith.addi %add3A_100, %add3A_152 : i32
        %dma_start3A_154 = arith.constant 0 : i32
        %dma_start3A_155 = arith.constant 0 : i32
        %dma_start3A_156 = tpu.memref_slice %arg3[%add3A_153, %dma_start3A_154, %dma_start3A_155] : memref<2560x2x128xi32, #tpu.memory_space<hbm>> -> memref<1x2x128xi32, #tpu.memory_space<hbm>>
        %dma_start3A_157 = tpu.memref_squeeze %dma_start3A_156 : memref<1x2x128xi32, #tpu.memory_space<hbm>> -> memref<2x128xi32, #tpu.memory_space<hbm>>
        %dma_start3A_158 = arith.constant 0 : i32
        %dma_start3A_159 = arith.constant 0 : i32
        %dma_start3A_160 = tpu.memref_slice %arg3[%add3A_153, %dma_start3A_158, %dma_start3A_159] : memref<2560x2x128xi32, #tpu.memory_space<hbm>> -> memref<1x2x128xi32, #tpu.memory_space<hbm>>
        %dma_start3A_161 = tpu.memref_squeeze %dma_start3A_160 : memref<1x2x128xi32, #tpu.memory_space<hbm>> -> memref<2x128xi32, #tpu.memory_space<hbm>>
        tpu.enqueue_dma source(%dma_start3A_161 : memref<2x128xi32, #tpu.memory_space<hbm>>) target(%arg6 : memref<2x128xi32, #tpu.memory_space<vmem>>) target_semaphore(%arg11 : memref<!tpu.dma_semaphore, #tpu.memory_space<semaphore_mem>>)
        %add3A_162 = arith.constant 2 : i32
        %add3A_163 = arith.addi %add3A_100, %add3A_162 : i32
        %dma_wait3A_164 = arith.constant 0 : i32
        %dma_wait3A_165 = arith.constant 0 : i32
        %dma_wait3A_166 = tpu.memref_slice %arg3[%add3A_163, %dma_wait3A_164, %dma_wait3A_165] : memref<2560x2x128xi32, #tpu.memory_space<hbm>> -> memref<1x2x128xi32, #tpu.memory_space<hbm>>
        %dma_wait3A_167 = tpu.memref_squeeze %dma_wait3A_166 : memref<1x2x128xi32, #tpu.memory_space<hbm>> -> memref<2x128xi32, #tpu.memory_space<hbm>>
        %dma_wait3A_168 = arith.constant 0 : i32
        %dma_wait3A_169 = arith.constant 0 : i32
        %dma_wait3A_170 = tpu.memref_slice %arg3[%add3A_163, %dma_wait3A_168, %dma_wait3A_169] : memref<2560x2x128xi32, #tpu.memory_space<hbm>> -> memref<1x2x128xi32, #tpu.memory_space<hbm>>
        %dma_wait3A_171 = tpu.memref_squeeze %dma_wait3A_170 : memref<1x2x128xi32, #tpu.memory_space<hbm>> -> memref<2x128xi32, #tpu.memory_space<hbm>>
        tpu.wait_dma2 semaphore(%arg11 : memref<!tpu.dma_semaphore, #tpu.memory_space<semaphore_mem>>) src(%dma_wait3A_171 : memref<2x128xi32, #tpu.memory_space<hbm>>) dst(%arg6 : memref<2x128xi32, #tpu.memory_space<vmem>>)
        %dma_start3A_172 = arith.constant 0 : i32
        %dma_start3A_173 = arith.constant 0 : i32
        %dma_start3A_174 = tpu.memref_slice %arg6[%dma_start3A_172, %dma_start3A_173] : memref<2x128xi32, #tpu.memory_space<vmem>> -> memref<1x128xi32, #tpu.memory_space<vmem>>
        %dma_start3A_175 = tpu.memref_squeeze %dma_start3A_174 : memref<1x128xi32, #tpu.memory_space<vmem>> -> memref<128xi32, #tpu.memory_space<vmem>>
        %dma_start3A_176 = arith.constant 0 : i32
        %dma_start3A_177 = arith.constant 0 : i32
        %dma_start3A_178 = tpu.memref_slice %arg2[%dma_start3A_176, %dma_start3A_177] : memref<10240x128xf32, #tpu.memory_space<hbm>> -> memref<10240x128xf32, #tpu.memory_space<hbm>>
        tpu.enqueue_indirect_dma source(%dma_start3A_178 : memref<10240x128xf32, #tpu.memory_space<hbm>>) target(%arg8 : memref<128x128xf32, #tpu.memory_space<vmem>>) offsets(%dma_start3A_175 : memref<128xi32, #tpu.memory_space<vmem>>) semaphore(%arg13 : memref<!tpu.dma_semaphore, #tpu.memory_space<semaphore_mem>>)
      } else {
      }
      %dma_wait3A_135 = arith.constant 0 : i32
      %dma_wait3A_136 = arith.constant 0 : i32
      %dma_wait3A_137 = tpu.memref_slice %arg7[%dma_wait3A_135, %dma_wait3A_136] : memref<2x128xi32, #tpu.memory_space<vmem>> -> memref<1x128xi32, #tpu.memory_space<vmem>>
      %dma_wait3A_138 = tpu.memref_squeeze %dma_wait3A_137 : memref<1x128xi32, #tpu.memory_space<vmem>> -> memref<128xi32, #tpu.memory_space<vmem>>
      %dma_wait3A_139 = arith.constant 0 : i32
      %dma_wait3A_140 = arith.constant 0 : i32
      %dma_wait3A_141 = tpu.memref_slice %arg2[%dma_wait3A_139, %dma_wait3A_140] : memref<10240x128xf32, #tpu.memory_space<hbm>> -> memref<10240x128xf32, #tpu.memory_space<hbm>>
      tpu.wait_indirect_dma semaphore(%arg14 : memref<!tpu.dma_semaphore, #tpu.memory_space<semaphore_mem>>) src(%dma_wait3A_141 : memref<10240x128xf32, #tpu.memory_space<hbm>>) dst(%arg9 : memref<128x128xf32, #tpu.memory_space<vmem>>)
      %run_scoped3A_142 = arith.constant 1 : i32
      "tpu.region"() ({
        %run_scoped3A_152 = tpu.sem_alloc : memref<!tpu.dma_semaphore, #tpu.memory_space<semaphore_mem>>
        %dma_start3A_153 = arith.constant 0 : i32
        %dma_start3A_154 = tpu.memref_slice %arg7[%run_scoped3A_142, %dma_start3A_153] : memref<2x128xi32, #tpu.memory_space<vmem>> -> memref<1x128xi32, #tpu.memory_space<vmem>>
        %dma_start3A_155 = tpu.memref_squeeze %dma_start3A_154 : memref<1x128xi32, #tpu.memory_space<vmem>> -> memref<128xi32, #tpu.memory_space<vmem>>
        %dma_start3A_156 = arith.constant 0 : i32
        %dma_start3A_157 = arith.constant 0 : i32
        %dma_start3A_158 = tpu.memref_slice %arg10[%dma_start3A_156, %dma_start3A_157] : memref<10240x128xf32, #tpu.memory_space<vmem_shared>> -> memref<10240x128xf32, #tpu.memory_space<vmem_shared>>
        tpu.enqueue_indirect_dma source(%arg9 : memref<128x128xf32, #tpu.memory_space<vmem>>) target(%dma_start3A_158 : memref<10240x128xf32, #tpu.memory_space<vmem_shared>>) offsets(%dma_start3A_155 : memref<128xi32, #tpu.memory_space<vmem>>) semaphore(%run_scoped3A_152 : memref<!tpu.dma_semaphore, #tpu.memory_space<semaphore_mem>>) {add = true}
        %dma_wait3A_159 = arith.constant 0 : i32
        %dma_wait3A_160 = tpu.memref_slice %arg7[%run_scoped3A_142, %dma_wait3A_159] : memref<2x128xi32, #tpu.memory_space<vmem>> -> memref<1x128xi32, #tpu.memory_space<vmem>>
        %dma_wait3A_161 = tpu.memref_squeeze %dma_wait3A_160 : memref<1x128xi32, #tpu.memory_space<vmem>> -> memref<128xi32, #tpu.memory_space<vmem>>
        %dma_wait3A_162 = arith.constant 0 : i32
        %dma_wait3A_163 = arith.constant 0 : i32
        %dma_wait3A_164 = tpu.memref_slice %arg10[%dma_wait3A_162, %dma_wait3A_163] : memref<10240x128xf32, #tpu.memory_space<vmem_shared>> -> memref<10240x128xf32, #tpu.memory_space<vmem_shared>>
        tpu.wait_indirect_dma semaphore(%run_scoped3A_152 : memref<!tpu.dma_semaphore, #tpu.memory_space<semaphore_mem>>) src(%arg9 : memref<128x128xf32, #tpu.memory_space<vmem>>) dst(%dma_wait3A_164 : memref<10240x128xf32, #tpu.memory_space<vmem_shared>>)
        tpu.yield
      }) : () -> ()
      %mul3A_143 = arith.constant 2 : i32
      %mul3A_144 = arith.muli %mul3A_143, %scan3A_97 : i32
      %add3A_145 = arith.constant 3 : i32
      %add3A_146 = arith.addi %mul3A_144, %add3A_145 : i32
      %lt3A_147 = arith.constant 80 : i32
      %lt3A_148 = arith.cmpi slt, %add3A_146, %lt3A_147 : i32
      %convert_element_type3A_149 = arith.extui %lt3A_148 : i1 to i32
      %cond3A_150 = arith.constant 0 : i32
      %cond3A_151 = arith.cmpi ne, %convert_element_type3A_149, %cond3A_150 : i32
      scf.if %cond3A_151 {
        %add3A_152 = arith.constant 3 : i32
        %add3A_153 = arith.addi %add3A_100, %add3A_152 : i32
        %dma_start3A_154 = arith.constant 0 : i32
        %dma_start3A_155 = arith.constant 0 : i32
        %dma_start3A_156 = tpu.memref_slice %arg3[%add3A_153, %dma_start3A_154, %dma_start3A_155] : memref<2560x2x128xi32, #tpu.memory_space<hbm>> -> memref<1x2x128xi32, #tpu.memory_space<hbm>>
        %dma_start3A_157 = tpu.memref_squeeze %dma_start3A_156 : memref<1x2x128xi32, #tpu.memory_space<hbm>> -> memref<2x128xi32, #tpu.memory_space<hbm>>
        %dma_start3A_158 = arith.constant 0 : i32
        %dma_start3A_159 = arith.constant 0 : i32
        %dma_start3A_160 = tpu.memref_slice %arg3[%add3A_153, %dma_start3A_158, %dma_start3A_159] : memref<2560x2x128xi32, #tpu.memory_space<hbm>> -> memref<1x2x128xi32, #tpu.memory_space<hbm>>
        %dma_start3A_161 = tpu.memref_squeeze %dma_start3A_160 : memref<1x2x128xi32, #tpu.memory_space<hbm>> -> memref<2x128xi32, #tpu.memory_space<hbm>>
        tpu.enqueue_dma source(%dma_start3A_161 : memref<2x128xi32, #tpu.memory_space<hbm>>) target(%arg7 : memref<2x128xi32, #tpu.memory_space<vmem>>) target_semaphore(%arg12 : memref<!tpu.dma_semaphore, #tpu.memory_space<semaphore_mem>>)
      } else {
      }
    }
    %scan3A_40 = arith.constant 40 : i32
    %barrier3A_41 = arith.constant 0 : index
    tpu.barrier barrier_id(%barrier3A_41)
    %mul3A_42 = arith.constant 10240 : i32
    %mul3A_43 = arith.muli %arg0, %mul3A_42 : i32
    %add3A_44 = arith.addi %mul3A_43, %mul3A_2 : i32
    "tpu.region"() ({
      %run_scoped3A = tpu.sem_alloc : memref<!tpu.dma_semaphore, #tpu.memory_space<semaphore_mem>>
      %dma_start3A_45 = arith.constant 0 : i32
      %dma_start3A_46 = tpu.memref_slice %arg5[%add3A_44, %dma_start3A_45] : memref<20480x128xf32, #tpu.memory_space<hbm>> -> memref<640x128xf32, #tpu.memory_space<hbm>>
      %dma_start3A_47 = arith.constant 0 : i32
      %dma_start3A_48 = tpu.memref_slice %arg10[%mul3A_2, %dma_start3A_47] : memref<10240x128xf32, #tpu.memory_space<vmem_shared>> -> memref<640x128xf32, #tpu.memory_space<vmem_shared>>
      tpu.enqueue_dma source(%dma_start3A_48 : memref<640x128xf32, #tpu.memory_space<vmem_shared>>) target(%dma_start3A_46 : memref<640x128xf32, #tpu.memory_space<hbm>>) target_semaphore(%run_scoped3A : memref<!tpu.dma_semaphore, #tpu.memory_space<semaphore_mem>>)
      %dma_wait3A_49 = arith.constant 0 : i32
      %dma_wait3A_50 = tpu.memref_slice %arg5[%add3A_44, %dma_wait3A_49] : memref<20480x128xf32, #tpu.memory_space<hbm>> -> memref<640x128xf32, #tpu.memory_space<hbm>>
      %dma_wait3A_51 = arith.constant 0 : i32
      %dma_wait3A_52 = tpu.memref_slice %arg10[%mul3A_2, %dma_wait3A_51] : memref<10240x128xf32, #tpu.memory_space<vmem_shared>> -> memref<640x128xf32, #tpu.memory_space<vmem_shared>>
      tpu.wait_dma2 semaphore(%run_scoped3A : memref<!tpu.dma_semaphore, #tpu.memory_space<semaphore_mem>>) src(%dma_wait3A_52 : memref<640x128xf32, #tpu.memory_space<vmem_shared>>) dst(%dma_wait3A_50 : memref<640x128xf32, #tpu.memory_space<hbm>>)
      tpu.yield
    }) : () -> ()
    return
  }
}

#map = affine_map<(d0, d1) -> (0, 0)>
#map1 = affine_map<(d0, d1) -> (0, 0, 0)>
module attributes {stable_mosaic.version = 14 : i64} {
  func.func @seg(%arg0: i32, %arg1: i32, %arg2: memref<10240x16xf32, #tpu.memory_space<hbm>>, %arg3: memref<2560x2x128xi32, #tpu.memory_space<hbm>>, %arg4: memref<10240x16xf32, #tpu.memory_space<hbm>>, %arg5: memref<20480x16xf32, #tpu.memory_space<hbm>>, %arg6: memref<2x128xi32, #tpu.memory_space<vmem>>, %arg7: memref<2x128xi32, #tpu.memory_space<vmem>>, %arg8: memref<128x16xf32, #tpu.memory_space<vmem>>, %arg9: memref<128x16xf32, #tpu.memory_space<vmem>>, %arg10: memref<10240x16xf32, #tpu.memory_space<vmem_shared>>, %arg11: memref<!tpu.dma_semaphore, #tpu.memory_space<semaphore_mem>>, %arg12: memref<!tpu.dma_semaphore, #tpu.memory_space<semaphore_mem>>, %arg13: memref<!tpu.dma_semaphore, #tpu.memory_space<semaphore_mem>>, %arg14: memref<!tpu.dma_semaphore, #tpu.memory_space<semaphore_mem>>) attributes {dimension_semantics = [#tpu.dimension_semantics<core_parallel>, #tpu.dimension_semantics<subcore_parallel>], iteration_bounds = array<i64: 2, 16>, scalar_prefetch = 0 : i64, scratch_operands = 9 : i64, tpu.core_type = #tpu.core_type<sc_vector_subcore>, window_params = [{transform_indices = #map}, {transform_indices = #map1}, {transform_indices = #map}, {transform_indices = #map}]} {
    %mul3A = arith.constant 16 : i32
    %mul3A_0 = arith.muli %arg0, %mul3A : i32
    %add3A = arith.addi %mul3A_0, %arg1 : i32
    %mul3A_1 = arith.constant 640 : i32
    %mul3A_2 = arith.muli %arg1, %mul3A_1 : i32
    %mul3A_3 = arith.constant 80 : i32
    %mul3A_4 = arith.muli %add3A, %mul3A_3 : i32
    "tpu.region"() ({
      %run_scoped3A = tpu.sem_alloc : memref<!tpu.dma_semaphore, #tpu.memory_space<semaphore_mem>>
      %dma_start3A_45 = arith.constant 0 : i32
      %dma_start3A_46 = tpu.memref_slice %arg10[%mul3A_2, %dma_start3A_45] : memref<10240x16xf32, #tpu.memory_space<vmem_shared>> -> memref<640x16xf32, #tpu.memory_space<vmem_shared>>
      %dma_start3A_47 = arith.constant 0 : i32
      %dma_start3A_48 = tpu.memref_slice %arg4[%mul3A_2, %dma_start3A_47] : memref<10240x16xf32, #tpu.memory_space<hbm>> -> memref<640x16xf32, #tpu.memory_space<hbm>>
      tpu.enqueue_dma source(%dma_start3A_48 : memref<640x16xf32, #tpu.memory_space<hbm>>) target(%dma_start3A_46 : memref<640x16xf32, #tpu.memory_space<vmem_shared>>) target_semaphore(%run_scoped3A : memref<!tpu.dma_semaphore, #tpu.memory_space<semaphore_mem>>)
      %dma_wait3A_49 = arith.constant 0 : i32
      %dma_wait3A_50 = tpu.memref_slice %arg10[%mul3A_2, %dma_wait3A_49] : memref<10240x16xf32, #tpu.memory_space<vmem_shared>> -> memref<640x16xf32, #tpu.memory_space<vmem_shared>>
      %dma_wait3A_51 = arith.constant 0 : i32
      %dma_wait3A_52 = tpu.memref_slice %arg4[%mul3A_2, %dma_wait3A_51] : memref<10240x16xf32, #tpu.memory_space<hbm>> -> memref<640x16xf32, #tpu.memory_space<hbm>>
      tpu.wait_dma2 semaphore(%run_scoped3A : memref<!tpu.dma_semaphore, #tpu.memory_space<semaphore_mem>>) src(%dma_wait3A_52 : memref<640x16xf32, #tpu.memory_space<hbm>>) dst(%dma_wait3A_50 : memref<640x16xf32, #tpu.memory_space<vmem_shared>>)
      tpu.yield
    }) : () -> ()
    %barrier3A = arith.constant 0 : index
    tpu.barrier barrier_id(%barrier3A)
    %dma_start3A = arith.constant 0 : i32
    %dma_start3A_5 = arith.constant 0 : i32
    %dma_start3A_6 = tpu.memref_slice %arg3[%mul3A_4, %dma_start3A, %dma_start3A_5] : memref<2560x2x128xi32, #tpu.memory_space<hbm>> -> memref<1x2x128xi32, #tpu.memory_space<hbm>>
    %dma_start3A_7 = tpu.memref_squeeze %dma_start3A_6 : memref<1x2x128xi32, #tpu.memory_space<hbm>> -> memref<2x128xi32, #tpu.memory_space<hbm>>
    %dma_start3A_8 = arith.constant 0 : i32
    %dma_start3A_9 = arith.constant 0 : i32
    %dma_start3A_10 = tpu.memref_slice %arg3[%mul3A_4, %dma_start3A_8, %dma_start3A_9] : memref<2560x2x128xi32, #tpu.memory_space<hbm>> -> memref<1x2x128xi32, #tpu.memory_space<hbm>>
    %dma_start3A_11 = tpu.memref_squeeze %dma_start3A_10 : memref<1x2x128xi32, #tpu.memory_space<hbm>> -> memref<2x128xi32, #tpu.memory_space<hbm>>
    tpu.enqueue_dma source(%dma_start3A_11 : memref<2x128xi32, #tpu.memory_space<hbm>>) target(%arg6 : memref<2x128xi32, #tpu.memory_space<vmem>>) target_semaphore(%arg11 : memref<!tpu.dma_semaphore, #tpu.memory_space<semaphore_mem>>)
    %add3A_12 = arith.constant 1 : i32
    %add3A_13 = arith.addi %mul3A_4, %add3A_12 : i32
    %dma_start3A_14 = arith.constant 0 : i32
    %dma_start3A_15 = arith.constant 0 : i32
    %dma_start3A_16 = tpu.memref_slice %arg3[%add3A_13, %dma_start3A_14, %dma_start3A_15] : memref<2560x2x128xi32, #tpu.memory_space<hbm>> -> memref<1x2x128xi32, #tpu.memory_space<hbm>>
    %dma_start3A_17 = tpu.memref_squeeze %dma_start3A_16 : memref<1x2x128xi32, #tpu.memory_space<hbm>> -> memref<2x128xi32, #tpu.memory_space<hbm>>
    %dma_start3A_18 = arith.constant 0 : i32
    %dma_start3A_19 = arith.constant 0 : i32
    %dma_start3A_20 = tpu.memref_slice %arg3[%add3A_13, %dma_start3A_18, %dma_start3A_19] : memref<2560x2x128xi32, #tpu.memory_space<hbm>> -> memref<1x2x128xi32, #tpu.memory_space<hbm>>
    %dma_start3A_21 = tpu.memref_squeeze %dma_start3A_20 : memref<1x2x128xi32, #tpu.memory_space<hbm>> -> memref<2x128xi32, #tpu.memory_space<hbm>>
    tpu.enqueue_dma source(%dma_start3A_21 : memref<2x128xi32, #tpu.memory_space<hbm>>) target(%arg7 : memref<2x128xi32, #tpu.memory_space<vmem>>) target_semaphore(%arg12 : memref<!tpu.dma_semaphore, #tpu.memory_space<semaphore_mem>>)
    %dma_wait3A = arith.constant 0 : i32
    %dma_wait3A_22 = arith.constant 0 : i32
    %dma_wait3A_23 = tpu.memref_slice %arg3[%mul3A_4, %dma_wait3A, %dma_wait3A_22] : memref<2560x2x128xi32, #tpu.memory_space<hbm>> -> memref<1x2x128xi32, #tpu.memory_space<hbm>>
    %dma_wait3A_24 = tpu.memref_squeeze %dma_wait3A_23 : memref<1x2x128xi32, #tpu.memory_space<hbm>> -> memref<2x128xi32, #tpu.memory_space<hbm>>
    %dma_wait3A_25 = arith.constant 0 : i32
    %dma_wait3A_26 = arith.constant 0 : i32
    %dma_wait3A_27 = tpu.memref_slice %arg3[%mul3A_4, %dma_wait3A_25, %dma_wait3A_26] : memref<2560x2x128xi32, #tpu.memory_space<hbm>> -> memref<1x2x128xi32, #tpu.memory_space<hbm>>
    %dma_wait3A_28 = tpu.memref_squeeze %dma_wait3A_27 : memref<1x2x128xi32, #tpu.memory_space<hbm>> -> memref<2x128xi32, #tpu.memory_space<hbm>>
    tpu.wait_dma2 semaphore(%arg11 : memref<!tpu.dma_semaphore, #tpu.memory_space<semaphore_mem>>) src(%dma_wait3A_28 : memref<2x128xi32, #tpu.memory_space<hbm>>) dst(%arg6 : memref<2x128xi32, #tpu.memory_space<vmem>>)
    %dma_start3A_29 = arith.constant 0 : i32
    %dma_start3A_30 = arith.constant 0 : i32
    %dma_start3A_31 = tpu.memref_slice %arg6[%dma_start3A_29, %dma_start3A_30] : memref<2x128xi32, #tpu.memory_space<vmem>> -> memref<1x128xi32, #tpu.memory_space<vmem>>
    %dma_start3A_32 = tpu.memref_squeeze %dma_start3A_31 : memref<1x128xi32, #tpu.memory_space<vmem>> -> memref<128xi32, #tpu.memory_space<vmem>>
    %dma_start3A_33 = arith.constant 0 : i32
    %dma_start3A_34 = arith.constant 0 : i32
    %dma_start3A_35 = tpu.memref_slice %arg2[%dma_start3A_33, %dma_start3A_34] : memref<10240x16xf32, #tpu.memory_space<hbm>> -> memref<10240x16xf32, #tpu.memory_space<hbm>>
    tpu.enqueue_indirect_dma source(%dma_start3A_35 : memref<10240x16xf32, #tpu.memory_space<hbm>>) target(%arg8 : memref<128x16xf32, #tpu.memory_space<vmem>>) offsets(%dma_start3A_32 : memref<128xi32, #tpu.memory_space<vmem>>) semaphore(%arg13 : memref<!tpu.dma_semaphore, #tpu.memory_space<semaphore_mem>>)
    %scan3A = arith.constant 0 : i32
    %scan3A_36 = arith.constant 0 : i32
    %scan3A_37 = arith.constant 40 : i32
    %scan3A_38 = arith.addi %scan3A_36, %scan3A_37 : i32
    %scan3A_39 = arith.constant 2 : i32
    scf.for %scan3A_45 = %scan3A_36 to %scan3A_38 step %scan3A_39  : i32 {
      %mul3A_46 = arith.constant 2 : i32
      %mul3A_47 = arith.muli %mul3A_46, %scan3A_45 : i32
      %add3A_48 = arith.addi %mul3A_4, %mul3A_47 : i32
      %add3A_49 = arith.constant 1 : i32
      %add3A_50 = arith.addi %add3A_48, %add3A_49 : i32
      %dma_wait3A_51 = arith.constant 0 : i32
      %dma_wait3A_52 = arith.constant 0 : i32
      %dma_wait3A_53 = tpu.memref_slice %arg3[%add3A_50, %dma_wait3A_51, %dma_wait3A_52] : memref<2560x2x128xi32, #tpu.memory_space<hbm>> -> memref<1x2x128xi32, #tpu.memory_space<hbm>>
      %dma_wait3A_54 = tpu.memref_squeeze %dma_wait3A_53 : memref<1x2x128xi32, #tpu.memory_space<hbm>> -> memref<2x128xi32, #tpu.memory_space<hbm>>
      %dma_wait3A_55 = arith.constant 0 : i32
      %dma_wait3A_56 = arith.constant 0 : i32
      %dma_wait3A_57 = tpu.memref_slice %arg3[%add3A_50, %dma_wait3A_55, %dma_wait3A_56] : memref<2560x2x128xi32, #tpu.memory_space<hbm>> -> memref<1x2x128xi32, #tpu.memory_space<hbm>>
      %dma_wait3A_58 = tpu.memref_squeeze %dma_wait3A_57 : memref<1x2x128xi32, #tpu.memory_space<hbm>> -> memref<2x128xi32, #tpu.memory_space<hbm>>
      tpu.wait_dma2 semaphore(%arg12 : memref<!tpu.dma_semaphore, #tpu.memory_space<semaphore_mem>>) src(%dma_wait3A_58 : memref<2x128xi32, #tpu.memory_space<hbm>>) dst(%arg7 : memref<2x128xi32, #tpu.memory_space<vmem>>)
      %dma_start3A_59 = arith.constant 0 : i32
      %dma_start3A_60 = arith.constant 0 : i32
      %dma_start3A_61 = tpu.memref_slice %arg7[%dma_start3A_59, %dma_start3A_60] : memref<2x128xi32, #tpu.memory_space<vmem>> -> memref<1x128xi32, #tpu.memory_space<vmem>>
      %dma_start3A_62 = tpu.memref_squeeze %dma_start3A_61 : memref<1x128xi32, #tpu.memory_space<vmem>> -> memref<128xi32, #tpu.memory_space<vmem>>
      %dma_start3A_63 = arith.constant 0 : i32
      %dma_start3A_64 = arith.constant 0 : i32
      %dma_start3A_65 = tpu.memref_slice %arg2[%dma_start3A_63, %dma_start3A_64] : memref<10240x16xf32, #tpu.memory_space<hbm>> -> memref<10240x16xf32, #tpu.memory_space<hbm>>
      tpu.enqueue_indirect_dma source(%dma_start3A_65 : memref<10240x16xf32, #tpu.memory_space<hbm>>) target(%arg9 : memref<128x16xf32, #tpu.memory_space<vmem>>) offsets(%dma_start3A_62 : memref<128xi32, #tpu.memory_space<vmem>>) semaphore(%arg14 : memref<!tpu.dma_semaphore, #tpu.memory_space<semaphore_mem>>)
      %dma_wait3A_66 = arith.constant 0 : i32
      %dma_wait3A_67 = arith.constant 0 : i32
      %dma_wait3A_68 = tpu.memref_slice %arg6[%dma_wait3A_66, %dma_wait3A_67] : memref<2x128xi32, #tpu.memory_space<vmem>> -> memref<1x128xi32, #tpu.memory_space<vmem>>
      %dma_wait3A_69 = tpu.memref_squeeze %dma_wait3A_68 : memref<1x128xi32, #tpu.memory_space<vmem>> -> memref<128xi32, #tpu.memory_space<vmem>>
      %dma_wait3A_70 = arith.constant 0 : i32
      %dma_wait3A_71 = arith.constant 0 : i32
      %dma_wait3A_72 = tpu.memref_slice %arg2[%dma_wait3A_70, %dma_wait3A_71] : memref<10240x16xf32, #tpu.memory_space<hbm>> -> memref<10240x16xf32, #tpu.memory_space<hbm>>
      tpu.wait_indirect_dma semaphore(%arg13 : memref<!tpu.dma_semaphore, #tpu.memory_space<semaphore_mem>>) src(%dma_wait3A_72 : memref<10240x16xf32, #tpu.memory_space<hbm>>) dst(%arg8 : memref<128x16xf32, #tpu.memory_space<vmem>>)
      %run_scoped3A = arith.constant 1 : i32
      "tpu.region"() ({
        %run_scoped3A_152 = tpu.sem_alloc : memref<!tpu.dma_semaphore, #tpu.memory_space<semaphore_mem>>
        %dma_start3A_153 = arith.constant 0 : i32
        %dma_start3A_154 = tpu.memref_slice %arg6[%run_scoped3A, %dma_start3A_153] : memref<2x128xi32, #tpu.memory_space<vmem>> -> memref<1x128xi32, #tpu.memory_space<vmem>>
        %dma_start3A_155 = tpu.memref_squeeze %dma_start3A_154 : memref<1x128xi32, #tpu.memory_space<vmem>> -> memref<128xi32, #tpu.memory_space<vmem>>
        %dma_start3A_156 = arith.constant 0 : i32
        %dma_start3A_157 = arith.constant 0 : i32
        %dma_start3A_158 = tpu.memref_slice %arg10[%dma_start3A_156, %dma_start3A_157] : memref<10240x16xf32, #tpu.memory_space<vmem_shared>> -> memref<10240x16xf32, #tpu.memory_space<vmem_shared>>
        tpu.enqueue_indirect_dma source(%arg8 : memref<128x16xf32, #tpu.memory_space<vmem>>) target(%dma_start3A_158 : memref<10240x16xf32, #tpu.memory_space<vmem_shared>>) offsets(%dma_start3A_155 : memref<128xi32, #tpu.memory_space<vmem>>) semaphore(%run_scoped3A_152 : memref<!tpu.dma_semaphore, #tpu.memory_space<semaphore_mem>>) {add = true}
        %dma_wait3A_159 = arith.constant 0 : i32
        %dma_wait3A_160 = tpu.memref_slice %arg6[%run_scoped3A, %dma_wait3A_159] : memref<2x128xi32, #tpu.memory_space<vmem>> -> memref<1x128xi32, #tpu.memory_space<vmem>>
        %dma_wait3A_161 = tpu.memref_squeeze %dma_wait3A_160 : memref<1x128xi32, #tpu.memory_space<vmem>> -> memref<128xi32, #tpu.memory_space<vmem>>
        %dma_wait3A_162 = arith.constant 0 : i32
        %dma_wait3A_163 = arith.constant 0 : i32
        %dma_wait3A_164 = tpu.memref_slice %arg10[%dma_wait3A_162, %dma_wait3A_163] : memref<10240x16xf32, #tpu.memory_space<vmem_shared>> -> memref<10240x16xf32, #tpu.memory_space<vmem_shared>>
        tpu.wait_indirect_dma semaphore(%run_scoped3A_152 : memref<!tpu.dma_semaphore, #tpu.memory_space<semaphore_mem>>) src(%arg8 : memref<128x16xf32, #tpu.memory_space<vmem>>) dst(%dma_wait3A_164 : memref<10240x16xf32, #tpu.memory_space<vmem_shared>>)
        tpu.yield
      }) : () -> ()
      %mul3A_73 = arith.constant 2 : i32
      %mul3A_74 = arith.muli %mul3A_73, %scan3A_45 : i32
      %add3A_75 = arith.constant 2 : i32
      %add3A_76 = arith.addi %mul3A_74, %add3A_75 : i32
      %lt3A = arith.constant 80 : i32
      %lt3A_77 = arith.cmpi slt, %add3A_76, %lt3A : i32
      %convert_element_type3A = arith.extui %lt3A_77 : i1 to i32
      %cond3A = arith.constant 0 : i32
      %cond3A_78 = arith.cmpi ne, %convert_element_type3A, %cond3A : i32
      scf.if %cond3A_78 {
        %add3A_152 = arith.constant 2 : i32
        %add3A_153 = arith.addi %add3A_48, %add3A_152 : i32
        %dma_start3A_154 = arith.constant 0 : i32
        %dma_start3A_155 = arith.constant 0 : i32
        %dma_start3A_156 = tpu.memref_slice %arg3[%add3A_153, %dma_start3A_154, %dma_start3A_155] : memref<2560x2x128xi32, #tpu.memory_space<hbm>> -> memref<1x2x128xi32, #tpu.memory_space<hbm>>
        %dma_start3A_157 = tpu.memref_squeeze %dma_start3A_156 : memref<1x2x128xi32, #tpu.memory_space<hbm>> -> memref<2x128xi32, #tpu.memory_space<hbm>>
        %dma_start3A_158 = arith.constant 0 : i32
        %dma_start3A_159 = arith.constant 0 : i32
        %dma_start3A_160 = tpu.memref_slice %arg3[%add3A_153, %dma_start3A_158, %dma_start3A_159] : memref<2560x2x128xi32, #tpu.memory_space<hbm>> -> memref<1x2x128xi32, #tpu.memory_space<hbm>>
        %dma_start3A_161 = tpu.memref_squeeze %dma_start3A_160 : memref<1x2x128xi32, #tpu.memory_space<hbm>> -> memref<2x128xi32, #tpu.memory_space<hbm>>
        tpu.enqueue_dma source(%dma_start3A_161 : memref<2x128xi32, #tpu.memory_space<hbm>>) target(%arg6 : memref<2x128xi32, #tpu.memory_space<vmem>>) target_semaphore(%arg11 : memref<!tpu.dma_semaphore, #tpu.memory_space<semaphore_mem>>)
        %add3A_162 = arith.constant 2 : i32
        %add3A_163 = arith.addi %add3A_48, %add3A_162 : i32
        %dma_wait3A_164 = arith.constant 0 : i32
        %dma_wait3A_165 = arith.constant 0 : i32
        %dma_wait3A_166 = tpu.memref_slice %arg3[%add3A_163, %dma_wait3A_164, %dma_wait3A_165] : memref<2560x2x128xi32, #tpu.memory_space<hbm>> -> memref<1x2x128xi32, #tpu.memory_space<hbm>>
        %dma_wait3A_167 = tpu.memref_squeeze %dma_wait3A_166 : memref<1x2x128xi32, #tpu.memory_space<hbm>> -> memref<2x128xi32, #tpu.memory_space<hbm>>
        %dma_wait3A_168 = arith.constant 0 : i32
        %dma_wait3A_169 = arith.constant 0 : i32
        %dma_wait3A_170 = tpu.memref_slice %arg3[%add3A_163, %dma_wait3A_168, %dma_wait3A_169] : memref<2560x2x128xi32, #tpu.memory_space<hbm>> -> memref<1x2x128xi32, #tpu.memory_space<hbm>>
        %dma_wait3A_171 = tpu.memref_squeeze %dma_wait3A_170 : memref<1x2x128xi32, #tpu.memory_space<hbm>> -> memref<2x128xi32, #tpu.memory_space<hbm>>
        tpu.wait_dma2 semaphore(%arg11 : memref<!tpu.dma_semaphore, #tpu.memory_space<semaphore_mem>>) src(%dma_wait3A_171 : memref<2x128xi32, #tpu.memory_space<hbm>>) dst(%arg6 : memref<2x128xi32, #tpu.memory_space<vmem>>)
        %dma_start3A_172 = arith.constant 0 : i32
        %dma_start3A_173 = arith.constant 0 : i32
        %dma_start3A_174 = tpu.memref_slice %arg6[%dma_start3A_172, %dma_start3A_173] : memref<2x128xi32, #tpu.memory_space<vmem>> -> memref<1x128xi32, #tpu.memory_space<vmem>>
        %dma_start3A_175 = tpu.memref_squeeze %dma_start3A_174 : memref<1x128xi32, #tpu.memory_space<vmem>> -> memref<128xi32, #tpu.memory_space<vmem>>
        %dma_start3A_176 = arith.constant 0 : i32
        %dma_start3A_177 = arith.constant 0 : i32
        %dma_start3A_178 = tpu.memref_slice %arg2[%dma_start3A_176, %dma_start3A_177] : memref<10240x16xf32, #tpu.memory_space<hbm>> -> memref<10240x16xf32, #tpu.memory_space<hbm>>
        tpu.enqueue_indirect_dma source(%dma_start3A_178 : memref<10240x16xf32, #tpu.memory_space<hbm>>) target(%arg8 : memref<128x16xf32, #tpu.memory_space<vmem>>) offsets(%dma_start3A_175 : memref<128xi32, #tpu.memory_space<vmem>>) semaphore(%arg13 : memref<!tpu.dma_semaphore, #tpu.memory_space<semaphore_mem>>)
      } else {
      }
      %dma_wait3A_79 = arith.constant 0 : i32
      %dma_wait3A_80 = arith.constant 0 : i32
      %dma_wait3A_81 = tpu.memref_slice %arg7[%dma_wait3A_79, %dma_wait3A_80] : memref<2x128xi32, #tpu.memory_space<vmem>> -> memref<1x128xi32, #tpu.memory_space<vmem>>
      %dma_wait3A_82 = tpu.memref_squeeze %dma_wait3A_81 : memref<1x128xi32, #tpu.memory_space<vmem>> -> memref<128xi32, #tpu.memory_space<vmem>>
      %dma_wait3A_83 = arith.constant 0 : i32
      %dma_wait3A_84 = arith.constant 0 : i32
      %dma_wait3A_85 = tpu.memref_slice %arg2[%dma_wait3A_83, %dma_wait3A_84] : memref<10240x16xf32, #tpu.memory_space<hbm>> -> memref<10240x16xf32, #tpu.memory_space<hbm>>
      tpu.wait_indirect_dma semaphore(%arg14 : memref<!tpu.dma_semaphore, #tpu.memory_space<semaphore_mem>>) src(%dma_wait3A_85 : memref<10240x16xf32, #tpu.memory_space<hbm>>) dst(%arg9 : memref<128x16xf32, #tpu.memory_space<vmem>>)
      %run_scoped3A_86 = arith.constant 1 : i32
      "tpu.region"() ({
        %run_scoped3A_152 = tpu.sem_alloc : memref<!tpu.dma_semaphore, #tpu.memory_space<semaphore_mem>>
        %dma_start3A_153 = arith.constant 0 : i32
        %dma_start3A_154 = tpu.memref_slice %arg7[%run_scoped3A_86, %dma_start3A_153] : memref<2x128xi32, #tpu.memory_space<vmem>> -> memref<1x128xi32, #tpu.memory_space<vmem>>
        %dma_start3A_155 = tpu.memref_squeeze %dma_start3A_154 : memref<1x128xi32, #tpu.memory_space<vmem>> -> memref<128xi32, #tpu.memory_space<vmem>>
        %dma_start3A_156 = arith.constant 0 : i32
        %dma_start3A_157 = arith.constant 0 : i32
        %dma_start3A_158 = tpu.memref_slice %arg10[%dma_start3A_156, %dma_start3A_157] : memref<10240x16xf32, #tpu.memory_space<vmem_shared>> -> memref<10240x16xf32, #tpu.memory_space<vmem_shared>>
        tpu.enqueue_indirect_dma source(%arg9 : memref<128x16xf32, #tpu.memory_space<vmem>>) target(%dma_start3A_158 : memref<10240x16xf32, #tpu.memory_space<vmem_shared>>) offsets(%dma_start3A_155 : memref<128xi32, #tpu.memory_space<vmem>>) semaphore(%run_scoped3A_152 : memref<!tpu.dma_semaphore, #tpu.memory_space<semaphore_mem>>) {add = true}
        %dma_wait3A_159 = arith.constant 0 : i32
        %dma_wait3A_160 = tpu.memref_slice %arg7[%run_scoped3A_86, %dma_wait3A_159] : memref<2x128xi32, #tpu.memory_space<vmem>> -> memref<1x128xi32, #tpu.memory_space<vmem>>
        %dma_wait3A_161 = tpu.memref_squeeze %dma_wait3A_160 : memref<1x128xi32, #tpu.memory_space<vmem>> -> memref<128xi32, #tpu.memory_space<vmem>>
        %dma_wait3A_162 = arith.constant 0 : i32
        %dma_wait3A_163 = arith.constant 0 : i32
        %dma_wait3A_164 = tpu.memref_slice %arg10[%dma_wait3A_162, %dma_wait3A_163] : memref<10240x16xf32, #tpu.memory_space<vmem_shared>> -> memref<10240x16xf32, #tpu.memory_space<vmem_shared>>
        tpu.wait_indirect_dma semaphore(%run_scoped3A_152 : memref<!tpu.dma_semaphore, #tpu.memory_space<semaphore_mem>>) src(%arg9 : memref<128x16xf32, #tpu.memory_space<vmem>>) dst(%dma_wait3A_164 : memref<10240x16xf32, #tpu.memory_space<vmem_shared>>)
        tpu.yield
      }) : () -> ()
      %mul3A_87 = arith.constant 2 : i32
      %mul3A_88 = arith.muli %mul3A_87, %scan3A_45 : i32
      %add3A_89 = arith.constant 3 : i32
      %add3A_90 = arith.addi %mul3A_88, %add3A_89 : i32
      %lt3A_91 = arith.constant 80 : i32
      %lt3A_92 = arith.cmpi slt, %add3A_90, %lt3A_91 : i32
      %convert_element_type3A_93 = arith.extui %lt3A_92 : i1 to i32
      %cond3A_94 = arith.constant 0 : i32
      %cond3A_95 = arith.cmpi ne, %convert_element_type3A_93, %cond3A_94 : i32
      scf.if %cond3A_95 {
        %add3A_152 = arith.constant 3 : i32
        %add3A_153 = arith.addi %add3A_48, %add3A_152 : i32
        %dma_start3A_154 = arith.constant 0 : i32
        %dma_start3A_155 = arith.constant 0 : i32
        %dma_start3A_156 = tpu.memref_slice %arg3[%add3A_153, %dma_start3A_154, %dma_start3A_155] : memref<2560x2x128xi32, #tpu.memory_space<hbm>> -> memref<1x2x128xi32, #tpu.memory_space<hbm>>
        %dma_start3A_157 = tpu.memref_squeeze %dma_start3A_156 : memref<1x2x128xi32, #tpu.memory_space<hbm>> -> memref<2x128xi32, #tpu.memory_space<hbm>>
        %dma_start3A_158 = arith.constant 0 : i32
        %dma_start3A_159 = arith.constant 0 : i32
        %dma_start3A_160 = tpu.memref_slice %arg3[%add3A_153, %dma_start3A_158, %dma_start3A_159] : memref<2560x2x128xi32, #tpu.memory_space<hbm>> -> memref<1x2x128xi32, #tpu.memory_space<hbm>>
        %dma_start3A_161 = tpu.memref_squeeze %dma_start3A_160 : memref<1x2x128xi32, #tpu.memory_space<hbm>> -> memref<2x128xi32, #tpu.memory_space<hbm>>
        tpu.enqueue_dma source(%dma_start3A_161 : memref<2x128xi32, #tpu.memory_space<hbm>>) target(%arg7 : memref<2x128xi32, #tpu.memory_space<vmem>>) target_semaphore(%arg12 : memref<!tpu.dma_semaphore, #tpu.memory_space<semaphore_mem>>)
      } else {
      }
      %scan3A_96 = arith.constant 1 : i32
      %scan3A_97 = arith.addi %scan3A_45, %scan3A_96 : i32
      %mul3A_98 = arith.constant 2 : i32
      %mul3A_99 = arith.muli %mul3A_98, %scan3A_97 : i32
      %add3A_100 = arith.addi %mul3A_4, %mul3A_99 : i32
      %add3A_101 = arith.constant 1 : i32
      %add3A_102 = arith.addi %add3A_100, %add3A_101 : i32
      %dma_wait3A_103 = arith.constant 0 : i32
      %dma_wait3A_104 = arith.constant 0 : i32
      %dma_wait3A_105 = tpu.memref_slice %arg3[%add3A_102, %dma_wait3A_103, %dma_wait3A_104] : memref<2560x2x128xi32, #tpu.memory_space<hbm>> -> memref<1x2x128xi32, #tpu.memory_space<hbm>>
      %dma_wait3A_106 = tpu.memref_squeeze %dma_wait3A_105 : memref<1x2x128xi32, #tpu.memory_space<hbm>> -> memref<2x128xi32, #tpu.memory_space<hbm>>
      %dma_wait3A_107 = arith.constant 0 : i32
      %dma_wait3A_108 = arith.constant 0 : i32
      %dma_wait3A_109 = tpu.memref_slice %arg3[%add3A_102, %dma_wait3A_107, %dma_wait3A_108] : memref<2560x2x128xi32, #tpu.memory_space<hbm>> -> memref<1x2x128xi32, #tpu.memory_space<hbm>>
      %dma_wait3A_110 = tpu.memref_squeeze %dma_wait3A_109 : memref<1x2x128xi32, #tpu.memory_space<hbm>> -> memref<2x128xi32, #tpu.memory_space<hbm>>
      tpu.wait_dma2 semaphore(%arg12 : memref<!tpu.dma_semaphore, #tpu.memory_space<semaphore_mem>>) src(%dma_wait3A_110 : memref<2x128xi32, #tpu.memory_space<hbm>>) dst(%arg7 : memref<2x128xi32, #tpu.memory_space<vmem>>)
      %dma_start3A_111 = arith.constant 0 : i32
      %dma_start3A_112 = arith.constant 0 : i32
      %dma_start3A_113 = tpu.memref_slice %arg7[%dma_start3A_111, %dma_start3A_112] : memref<2x128xi32, #tpu.memory_space<vmem>> -> memref<1x128xi32, #tpu.memory_space<vmem>>
      %dma_start3A_114 = tpu.memref_squeeze %dma_start3A_113 : memref<1x128xi32, #tpu.memory_space<vmem>> -> memref<128xi32, #tpu.memory_space<vmem>>
      %dma_start3A_115 = arith.constant 0 : i32
      %dma_start3A_116 = arith.constant 0 : i32
      %dma_start3A_117 = tpu.memref_slice %arg2[%dma_start3A_115, %dma_start3A_116] : memref<10240x16xf32, #tpu.memory_space<hbm>> -> memref<10240x16xf32, #tpu.memory_space<hbm>>
      tpu.enqueue_indirect_dma source(%dma_start3A_117 : memref<10240x16xf32, #tpu.memory_space<hbm>>) target(%arg9 : memref<128x16xf32, #tpu.memory_space<vmem>>) offsets(%dma_start3A_114 : memref<128xi32, #tpu.memory_space<vmem>>) semaphore(%arg14 : memref<!tpu.dma_semaphore, #tpu.memory_space<semaphore_mem>>)
      %dma_wait3A_118 = arith.constant 0 : i32
      %dma_wait3A_119 = arith.constant 0 : i32
      %dma_wait3A_120 = tpu.memref_slice %arg6[%dma_wait3A_118, %dma_wait3A_119] : memref<2x128xi32, #tpu.memory_space<vmem>> -> memref<1x128xi32, #tpu.memory_space<vmem>>
      %dma_wait3A_121 = tpu.memref_squeeze %dma_wait3A_120 : memref<1x128xi32, #tpu.memory_space<vmem>> -> memref<128xi32, #tpu.memory_space<vmem>>
      %dma_wait3A_122 = arith.constant 0 : i32
      %dma_wait3A_123 = arith.constant 0 : i32
      %dma_wait3A_124 = tpu.memref_slice %arg2[%dma_wait3A_122, %dma_wait3A_123] : memref<10240x16xf32, #tpu.memory_space<hbm>> -> memref<10240x16xf32, #tpu.memory_space<hbm>>
      tpu.wait_indirect_dma semaphore(%arg13 : memref<!tpu.dma_semaphore, #tpu.memory_space<semaphore_mem>>) src(%dma_wait3A_124 : memref<10240x16xf32, #tpu.memory_space<hbm>>) dst(%arg8 : memref<128x16xf32, #tpu.memory_space<vmem>>)
      %run_scoped3A_125 = arith.constant 1 : i32
      "tpu.region"() ({
        %run_scoped3A_152 = tpu.sem_alloc : memref<!tpu.dma_semaphore, #tpu.memory_space<semaphore_mem>>
        %dma_start3A_153 = arith.constant 0 : i32
        %dma_start3A_154 = tpu.memref_slice %arg6[%run_scoped3A_125, %dma_start3A_153] : memref<2x128xi32, #tpu.memory_space<vmem>> -> memref<1x128xi32, #tpu.memory_space<vmem>>
        %dma_start3A_155 = tpu.memref_squeeze %dma_start3A_154 : memref<1x128xi32, #tpu.memory_space<vmem>> -> memref<128xi32, #tpu.memory_space<vmem>>
        %dma_start3A_156 = arith.constant 0 : i32
        %dma_start3A_157 = arith.constant 0 : i32
        %dma_start3A_158 = tpu.memref_slice %arg10[%dma_start3A_156, %dma_start3A_157] : memref<10240x16xf32, #tpu.memory_space<vmem_shared>> -> memref<10240x16xf32, #tpu.memory_space<vmem_shared>>
        tpu.enqueue_indirect_dma source(%arg8 : memref<128x16xf32, #tpu.memory_space<vmem>>) target(%dma_start3A_158 : memref<10240x16xf32, #tpu.memory_space<vmem_shared>>) offsets(%dma_start3A_155 : memref<128xi32, #tpu.memory_space<vmem>>) semaphore(%run_scoped3A_152 : memref<!tpu.dma_semaphore, #tpu.memory_space<semaphore_mem>>) {add = true}
        %dma_wait3A_159 = arith.constant 0 : i32
        %dma_wait3A_160 = tpu.memref_slice %arg6[%run_scoped3A_125, %dma_wait3A_159] : memref<2x128xi32, #tpu.memory_space<vmem>> -> memref<1x128xi32, #tpu.memory_space<vmem>>
        %dma_wait3A_161 = tpu.memref_squeeze %dma_wait3A_160 : memref<1x128xi32, #tpu.memory_space<vmem>> -> memref<128xi32, #tpu.memory_space<vmem>>
        %dma_wait3A_162 = arith.constant 0 : i32
        %dma_wait3A_163 = arith.constant 0 : i32
        %dma_wait3A_164 = tpu.memref_slice %arg10[%dma_wait3A_162, %dma_wait3A_163] : memref<10240x16xf32, #tpu.memory_space<vmem_shared>> -> memref<10240x16xf32, #tpu.memory_space<vmem_shared>>
        tpu.wait_indirect_dma semaphore(%run_scoped3A_152 : memref<!tpu.dma_semaphore, #tpu.memory_space<semaphore_mem>>) src(%arg8 : memref<128x16xf32, #tpu.memory_space<vmem>>) dst(%dma_wait3A_164 : memref<10240x16xf32, #tpu.memory_space<vmem_shared>>)
        tpu.yield
      }) : () -> ()
      %mul3A_126 = arith.constant 2 : i32
      %mul3A_127 = arith.muli %mul3A_126, %scan3A_97 : i32
      %add3A_128 = arith.constant 2 : i32
      %add3A_129 = arith.addi %mul3A_127, %add3A_128 : i32
      %lt3A_130 = arith.constant 80 : i32
      %lt3A_131 = arith.cmpi slt, %add3A_129, %lt3A_130 : i32
      %convert_element_type3A_132 = arith.extui %lt3A_131 : i1 to i32
      %cond3A_133 = arith.constant 0 : i32
      %cond3A_134 = arith.cmpi ne, %convert_element_type3A_132, %cond3A_133 : i32
      scf.if %cond3A_134 {
        %add3A_152 = arith.constant 2 : i32
        %add3A_153 = arith.addi %add3A_100, %add3A_152 : i32
        %dma_start3A_154 = arith.constant 0 : i32
        %dma_start3A_155 = arith.constant 0 : i32
        %dma_start3A_156 = tpu.memref_slice %arg3[%add3A_153, %dma_start3A_154, %dma_start3A_155] : memref<2560x2x128xi32, #tpu.memory_space<hbm>> -> memref<1x2x128xi32, #tpu.memory_space<hbm>>
        %dma_start3A_157 = tpu.memref_squeeze %dma_start3A_156 : memref<1x2x128xi32, #tpu.memory_space<hbm>> -> memref<2x128xi32, #tpu.memory_space<hbm>>
        %dma_start3A_158 = arith.constant 0 : i32
        %dma_start3A_159 = arith.constant 0 : i32
        %dma_start3A_160 = tpu.memref_slice %arg3[%add3A_153, %dma_start3A_158, %dma_start3A_159] : memref<2560x2x128xi32, #tpu.memory_space<hbm>> -> memref<1x2x128xi32, #tpu.memory_space<hbm>>
        %dma_start3A_161 = tpu.memref_squeeze %dma_start3A_160 : memref<1x2x128xi32, #tpu.memory_space<hbm>> -> memref<2x128xi32, #tpu.memory_space<hbm>>
        tpu.enqueue_dma source(%dma_start3A_161 : memref<2x128xi32, #tpu.memory_space<hbm>>) target(%arg6 : memref<2x128xi32, #tpu.memory_space<vmem>>) target_semaphore(%arg11 : memref<!tpu.dma_semaphore, #tpu.memory_space<semaphore_mem>>)
        %add3A_162 = arith.constant 2 : i32
        %add3A_163 = arith.addi %add3A_100, %add3A_162 : i32
        %dma_wait3A_164 = arith.constant 0 : i32
        %dma_wait3A_165 = arith.constant 0 : i32
        %dma_wait3A_166 = tpu.memref_slice %arg3[%add3A_163, %dma_wait3A_164, %dma_wait3A_165] : memref<2560x2x128xi32, #tpu.memory_space<hbm>> -> memref<1x2x128xi32, #tpu.memory_space<hbm>>
        %dma_wait3A_167 = tpu.memref_squeeze %dma_wait3A_166 : memref<1x2x128xi32, #tpu.memory_space<hbm>> -> memref<2x128xi32, #tpu.memory_space<hbm>>
        %dma_wait3A_168 = arith.constant 0 : i32
        %dma_wait3A_169 = arith.constant 0 : i32
        %dma_wait3A_170 = tpu.memref_slice %arg3[%add3A_163, %dma_wait3A_168, %dma_wait3A_169] : memref<2560x2x128xi32, #tpu.memory_space<hbm>> -> memref<1x2x128xi32, #tpu.memory_space<hbm>>
        %dma_wait3A_171 = tpu.memref_squeeze %dma_wait3A_170 : memref<1x2x128xi32, #tpu.memory_space<hbm>> -> memref<2x128xi32, #tpu.memory_space<hbm>>
        tpu.wait_dma2 semaphore(%arg11 : memref<!tpu.dma_semaphore, #tpu.memory_space<semaphore_mem>>) src(%dma_wait3A_171 : memref<2x128xi32, #tpu.memory_space<hbm>>) dst(%arg6 : memref<2x128xi32, #tpu.memory_space<vmem>>)
        %dma_start3A_172 = arith.constant 0 : i32
        %dma_start3A_173 = arith.constant 0 : i32
        %dma_start3A_174 = tpu.memref_slice %arg6[%dma_start3A_172, %dma_start3A_173] : memref<2x128xi32, #tpu.memory_space<vmem>> -> memref<1x128xi32, #tpu.memory_space<vmem>>
        %dma_start3A_175 = tpu.memref_squeeze %dma_start3A_174 : memref<1x128xi32, #tpu.memory_space<vmem>> -> memref<128xi32, #tpu.memory_space<vmem>>
        %dma_start3A_176 = arith.constant 0 : i32
        %dma_start3A_177 = arith.constant 0 : i32
        %dma_start3A_178 = tpu.memref_slice %arg2[%dma_start3A_176, %dma_start3A_177] : memref<10240x16xf32, #tpu.memory_space<hbm>> -> memref<10240x16xf32, #tpu.memory_space<hbm>>
        tpu.enqueue_indirect_dma source(%dma_start3A_178 : memref<10240x16xf32, #tpu.memory_space<hbm>>) target(%arg8 : memref<128x16xf32, #tpu.memory_space<vmem>>) offsets(%dma_start3A_175 : memref<128xi32, #tpu.memory_space<vmem>>) semaphore(%arg13 : memref<!tpu.dma_semaphore, #tpu.memory_space<semaphore_mem>>)
      } else {
      }
      %dma_wait3A_135 = arith.constant 0 : i32
      %dma_wait3A_136 = arith.constant 0 : i32
      %dma_wait3A_137 = tpu.memref_slice %arg7[%dma_wait3A_135, %dma_wait3A_136] : memref<2x128xi32, #tpu.memory_space<vmem>> -> memref<1x128xi32, #tpu.memory_space<vmem>>
      %dma_wait3A_138 = tpu.memref_squeeze %dma_wait3A_137 : memref<1x128xi32, #tpu.memory_space<vmem>> -> memref<128xi32, #tpu.memory_space<vmem>>
      %dma_wait3A_139 = arith.constant 0 : i32
      %dma_wait3A_140 = arith.constant 0 : i32
      %dma_wait3A_141 = tpu.memref_slice %arg2[%dma_wait3A_139, %dma_wait3A_140] : memref<10240x16xf32, #tpu.memory_space<hbm>> -> memref<10240x16xf32, #tpu.memory_space<hbm>>
      tpu.wait_indirect_dma semaphore(%arg14 : memref<!tpu.dma_semaphore, #tpu.memory_space<semaphore_mem>>) src(%dma_wait3A_141 : memref<10240x16xf32, #tpu.memory_space<hbm>>) dst(%arg9 : memref<128x16xf32, #tpu.memory_space<vmem>>)
      %run_scoped3A_142 = arith.constant 1 : i32
      "tpu.region"() ({
        %run_scoped3A_152 = tpu.sem_alloc : memref<!tpu.dma_semaphore, #tpu.memory_space<semaphore_mem>>
        %dma_start3A_153 = arith.constant 0 : i32
        %dma_start3A_154 = tpu.memref_slice %arg7[%run_scoped3A_142, %dma_start3A_153] : memref<2x128xi32, #tpu.memory_space<vmem>> -> memref<1x128xi32, #tpu.memory_space<vmem>>
        %dma_start3A_155 = tpu.memref_squeeze %dma_start3A_154 : memref<1x128xi32, #tpu.memory_space<vmem>> -> memref<128xi32, #tpu.memory_space<vmem>>
        %dma_start3A_156 = arith.constant 0 : i32
        %dma_start3A_157 = arith.constant 0 : i32
        %dma_start3A_158 = tpu.memref_slice %arg10[%dma_start3A_156, %dma_start3A_157] : memref<10240x16xf32, #tpu.memory_space<vmem_shared>> -> memref<10240x16xf32, #tpu.memory_space<vmem_shared>>
        tpu.enqueue_indirect_dma source(%arg9 : memref<128x16xf32, #tpu.memory_space<vmem>>) target(%dma_start3A_158 : memref<10240x16xf32, #tpu.memory_space<vmem_shared>>) offsets(%dma_start3A_155 : memref<128xi32, #tpu.memory_space<vmem>>) semaphore(%run_scoped3A_152 : memref<!tpu.dma_semaphore, #tpu.memory_space<semaphore_mem>>) {add = true}
        %dma_wait3A_159 = arith.constant 0 : i32
        %dma_wait3A_160 = tpu.memref_slice %arg7[%run_scoped3A_142, %dma_wait3A_159] : memref<2x128xi32, #tpu.memory_space<vmem>> -> memref<1x128xi32, #tpu.memory_space<vmem>>
        %dma_wait3A_161 = tpu.memref_squeeze %dma_wait3A_160 : memref<1x128xi32, #tpu.memory_space<vmem>> -> memref<128xi32, #tpu.memory_space<vmem>>
        %dma_wait3A_162 = arith.constant 0 : i32
        %dma_wait3A_163 = arith.constant 0 : i32
        %dma_wait3A_164 = tpu.memref_slice %arg10[%dma_wait3A_162, %dma_wait3A_163] : memref<10240x16xf32, #tpu.memory_space<vmem_shared>> -> memref<10240x16xf32, #tpu.memory_space<vmem_shared>>
        tpu.wait_indirect_dma semaphore(%run_scoped3A_152 : memref<!tpu.dma_semaphore, #tpu.memory_space<semaphore_mem>>) src(%arg9 : memref<128x16xf32, #tpu.memory_space<vmem>>) dst(%dma_wait3A_164 : memref<10240x16xf32, #tpu.memory_space<vmem_shared>>)
        tpu.yield
      }) : () -> ()
      %mul3A_143 = arith.constant 2 : i32
      %mul3A_144 = arith.muli %mul3A_143, %scan3A_97 : i32
      %add3A_145 = arith.constant 3 : i32
      %add3A_146 = arith.addi %mul3A_144, %add3A_145 : i32
      %lt3A_147 = arith.constant 80 : i32
      %lt3A_148 = arith.cmpi slt, %add3A_146, %lt3A_147 : i32
      %convert_element_type3A_149 = arith.extui %lt3A_148 : i1 to i32
      %cond3A_150 = arith.constant 0 : i32
      %cond3A_151 = arith.cmpi ne, %convert_element_type3A_149, %cond3A_150 : i32
      scf.if %cond3A_151 {
        %add3A_152 = arith.constant 3 : i32
        %add3A_153 = arith.addi %add3A_100, %add3A_152 : i32
        %dma_start3A_154 = arith.constant 0 : i32
        %dma_start3A_155 = arith.constant 0 : i32
        %dma_start3A_156 = tpu.memref_slice %arg3[%add3A_153, %dma_start3A_154, %dma_start3A_155] : memref<2560x2x128xi32, #tpu.memory_space<hbm>> -> memref<1x2x128xi32, #tpu.memory_space<hbm>>
        %dma_start3A_157 = tpu.memref_squeeze %dma_start3A_156 : memref<1x2x128xi32, #tpu.memory_space<hbm>> -> memref<2x128xi32, #tpu.memory_space<hbm>>
        %dma_start3A_158 = arith.constant 0 : i32
        %dma_start3A_159 = arith.constant 0 : i32
        %dma_start3A_160 = tpu.memref_slice %arg3[%add3A_153, %dma_start3A_158, %dma_start3A_159] : memref<2560x2x128xi32, #tpu.memory_space<hbm>> -> memref<1x2x128xi32, #tpu.memory_space<hbm>>
        %dma_start3A_161 = tpu.memref_squeeze %dma_start3A_160 : memref<1x2x128xi32, #tpu.memory_space<hbm>> -> memref<2x128xi32, #tpu.memory_space<hbm>>
        tpu.enqueue_dma source(%dma_start3A_161 : memref<2x128xi32, #tpu.memory_space<hbm>>) target(%arg7 : memref<2x128xi32, #tpu.memory_space<vmem>>) target_semaphore(%arg12 : memref<!tpu.dma_semaphore, #tpu.memory_space<semaphore_mem>>)
      } else {
      }
    }
    %scan3A_40 = arith.constant 40 : i32
    %barrier3A_41 = arith.constant 0 : index
    tpu.barrier barrier_id(%barrier3A_41)
    %mul3A_42 = arith.constant 10240 : i32
    %mul3A_43 = arith.muli %arg0, %mul3A_42 : i32
    %add3A_44 = arith.addi %mul3A_43, %mul3A_2 : i32
    "tpu.region"() ({
      %run_scoped3A = tpu.sem_alloc : memref<!tpu.dma_semaphore, #tpu.memory_space<semaphore_mem>>
      %dma_start3A_45 = arith.constant 0 : i32
      %dma_start3A_46 = tpu.memref_slice %arg5[%add3A_44, %dma_start3A_45] : memref<20480x16xf32, #tpu.memory_space<hbm>> -> memref<640x16xf32, #tpu.memory_space<hbm>>
      %dma_start3A_47 = arith.constant 0 : i32
      %dma_start3A_48 = tpu.memref_slice %arg10[%mul3A_2, %dma_start3A_47] : memref<10240x16xf32, #tpu.memory_space<vmem_shared>> -> memref<640x16xf32, #tpu.memory_space<vmem_shared>>
      tpu.enqueue_dma source(%dma_start3A_48 : memref<640x16xf32, #tpu.memory_space<vmem_shared>>) target(%dma_start3A_46 : memref<640x16xf32, #tpu.memory_space<hbm>>) target_semaphore(%run_scoped3A : memref<!tpu.dma_semaphore, #tpu.memory_space<semaphore_mem>>)
      %dma_wait3A_49 = arith.constant 0 : i32
      %dma_wait3A_50 = tpu.memref_slice %arg5[%add3A_44, %dma_wait3A_49] : memref<20480x16xf32, #tpu.memory_space<hbm>> -> memref<640x16xf32, #tpu.memory_space<hbm>>
      %dma_wait3A_51 = arith.constant 0 : i32
      %dma_wait3A_52 = tpu.memref_slice %arg10[%mul3A_2, %dma_wait3A_51] : memref<10240x16xf32, #tpu.memory_space<vmem_shared>> -> memref<640x16xf32, #tpu.memory_space<vmem_shared>>
      tpu.wait_dma2 semaphore(%run_scoped3A : memref<!tpu.dma_semaphore, #tpu.memory_space<semaphore_mem>>) src(%dma_wait3A_52 : memref<640x16xf32, #tpu.memory_space<vmem_shared>>) dst(%dma_wait3A_50 : memref<640x16xf32, #tpu.memory_space<hbm>>)
      tpu.yield
    }) : () -> ()
    return
  }
}

module attributes {stable_mosaic.version = 14 : i64} {
  func.func @_tc0_body(%arg0: i32, %arg1: memref<512x128xf32, #tpu.memory_space<vmem>>, %arg2: memref<128x128xf32, #tpu.memory_space<vmem>>, %arg3: memref<512x128xf32, #tpu.memory_space<vmem>>, %arg4: memref<512x128xf32, #tpu.memory_space<vmem>>) attributes {dimension_semantics = [#tpu.dimension_semantics<arbitrary>], iteration_bounds = array<i64: 20>, scalar_prefetch = 0 : i64, scratch_operands = 0 : i64, tpu.core_type = #tpu.core_type<tc>, window_params = [{transform_indices = @transform_0, window_bounds = array<i64: 512, 128>}, {pipeline_mode = #tpu.pipeline_mode<synchronous>, transform_indices = @transform_1, window_bounds = array<i64: 128, 128>}, {transform_indices = @transform_2, window_bounds = array<i64: 512, 128>}, {transform_indices = @transform_3, window_bounds = array<i64: 512, 128>}]} {
    %get3A = arith.constant 0 : index
    %get3A_0 = arith.constant 0 : index
    %get3A_1 = vector.load %arg1[%get3A, %get3A_0] : memref<512x128xf32, #tpu.memory_space<vmem>>, vector<512x128xf32>
    %get3A_2 = arith.constant 0 : index
    %get3A_3 = arith.constant 0 : index
    %get3A_4 = vector.load %arg2[%get3A_2, %get3A_3] : memref<128x128xf32, #tpu.memory_space<vmem>>, vector<128x128xf32>
    %dot_general3A = arith.constant dense<0.000000e+00> : vector<512x128xf32>
    %dot_general3A_5 = tpu.matmul %get3A_1, %get3A_4, %dot_general3A {dimension_numbers = #tpu.dot_dimension_numbers<[1], [0], [0], [1], [0, 0, 1, 1], [], []>, transpose_lhs_hint = false} : vector<512x128xf32>, vector<128x128xf32>, vector<512x128xf32> -> vector<512x128xf32>
    %get3A_6 = arith.constant 0 : index
    %get3A_7 = arith.constant 0 : index
    %get3A_8 = vector.load %arg3[%get3A_6, %get3A_7] : memref<512x128xf32, #tpu.memory_space<vmem>>, vector<512x128xf32>
    %mul3A = arith.mulf %dot_general3A_5, %get3A_8 : vector<512x128xf32>
    %swap3A = arith.constant 0 : index
    %swap3A_9 = arith.constant 0 : index
    %swap3A_10 = vector.load %arg4[%swap3A, %swap3A_9] : memref<512x128xf32, #tpu.memory_space<vmem>>, vector<512x128xf32>
    tpu.vector_store %arg4[%swap3A, %swap3A_9], %mul3A {strides = array<i32>} : memref<512x128xf32, #tpu.memory_space<vmem>>, vector<512x128xf32>,
    return
  }
  func.func @transform_0(%arg0: i32) -> (i32, i32) {
    %c0_i32 = arith.constant 0 : i32
    %c0_i32_0 = arith.constant 0 : i32
    return %arg0, %c0_i32 : i32, i32
  }
  func.func @transform_1(%arg0: i32) -> (i32, i32) {
    %c0_i32 = arith.constant 0 : i32
    %c0_i32_0 = arith.constant 0 : i32
    %c0_i32_1 = arith.constant 0 : i32
    return %c0_i32, %c0_i32_0 : i32, i32
  }
  func.func @transform_2(%arg0: i32) -> (i32, i32) {
    %c0_i32 = arith.constant 0 : i32
    %c0_i32_0 = arith.constant 0 : i32
    return %arg0, %c0_i32 : i32, i32
  }
  func.func @transform_3(%arg0: i32) -> (i32, i32) {
    %c0_i32 = arith.constant 0 : i32
    %c0_i32_0 = arith.constant 0 : i32
    return %arg0, %c0_i32 : i32, i32
  }
}

module attributes {stable_mosaic.version = 14 : i64} {
  func.func @_tc_mid_body(%arg0: i32, %arg1: memref<512x128xf32, #tpu.memory_space<vmem>>, %arg2: memref<512x128xf32, #tpu.memory_space<vmem>>, %arg3: memref<512x128xf32, #tpu.memory_space<vmem>>, %arg4: memref<512x128xf32, #tpu.memory_space<vmem>>, %arg5: memref<128x128xf32, #tpu.memory_space<vmem>>, %arg6: memref<1x128xf32, #tpu.memory_space<vmem>>, %arg7: memref<512x128xf32, #tpu.memory_space<vmem>>) attributes {dimension_semantics = [#tpu.dimension_semantics<arbitrary>], iteration_bounds = array<i64: 20>, scalar_prefetch = 0 : i64, scratch_operands = 0 : i64, tpu.core_type = #tpu.core_type<tc>, window_params = [{transform_indices = @transform_0, window_bounds = array<i64: 512, 128>}, {transform_indices = @transform_1, window_bounds = array<i64: 512, 128>}, {transform_indices = @transform_2, window_bounds = array<i64: 512, 128>}, {transform_indices = @transform_3, window_bounds = array<i64: 512, 128>}, {pipeline_mode = #tpu.pipeline_mode<synchronous>, transform_indices = @transform_4, window_bounds = array<i64: 128, 128>}, {pipeline_mode = #tpu.pipeline_mode<synchronous>, transform_indices = @transform_5, window_bounds = array<i64: 1, 128>}, {transform_indices = @transform_6, window_bounds = array<i64: 512, 128>}]} {
    %get3A = arith.constant 0 : index
    %get3A_0 = arith.constant 0 : index
    %get3A_1 = vector.load %arg4[%get3A, %get3A_0] : memref<512x128xf32, #tpu.memory_space<vmem>>, vector<512x128xf32>
    %get3A_2 = arith.constant 0 : index
    %get3A_3 = arith.constant 0 : index
    %get3A_4 = vector.load %arg1[%get3A_2, %get3A_3] : memref<512x128xf32, #tpu.memory_space<vmem>>, vector<512x128xf32>
    %get3A_5 = arith.constant 0 : index
    %get3A_6 = arith.constant 0 : index
    %get3A_7 = vector.load %arg2[%get3A_5, %get3A_6] : memref<512x128xf32, #tpu.memory_space<vmem>>, vector<512x128xf32>
    %add3A = arith.addf %get3A_4, %get3A_7 : vector<512x128xf32>
    %get3A_8 = arith.constant 0 : index
    %get3A_9 = arith.constant 0 : index
    %get3A_10 = vector.load %arg3[%get3A_8, %get3A_9] : memref<512x128xf32, #tpu.memory_space<vmem>>, vector<512x128xf32>
    %add3A_11 = arith.addf %add3A, %get3A_10 : vector<512x128xf32>
    %mul3A = arith.mulf %get3A_1, %add3A_11 : vector<512x128xf32>
    %get3A_12 = arith.constant 0 : index
    %get3A_13 = arith.constant 0 : index
    %get3A_14 = vector.load %arg6[%get3A_12, %get3A_13] : memref<1x128xf32, #tpu.memory_space<vmem>>, vector<1x128xf32>
    %add3A_15 = vector.broadcast %get3A_14 : vector<1x128xf32> to vector<512x128xf32>
    %add3A_16 = arith.addf %mul3A, %add3A_15 : vector<512x128xf32>
    %max3A = arith.constant 0.000000e+00 : f32
    %max3A_17 = vector.broadcast %max3A : f32 to vector<512x128xf32>
    %max3A_18 = arith.maximumf %add3A_16, %max3A_17 : vector<512x128xf32>
    %get3A_19 = arith.constant 0 : index
    %get3A_20 = arith.constant 0 : index
    %get3A_21 = vector.load %arg4[%get3A_19, %get3A_20] : memref<512x128xf32, #tpu.memory_space<vmem>>, vector<512x128xf32>
    %get3A_22 = arith.constant 0 : index
    %get3A_23 = arith.constant 0 : index
    %get3A_24 = vector.load %arg5[%get3A_22, %get3A_23] : memref<128x128xf32, #tpu.memory_space<vmem>>, vector<128x128xf32>
    %dot_general3A = arith.constant dense<0.000000e+00> : vector<512x128xf32>
    %dot_general3A_25 = tpu.matmul %max3A_18, %get3A_24, %dot_general3A {dimension_numbers = #tpu.dot_dimension_numbers<[1], [0], [0], [1], [0, 0, 1, 1], [], []>, transpose_lhs_hint = false} : vector<512x128xf32>, vector<128x128xf32>, vector<512x128xf32> -> vector<512x128xf32>
    %mul3A_26 = arith.mulf %get3A_21, %dot_general3A_25 : vector<512x128xf32>
    %swap3A = arith.constant 0 : index
    %swap3A_27 = arith.constant 0 : index
    %swap3A_28 = vector.load %arg7[%swap3A, %swap3A_27] : memref<512x128xf32, #tpu.memory_space<vmem>>, vector<512x128xf32>
    tpu.vector_store %arg7[%swap3A, %swap3A_27], %mul3A_26 {strides = array<i32>} : memref<512x128xf32, #tpu.memory_space<vmem>>, vector<512x128xf32>,
    return
  }
  func.func @transform_0(%arg0: i32) -> (i32, i32) {
    %c0_i32 = arith.constant 0 : i32
    %c0_i32_0 = arith.constant 0 : i32
    return %arg0, %c0_i32 : i32, i32
  }
  func.func @transform_1(%arg0: i32) -> (i32, i32) {
    %add3A = arith.constant 20 : i32
    %add3A_0 = arith.addi %arg0, %add3A : i32
    %c0_i32 = arith.constant 0 : i32
    %c0_i32_1 = arith.constant 0 : i32
    return %add3A_0, %c0_i32 : i32, i32
  }
  func.func @transform_2(%arg0: i32) -> (i32, i32) {
    %c0_i32 = arith.constant 0 : i32
    %c0_i32_0 = arith.constant 0 : i32
    return %arg0, %c0_i32 : i32, i32
  }
  func.func @transform_3(%arg0: i32) -> (i32, i32) {
    %c0_i32 = arith.constant 0 : i32
    %c0_i32_0 = arith.constant 0 : i32
    return %arg0, %c0_i32 : i32, i32
  }
  func.func @transform_4(%arg0: i32) -> (i32, i32) {
    %c0_i32 = arith.constant 0 : i32
    %c0_i32_0 = arith.constant 0 : i32
    %c0_i32_1 = arith.constant 0 : i32
    return %c0_i32, %c0_i32_0 : i32, i32
  }
  func.func @transform_5(%arg0: i32) -> (i32, i32) {
    %c0_i32 = arith.constant 0 : i32
    %c0_i32_0 = arith.constant 0 : i32
    %c0_i32_1 = arith.constant 0 : i32
    return %c0_i32, %c0_i32_0 : i32, i32
  }
  func.func @transform_6(%arg0: i32) -> (i32, i32) {
    %c0_i32 = arith.constant 0 : i32
    %c0_i32_0 = arith.constant 0 : i32
    return %arg0, %c0_i32 : i32, i32
  }
}

module attributes {stable_mosaic.version = 14 : i64} {
  func.func @_tc4_body(%arg0: i32, %arg1: memref<512x128xf32, #tpu.memory_space<vmem>>, %arg2: memref<512x128xf32, #tpu.memory_space<vmem>>, %arg3: memref<512x128xf32, #tpu.memory_space<vmem>>, %arg4: memref<512x128xf32, #tpu.memory_space<vmem>>, %arg5: memref<1x128xf32, #tpu.memory_space<vmem>>, %arg6: memref<128x16xf32, #tpu.memory_space<vmem>>, %arg7: memref<512x16xf32, #tpu.memory_space<vmem>>, %arg8: memref<512x16xf32, #tpu.memory_space<vmem>>) attributes {dimension_semantics = [#tpu.dimension_semantics<arbitrary>], iteration_bounds = array<i64: 20>, scalar_prefetch = 0 : i64, scratch_operands = 0 : i64, tpu.core_type = #tpu.core_type<tc>, window_params = [{transform_indices = @transform_0, window_bounds = array<i64: 512, 128>}, {transform_indices = @transform_1, window_bounds = array<i64: 512, 128>}, {transform_indices = @transform_2, window_bounds = array<i64: 512, 128>}, {transform_indices = @transform_3, window_bounds = array<i64: 512, 128>}, {pipeline_mode = #tpu.pipeline_mode<synchronous>, transform_indices = @transform_4, window_bounds = array<i64: 1, 128>}, {pipeline_mode = #tpu.pipeline_mode<synchronous>, transform_indices = @transform_5, window_bounds = array<i64: 128, 16>}, {transform_indices = @transform_6, window_bounds = array<i64: 512, 16>}, {transform_indices = @transform_7, window_bounds = array<i64: 512, 16>}]} {
    %get3A = arith.constant 0 : index
    %get3A_0 = arith.constant 0 : index
    %get3A_1 = vector.load %arg4[%get3A, %get3A_0] : memref<512x128xf32, #tpu.memory_space<vmem>>, vector<512x128xf32>
    %get3A_2 = arith.constant 0 : index
    %get3A_3 = arith.constant 0 : index
    %get3A_4 = vector.load %arg1[%get3A_2, %get3A_3] : memref<512x128xf32, #tpu.memory_space<vmem>>, vector<512x128xf32>
    %get3A_5 = arith.constant 0 : index
    %get3A_6 = arith.constant 0 : index
    %get3A_7 = vector.load %arg2[%get3A_5, %get3A_6] : memref<512x128xf32, #tpu.memory_space<vmem>>, vector<512x128xf32>
    %add3A = arith.addf %get3A_4, %get3A_7 : vector<512x128xf32>
    %get3A_8 = arith.constant 0 : index
    %get3A_9 = arith.constant 0 : index
    %get3A_10 = vector.load %arg3[%get3A_8, %get3A_9] : memref<512x128xf32, #tpu.memory_space<vmem>>, vector<512x128xf32>
    %add3A_11 = arith.addf %add3A, %get3A_10 : vector<512x128xf32>
    %mul3A = arith.mulf %get3A_1, %add3A_11 : vector<512x128xf32>
    %get3A_12 = arith.constant 0 : index
    %get3A_13 = arith.constant 0 : index
    %get3A_14 = vector.load %arg5[%get3A_12, %get3A_13] : memref<1x128xf32, #tpu.memory_space<vmem>>, vector<1x128xf32>
    %add3A_15 = vector.broadcast %get3A_14 : vector<1x128xf32> to vector<512x128xf32>
    %add3A_16 = arith.addf %mul3A, %add3A_15 : vector<512x128xf32>
    %max3A = arith.constant 0.000000e+00 : f32
    %max3A_17 = vector.broadcast %max3A : f32 to vector<512x128xf32>
    %max3A_18 = arith.maximumf %add3A_16, %max3A_17 : vector<512x128xf32>
    %get3A_19 = arith.constant 0 : index
    %get3A_20 = arith.constant 0 : index
    %get3A_21 = vector.load %arg7[%get3A_19, %get3A_20] : memref<512x16xf32, #tpu.memory_space<vmem>>, vector<512x16xf32>
    %get3A_22 = arith.constant 0 : index
    %get3A_23 = arith.constant 0 : index
    %get3A_24 = vector.load %arg6[%get3A_22, %get3A_23] : memref<128x16xf32, #tpu.memory_space<vmem>>, vector<128x16xf32>
    %dot_general3A = arith.constant dense<0.000000e+00> : vector<512x16xf32>
    %dot_general3A_25 = tpu.matmul %max3A_18, %get3A_24, %dot_general3A {dimension_numbers = #tpu.dot_dimension_numbers<[1], [0], [0], [1], [0, 0, 1, 1], [], []>, transpose_lhs_hint = false} : vector<512x128xf32>, vector<128x16xf32>, vector<512x16xf32> -> vector<512x16xf32>
    %mul3A_26 = arith.mulf %get3A_21, %dot_general3A_25 : vector<512x16xf32>
    %swap3A = arith.constant 0 : index
    %swap3A_27 = arith.constant 0 : index
    %swap3A_28 = vector.load %arg8[%swap3A, %swap3A_27] : memref<512x16xf32, #tpu.memory_space<vmem>>, vector<512x16xf32>
    tpu.vector_store %arg8[%swap3A, %swap3A_27], %mul3A_26 {strides = array<i32>} : memref<512x16xf32, #tpu.memory_space<vmem>>, vector<512x16xf32>,
    return
  }
  func.func @transform_0(%arg0: i32) -> (i32, i32) {
    %c0_i32 = arith.constant 0 : i32
    %c0_i32_0 = arith.constant 0 : i32
    return %arg0, %c0_i32 : i32, i32
  }
  func.func @transform_1(%arg0: i32) -> (i32, i32) {
    %add3A = arith.constant 20 : i32
    %add3A_0 = arith.addi %arg0, %add3A : i32
    %c0_i32 = arith.constant 0 : i32
    %c0_i32_1 = arith.constant 0 : i32
    return %add3A_0, %c0_i32 : i32, i32
  }
  func.func @transform_2(%arg0: i32) -> (i32, i32) {
    %c0_i32 = arith.constant 0 : i32
    %c0_i32_0 = arith.constant 0 : i32
    return %arg0, %c0_i32 : i32, i32
  }
  func.func @transform_3(%arg0: i32) -> (i32, i32) {
    %c0_i32 = arith.constant 0 : i32
    %c0_i32_0 = arith.constant 0 : i32
    return %arg0, %c0_i32 : i32, i32
  }
  func.func @transform_4(%arg0: i32) -> (i32, i32) {
    %c0_i32 = arith.constant 0 : i32
    %c0_i32_0 = arith.constant 0 : i32
    %c0_i32_1 = arith.constant 0 : i32
    return %c0_i32, %c0_i32_0 : i32, i32
  }
  func.func @transform_5(%arg0: i32) -> (i32, i32) {
    %c0_i32 = arith.constant 0 : i32
    %c0_i32_0 = arith.constant 0 : i32
    %c0_i32_1 = arith.constant 0 : i32
    return %c0_i32, %c0_i32_0 : i32, i32
  }
  func.func @transform_6(%arg0: i32) -> (i32, i32) {
    %c0_i32 = arith.constant 0 : i32
    %c0_i32_0 = arith.constant 0 : i32
    return %arg0, %c0_i32 : i32, i32
  }
  func.func @transform_7(%arg0: i32) -> (i32, i32) {
    %c0_i32 = arith.constant 0 : i32
    %c0_i32_0 = arith.constant 0 : i32
    return %arg0, %c0_i32 : i32, i32
  }
}

module attributes {stable_mosaic.version = 14 : i64} {
  func.func @_tc_final_body(%arg0: i32, %arg1: memref<512x16xf32, #tpu.memory_space<vmem>>, %arg2: memref<512x16xf32, #tpu.memory_space<vmem>>, %arg3: memref<512x16xf32, #tpu.memory_space<vmem>>, %arg4: memref<512x16xf32, #tpu.memory_space<vmem>>, %arg5: memref<1x16xf32, #tpu.memory_space<vmem>>, %arg6: memref<512x16xf32, #tpu.memory_space<vmem>>) attributes {dimension_semantics = [#tpu.dimension_semantics<arbitrary>], iteration_bounds = array<i64: 20>, scalar_prefetch = 0 : i64, scratch_operands = 0 : i64, tpu.core_type = #tpu.core_type<tc>, window_params = [{transform_indices = @transform_0, window_bounds = array<i64: 512, 16>}, {transform_indices = @transform_1, window_bounds = array<i64: 512, 16>}, {transform_indices = @transform_2, window_bounds = array<i64: 512, 16>}, {transform_indices = @transform_3, window_bounds = array<i64: 512, 16>}, {pipeline_mode = #tpu.pipeline_mode<synchronous>, transform_indices = @transform_4, window_bounds = array<i64: 1, 16>}, {transform_indices = @transform_5, window_bounds = array<i64: 512, 16>}]} {
    %get3A = arith.constant 0 : index
    %get3A_0 = arith.constant 0 : index
    %get3A_1 = vector.load %arg4[%get3A, %get3A_0] : memref<512x16xf32, #tpu.memory_space<vmem>>, vector<512x16xf32>
    %get3A_2 = arith.constant 0 : index
    %get3A_3 = arith.constant 0 : index
    %get3A_4 = vector.load %arg1[%get3A_2, %get3A_3] : memref<512x16xf32, #tpu.memory_space<vmem>>, vector<512x16xf32>
    %get3A_5 = arith.constant 0 : index
    %get3A_6 = arith.constant 0 : index
    %get3A_7 = vector.load %arg2[%get3A_5, %get3A_6] : memref<512x16xf32, #tpu.memory_space<vmem>>, vector<512x16xf32>
    %add3A = arith.addf %get3A_4, %get3A_7 : vector<512x16xf32>
    %get3A_8 = arith.constant 0 : index
    %get3A_9 = arith.constant 0 : index
    %get3A_10 = vector.load %arg3[%get3A_8, %get3A_9] : memref<512x16xf32, #tpu.memory_space<vmem>>, vector<512x16xf32>
    %add3A_11 = arith.addf %add3A, %get3A_10 : vector<512x16xf32>
    %mul3A = arith.mulf %get3A_1, %add3A_11 : vector<512x16xf32>
    %get3A_12 = arith.constant 0 : index
    %get3A_13 = arith.constant 0 : index
    %get3A_14 = vector.load %arg5[%get3A_12, %get3A_13] : memref<1x16xf32, #tpu.memory_space<vmem>>, vector<1x16xf32>
    %add3A_15 = vector.broadcast %get3A_14 : vector<1x16xf32> to vector<512x16xf32>
    %add3A_16 = arith.addf %mul3A, %add3A_15 : vector<512x16xf32>
    %swap3A = arith.constant 0 : index
    %swap3A_17 = arith.constant 0 : index
    %swap3A_18 = vector.load %arg6[%swap3A, %swap3A_17] : memref<512x16xf32, #tpu.memory_space<vmem>>, vector<512x16xf32>
    tpu.vector_store %arg6[%swap3A, %swap3A_17], %add3A_16 {strides = array<i32>} : memref<512x16xf32, #tpu.memory_space<vmem>>, vector<512x16xf32>,
    return
  }
  func.func @transform_0(%arg0: i32) -> (i32, i32) {
    %c0_i32 = arith.constant 0 : i32
    %c0_i32_0 = arith.constant 0 : i32
    return %arg0, %c0_i32 : i32, i32
  }
  func.func @transform_1(%arg0: i32) -> (i32, i32) {
    %add3A = arith.constant 20 : i32
    %add3A_0 = arith.addi %arg0, %add3A : i32
    %c0_i32 = arith.constant 0 : i32
    %c0_i32_1 = arith.constant 0 : i32
    return %add3A_0, %c0_i32 : i32, i32
  }
  func.func @transform_2(%arg0: i32) -> (i32, i32) {
    %c0_i32 = arith.constant 0 : i32
    %c0_i32_0 = arith.constant 0 : i32
    return %arg0, %c0_i32 : i32, i32
  }
  func.func @transform_3(%arg0: i32) -> (i32, i32) {
    %c0_i32 = arith.constant 0 : i32
    %c0_i32_0 = arith.constant 0 : i32
    return %arg0, %c0_i32 : i32, i32
  }
  func.func @transform_4(%arg0: i32) -> (i32, i32) {
    %c0_i32 = arith.constant 0 : i32
    %c0_i32_0 = arith.constant 0 : i32
    %c0_i32_1 = arith.constant 0 : i32
    return %c0_i32, %c0_i32_0 : i32, i32
  }
  func.func @transform_5(%arg0: i32) -> (i32, i32) {
    %c0_i32 = arith.constant 0 : i32
    %c0_i32_0 = arith.constant 0 : i32
    return %arg0, %c0_i32 : i32, i32
  }
}

</mosaic_0001>

<sc_bundles>
// kernel: kernel.14.cloned.1.call-start
scs
__scs_entry_jumppad:
0x0: {  	(pc) =	sbr.rel $0x88, $3  }
0x1: {  	(tag) =	ssettag $0x0;
	lr =	simm.s32 $0x1  }
0x2: {  	[smem:$0x3F95] =	sst lr;
	_ =	strace $0xD0000000  }
0x3: {  	_ = 	snop  }
0x4: {  	_ = 	snop  }
0x5: {  	_ = 	snop  }
0x6: {  	_ = 	snop  }
0x7: {  	_ = 	snop  }
__scs_overlays_trampoline_lowered:
0x8: {  	[smem:$0x3FA4] =	sst s0  }
0x9: {  	[smem:$0x3FA5] =	sst s1  }
0xa: {  	[smem:$0x3FA6] =	sst s2  }
0xb: {  	[smem:$0x3FA7] =	sst s3  }
0xc: {  	[smem:$0x3FA8] =	sst s4  }
0xd: {  	[smem:$0x3FA9] =	sst s5  }
0xe: {  	[smem:$0x3FAA] =	sst s6  }
0xf: {  	[smem:$0x3FAB] =	sst s7  }
0x10: {  	[smem:$0x3FAC] =	sst s8  }
0x11: {  	[smem:$0x3FAD] =	sst s9;
	s0 =	simm.s32 @!p0 $0x0  }
0x12: {  	s1 =	sld [smem:$0x3F93];
	s0 =	simm.s32 @p0 $0x1  }
0x13: {  	[smem:$0x3FAE] =	sst s0;
	s0 =	simm.s32 @!p1 $0x0  }
0x14: {  	s2 =	sld [smem:$0x3F92];
	s0 =	simm.s32 @p1 $0x1  }
0x15: {  	[smem:$0x3FAF] =	sst s0;
	s0 =	simm.s32 @!p2 $0x0  }
0x16: {  	s3 =	sld [smem:$0x3FDB];
	s0 =	simm.s32 @p2 $0x1  }
0x17: {  	s4 =	simm.s32 $0x1BF5;
	[smem:$0x3FB1] =	sst s0  }
0x18: {  	s0 =	sld [smem:$0x3F94];
	_ =	swait.ge [sflag:s4], $0x0  }
0x19: {  	s7 =	sld [smem:$0x3F95]  }
0x1a: {  	s8 =	sadd.s32 $0xFFFFE003, lr  }
0x1b: {  	s9 =	sadd.s32 $0xFFFFFEF7, lr;
	s5 =	simm.s32 $0xFFFFFFFF;
	p2 =	slt.u32 s8, $0xFFFFF086  }
0x1c: {  	p1 =	slt.u32 s9, $0xF7A;
	s5 =	simm.s32 @!p2 $0x0  }
0x1d: {  	s5 =	simm.s32 @p1 $0x1;
	p0 =	seq.s32 s7, s2  }
0x1e: {  	s7 =	smul.u32 @!p0 $0xF7A, s2;
	p2 =	seq.s32 @!p0 s5, $0x0  }
0x1f: {  	s9 =	smul.u32 $0xF7A, s1;
	s8 =	simm.s32 @!p0 $0x1BF5;
	p2 =	por !p2, p0  }
0x20: {  	[sflag:s8] =	ssyncset.s32 @!p0 $0xFFFFF086;
	s6 =	sadd.s32 @!p0 s3, s7;
	s7 =	simm.s32 @!p0 $0x108  }
0x21: {  	s3 =	sadd.s32 s3, s9;
	s6 =	sadd.s32 @!p0 $0x88, s6;
	s7 =	simm.s32 @p2 $0x1082  }
0x22: {  	[simem:s7], [sflag:s8] =	dma.local @!p0 [hbm:s6], $0xF7A  }
0x23: {  	s9 =	sor.u32 $0xD0000000, s2;
	s6 =	simm.s32 $0x108;
	_ =	swait.ge @!p0 [sflag:s8], $0x0  }
0x24: {  	s3 =	sadd.s32 $0x88, s3;
	s6 =	simm.s32 @!p1 $0x1082;
	[sflag:s4] =	ssyncset.s32 $0xFFFFF086  }
0x25: {  	[simem:s6], [sflag:s4] =	dma.local [hbm:s3], $0xF7A  }
0x26: {  	[smem:$0x3F95] =	sst s1;
	(tag) =	ssettag s2;
	_ =	strace s9  }
0x27: {  	s1 =	sld [smem:$0x3FA5]  }
0x28: {  	s2 =	sld [smem:$0x3FA6]  }
0x29: {  	s4 =	sld [smem:$0x3FA8]  }
0x2a: {  	p0 =	seq.s32 s5, $0x0;
	s5 =	sld [smem:$0x3FA9]  }
0x2b: {  	s6 =	sld [smem:$0x3FAA]  }
0x2c: {  	s7 =	sld [smem:$0x3FAB]  }
0x2d: {  	s3 =	simm.s32 $0x108;
	s8 =	sld [smem:$0x3FAC]  }
0x2e: {  	s3 =	simm.s32 @!p0 $0x1082;
	s9 =	sld [smem:$0x3FAD]  }
0x2f: {  	lr =	sadd.s32 s0, s3;
	s0 =	sld [smem:$0x3FA4]  }
0x30: {  	s3 =	sld [smem:$0x3FA7]  }
0x31: {  	[smem:$0x3FB0] =	sst s10  }
0x32: {  	s10 =	sld [smem:$0x3FAE];
	_ =	sdelay $0x3  }
0x33: {  	p0 =	seq.s32 s10, $0x1;
	s10 =	sld [smem:$0x3FB0];
	_ =	sdelay $0x3  }
0x34: {  	[smem:$0x3FB0] =	sst s10  }
0x35: {  	s10 =	sld [smem:$0x3FAF];
	_ =	sdelay $0x3  }
0x36: {  	p1 =	seq.s32 s10, $0x1;
	s10 =	sld [smem:$0x3FB0];
	_ =	sdelay $0x3  }
0x37: {  	[smem:$0x3FB0] =	sst s10  }
0x38: {  	s10 =	sld [smem:$0x3FB1]  }
0x39: {  	_ = 	snop;
	(pc) =	sbr.ind lr, $3  }
0x3a: {  	_ = 	snop  }
0x3b: {  	_ = 	snop  }
0x3c: {  	p2 =	seq.s32 s10, $0x1;
	s10 =	sld [smem:$0x3FB0]  }
0x3d: {  	_ =	shalt  }
0x3e: {  	_ =	shalt  }
0x3f: {  	_ =	shalt  }
0x40: {  	_ =	shalt  }
0x41: {  	_ =	shalt  }
0x42: {  	_ =	shalt  }
0x43: {  	_ =	shalt  }
0x44: {  	_ =	shalt  }
0x45: {  	_ =	shalt  }
0x46: {  	_ =	shalt  }
0x47: {  	_ =	shalt  }
0x48: {  	_ =	shalt  }
0x49: {  	_ =	shalt  }
0x4a: {  	_ =	shalt  }
0x4b: {  	_ =	shalt  }
0x4c: {  	_ =	shalt  }
0x4d: {  	_ =	shalt  }
0x4e: {  	_ =	shalt  }
0x4f: {  	_ =	shalt  }
0x50: {  	_ =	shalt  }
0x51: {  	_ =	shalt  }
0x52: {  	_ =	shalt  }
0x53: {  	_ =	shalt  }
0x54: {  	_ =	shalt  }
0x55: {  	_ =	shalt  }
0x56: {  	_ =	shalt  }
0x57: {  	_ =	shalt  }
0x58: {  	_ =	shalt  }
0x59: {  	_ =	shalt  }
0x5a: {  	_ =	shalt  }
0x5b: {  	_ =	shalt  }
0x5c: {  	_ =	shalt  }
0x5d: {  	_ =	shalt  }
0x5e: {  	_ =	shalt  }
0x5f: {  	_ =	shalt  }
0x60: {  	_ =	shalt  }
0x61: {  	_ =	shalt  }
0x62: {  	_ =	shalt  }
0x63: {  	_ =	shalt  }
0x64: {  	_ =	shalt  }
0x65: {  	_ =	shalt  }
0x66: {  	_ =	shalt  }
0x67: {  	_ =	shalt  }
0x68: {  	_ =	shalt  }
0x69: {  	_ =	shalt  }
0x6a: {  	_ =	shalt  }
0x6b: {  	_ =	shalt  }
0x6c: {  	_ =	shalt  }
0x6d: {  	_ =	shalt  }
0x6e: {  	_ =	shalt  }
0x6f: {  	_ =	shalt  }
0x70: {  	_ =	shalt  }
0x71: {  	_ =	shalt  }
0x72: {  	_ =	shalt  }
0x73: {  	_ =	shalt  }
0x74: {  	_ =	shalt  }
0x75: {  	_ =	shalt  }
0x76: {  	_ =	shalt  }
0x77: {  	_ =	shalt  }
0x78: {  	_ =	shalt  }
0x79: {  	_ =	shalt  }
0x7a: {  	_ =	shalt  }
0x7b: {  	_ =	shalt  }
0x7c: {  	_ =	shalt  }
0x7d: {  	_ =	shalt  }
0x7e: {  	_ =	shalt  }
0x7f: {  	_ =	shalt  }
0x80: {  	_ =	shalt  }
0x81: {  	_ =	shalt  }
0x82: {  	_ =	shalt  }
0x83: {  	_ =	shalt  }
0x84: {  	_ =	shalt  }
0x85: {  	_ =	shalt  }
0x86: {  	_ =	shalt  }
0x87: {  	_ =	shalt  }
.Lfunc_end0:
.L_simem_size_0:
called_computation_lowered:
.L_overlay_start_0:
0x88: {  	s2 =	sld [smem:$0x3FD9]  }
0x89: {  	s3 =	sld [smem:$0x3FFE];
	_ =	sdelay $0x1  }
0x8a: {  	s1 =	srdreg.scid  }
0x8b: {  	s0 =	sand.u32 $0x1, s1  }
0x8c: {  	s17 =	sshll.u32 s0, $0xA;
	s2 =	sadd.s32 s3, s2  }
0x8d: {  	s2 =	sadd.s32 s2, s17  }
0x8e: {  	[smem:$0x3FBC] =	sst s2  }
0x8f: {  	_ = 	snop  }
0x90: {  	s2 =	sld [smem:$0x3FD0];
	(tm) =	ssettm $0x1  }
0x91: {  	s18 =	sld [smem:$0x3FFB];
	_ =	sdelay $0x3  }
0x92: {  	_ =	strace s18  }
0x93: {  	s3 =	sld [smem:$0x3FFC];
	_ =	sdelay $0x3  }
0x94: {  	_ =	strace s3  }
0x95: {  	s3 =	sld [smem:$0x3FFD];
	_ =	sdelay $0x3  }
0x96: {  	_ =	strace s3  }
0x97: {  	_ =	strace $0x8FFFFFFF  }
0x98: {  	s19 =	sld [smem:$0x3FDB];
	_ =	sdelay $0x1  }
0x99: {  	s4 =	simm.s32 $_scs_section_size  }
0x9a: {  	s5 =	simm.s32 $_size__tile_overlayer_lowered;
	s6 =	simm.s32 $_tile_overlayer_lowered  }
0x9b: {  	s22 =	simm.s32 $0x1BFF;
	s21 =	sshll.u32 s6, $0x1;
	s3 =	sadd.s32 s4, s19  }
0x9c: {  	s7 =	simm.s32 $0x0;
	s20 =	sshll.u32 s5, $0x1;
	s5 =	sadd.s32 s21, s3  }
0x9d: {  	[timem:s7], [sflag:s22] =	dma.local [hbm:s5], s20  }
0x9e: {  	_ =	swait.ge [sflag:s22], s20  }
0x9f: {  	s4 =	ssub.s32 $0x0, s20;
	[sflag:s22] =	ssyncset.done $0x0  }
0xa0: {  	[sflag:s22] =	ssyncadd.s32 s4;
	_ =	sdelay $0x1  }
0xa1: {  	s23 =	simm.s32 $0x1B8B  }
0xa2: {  	_ =	swait.ge [sflag:s23], $0x1  }
0xa3: {  	[sflag:s23] =	ssyncset.done $0x0  }
0xa4: {  	s25 =	simm.s32 $0x1B8E;
	s24 =	sld [smem:$0x3FFE];
	[sflag:s23] =	ssyncadd.s32 $0xFFFFFFFF  }
0xa5: {  	s26 =	simm.s32 $execute0_lowered;
	[smem:$0x3FD2] =	sst s25  }
0xa6: {  	s5 =	sshll.u32 s26, $0x1;
	_ =	strace $0x80000046;
	[dreg:$0x1] =	wrdreg $0xFFFFFFFF  }
0xa7: {  	s28 =	simm.s32 $_size_execute0_lowered;
	s3 =	sadd.s32 s3, s5;
	[dreg:$0x0] =	wrdreg $0x0  }
0xa8: {  	s5 =	sshll.u32 s28, $0x1;
	[dreg:$0x2] =	wrdreg s3  }
0xa9: {  	[dreg:$0x3] =	wrdreg s5  }
0xaa: {  	[dreg:$0x4] =	wrdreg $0xC0  }
0xab: {  	_ =	task [dreg:s7], $0x5FFFF  }
0xac: {  	[dreg:$0x1] =	wrdreg $0xFFFFFFFF  }
0xad: {  	[dreg:$0x0] =	wrdreg $0x60  }
0xae: {  	[dreg:$0x2] =	wrdreg s24  }
0xaf: {  	[dreg:$0x3] =	wrdreg s2  }
0xb0: {  	[dreg:$0x4] =	wrdreg $0x30000  }
0xb1: {  	[dreg:$0x5] =	wrdreg $0x9  }
0xb2: {  	_ =	task.clear_ibuf [dreg:s7], $0x6FFFF;
	_ =	strace $0x90000046  }
0xb3: {  	s29 =	simm.s32 $0x9;
	_ =	strace $0x80000048  }
0xb4: {  	_ =	swait.ge [sflag:s29], $0x1  }
0xb5: {  	[sflag:s29] =	ssyncadd.s32 $0xFFFFFFFF  }
0xb6: {  	_ =	strace $0x90000048  }
0xb7: {  	_ =	sfence  }
0xb8: {  	s30 =	sld [smem:$0x0];
	_ =	sdelay $0x2  }
0xb9: {  	s31 =	sshll.u32 s1, $0xD;
	s1 =	sshrl.u32 s1, $0x2  }
0xba: {  	s3 =	sand.u32 $0x4000, s31;
	s1 =	sadd.s32 s1, s30  }
0xbb: {  	s0 =	sor.u32 s3, s0;
	s1 =	sshll.u32 s1, $0x11  }
0xbc: {  	s0 =	sor.u32 s1, s0  }
0xbd: {  	s0 =	sadd.s32 $0x8F2B, s0  }
0xbe: {  	[sflag:s0] =	ssyncadd.remote.s32 $0x1  }
0xbf: {  	_ =	sfence.sel $0xFFFF  }
0xc0: {  	[dreg:$0x0] =	wrdreg $0xFFFFFFFF;
	(pc) =	sbr.abs _section_cstart, $3  }
0xc1: {  	[dreg:$0x1] =	wrdreg $0xFFFFFFFF  }
0xc2: {  	_ =	task.clear_ibuf [dreg:s7], $0x2FFFF;
	_ =	strace $0x9FFFFFFF  }
0xc3: {  	(tm) =	ssettm $0x7FFFFFFF  }
tec
execute0_lowered:
.L_overlay_start_1:
0x0: {  	(tag) =	ssettag $0x1  }
0x1: {  	s6 =	rddreg [dreg:$0x0]  }
0x2: {  	s2 =	rddreg [dreg:$0x1]  }
0x3: {  	s0 =	srdreg.scid;
	s3 =	rddreg [dreg:$0x2]  }
0x4: {  	s4 =	simm.s32 $0x0;
	s5 =	sand.u32 $0x1, s0;
	s0 =	stileid.u32  }
0x5: {  	s13 =	simm.s32 $0x80;
	s14 =	simm.s32 $0x1;
	s8 =	smul.u32 $0x2800, s0  }
0x6: {  	s15 =	simm.s32 $0x0;
	[smem:$0x7FF] =	sst s4;
	s9 =	smul.u32 $0x500, s0  }
0x7: {  	s1 =	sshll.u32 s5, $0x4;
	s10 =	smul.u32 $0x5000, s5;
	s5 =	ssub.s32 $0x2, s5  }
0x8: {  	s31 =	sshll.u32 s0, $0x6;
	s1 =	sor.u32 s0, s1;
	s30 =	sshrl.u32 s5, $0x1  }
0x9: {  	s7 =	smul.u32 $0x500, s1;
	s1 =	rddreg [dreg:$0x3];
	_ =	strace $0x80000047  }
0xa: {  	s11 =	sshrl.u32 s8, $0x3;
	s9 =	sadd.s32 s9, s10;
	s10 =	ssub.s32 s5, s30  }
0xb: {  	s12 =	sadd.s32 s8, s3;
	s11 =	sadd.s32 s11, s6;
	s9 =	sadd.s32 s9, s6  }
0xc: {  	s7 =	sadd.s32 s7, s6;
	s5 =	sadd.s32 $0xD800, s11;
	s6 =	sor.u32 $0x1C02, s31  }
0xd: {  	s8 =	sadd.s32 $0x12800, s9;
	s9 =	smax.u32 s10, $0x1;
	s10 =	sshrl.u32 s12, $0x3  }
0xe: {  	s11 =	simm.s32 $0x2;
	s12 =	simm.s32 $0x2800;
	s7 =	sadd.s32 $0x3800, s7  }
.LBB2_1:
0xf: {  	[spmem:s10], [sflag:s6] =	dma.local [hbm:s5], $0x500  }
0x10: {  	_ =	swait.ge [sflag:s11], $0x500  }
0x11: {  	[sflag:s11] =	ssyncset.done $0x0  }
0x12: {  	[sflag:s11] =	ssyncadd.s32 $0xFFFFFB00  }
0x13: {  	[tilespmem:s4], [sflag:$0x2] =	stream.linear.gather [hbm4b:s7+s4], $0x2800, $0x38;
	[tilespmem:$0x5800] =	vst v63  }
0x14: {  	_ =	swait.ge [sflag:s11], $0x2800  }
0x15: {  	[sflag:s11] =	ssyncset.done $0x0  }
0x16: {  	[sflag:s11] =	ssyncadd.s32 $0xFFFFD800  }
0x17: {  	[tilespmem:s12], [sflag:$0x2] =	stream.linear.gather [hbm4b:s2+s4], $0x800, $0x38;
	[tilespmem:$0x5800] =	vst v63  }
0x18: {  	_ =	swait.ge [sflag:s11], $0x800  }
0x19: {  	[sflag:s11] =	ssyncset.done $0x0  }
0x1a: {  	[sflag:s11] =	ssyncadd.s32 $0xFFFFF800  }
0x1b: {  	s16 =	simm.s32 $0x0;
	[bflag:$0x0] =	sbarrier.arrive $0xFFFF  }
.LBB2_2:
0x1c: {  	p0 =	sne.s32 s16, $0x9E00  }
.Ltmp0:
0x1d: {  	_ = 	snop;
	(pc) =	sbr.rel @p0 .LBB2_2-.Ltmp0, $3  }
0x1e: {  	_ =	sdelay $0x1  }
0x1f: {  	s17 =	sshra.s32 s16, $0x2;
	s16 =	sadd.s32 $0x200, s16  }
0x20: {  	[spmem:s3] =	stream.indirect.scatter.add.f32 [tilespmem:s12], [sflag:$0x1], $0x10, s17, s13, $0xb8;
	[tilespmem:$0x5800] =	vst v63  }
0x21: {  	_ =	swait.ge [sflag:s14], $0x800  }
0x22: {  	s16 =	simm.s32 $0x4F;
	[sflag:s14] =	ssyncset.done $0x0  }
.LBB2_4:
0x23: {  	p0 =	sne.s32 s16, $0x1;
	s16 =	sadd.s32 $0xFFFFFFFF, s16;
	[sflag:s14] =	ssyncadd.s32 $0xFFFFF800  }
.Ltmp1:
0x24: {  	(pc) =	sbr.rel @p0 .LBB2_4-.Ltmp1, $3  }
0x25: {  	_ =	sdelay $0x1  }
0x26: {  	_ =	swait.ge [sflag:s14], $0x800  }
0x27: {  	[sflag:s14] =	ssyncset.done $0x0  }
0x28: {  	s15 =	sadd.s32 $0x1, s15  }
0x29: {  	[sflag:s14] =	ssyncadd.s32 $0xFFFFF800;
	p0 =	sne.s32 s15, s9  }
.Ltmp2:
0x2a: {  	[bflag:$0x0] =	sbarrier.arrive $0xFFFF;
	(pc) =	sbr.rel @p0 .LBB2_1-.Ltmp2, $4  }
0x2b: {  	[hbm:s8], [sflag:s6] =	dma.local [spmem:s10], $0x500  }
0x2c: {  	_ =	swait.ge [sflag:s11], $0x500  }
0x2d: {  	[sflag:s11] =	ssyncset.done $0x0  }
0x2e: {  	[sflag:s11] =	ssyncadd.s32 $0xFFFFFB00  }
0x2f: {  	_ =	sfence.sel $0x180000  }
0x30: {  	[bflag:$0x0] =	sbarrier.arrive $0xFFFF  }
0x31: {  	p0 =	sne.s32 s0, $0x0;
	_ =	strace $0x90000047  }
0x32: {  	s0 =	sadd.s32 @!p0 $0x100000, s1;
	[bflag:$0x2] =	sbarrier.arrive $0xFFFF  }
0x33: {  	[sflag:s0] =	ssyncadd.tile.s32 @!p0 $0x1;
	_ =	shalt  }
.Lfunc_end2:
_tile_overlayer_lowered:
.L_overlay_start_2:
0x34: {  	(tag) =	ssettag $0x2  }
0x35: {  	s0 =	rddreg [dreg:$0x0];
	s2 =	stileid.u32  }
0x36: {  	s1 =	rddreg [dreg:$0x1];
	p0 =	sne.s32 s2, $0x0  }
0x37: {  	s3 =	rddreg [dreg:$0x2];
	[bflag:$0x3] =	sbarrier.arrive $0xFFFF;
	s2 =	simm.s32 @!p0 $0x1C02  }
0x38: {  	[timem:s3], [sflag:s2] =	dma.local @!p0 [hbm:s0], s1  }
0x39: {  	s0 =	simm.s32 @!p0 $0x2  }
0x3a: {  	_ =	swait.ge @!p0 [sflag:s0], s1  }
0x3b: {  	s1 =	ssub.s32 @!p0 $0x0, s1;
	[sflag:s0] =	ssyncset.done @!p0 $0x0  }
0x3c: {  	[sflag:s0] =	ssyncadd.s32 @!p0 s1  }
0x3d: {  	[bflag:$0x3] =	sbarrier.arrive $0xFFFF  }
0x3e: {  	_ =	shalt  }

// kernel: kernel.17.cloned.1.call-start
scs
__scs_entry_jumppad:
0x0: {  	(pc) =	sbr.rel $0x88, $3  }
0x1: {  	(tag) =	ssettag $0x0;
	lr =	simm.s32 $0x1  }
0x2: {  	[smem:$0x3F95] =	sst lr;
	_ =	strace $0xD0000000  }
0x3: {  	_ = 	snop  }
0x4: {  	_ = 	snop  }
0x5: {  	_ = 	snop  }
0x6: {  	_ = 	snop  }
0x7: {  	_ = 	snop  }
__scs_overlays_trampoline_lowered:
0x8: {  	[smem:$0x3FA4] =	sst s0  }
0x9: {  	[smem:$0x3FA5] =	sst s1  }
0xa: {  	[smem:$0x3FA6] =	sst s2  }
0xb: {  	[smem:$0x3FA7] =	sst s3  }
0xc: {  	[smem:$0x3FA8] =	sst s4  }
0xd: {  	[smem:$0x3FA9] =	sst s5  }
0xe: {  	[smem:$0x3FAA] =	sst s6  }
0xf: {  	[smem:$0x3FAB] =	sst s7  }
0x10: {  	[smem:$0x3FAC] =	sst s8  }
0x11: {  	[smem:$0x3FAD] =	sst s9;
	s0 =	simm.s32 @!p0 $0x0  }
0x12: {  	s1 =	sld [smem:$0x3F93];
	s0 =	simm.s32 @p0 $0x1  }
0x13: {  	[smem:$0x3FAE] =	sst s0;
	s0 =	simm.s32 @!p1 $0x0  }
0x14: {  	s2 =	sld [smem:$0x3F92];
	s0 =	simm.s32 @p1 $0x1  }
0x15: {  	[smem:$0x3FAF] =	sst s0;
	s0 =	simm.s32 @!p2 $0x0  }
0x16: {  	s3 =	sld [smem:$0x3FDB];
	s0 =	simm.s32 @p2 $0x1  }
0x17: {  	s4 =	simm.s32 $0x1BF5;
	[smem:$0x3FB1] =	sst s0  }
0x18: {  	s0 =	sld [smem:$0x3F94];
	_ =	swait.ge [sflag:s4], $0x0  }
0x19: {  	s7 =	sld [smem:$0x3F95]  }
0x1a: {  	s8 =	sadd.s32 $0xFFFFE003, lr  }
0x1b: {  	s9 =	sadd.s32 $0xFFFFFEF7, lr;
	s5 =	simm.s32 $0xFFFFFFFF;
	p2 =	slt.u32 s8, $0xFFFFF086  }
0x1c: {  	p1 =	slt.u32 s9, $0xF7A;
	s5 =	simm.s32 @!p2 $0x0  }
0x1d: {  	s5 =	simm.s32 @p1 $0x1;
	p0 =	seq.s32 s7, s2  }
0x1e: {  	s7 =	smul.u32 @!p0 $0xF7A, s2;
	p2 =	seq.s32 @!p0 s5, $0x0  }
0x1f: {  	s9 =	smul.u32 $0xF7A, s1;
	s8 =	simm.s32 @!p0 $0x1BF5;
	p2 =	por !p2, p0  }
0x20: {  	[sflag:s8] =	ssyncset.s32 @!p0 $0xFFFFF086;
	s6 =	sadd.s32 @!p0 s3, s7;
	s7 =	simm.s32 @!p0 $0x108  }
0x21: {  	s3 =	sadd.s32 s3, s9;
	s6 =	sadd.s32 @!p0 $0x88, s6;
	s7 =	simm.s32 @p2 $0x1082  }
0x22: {  	[simem:s7], [sflag:s8] =	dma.local @!p0 [hbm:s6], $0xF7A  }
0x23: {  	s9 =	sor.u32 $0xD0000000, s2;
	s6 =	simm.s32 $0x108;
	_ =	swait.ge @!p0 [sflag:s8], $0x0  }
0x24: {  	s3 =	sadd.s32 $0x88, s3;
	s6 =	simm.s32 @!p1 $0x1082;
	[sflag:s4] =	ssyncset.s32 $0xFFFFF086  }
0x25: {  	[simem:s6], [sflag:s4] =	dma.local [hbm:s3], $0xF7A  }
0x26: {  	[smem:$0x3F95] =	sst s1;
	(tag) =	ssettag s2;
	_ =	strace s9  }
0x27: {  	s1 =	sld [smem:$0x3FA5]  }
0x28: {  	s2 =	sld [smem:$0x3FA6]  }
0x29: {  	s4 =	sld [smem:$0x3FA8]  }
0x2a: {  	p0 =	seq.s32 s5, $0x0;
	s5 =	sld [smem:$0x3FA9]  }
0x2b: {  	s6 =	sld [smem:$0x3FAA]  }
0x2c: {  	s7 =	sld [smem:$0x3FAB]  }
0x2d: {  	s3 =	simm.s32 $0x108;
	s8 =	sld [smem:$0x3FAC]  }
0x2e: {  	s3 =	simm.s32 @!p0 $0x1082;
	s9 =	sld [smem:$0x3FAD]  }
0x2f: {  	lr =	sadd.s32 s0, s3;
	s0 =	sld [smem:$0x3FA4]  }
0x30: {  	s3 =	sld [smem:$0x3FA7]  }
0x31: {  	[smem:$0x3FB0] =	sst s10  }
0x32: {  	s10 =	sld [smem:$0x3FAE];
	_ =	sdelay $0x3  }
0x33: {  	p0 =	seq.s32 s10, $0x1;
	s10 =	sld [smem:$0x3FB0];
	_ =	sdelay $0x3  }
0x34: {  	[smem:$0x3FB0] =	sst s10  }
0x35: {  	s10 =	sld [smem:$0x3FAF];
	_ =	sdelay $0x3  }
0x36: {  	p1 =	seq.s32 s10, $0x1;
	s10 =	sld [smem:$0x3FB0];
	_ =	sdelay $0x3  }
0x37: {  	[smem:$0x3FB0] =	sst s10  }
0x38: {  	s10 =	sld [smem:$0x3FB1]  }
0x39: {  	_ = 	snop;
	(pc) =	sbr.ind lr, $3  }
0x3a: {  	_ = 	snop  }
0x3b: {  	_ = 	snop  }
0x3c: {  	p2 =	seq.s32 s10, $0x1;
	s10 =	sld [smem:$0x3FB0]  }
0x3d: {  	_ =	shalt  }
0x3e: {  	_ =	shalt  }
0x3f: {  	_ =	shalt  }
0x40: {  	_ =	shalt  }
0x41: {  	_ =	shalt  }
0x42: {  	_ =	shalt  }
0x43: {  	_ =	shalt  }
0x44: {  	_ =	shalt  }
0x45: {  	_ =	shalt  }
0x46: {  	_ =	shalt  }
0x47: {  	_ =	shalt  }
0x48: {  	_ =	shalt  }
0x49: {  	_ =	shalt  }
0x4a: {  	_ =	shalt  }
0x4b: {  	_ =	shalt  }
0x4c: {  	_ =	shalt  }
0x4d: {  	_ =	shalt  }
0x4e: {  	_ =	shalt  }
0x4f: {  	_ =	shalt  }
0x50: {  	_ =	shalt  }
0x51: {  	_ =	shalt  }
0x52: {  	_ =	shalt  }
0x53: {  	_ =	shalt  }
0x54: {  	_ =	shalt  }
0x55: {  	_ =	shalt  }
0x56: {  	_ =	shalt  }
0x57: {  	_ =	shalt  }
0x58: {  	_ =	shalt  }
0x59: {  	_ =	shalt  }
0x5a: {  	_ =	shalt  }
0x5b: {  	_ =	shalt  }
0x5c: {  	_ =	shalt  }
0x5d: {  	_ =	shalt  }
0x5e: {  	_ =	shalt  }
0x5f: {  	_ =	shalt  }
0x60: {  	_ =	shalt  }
0x61: {  	_ =	shalt  }
0x62: {  	_ =	shalt  }
0x63: {  	_ =	shalt  }
0x64: {  	_ =	shalt  }
0x65: {  	_ =	shalt  }
0x66: {  	_ =	shalt  }
0x67: {  	_ =	shalt  }
0x68: {  	_ =	shalt  }
0x69: {  	_ =	shalt  }
0x6a: {  	_ =	shalt  }
0x6b: {  	_ =	shalt  }
0x6c: {  	_ =	shalt  }
0x6d: {  	_ =	shalt  }
0x6e: {  	_ =	shalt  }
0x6f: {  	_ =	shalt  }
0x70: {  	_ =	shalt  }
0x71: {  	_ =	shalt  }
0x72: {  	_ =	shalt  }
0x73: {  	_ =	shalt  }
0x74: {  	_ =	shalt  }
0x75: {  	_ =	shalt  }
0x76: {  	_ =	shalt  }
0x77: {  	_ =	shalt  }
0x78: {  	_ =	shalt  }
0x79: {  	_ =	shalt  }
0x7a: {  	_ =	shalt  }
0x7b: {  	_ =	shalt  }
0x7c: {  	_ =	shalt  }
0x7d: {  	_ =	shalt  }
0x7e: {  	_ =	shalt  }
0x7f: {  	_ =	shalt  }
0x80: {  	_ =	shalt  }
0x81: {  	_ =	shalt  }
0x82: {  	_ =	shalt  }
0x83: {  	_ =	shalt  }
0x84: {  	_ =	shalt  }
0x85: {  	_ =	shalt  }
0x86: {  	_ =	shalt  }
0x87: {  	_ =	shalt  }
.Lfunc_end0:
.L_simem_size_0:
called_computation.1_lowered:
.L_overlay_start_0:
0x88: {  	s2 =	sld [smem:$0x3FD9]  }
0x89: {  	s3 =	sld [smem:$0x3FFE];
	_ =	sdelay $0x1  }
0x8a: {  	s1 =	srdreg.scid  }
0x8b: {  	s0 =	sand.u32 $0x1, s1  }
0x8c: {  	s16 =	sshll.u32 s0, $0xA;
	s2 =	sadd.s32 s3, s2  }
0x8d: {  	s2 =	sadd.s32 s2, s16  }
0x8e: {  	[smem:$0x3FBC] =	sst s2  }
0x8f: {  	_ = 	snop  }
0x90: {  	(tm) =	ssettm $0x1  }
0x91: {  	s17 =	sld [smem:$0x3FFB];
	_ =	sdelay $0x3  }
0x92: {  	_ =	strace s17  }
0x93: {  	s2 =	sld [smem:$0x3FFC];
	_ =	sdelay $0x3  }
0x94: {  	_ =	strace s2  }
0x95: {  	s2 =	sld [smem:$0x3FFD];
	_ =	sdelay $0x3  }
0x96: {  	_ =	strace s2  }
0x97: {  	_ =	strace $0x8FFFFFFF  }
0x98: {  	s18 =	sld [smem:$0x3FDB];
	_ =	sdelay $0x1  }
0x99: {  	s19 =	simm.s32 $_scs_section_size  }
0x9a: {  	s4 =	simm.s32 $_size__tile_overlayer_lowered;
	s5 =	simm.s32 $_tile_overlayer_lowered  }
0x9b: {  	s22 =	simm.s32 $0x1BFF;
	s21 =	sshll.u32 s5, $0x1;
	s2 =	sadd.s32 s19, s18  }
0x9c: {  	s6 =	simm.s32 $0x0;
	s20 =	sshll.u32 s4, $0x1;
	s4 =	sadd.s32 s21, s2  }
0x9d: {  	[timem:s6], [sflag:s22] =	dma.local [hbm:s4], s20  }
0x9e: {  	_ =	swait.ge [sflag:s22], s20  }
0x9f: {  	s3 =	ssub.s32 $0x0, s20;
	[sflag:s22] =	ssyncset.done $0x0  }
0xa0: {  	[sflag:s22] =	ssyncadd.s32 s3;
	_ =	sdelay $0x1  }
0xa1: {  	s23 =	simm.s32 $0x1B8B  }
0xa2: {  	_ =	swait.ge [sflag:s23], $0x1  }
0xa3: {  	[sflag:s23] =	ssyncset.done $0x0  }
0xa4: {  	s25 =	simm.s32 $0x1B8E;
	s24 =	sld [smem:$0x3FFE];
	[sflag:s23] =	ssyncadd.s32 $0xFFFFFFFF  }
0xa5: {  	s26 =	simm.s32 $execute0_lowered;
	[smem:$0x3FD2] =	sst s25  }
0xa6: {  	s4 =	sshll.u32 s26, $0x1;
	_ =	strace $0x80000049;
	[dreg:$0x1] =	wrdreg $0xFFFFFFFF  }
0xa7: {  	s28 =	simm.s32 $_size_execute0_lowered;
	s2 =	sadd.s32 s2, s4;
	[dreg:$0x0] =	wrdreg $0x0  }
0xa8: {  	s4 =	sshll.u32 s28, $0x1;
	[dreg:$0x2] =	wrdreg s2  }
0xa9: {  	[dreg:$0x3] =	wrdreg s4  }
0xaa: {  	[dreg:$0x4] =	wrdreg $0xC0  }
0xab: {  	_ =	task [dreg:s6], $0x5FFFF  }
0xac: {  	[dreg:$0x1] =	wrdreg $0xFFFFFFFF  }
0xad: {  	[dreg:$0x0] =	wrdreg $0x60  }
0xae: {  	[dreg:$0x2] =	wrdreg s24  }
0xaf: {  	[dreg:$0x3] =	wrdreg $0x82000  }
0xb0: {  	[dreg:$0x4] =	wrdreg $0x9  }
0xb1: {  	_ =	task.clear_ibuf [dreg:s6], $0x5FFFF;
	_ =	strace $0x90000049  }
0xb2: {  	s29 =	simm.s32 $0x9;
	_ =	strace $0x8000004B  }
0xb3: {  	_ =	swait.ge [sflag:s29], $0x1  }
0xb4: {  	[sflag:s29] =	ssyncadd.s32 $0xFFFFFFFF  }
0xb5: {  	_ =	strace $0x9000004B  }
0xb6: {  	_ =	sfence  }
0xb7: {  	s30 =	sld [smem:$0x0];
	_ =	sdelay $0x2  }
0xb8: {  	s31 =	sshll.u32 s1, $0xD;
	s1 =	sshrl.u32 s1, $0x2  }
0xb9: {  	s3 =	sand.u32 $0x4000, s31;
	s1 =	sadd.s32 s1, s30  }
0xba: {  	s0 =	sor.u32 s3, s0;
	s1 =	sshll.u32 s1, $0x11  }
0xbb: {  	s0 =	sor.u32 s1, s0  }
0xbc: {  	s0 =	sadd.s32 $0x8F2B, s0  }
0xbd: {  	[sflag:s0] =	ssyncadd.remote.s32 $0x1  }
0xbe: {  	_ =	sfence.sel $0xFFFF  }
0xbf: {  	[dreg:$0x0] =	wrdreg $0xFFFFFFFF;
	(pc) =	sbr.abs _section_cstart, $3  }
0xc0: {  	[dreg:$0x1] =	wrdreg $0xFFFFFFFF  }
0xc1: {  	_ =	task.clear_ibuf [dreg:s6], $0x2FFFF;
	_ =	strace $0x9FFFFFFF  }
0xc2: {  	(tm) =	ssettm $0x7FFFFFFF  }
0xc3: {  	_ =	shalt  }
tec
execute0_lowered:
.L_overlay_start_1:
0x0: {  	(tag) =	ssettag $0x1  }
0x1: {  	s5 =	rddreg [dreg:$0x0]  }
0x2: {  	s1 =	rddreg [dreg:$0x1]  }
0x3: {  	s0 =	rddreg [dreg:$0x2];
	s3 =	simm.s32 $0x0;
	s2 =	stileid.u32  }
0x4: {  	s7 =	srdreg.scid;
	s15 =	simm.s32 $0x1;
	s16 =	simm.s32 $0x80  }
0x5: {  	s17 =	simm.s32 $0x200;
	s18 =	simm.s32 $0x2;
	s19 =	simm.s32 $0x4200  }
0x6: {  	s20 =	simm.s32 $0x3;
	s21 =	simm.s32 $0x4;
	s22 =	simm.s32 $0x180  }
0x7: {  	s23 =	simm.s32 $0x0;
	[smem:$0x7FF] =	sst s3;
	s6 =	smul.u32 $0x14000, s2  }
0x8: {  	s4 =	sadd.s32 $0x30800, s5;
	s8 =	sadd.s32 $0x1C800, s5;
	s9 =	smul.u32 $0x2800, s2  }
0x9: {  	s7 =	sand.u32 $0x1, s7;
	s30 =	smul.u32 $0xA00, s2;
	s14 =	sshll.u32 s2, $0x6  }
0xa: {  	_ =	strace $0x8000004A;
	s11 =	smul.u32 $0x28000, s7;
	s12 =	sshll.u32 s7, $0x4  }
0xb: {  	s13 =	ssub.s32 $0x2, s7;
	s7 =	smul.u32 $0xA000, s7;
	s10 =	sshrl.u32 s6, $0x3  }
0xc: {  	s12 =	sor.u32 s2, s12;
	s28 =	sshrl.u32 s13, $0x1;
	s29 =	sadd.s32 s6, s1  }
0xd: {  	s10 =	sadd.s32 s10, s5;
	s9 =	sadd.s32 s9, s11;
	s12 =	smul.u32 $0xA00, s12  }
.Ltmp0:
0xe: {  	s11 =	ssub.s32 s13, s28;
	s31 =	sadd.s32 s7, s8;
	(pc) =	sbr.rel .LBB2_1-.Ltmp0, $4  }
0xf: {  	s7 =	sor.u32 $0x1C05, s14;
	s13 =	simm.s32 $0x5;
	s14 =	simm.s32 $0x100  }
0x10: {  	s9 =	sadd.s32 s9, s5;
	s5 =	sadd.s32 $0x58800, s10;
	s10 =	smax.u32 s11, $0x1  }
0x11: {  	s6 =	sadd.s32 s8, s12;
	s12 =	sadd.s32 s30, s31;
	s9 =	sadd.s32 $0x80800, s9  }
0x12: {  	s8 =	sadd.s32 $0x20, s6;
	s11 =	sadd.s32 $0xA0, s12;
	s12 =	sshrl.u32 s29, $0x3  }
.LBB2_4:
0x13: {  	_ =	swait.ge [sflag:s21], $0x4000  }
0x14: {  	[sflag:s21] =	ssyncset.done $0x0  }
0x15: {  	[sflag:s21] =	ssyncadd.s32 $0xFFFFC000  }
0x16: {  	[spmem:s1] =	stream.indirect.scatter.add.f32 [tilespmem:s19], [sflag:$0x5], $0x80, s22, s16, $0xb8;
	[tilespmem:$0x1C200] =	vst v63  }
0x17: {  	_ =	swait.ge [sflag:s13], $0x4000  }
0x18: {  	s23 =	sadd.s32 $0x1, s23;
	[sflag:s13] =	ssyncset.done $0x0  }
0x19: {  	p0 =	sne.s32 s23, s10;
	[sflag:s13] =	ssyncadd.s32 $0xFFFFC000  }
.Ltmp1:
0x1a: {  	[bflag:$0x0] =	sbarrier.arrive $0xFFFF;
	(pc) =	sbr.rel @!p0 .LBB2_5-.Ltmp1, $4  }
0x1b: {  	[hbm:s9], [sflag:s7] =	dma.local [spmem:s12], $0x2800  }
0x1c: {  	_ =	swait.ge [sflag:s13], $0x2800  }
0x1d: {  	[sflag:s13] =	ssyncset.done $0x0  }
0x1e: {  	[sflag:s13] =	ssyncadd.s32 $0xFFFFD800  }
.LBB2_1:
0x1f: {  	[spmem:s12], [sflag:s7] =	dma.local [hbm:s5], $0x2800  }
0x20: {  	_ =	swait.ge [sflag:s13], $0x2800  }
0x21: {  	[sflag:s13] =	ssyncset.done $0x0  }
0x22: {  	[sflag:s13] =	ssyncadd.s32 $0xFFFFD800  }
0x23: {  	[bflag:$0x0] =	sbarrier.arrive $0xFFFF  }
0x24: {  	[tilespmem:s3], [sflag:$0x1] =	stream.linear.gather [hbm4b:s6+s3], $0x100, $0x38;
	[tilespmem:$0x1C200] =	vst v63  }
0x25: {  	_ = 	snop  }
0x26: {  	[tilespmem:s14], [sflag:$0x2] =	stream.linear.gather [hbm4b:s8+s3], $0x100, $0x38;
	[tilespmem:$0x1C200] =	vst v63  }
0x27: {  	_ =	swait.ge [sflag:s15], $0x100  }
0x28: {  	[sflag:s15] =	ssyncset.done $0x0  }
0x29: {  	s24 =	smov.u32 s11;
	s25 =	simm.s32 $0x0;
	[sflag:s15] =	ssyncadd.s32 $0xFFFFFF00  }
0x2a: {  	[tilespmem:s17], [sflag:$0x3] =	stream.indirect.gather [hbm4b:s4+s16], $0x80, s3, s16, $0xb8;
	[tilespmem:$0x1C200] =	vst v63  }
.LBB2_2:
0x2b: {  	_ =	swait.ge [sflag:s18], $0x100  }
0x2c: {  	[sflag:s18] =	ssyncset.done $0x0  }
0x2d: {  	[sflag:s18] =	ssyncadd.s32 $0xFFFFFF00  }
0x2e: {  	[tilespmem:s19], [sflag:$0x4] =	stream.indirect.gather [hbm4b:s4+s16], $0x80, s14, s16, $0xb8;
	[tilespmem:$0x1C200] =	vst v63  }
0x2f: {  	_ =	swait.ge [sflag:s20], $0x4000  }
0x30: {  	[sflag:s20] =	ssyncset.done $0x0  }
0x31: {  	[sflag:s20] =	ssyncadd.s32 $0xFFFFC000  }
0x32: {  	[spmem:s1] =	stream.indirect.scatter.add.f32 [tilespmem:s17], [sflag:$0x5], $0x80, s16, s16, $0xb8;
	[tilespmem:$0x1C200] =	vst v63  }
0x33: {  	_ =	swait.ge [sflag:s13], $0x4000  }
0x34: {  	[sflag:s13] =	ssyncset.done $0x0  }
0x35: {  	s26 =	sadd.s32 $0xFFFFFFA0, s24;
	[sflag:s13] =	ssyncadd.s32 $0xFFFFC000  }
0x36: {  	[tilespmem:s3], [sflag:$0x1] =	stream.linear.gather [hbm4b:s26+s3], $0x100, $0x38;
	[tilespmem:$0x1C200] =	vst v63  }
0x37: {  	_ =	swait.ge [sflag:s15], $0x100  }
0x38: {  	[sflag:s15] =	ssyncset.done $0x0  }
0x39: {  	[sflag:s15] =	ssyncadd.s32 $0xFFFFFF00  }
0x3a: {  	[tilespmem:s17], [sflag:$0x3] =	stream.indirect.gather [hbm4b:s4+s16], $0x80, s3, s16, $0xb8;
	[tilespmem:$0x1C200] =	vst v63  }
0x3b: {  	_ =	swait.ge [sflag:s21], $0x4000  }
0x3c: {  	[sflag:s21] =	ssyncset.done $0x0  }
0x3d: {  	[sflag:s21] =	ssyncadd.s32 $0xFFFFC000  }
0x3e: {  	[spmem:s1] =	stream.indirect.scatter.add.f32 [tilespmem:s19], [sflag:$0x5], $0x80, s22, s16, $0xb8;
	[tilespmem:$0x1C200] =	vst v63  }
0x3f: {  	_ =	swait.ge [sflag:s13], $0x4000  }
0x40: {  	[sflag:s13] =	ssyncset.done $0x0  }
0x41: {  	s31 =	sadd.s32 $0xFFFFFFC0, s24;
	[sflag:s13] =	ssyncadd.s32 $0xFFFFC000  }
0x42: {  	[tilespmem:s14], [sflag:$0x2] =	stream.linear.gather [hbm4b:s31+s3], $0x100, $0x38;
	[tilespmem:$0x1C200] =	vst v63  }
0x43: {  	_ =	swait.ge [sflag:s18], $0x100  }
0x44: {  	[sflag:s18] =	ssyncset.done $0x0  }
0x45: {  	[sflag:s18] =	ssyncadd.s32 $0xFFFFFF00  }
0x46: {  	[tilespmem:s19], [sflag:$0x4] =	stream.indirect.gather [hbm4b:s4+s16], $0x80, s14, s16, $0xb8;
	[tilespmem:$0x1C200] =	vst v63  }
0x47: {  	_ =	swait.ge [sflag:s20], $0x4000  }
0x48: {  	p0 =	sgt.u32 s25, $0x25;
	[sflag:s20] =	ssyncset.done $0x0  }
.Ltmp2:
0x49: {  	[sflag:s20] =	ssyncadd.s32 $0xFFFFC000;
	(pc) =	sbr.rel @p0 .LBB2_4-.Ltmp2, $4  }
0x4a: {  	[spmem:s1] =	stream.indirect.scatter.add.f32 [tilespmem:s17], [sflag:$0x5], $0x80, s16, s16, $0xb8;
	[tilespmem:$0x1C200] =	vst v63  }
0x4b: {  	_ =	swait.ge [sflag:s13], $0x4000  }
0x4c: {  	[sflag:s13] =	ssyncset.done $0x0  }
0x4d: {  	[sflag:s13] =	ssyncadd.s32 $0xFFFFC000  }
0x4e: {  	s26 =	sadd.s32 $0xFFFFFFE0, s24  }
0x4f: {  	[tilespmem:s3], [sflag:$0x1] =	stream.linear.gather [hbm4b:s26+s3], $0x100, $0x38;
	[tilespmem:$0x1C200] =	vst v63  }
0x50: {  	_ =	swait.ge [sflag:s15], $0x100  }
0x51: {  	[sflag:s15] =	ssyncset.done $0x0  }
0x52: {  	[sflag:s15] =	ssyncadd.s32 $0xFFFFFF00  }
0x53: {  	[tilespmem:s17], [sflag:$0x3] =	stream.indirect.gather [hbm4b:s4+s16], $0x80, s3, s16, $0xb8;
	[tilespmem:$0x1C200] =	vst v63  }
0x54: {  	_ =	swait.ge [sflag:s21], $0x4000  }
0x55: {  	[sflag:s21] =	ssyncset.done $0x0  }
0x56: {  	[sflag:s21] =	ssyncadd.s32 $0xFFFFC000  }
0x57: {  	[spmem:s1] =	stream.indirect.scatter.add.f32 [tilespmem:s19], [sflag:$0x5], $0x80, s22, s16, $0xb8;
	[tilespmem:$0x1C200] =	vst v63  }
.Ltmp3:
0x58: {  	_ =	swait.ge [sflag:s13], $0x4000;
	(pc) =	sbr.rel .LBB2_2-.Ltmp3, $4  }
0x59: {  	[sflag:s13] =	ssyncset.done $0x0  }
0x5a: {  	[sflag:s13] =	ssyncadd.s32 $0xFFFFC000  }
0x5b: {  	[tilespmem:s14], [sflag:$0x2] =	stream.linear.gather [hbm4b:s24+s3], $0x100, $0x38;
	[tilespmem:$0x1C200] =	vst v63  }
0x5c: {  	s25 =	sadd.s32 $0x2, s25;
	s24 =	sadd.s32 $0x80, s24  }
.LBB2_5:
0x5d: {  	_ =	sfence.sel $0x180000  }
0x5e: {  	[bflag:$0x0] =	sbarrier.arrive $0xFFFF  }
0x5f: {  	p0 =	sne.s32 s2, $0x0;
	_ =	strace $0x9000004A  }
0x60: {  	s0 =	sadd.s32 @!p0 $0x100000, s0;
	[bflag:$0x2] =	sbarrier.arrive $0xFFFF  }
0x61: {  	[sflag:s0] =	ssyncadd.tile.s32 @!p0 $0x1;
	_ =	shalt  }
.Lfunc_end2:
_tile_overlayer_lowered:
.L_overlay_start_2:
0x62: {  	(tag) =	ssettag $0x2  }
0x63: {  	s0 =	rddreg [dreg:$0x0];
	s2 =	stileid.u32  }
0x64: {  	s1 =	rddreg [dreg:$0x1];
	p0 =	sne.s32 s2, $0x0  }
0x65: {  	s3 =	rddreg [dreg:$0x2];
	[bflag:$0x3] =	sbarrier.arrive $0xFFFF;
	s2 =	simm.s32 @!p0 $0x1C05  }
0x66: {  	[timem:s3], [sflag:s2] =	dma.local @!p0 [hbm:s0], s1  }
0x67: {  	s0 =	simm.s32 @!p0 $0x5  }
0x68: {  	_ =	swait.ge @!p0 [sflag:s0], s1  }
0x69: {  	s1 =	ssub.s32 @!p0 $0x0, s1;
	[sflag:s0] =	ssyncset.done @!p0 $0x0  }
0x6a: {  	[sflag:s0] =	ssyncadd.s32 @!p0 s1  }
0x6b: {  	[bflag:$0x3] =	sbarrier.arrive $0xFFFF  }
0x6c: {  	_ =	shalt  }

// kernel: kernel.20.cloned.1.call-start
scs
__scs_entry_jumppad:
0x0: {  	(pc) =	sbr.rel $0x88, $3  }
0x1: {  	(tag) =	ssettag $0x0;
	lr =	simm.s32 $0x1  }
0x2: {  	[smem:$0x3F95] =	sst lr;
	_ =	strace $0xD0000000  }
0x3: {  	_ = 	snop  }
0x4: {  	_ = 	snop  }
0x5: {  	_ = 	snop  }
0x6: {  	_ = 	snop  }
0x7: {  	_ = 	snop  }
__scs_overlays_trampoline_lowered:
0x8: {  	[smem:$0x3FA4] =	sst s0  }
0x9: {  	[smem:$0x3FA5] =	sst s1  }
0xa: {  	[smem:$0x3FA6] =	sst s2  }
0xb: {  	[smem:$0x3FA7] =	sst s3  }
0xc: {  	[smem:$0x3FA8] =	sst s4  }
0xd: {  	[smem:$0x3FA9] =	sst s5  }
0xe: {  	[smem:$0x3FAA] =	sst s6  }
0xf: {  	[smem:$0x3FAB] =	sst s7  }
0x10: {  	[smem:$0x3FAC] =	sst s8  }
0x11: {  	[smem:$0x3FAD] =	sst s9;
	s0 =	simm.s32 @!p0 $0x0  }
0x12: {  	s1 =	sld [smem:$0x3F93];
	s0 =	simm.s32 @p0 $0x1  }
0x13: {  	[smem:$0x3FAE] =	sst s0;
	s0 =	simm.s32 @!p1 $0x0  }
0x14: {  	s2 =	sld [smem:$0x3F92];
	s0 =	simm.s32 @p1 $0x1  }
0x15: {  	[smem:$0x3FAF] =	sst s0;
	s0 =	simm.s32 @!p2 $0x0  }
0x16: {  	s3 =	sld [smem:$0x3FDB];
	s0 =	simm.s32 @p2 $0x1  }
0x17: {  	s4 =	simm.s32 $0x1BF5;
	[smem:$0x3FB1] =	sst s0  }
0x18: {  	s0 =	sld [smem:$0x3F94];
	_ =	swait.ge [sflag:s4], $0x0  }
0x19: {  	s7 =	sld [smem:$0x3F95]  }
0x1a: {  	s8 =	sadd.s32 $0xFFFFE003, lr  }
0x1b: {  	s9 =	sadd.s32 $0xFFFFFEF7, lr;
	s5 =	simm.s32 $0xFFFFFFFF;
	p2 =	slt.u32 s8, $0xFFFFF086  }
0x1c: {  	p1 =	slt.u32 s9, $0xF7A;
	s5 =	simm.s32 @!p2 $0x0  }
0x1d: {  	s5 =	simm.s32 @p1 $0x1;
	p0 =	seq.s32 s7, s2  }
0x1e: {  	s7 =	smul.u32 @!p0 $0xF7A, s2;
	p2 =	seq.s32 @!p0 s5, $0x0  }
0x1f: {  	s9 =	smul.u32 $0xF7A, s1;
	s8 =	simm.s32 @!p0 $0x1BF5;
	p2 =	por !p2, p0  }
0x20: {  	[sflag:s8] =	ssyncset.s32 @!p0 $0xFFFFF086;
	s6 =	sadd.s32 @!p0 s3, s7;
	s7 =	simm.s32 @!p0 $0x108  }
0x21: {  	s3 =	sadd.s32 s3, s9;
	s6 =	sadd.s32 @!p0 $0x88, s6;
	s7 =	simm.s32 @p2 $0x1082  }
0x22: {  	[simem:s7], [sflag:s8] =	dma.local @!p0 [hbm:s6], $0xF7A  }
0x23: {  	s9 =	sor.u32 $0xD0000000, s2;
	s6 =	simm.s32 $0x108;
	_ =	swait.ge @!p0 [sflag:s8], $0x0  }
0x24: {  	s3 =	sadd.s32 $0x88, s3;
	s6 =	simm.s32 @!p1 $0x1082;
	[sflag:s4] =	ssyncset.s32 $0xFFFFF086  }
0x25: {  	[simem:s6], [sflag:s4] =	dma.local [hbm:s3], $0xF7A  }
0x26: {  	[smem:$0x3F95] =	sst s1;
	(tag) =	ssettag s2;
	_ =	strace s9  }
0x27: {  	s1 =	sld [smem:$0x3FA5]  }
0x28: {  	s2 =	sld [smem:$0x3FA6]  }
0x29: {  	s4 =	sld [smem:$0x3FA8]  }
0x2a: {  	p0 =	seq.s32 s5, $0x0;
	s5 =	sld [smem:$0x3FA9]  }
0x2b: {  	s6 =	sld [smem:$0x3FAA]  }
0x2c: {  	s7 =	sld [smem:$0x3FAB]  }
0x2d: {  	s3 =	simm.s32 $0x108;
	s8 =	sld [smem:$0x3FAC]  }
0x2e: {  	s3 =	simm.s32 @!p0 $0x1082;
	s9 =	sld [smem:$0x3FAD]  }
0x2f: {  	lr =	sadd.s32 s0, s3;
	s0 =	sld [smem:$0x3FA4]  }
0x30: {  	s3 =	sld [smem:$0x3FA7]  }
0x31: {  	[smem:$0x3FB0] =	sst s10  }
0x32: {  	s10 =	sld [smem:$0x3FAE];
	_ =	sdelay $0x3  }
0x33: {  	p0 =	seq.s32 s10, $0x1;
	s10 =	sld [smem:$0x3FB0];
	_ =	sdelay $0x3  }
0x34: {  	[smem:$0x3FB0] =	sst s10  }
0x35: {  	s10 =	sld [smem:$0x3FAF];
	_ =	sdelay $0x3  }
0x36: {  	p1 =	seq.s32 s10, $0x1;
	s10 =	sld [smem:$0x3FB0];
	_ =	sdelay $0x3  }
0x37: {  	[smem:$0x3FB0] =	sst s10  }
0x38: {  	s10 =	sld [smem:$0x3FB1]  }
0x39: {  	_ = 	snop;
	(pc) =	sbr.ind lr, $3  }
0x3a: {  	_ = 	snop  }
0x3b: {  	_ = 	snop  }
0x3c: {  	p2 =	seq.s32 s10, $0x1;
	s10 =	sld [smem:$0x3FB0]  }
0x3d: {  	_ =	shalt  }
0x3e: {  	_ =	shalt  }
0x3f: {  	_ =	shalt  }
0x40: {  	_ =	shalt  }
0x41: {  	_ =	shalt  }
0x42: {  	_ =	shalt  }
0x43: {  	_ =	shalt  }
0x44: {  	_ =	shalt  }
0x45: {  	_ =	shalt  }
0x46: {  	_ =	shalt  }
0x47: {  	_ =	shalt  }
0x48: {  	_ =	shalt  }
0x49: {  	_ =	shalt  }
0x4a: {  	_ =	shalt  }
0x4b: {  	_ =	shalt  }
0x4c: {  	_ =	shalt  }
0x4d: {  	_ =	shalt  }
0x4e: {  	_ =	shalt  }
0x4f: {  	_ =	shalt  }
0x50: {  	_ =	shalt  }
0x51: {  	_ =	shalt  }
0x52: {  	_ =	shalt  }
0x53: {  	_ =	shalt  }
0x54: {  	_ =	shalt  }
0x55: {  	_ =	shalt  }
0x56: {  	_ =	shalt  }
0x57: {  	_ =	shalt  }
0x58: {  	_ =	shalt  }
0x59: {  	_ =	shalt  }
0x5a: {  	_ =	shalt  }
0x5b: {  	_ =	shalt  }
0x5c: {  	_ =	shalt  }
0x5d: {  	_ =	shalt  }
0x5e: {  	_ =	shalt  }
0x5f: {  	_ =	shalt  }
0x60: {  	_ =	shalt  }
0x61: {  	_ =	shalt  }
0x62: {  	_ =	shalt  }
0x63: {  	_ =	shalt  }
0x64: {  	_ =	shalt  }
0x65: {  	_ =	shalt  }
0x66: {  	_ =	shalt  }
0x67: {  	_ =	shalt  }
0x68: {  	_ =	shalt  }
0x69: {  	_ =	shalt  }
0x6a: {  	_ =	shalt  }
0x6b: {  	_ =	shalt  }
0x6c: {  	_ =	shalt  }
0x6d: {  	_ =	shalt  }
0x6e: {  	_ =	shalt  }
0x6f: {  	_ =	shalt  }
0x70: {  	_ =	shalt  }
0x71: {  	_ =	shalt  }
0x72: {  	_ =	shalt  }
0x73: {  	_ =	shalt  }
0x74: {  	_ =	shalt  }
0x75: {  	_ =	shalt  }
0x76: {  	_ =	shalt  }
0x77: {  	_ =	shalt  }
0x78: {  	_ =	shalt  }
0x79: {  	_ =	shalt  }
0x7a: {  	_ =	shalt  }
0x7b: {  	_ =	shalt  }
0x7c: {  	_ =	shalt  }
0x7d: {  	_ =	shalt  }
0x7e: {  	_ =	shalt  }
0x7f: {  	_ =	shalt  }
0x80: {  	_ =	shalt  }
0x81: {  	_ =	shalt  }
0x82: {  	_ =	shalt  }
0x83: {  	_ =	shalt  }
0x84: {  	_ =	shalt  }
0x85: {  	_ =	shalt  }
0x86: {  	_ =	shalt  }
0x87: {  	_ =	shalt  }
.Lfunc_end0:
.L_simem_size_0:
called_computation.2_lowered:
.L_overlay_start_0:
0x88: {  	s2 =	sld [smem:$0x3FD9]  }
0x89: {  	s3 =	sld [smem:$0x3FFE];
	_ =	sdelay $0x1  }
0x8a: {  	s1 =	srdreg.scid  }
0x8b: {  	s0 =	sand.u32 $0x1, s1  }
0x8c: {  	s16 =	sshll.u32 s0, $0xA;
	s2 =	sadd.s32 s3, s2  }
0x8d: {  	s2 =	sadd.s32 s2, s16  }
0x8e: {  	[smem:$0x3FBC] =	sst s2  }
0x8f: {  	_ = 	snop  }
0x90: {  	(tm) =	ssettm $0x1  }
0x91: {  	s17 =	sld [smem:$0x3FFB];
	_ =	sdelay $0x3  }
0x92: {  	_ =	strace s17  }
0x93: {  	s2 =	sld [smem:$0x3FFC];
	_ =	sdelay $0x3  }
0x94: {  	_ =	strace s2  }
0x95: {  	s2 =	sld [smem:$0x3FFD];
	_ =	sdelay $0x3  }
0x96: {  	_ =	strace s2  }
0x97: {  	_ =	strace $0x8FFFFFFF  }
0x98: {  	s18 =	sld [smem:$0x3FDB];
	_ =	sdelay $0x1  }
0x99: {  	s19 =	simm.s32 $_scs_section_size  }
0x9a: {  	s4 =	simm.s32 $_size__tile_overlayer_lowered;
	s5 =	simm.s32 $_tile_overlayer_lowered  }
0x9b: {  	s22 =	simm.s32 $0x1BFF;
	s21 =	sshll.u32 s5, $0x1;
	s2 =	sadd.s32 s19, s18  }
0x9c: {  	s6 =	simm.s32 $0x0;
	s20 =	sshll.u32 s4, $0x1;
	s4 =	sadd.s32 s21, s2  }
0x9d: {  	[timem:s6], [sflag:s22] =	dma.local [hbm:s4], s20  }
0x9e: {  	_ =	swait.ge [sflag:s22], s20  }
0x9f: {  	s3 =	ssub.s32 $0x0, s20;
	[sflag:s22] =	ssyncset.done $0x0  }
0xa0: {  	[sflag:s22] =	ssyncadd.s32 s3;
	_ =	sdelay $0x1  }
0xa1: {  	s23 =	simm.s32 $0x1B8B  }
0xa2: {  	_ =	swait.ge [sflag:s23], $0x1  }
0xa3: {  	[sflag:s23] =	ssyncset.done $0x0  }
0xa4: {  	s25 =	simm.s32 $0x1B8E;
	s24 =	sld [smem:$0x3FFE];
	[sflag:s23] =	ssyncadd.s32 $0xFFFFFFFF  }
0xa5: {  	s26 =	simm.s32 $execute0_lowered;
	[smem:$0x3FD2] =	sst s25  }
0xa6: {  	s4 =	sshll.u32 s26, $0x1;
	_ =	strace $0x8000004C;
	[dreg:$0x1] =	wrdreg $0xFFFFFFFF  }
0xa7: {  	s28 =	simm.s32 $_size_execute0_lowered;
	s2 =	sadd.s32 s2, s4;
	[dreg:$0x0] =	wrdreg $0x0  }
0xa8: {  	s4 =	sshll.u32 s28, $0x1;
	[dreg:$0x2] =	wrdreg s2  }
0xa9: {  	[dreg:$0x3] =	wrdreg s4  }
0xaa: {  	[dreg:$0x4] =	wrdreg $0xC0  }
0xab: {  	_ =	task [dreg:s6], $0x5FFFF  }
0xac: {  	[dreg:$0x1] =	wrdreg $0xFFFFFFFF  }
0xad: {  	[dreg:$0x0] =	wrdreg $0x60  }
0xae: {  	[dreg:$0x2] =	wrdreg s24  }
0xaf: {  	[dreg:$0x3] =	wrdreg $0x82000  }
0xb0: {  	[dreg:$0x4] =	wrdreg $0x9  }
0xb1: {  	_ =	task.clear_ibuf [dreg:s6], $0x5FFFF;
	_ =	strace $0x9000004C  }
0xb2: {  	s29 =	simm.s32 $0x9;
	_ =	strace $0x8000004E  }
0xb3: {  	_ =	swait.ge [sflag:s29], $0x1  }
0xb4: {  	[sflag:s29] =	ssyncadd.s32 $0xFFFFFFFF  }
0xb5: {  	_ =	strace $0x9000004E  }
0xb6: {  	_ =	sfence  }
0xb7: {  	s30 =	sld [smem:$0x0];
	_ =	sdelay $0x2  }
0xb8: {  	s31 =	sshll.u32 s1, $0xD;
	s1 =	sshrl.u32 s1, $0x2  }
0xb9: {  	s3 =	sand.u32 $0x4000, s31;
	s1 =	sadd.s32 s1, s30  }
0xba: {  	s0 =	sor.u32 s3, s0;
	s1 =	sshll.u32 s1, $0x11  }
0xbb: {  	s0 =	sor.u32 s1, s0  }
0xbc: {  	s0 =	sadd.s32 $0x8F2B, s0  }
0xbd: {  	[sflag:s0] =	ssyncadd.remote.s32 $0x1  }
0xbe: {  	_ =	sfence.sel $0xFFFF  }
0xbf: {  	[dreg:$0x0] =	wrdreg $0xFFFFFFFF;
	(pc) =	sbr.abs _section_cstart, $3  }
0xc0: {  	[dreg:$0x1] =	wrdreg $0xFFFFFFFF  }
0xc1: {  	_ =	task.clear_ibuf [dreg:s6], $0x2FFFF;
	_ =	strace $0x9FFFFFFF  }
0xc2: {  	(tm) =	ssettm $0x7FFFFFFF  }
0xc3: {  	_ =	shalt  }
tec
execute0_lowered:
.L_overlay_start_1:
0x0: {  	(tag) =	ssettag $0x1  }
0x1: {  	s5 =	rddreg [dreg:$0x0]  }
0x2: {  	s1 =	rddreg [dreg:$0x1]  }
0x3: {  	s0 =	rddreg [dreg:$0x2];
	s3 =	simm.s32 $0x0;
	s2 =	stileid.u32  }
0x4: {  	s7 =	srdreg.scid;
	s15 =	simm.s32 $0x1;
	s16 =	simm.s32 $0x80  }
0x5: {  	s17 =	simm.s32 $0x200;
	s18 =	simm.s32 $0x2;
	s19 =	simm.s32 $0x4200  }
0x6: {  	s20 =	simm.s32 $0x3;
	s21 =	simm.s32 $0x4;
	s22 =	simm.s32 $0x180  }
0x7: {  	s23 =	simm.s32 $0x0;
	[smem:$0x7FF] =	sst s3;
	s6 =	smul.u32 $0x14000, s2  }
0x8: {  	s4 =	sadd.s32 $0x30800, s5;
	s8 =	sadd.s32 $0x1C800, s5;
	s9 =	smul.u32 $0x2800, s2  }
0x9: {  	s7 =	sand.u32 $0x1, s7;
	s30 =	smul.u32 $0xA00, s2;
	s14 =	sshll.u32 s2, $0x6  }
0xa: {  	_ =	strace $0x8000004D;
	s11 =	smul.u32 $0x28000, s7;
	s12 =	sshll.u32 s7, $0x4  }
0xb: {  	s13 =	ssub.s32 $0x2, s7;
	s7 =	smul.u32 $0xA000, s7;
	s10 =	sshrl.u32 s6, $0x3  }
0xc: {  	s12 =	sor.u32 s2, s12;
	s28 =	sshrl.u32 s13, $0x1;
	s29 =	sadd.s32 s6, s1  }
0xd: {  	s10 =	sadd.s32 s10, s5;
	s9 =	sadd.s32 s9, s11;
	s12 =	smul.u32 $0xA00, s12  }
.Ltmp0:
0xe: {  	s11 =	ssub.s32 s13, s28;
	s31 =	sadd.s32 s7, s8;
	(pc) =	sbr.rel .LBB2_1-.Ltmp0, $4  }
0xf: {  	s7 =	sor.u32 $0x1C05, s14;
	s13 =	simm.s32 $0x5;
	s14 =	simm.s32 $0x100  }
0x10: {  	s9 =	sadd.s32 s9, s5;
	s5 =	sadd.s32 $0x58800, s10;
	s10 =	smax.u32 s11, $0x1  }
0x11: {  	s6 =	sadd.s32 s8, s12;
	s12 =	sadd.s32 s30, s31;
	s9 =	sadd.s32 $0x80800, s9  }
0x12: {  	s8 =	sadd.s32 $0x20, s6;
	s11 =	sadd.s32 $0xA0, s12;
	s12 =	sshrl.u32 s29, $0x3  }
.LBB2_4:
0x13: {  	_ =	swait.ge [sflag:s21], $0x4000  }
0x14: {  	[sflag:s21] =	ssyncset.done $0x0  }
0x15: {  	[sflag:s21] =	ssyncadd.s32 $0xFFFFC000  }
0x16: {  	[spmem:s1] =	stream.indirect.scatter.add.f32 [tilespmem:s19], [sflag:$0x5], $0x80, s22, s16, $0xb8;
	[tilespmem:$0x1C200] =	vst v63  }
0x17: {  	_ =	swait.ge [sflag:s13], $0x4000  }
0x18: {  	s23 =	sadd.s32 $0x1, s23;
	[sflag:s13] =	ssyncset.done $0x0  }
0x19: {  	p0 =	sne.s32 s23, s10;
	[sflag:s13] =	ssyncadd.s32 $0xFFFFC000  }
.Ltmp1:
0x1a: {  	[bflag:$0x0] =	sbarrier.arrive $0xFFFF;
	(pc) =	sbr.rel @!p0 .LBB2_5-.Ltmp1, $4  }
0x1b: {  	[hbm:s9], [sflag:s7] =	dma.local [spmem:s12], $0x2800  }
0x1c: {  	_ =	swait.ge [sflag:s13], $0x2800  }
0x1d: {  	[sflag:s13] =	ssyncset.done $0x0  }
0x1e: {  	[sflag:s13] =	ssyncadd.s32 $0xFFFFD800  }
.LBB2_1:
0x1f: {  	[spmem:s12], [sflag:s7] =	dma.local [hbm:s5], $0x2800  }
0x20: {  	_ =	swait.ge [sflag:s13], $0x2800  }
0x21: {  	[sflag:s13] =	ssyncset.done $0x0  }
0x22: {  	[sflag:s13] =	ssyncadd.s32 $0xFFFFD800  }
0x23: {  	[bflag:$0x0] =	sbarrier.arrive $0xFFFF  }
0x24: {  	[tilespmem:s3], [sflag:$0x1] =	stream.linear.gather [hbm4b:s6+s3], $0x100, $0x38;
	[tilespmem:$0x1C200] =	vst v63  }
0x25: {  	_ = 	snop  }
0x26: {  	[tilespmem:s14], [sflag:$0x2] =	stream.linear.gather [hbm4b:s8+s3], $0x100, $0x38;
	[tilespmem:$0x1C200] =	vst v63  }
0x27: {  	_ =	swait.ge [sflag:s15], $0x100  }
0x28: {  	[sflag:s15] =	ssyncset.done $0x0  }
0x29: {  	s24 =	smov.u32 s11;
	s25 =	simm.s32 $0x0;
	[sflag:s15] =	ssyncadd.s32 $0xFFFFFF00  }
0x2a: {  	[tilespmem:s17], [sflag:$0x3] =	stream.indirect.gather [hbm4b:s4+s16], $0x80, s3, s16, $0xb8;
	[tilespmem:$0x1C200] =	vst v63  }
.LBB2_2:
0x2b: {  	_ =	swait.ge [sflag:s18], $0x100  }
0x2c: {  	[sflag:s18] =	ssyncset.done $0x0  }
0x2d: {  	[sflag:s18] =	ssyncadd.s32 $0xFFFFFF00  }
0x2e: {  	[tilespmem:s19], [sflag:$0x4] =	stream.indirect.gather [hbm4b:s4+s16], $0x80, s14, s16, $0xb8;
	[tilespmem:$0x1C200] =	vst v63  }
0x2f: {  	_ =	swait.ge [sflag:s20], $0x4000  }
0x30: {  	[sflag:s20] =	ssyncset.done $0x0  }
0x31: {  	[sflag:s20] =	ssyncadd.s32 $0xFFFFC000  }
0x32: {  	[spmem:s1] =	stream.indirect.scatter.add.f32 [tilespmem:s17], [sflag:$0x5], $0x80, s16, s16, $0xb8;
	[tilespmem:$0x1C200] =	vst v63  }
0x33: {  	_ =	swait.ge [sflag:s13], $0x4000  }
0x34: {  	[sflag:s13] =	ssyncset.done $0x0  }
0x35: {  	s26 =	sadd.s32 $0xFFFFFFA0, s24;
	[sflag:s13] =	ssyncadd.s32 $0xFFFFC000  }
0x36: {  	[tilespmem:s3], [sflag:$0x1] =	stream.linear.gather [hbm4b:s26+s3], $0x100, $0x38;
	[tilespmem:$0x1C200] =	vst v63  }
0x37: {  	_ =	swait.ge [sflag:s15], $0x100  }
0x38: {  	[sflag:s15] =	ssyncset.done $0x0  }
0x39: {  	[sflag:s15] =	ssyncadd.s32 $0xFFFFFF00  }
0x3a: {  	[tilespmem:s17], [sflag:$0x3] =	stream.indirect.gather [hbm4b:s4+s16], $0x80, s3, s16, $0xb8;
	[tilespmem:$0x1C200] =	vst v63  }
0x3b: {  	_ =	swait.ge [sflag:s21], $0x4000  }
0x3c: {  	[sflag:s21] =	ssyncset.done $0x0  }
0x3d: {  	[sflag:s21] =	ssyncadd.s32 $0xFFFFC000  }
0x3e: {  	[spmem:s1] =	stream.indirect.scatter.add.f32 [tilespmem:s19], [sflag:$0x5], $0x80, s22, s16, $0xb8;
	[tilespmem:$0x1C200] =	vst v63  }
0x3f: {  	_ =	swait.ge [sflag:s13], $0x4000  }
0x40: {  	[sflag:s13] =	ssyncset.done $0x0  }
0x41: {  	s31 =	sadd.s32 $0xFFFFFFC0, s24;
	[sflag:s13] =	ssyncadd.s32 $0xFFFFC000  }
0x42: {  	[tilespmem:s14], [sflag:$0x2] =	stream.linear.gather [hbm4b:s31+s3], $0x100, $0x38;
	[tilespmem:$0x1C200] =	vst v63  }
0x43: {  	_ =	swait.ge [sflag:s18], $0x100  }
0x44: {  	[sflag:s18] =	ssyncset.done $0x0  }
0x45: {  	[sflag:s18] =	ssyncadd.s32 $0xFFFFFF00  }
0x46: {  	[tilespmem:s19], [sflag:$0x4] =	stream.indirect.gather [hbm4b:s4+s16], $0x80, s14, s16, $0xb8;
	[tilespmem:$0x1C200] =	vst v63  }
0x47: {  	_ =	swait.ge [sflag:s20], $0x4000  }
0x48: {  	p0 =	sgt.u32 s25, $0x25;
	[sflag:s20] =	ssyncset.done $0x0  }
.Ltmp2:
0x49: {  	[sflag:s20] =	ssyncadd.s32 $0xFFFFC000;
	(pc) =	sbr.rel @p0 .LBB2_4-.Ltmp2, $4  }
0x4a: {  	[spmem:s1] =	stream.indirect.scatter.add.f32 [tilespmem:s17], [sflag:$0x5], $0x80, s16, s16, $0xb8;
	[tilespmem:$0x1C200] =	vst v63  }
0x4b: {  	_ =	swait.ge [sflag:s13], $0x4000  }
0x4c: {  	[sflag:s13] =	ssyncset.done $0x0  }
0x4d: {  	[sflag:s13] =	ssyncadd.s32 $0xFFFFC000  }
0x4e: {  	s26 =	sadd.s32 $0xFFFFFFE0, s24  }
0x4f: {  	[tilespmem:s3], [sflag:$0x1] =	stream.linear.gather [hbm4b:s26+s3], $0x100, $0x38;
	[tilespmem:$0x1C200] =	vst v63  }
0x50: {  	_ =	swait.ge [sflag:s15], $0x100  }
0x51: {  	[sflag:s15] =	ssyncset.done $0x0  }
0x52: {  	[sflag:s15] =	ssyncadd.s32 $0xFFFFFF00  }
0x53: {  	[tilespmem:s17], [sflag:$0x3] =	stream.indirect.gather [hbm4b:s4+s16], $0x80, s3, s16, $0xb8;
	[tilespmem:$0x1C200] =	vst v63  }
0x54: {  	_ =	swait.ge [sflag:s21], $0x4000  }
0x55: {  	[sflag:s21] =	ssyncset.done $0x0  }
0x56: {  	[sflag:s21] =	ssyncadd.s32 $0xFFFFC000  }
0x57: {  	[spmem:s1] =	stream.indirect.scatter.add.f32 [tilespmem:s19], [sflag:$0x5], $0x80, s22, s16, $0xb8;
	[tilespmem:$0x1C200] =	vst v63  }
.Ltmp3:
0x58: {  	_ =	swait.ge [sflag:s13], $0x4000;
	(pc) =	sbr.rel .LBB2_2-.Ltmp3, $4  }
0x59: {  	[sflag:s13] =	ssyncset.done $0x0  }
0x5a: {  	[sflag:s13] =	ssyncadd.s32 $0xFFFFC000  }
0x5b: {  	[tilespmem:s14], [sflag:$0x2] =	stream.linear.gather [hbm4b:s24+s3], $0x100, $0x38;
	[tilespmem:$0x1C200] =	vst v63  }
0x5c: {  	s25 =	sadd.s32 $0x2, s25;
	s24 =	sadd.s32 $0x80, s24  }
.LBB2_5:
0x5d: {  	_ =	sfence.sel $0x180000  }
0x5e: {  	[bflag:$0x0] =	sbarrier.arrive $0xFFFF  }
0x5f: {  	p0 =	sne.s32 s2, $0x0;
	_ =	strace $0x9000004D  }
0x60: {  	s0 =	sadd.s32 @!p0 $0x100000, s0;
	[bflag:$0x2] =	sbarrier.arrive $0xFFFF  }
0x61: {  	[sflag:s0] =	ssyncadd.tile.s32 @!p0 $0x1;
	_ =	shalt  }
.Lfunc_end2:
_tile_overlayer_lowered:
.L_overlay_start_2:
0x62: {  	(tag) =	ssettag $0x2  }
0x63: {  	s0 =	rddreg [dreg:$0x0];
	s2 =	stileid.u32  }
0x64: {  	s1 =	rddreg [dreg:$0x1];
	p0 =	sne.s32 s2, $0x0  }
0x65: {  	s3 =	rddreg [dreg:$0x2];
	[bflag:$0x3] =	sbarrier.arrive $0xFFFF;
	s2 =	simm.s32 @!p0 $0x1C05  }
0x66: {  	[timem:s3], [sflag:s2] =	dma.local @!p0 [hbm:s0], s1  }
0x67: {  	s0 =	simm.s32 @!p0 $0x5  }
0x68: {  	_ =	swait.ge @!p0 [sflag:s0], s1  }
0x69: {  	s1 =	ssub.s32 @!p0 $0x0, s1;
	[sflag:s0] =	ssyncset.done @!p0 $0x0  }
0x6a: {  	[sflag:s0] =	ssyncadd.s32 @!p0 s1  }
0x6b: {  	[bflag:$0x3] =	sbarrier.arrive $0xFFFF  }
0x6c: {  	_ =	shalt  }

// kernel: kernel.23.cloned.1.call-start
scs
__scs_entry_jumppad:
0x0: {  	(pc) =	sbr.rel $0x88, $3  }
0x1: {  	(tag) =	ssettag $0x0;
	lr =	simm.s32 $0x1  }
0x2: {  	[smem:$0x3F95] =	sst lr;
	_ =	strace $0xD0000000  }
0x3: {  	_ = 	snop  }
0x4: {  	_ = 	snop  }
0x5: {  	_ = 	snop  }
0x6: {  	_ = 	snop  }
0x7: {  	_ = 	snop  }
__scs_overlays_trampoline_lowered:
0x8: {  	[smem:$0x3FA4] =	sst s0  }
0x9: {  	[smem:$0x3FA5] =	sst s1  }
0xa: {  	[smem:$0x3FA6] =	sst s2  }
0xb: {  	[smem:$0x3FA7] =	sst s3  }
0xc: {  	[smem:$0x3FA8] =	sst s4  }
0xd: {  	[smem:$0x3FA9] =	sst s5  }
0xe: {  	[smem:$0x3FAA] =	sst s6  }
0xf: {  	[smem:$0x3FAB] =	sst s7  }
0x10: {  	[smem:$0x3FAC] =	sst s8  }
0x11: {  	[smem:$0x3FAD] =	sst s9;
	s0 =	simm.s32 @!p0 $0x0  }
0x12: {  	s1 =	sld [smem:$0x3F93];
	s0 =	simm.s32 @p0 $0x1  }
0x13: {  	[smem:$0x3FAE] =	sst s0;
	s0 =	simm.s32 @!p1 $0x0  }
0x14: {  	s2 =	sld [smem:$0x3F92];
	s0 =	simm.s32 @p1 $0x1  }
0x15: {  	[smem:$0x3FAF] =	sst s0;
	s0 =	simm.s32 @!p2 $0x0  }
0x16: {  	s3 =	sld [smem:$0x3FDB];
	s0 =	simm.s32 @p2 $0x1  }
0x17: {  	s4 =	simm.s32 $0x1BF5;
	[smem:$0x3FB1] =	sst s0  }
0x18: {  	s0 =	sld [smem:$0x3F94];
	_ =	swait.ge [sflag:s4], $0x0  }
0x19: {  	s7 =	sld [smem:$0x3F95]  }
0x1a: {  	s8 =	sadd.s32 $0xFFFFE003, lr  }
0x1b: {  	s9 =	sadd.s32 $0xFFFFFEF7, lr;
	s5 =	simm.s32 $0xFFFFFFFF;
	p2 =	slt.u32 s8, $0xFFFFF086  }
0x1c: {  	p1 =	slt.u32 s9, $0xF7A;
	s5 =	simm.s32 @!p2 $0x0  }
0x1d: {  	s5 =	simm.s32 @p1 $0x1;
	p0 =	seq.s32 s7, s2  }
0x1e: {  	s7 =	smul.u32 @!p0 $0xF7A, s2;
	p2 =	seq.s32 @!p0 s5, $0x0  }
0x1f: {  	s9 =	smul.u32 $0xF7A, s1;
	s8 =	simm.s32 @!p0 $0x1BF5;
	p2 =	por !p2, p0  }
0x20: {  	[sflag:s8] =	ssyncset.s32 @!p0 $0xFFFFF086;
	s6 =	sadd.s32 @!p0 s3, s7;
	s7 =	simm.s32 @!p0 $0x108  }
0x21: {  	s3 =	sadd.s32 s3, s9;
	s6 =	sadd.s32 @!p0 $0x88, s6;
	s7 =	simm.s32 @p2 $0x1082  }
0x22: {  	[simem:s7], [sflag:s8] =	dma.local @!p0 [hbm:s6], $0xF7A  }
0x23: {  	s9 =	sor.u32 $0xD0000000, s2;
	s6 =	simm.s32 $0x108;
	_ =	swait.ge @!p0 [sflag:s8], $0x0  }
0x24: {  	s3 =	sadd.s32 $0x88, s3;
	s6 =	simm.s32 @!p1 $0x1082;
	[sflag:s4] =	ssyncset.s32 $0xFFFFF086  }
0x25: {  	[simem:s6], [sflag:s4] =	dma.local [hbm:s3], $0xF7A  }
0x26: {  	[smem:$0x3F95] =	sst s1;
	(tag) =	ssettag s2;
	_ =	strace s9  }
0x27: {  	s1 =	sld [smem:$0x3FA5]  }
0x28: {  	s2 =	sld [smem:$0x3FA6]  }
0x29: {  	s4 =	sld [smem:$0x3FA8]  }
0x2a: {  	p0 =	seq.s32 s5, $0x0;
	s5 =	sld [smem:$0x3FA9]  }
0x2b: {  	s6 =	sld [smem:$0x3FAA]  }
0x2c: {  	s7 =	sld [smem:$0x3FAB]  }
0x2d: {  	s3 =	simm.s32 $0x108;
	s8 =	sld [smem:$0x3FAC]  }
0x2e: {  	s3 =	simm.s32 @!p0 $0x1082;
	s9 =	sld [smem:$0x3FAD]  }
0x2f: {  	lr =	sadd.s32 s0, s3;
	s0 =	sld [smem:$0x3FA4]  }
0x30: {  	s3 =	sld [smem:$0x3FA7]  }
0x31: {  	[smem:$0x3FB0] =	sst s10  }
0x32: {  	s10 =	sld [smem:$0x3FAE];
	_ =	sdelay $0x3  }
0x33: {  	p0 =	seq.s32 s10, $0x1;
	s10 =	sld [smem:$0x3FB0];
	_ =	sdelay $0x3  }
0x34: {  	[smem:$0x3FB0] =	sst s10  }
0x35: {  	s10 =	sld [smem:$0x3FAF];
	_ =	sdelay $0x3  }
0x36: {  	p1 =	seq.s32 s10, $0x1;
	s10 =	sld [smem:$0x3FB0];
	_ =	sdelay $0x3  }
0x37: {  	[smem:$0x3FB0] =	sst s10  }
0x38: {  	s10 =	sld [smem:$0x3FB1]  }
0x39: {  	_ = 	snop;
	(pc) =	sbr.ind lr, $3  }
0x3a: {  	_ = 	snop  }
0x3b: {  	_ = 	snop  }
0x3c: {  	p2 =	seq.s32 s10, $0x1;
	s10 =	sld [smem:$0x3FB0]  }
0x3d: {  	_ =	shalt  }
0x3e: {  	_ =	shalt  }
0x3f: {  	_ =	shalt  }
0x40: {  	_ =	shalt  }
0x41: {  	_ =	shalt  }
0x42: {  	_ =	shalt  }
0x43: {  	_ =	shalt  }
0x44: {  	_ =	shalt  }
0x45: {  	_ =	shalt  }
0x46: {  	_ =	shalt  }
0x47: {  	_ =	shalt  }
0x48: {  	_ =	shalt  }
0x49: {  	_ =	shalt  }
0x4a: {  	_ =	shalt  }
0x4b: {  	_ =	shalt  }
0x4c: {  	_ =	shalt  }
0x4d: {  	_ =	shalt  }
0x4e: {  	_ =	shalt  }
0x4f: {  	_ =	shalt  }
0x50: {  	_ =	shalt  }
0x51: {  	_ =	shalt  }
0x52: {  	_ =	shalt  }
0x53: {  	_ =	shalt  }
0x54: {  	_ =	shalt  }
0x55: {  	_ =	shalt  }
0x56: {  	_ =	shalt  }
0x57: {  	_ =	shalt  }
0x58: {  	_ =	shalt  }
0x59: {  	_ =	shalt  }
0x5a: {  	_ =	shalt  }
0x5b: {  	_ =	shalt  }
0x5c: {  	_ =	shalt  }
0x5d: {  	_ =	shalt  }
0x5e: {  	_ =	shalt  }
0x5f: {  	_ =	shalt  }
0x60: {  	_ =	shalt  }
0x61: {  	_ =	shalt  }
0x62: {  	_ =	shalt  }
0x63: {  	_ =	shalt  }
0x64: {  	_ =	shalt  }
0x65: {  	_ =	shalt  }
0x66: {  	_ =	shalt  }
0x67: {  	_ =	shalt  }
0x68: {  	_ =	shalt  }
0x69: {  	_ =	shalt  }
0x6a: {  	_ =	shalt  }
0x6b: {  	_ =	shalt  }
0x6c: {  	_ =	shalt  }
0x6d: {  	_ =	shalt  }
0x6e: {  	_ =	shalt  }
0x6f: {  	_ =	shalt  }
0x70: {  	_ =	shalt  }
0x71: {  	_ =	shalt  }
0x72: {  	_ =	shalt  }
0x73: {  	_ =	shalt  }
0x74: {  	_ =	shalt  }
0x75: {  	_ =	shalt  }
0x76: {  	_ =	shalt  }
0x77: {  	_ =	shalt  }
0x78: {  	_ =	shalt  }
0x79: {  	_ =	shalt  }
0x7a: {  	_ =	shalt  }
0x7b: {  	_ =	shalt  }
0x7c: {  	_ =	shalt  }
0x7d: {  	_ =	shalt  }
0x7e: {  	_ =	shalt  }
0x7f: {  	_ =	shalt  }
0x80: {  	_ =	shalt  }
0x81: {  	_ =	shalt  }
0x82: {  	_ =	shalt  }
0x83: {  	_ =	shalt  }
0x84: {  	_ =	shalt  }
0x85: {  	_ =	shalt  }
0x86: {  	_ =	shalt  }
0x87: {  	_ =	shalt  }
.Lfunc_end0:
.L_simem_size_0:
called_computation.3_lowered:
.L_overlay_start_0:
0x88: {  	s2 =	sld [smem:$0x3FD9]  }
0x89: {  	s3 =	sld [smem:$0x3FFE];
	_ =	sdelay $0x1  }
0x8a: {  	s1 =	srdreg.scid  }
0x8b: {  	s0 =	sand.u32 $0x1, s1  }
0x8c: {  	s16 =	sshll.u32 s0, $0xA;
	s2 =	sadd.s32 s3, s2  }
0x8d: {  	s2 =	sadd.s32 s2, s16  }
0x8e: {  	[smem:$0x3FBC] =	sst s2  }
0x8f: {  	_ = 	snop  }
0x90: {  	(tm) =	ssettm $0x1  }
0x91: {  	s17 =	sld [smem:$0x3FFB];
	_ =	sdelay $0x3  }
0x92: {  	_ =	strace s17  }
0x93: {  	s2 =	sld [smem:$0x3FFC];
	_ =	sdelay $0x3  }
0x94: {  	_ =	strace s2  }
0x95: {  	s2 =	sld [smem:$0x3FFD];
	_ =	sdelay $0x3  }
0x96: {  	_ =	strace s2  }
0x97: {  	_ =	strace $0x8FFFFFFF  }
0x98: {  	s18 =	sld [smem:$0x3FDB];
	_ =	sdelay $0x1  }
0x99: {  	s19 =	simm.s32 $_scs_section_size  }
0x9a: {  	s4 =	simm.s32 $_size__tile_overlayer_lowered;
	s5 =	simm.s32 $_tile_overlayer_lowered  }
0x9b: {  	s22 =	simm.s32 $0x1BFF;
	s21 =	sshll.u32 s5, $0x1;
	s2 =	sadd.s32 s19, s18  }
0x9c: {  	s6 =	simm.s32 $0x0;
	s20 =	sshll.u32 s4, $0x1;
	s4 =	sadd.s32 s21, s2  }
0x9d: {  	[timem:s6], [sflag:s22] =	dma.local [hbm:s4], s20  }
0x9e: {  	_ =	swait.ge [sflag:s22], s20  }
0x9f: {  	s3 =	ssub.s32 $0x0, s20;
	[sflag:s22] =	ssyncset.done $0x0  }
0xa0: {  	[sflag:s22] =	ssyncadd.s32 s3;
	_ =	sdelay $0x1  }
0xa1: {  	s23 =	simm.s32 $0x1B8B  }
0xa2: {  	_ =	swait.ge [sflag:s23], $0x1  }
0xa3: {  	[sflag:s23] =	ssyncset.done $0x0  }
0xa4: {  	s25 =	simm.s32 $0x1B8E;
	s24 =	sld [smem:$0x3FFE];
	[sflag:s23] =	ssyncadd.s32 $0xFFFFFFFF  }
0xa5: {  	s26 =	simm.s32 $execute0_lowered;
	[smem:$0x3FD2] =	sst s25  }
0xa6: {  	s4 =	sshll.u32 s26, $0x1;
	_ =	strace $0x8000004F;
	[dreg:$0x1] =	wrdreg $0xFFFFFFFF  }
0xa7: {  	s28 =	simm.s32 $_size_execute0_lowered;
	s2 =	sadd.s32 s2, s4;
	[dreg:$0x0] =	wrdreg $0x0  }
0xa8: {  	s4 =	sshll.u32 s28, $0x1;
	[dreg:$0x2] =	wrdreg s2  }
0xa9: {  	[dreg:$0x3] =	wrdreg s4  }
0xaa: {  	[dreg:$0x4] =	wrdreg $0xC0  }
0xab: {  	_ =	task [dreg:s6], $0x5FFFF  }
0xac: {  	[dreg:$0x1] =	wrdreg $0xFFFFFFFF  }
0xad: {  	[dreg:$0x0] =	wrdreg $0x60  }
0xae: {  	[dreg:$0x2] =	wrdreg s24  }
0xaf: {  	[dreg:$0x3] =	wrdreg $0x82000  }
0xb0: {  	[dreg:$0x4] =	wrdreg $0x9  }
0xb1: {  	_ =	task.clear_ibuf [dreg:s6], $0x5FFFF;
	_ =	strace $0x9000004F  }
0xb2: {  	s29 =	simm.s32 $0x9;
	_ =	strace $0x80000051  }
0xb3: {  	_ =	swait.ge [sflag:s29], $0x1  }
0xb4: {  	[sflag:s29] =	ssyncadd.s32 $0xFFFFFFFF  }
0xb5: {  	_ =	strace $0x90000051  }
0xb6: {  	_ =	sfence  }
0xb7: {  	s30 =	sld [smem:$0x0];
	_ =	sdelay $0x2  }
0xb8: {  	s31 =	sshll.u32 s1, $0xD;
	s1 =	sshrl.u32 s1, $0x2  }
0xb9: {  	s3 =	sand.u32 $0x4000, s31;
	s1 =	sadd.s32 s1, s30  }
0xba: {  	s0 =	sor.u32 s3, s0;
	s1 =	sshll.u32 s1, $0x11  }
0xbb: {  	s0 =	sor.u32 s1, s0  }
0xbc: {  	s0 =	sadd.s32 $0x8F2B, s0  }
0xbd: {  	[sflag:s0] =	ssyncadd.remote.s32 $0x1  }
0xbe: {  	_ =	sfence.sel $0xFFFF  }
0xbf: {  	[dreg:$0x0] =	wrdreg $0xFFFFFFFF;
	(pc) =	sbr.abs _section_cstart, $3  }
0xc0: {  	[dreg:$0x1] =	wrdreg $0xFFFFFFFF  }
0xc1: {  	_ =	task.clear_ibuf [dreg:s6], $0x2FFFF;
	_ =	strace $0x9FFFFFFF  }
0xc2: {  	(tm) =	ssettm $0x7FFFFFFF  }
0xc3: {  	_ =	shalt  }
tec
execute0_lowered:
.L_overlay_start_1:
0x0: {  	(tag) =	ssettag $0x1  }
0x1: {  	s5 =	rddreg [dreg:$0x0]  }
0x2: {  	s1 =	rddreg [dreg:$0x1]  }
0x3: {  	s0 =	rddreg [dreg:$0x2];
	s3 =	simm.s32 $0x0;
	s2 =	stileid.u32  }
0x4: {  	s7 =	srdreg.scid;
	s15 =	simm.s32 $0x1;
	s16 =	simm.s32 $0x80  }
0x5: {  	s17 =	simm.s32 $0x200;
	s18 =	simm.s32 $0x2;
	s19 =	simm.s32 $0x4200  }
0x6: {  	s20 =	simm.s32 $0x3;
	s21 =	simm.s32 $0x4;
	s22 =	simm.s32 $0x180  }
0x7: {  	s23 =	simm.s32 $0x0;
	[smem:$0x7FF] =	sst s3;
	s6 =	smul.u32 $0x14000, s2  }
0x8: {  	s4 =	sadd.s32 $0x30800, s5;
	s8 =	sadd.s32 $0x1C800, s5;
	s9 =	smul.u32 $0x2800, s2  }
0x9: {  	s7 =	sand.u32 $0x1, s7;
	s30 =	smul.u32 $0xA00, s2;
	s14 =	sshll.u32 s2, $0x6  }
0xa: {  	_ =	strace $0x80000050;
	s11 =	smul.u32 $0x28000, s7;
	s12 =	sshll.u32 s7, $0x4  }
0xb: {  	s13 =	ssub.s32 $0x2, s7;
	s7 =	smul.u32 $0xA000, s7;
	s10 =	sshrl.u32 s6, $0x3  }
0xc: {  	s12 =	sor.u32 s2, s12;
	s28 =	sshrl.u32 s13, $0x1;
	s29 =	sadd.s32 s6, s1  }
0xd: {  	s10 =	sadd.s32 s10, s5;
	s9 =	sadd.s32 s9, s11;
	s12 =	smul.u32 $0xA00, s12  }
.Ltmp0:
0xe: {  	s11 =	ssub.s32 s13, s28;
	s31 =	sadd.s32 s7, s8;
	(pc) =	sbr.rel .LBB2_1-.Ltmp0, $4  }
0xf: {  	s7 =	sor.u32 $0x1C05, s14;
	s13 =	simm.s32 $0x5;
	s14 =	simm.s32 $0x100  }
0x10: {  	s9 =	sadd.s32 s9, s5;
	s5 =	sadd.s32 $0x58800, s10;
	s10 =	smax.u32 s11, $0x1  }
0x11: {  	s6 =	sadd.s32 s8, s12;
	s12 =	sadd.s32 s30, s31;
	s9 =	sadd.s32 $0x80800, s9  }
0x12: {  	s8 =	sadd.s32 $0x20, s6;
	s11 =	sadd.s32 $0xA0, s12;
	s12 =	sshrl.u32 s29, $0x3  }
.LBB2_4:
0x13: {  	_ =	swait.ge [sflag:s21], $0x4000  }
0x14: {  	[sflag:s21] =	ssyncset.done $0x0  }
0x15: {  	[sflag:s21] =	ssyncadd.s32 $0xFFFFC000  }
0x16: {  	[spmem:s1] =	stream.indirect.scatter.add.f32 [tilespmem:s19], [sflag:$0x5], $0x80, s22, s16, $0xb8;
	[tilespmem:$0x1C200] =	vst v63  }
0x17: {  	_ =	swait.ge [sflag:s13], $0x4000  }
0x18: {  	s23 =	sadd.s32 $0x1, s23;
	[sflag:s13] =	ssyncset.done $0x0  }
0x19: {  	p0 =	sne.s32 s23, s10;
	[sflag:s13] =	ssyncadd.s32 $0xFFFFC000  }
.Ltmp1:
0x1a: {  	[bflag:$0x0] =	sbarrier.arrive $0xFFFF;
	(pc) =	sbr.rel @!p0 .LBB2_5-.Ltmp1, $4  }
0x1b: {  	[hbm:s9], [sflag:s7] =	dma.local [spmem:s12], $0x2800  }
0x1c: {  	_ =	swait.ge [sflag:s13], $0x2800  }
0x1d: {  	[sflag:s13] =	ssyncset.done $0x0  }
0x1e: {  	[sflag:s13] =	ssyncadd.s32 $0xFFFFD800  }
.LBB2_1:
0x1f: {  	[spmem:s12], [sflag:s7] =	dma.local [hbm:s5], $0x2800  }
0x20: {  	_ =	swait.ge [sflag:s13], $0x2800  }
0x21: {  	[sflag:s13] =	ssyncset.done $0x0  }
0x22: {  	[sflag:s13] =	ssyncadd.s32 $0xFFFFD800  }
0x23: {  	[bflag:$0x0] =	sbarrier.arrive $0xFFFF  }
0x24: {  	[tilespmem:s3], [sflag:$0x1] =	stream.linear.gather [hbm4b:s6+s3], $0x100, $0x38;
	[tilespmem:$0x1C200] =	vst v63  }
0x25: {  	_ = 	snop  }
0x26: {  	[tilespmem:s14], [sflag:$0x2] =	stream.linear.gather [hbm4b:s8+s3], $0x100, $0x38;
	[tilespmem:$0x1C200] =	vst v63  }
0x27: {  	_ =	swait.ge [sflag:s15], $0x100  }
0x28: {  	[sflag:s15] =	ssyncset.done $0x0  }
0x29: {  	s24 =	smov.u32 s11;
	s25 =	simm.s32 $0x0;
	[sflag:s15] =	ssyncadd.s32 $0xFFFFFF00  }
0x2a: {  	[tilespmem:s17], [sflag:$0x3] =	stream.indirect.gather [hbm4b:s4+s16], $0x80, s3, s16, $0xb8;
	[tilespmem:$0x1C200] =	vst v63  }
.LBB2_2:
0x2b: {  	_ =	swait.ge [sflag:s18], $0x100  }
0x2c: {  	[sflag:s18] =	ssyncset.done $0x0  }
0x2d: {  	[sflag:s18] =	ssyncadd.s32 $0xFFFFFF00  }
0x2e: {  	[tilespmem:s19], [sflag:$0x4] =	stream.indirect.gather [hbm4b:s4+s16], $0x80, s14, s16, $0xb8;
	[tilespmem:$0x1C200] =	vst v63  }
0x2f: {  	_ =	swait.ge [sflag:s20], $0x4000  }
0x30: {  	[sflag:s20] =	ssyncset.done $0x0  }
0x31: {  	[sflag:s20] =	ssyncadd.s32 $0xFFFFC000  }
0x32: {  	[spmem:s1] =	stream.indirect.scatter.add.f32 [tilespmem:s17], [sflag:$0x5], $0x80, s16, s16, $0xb8;
	[tilespmem:$0x1C200] =	vst v63  }
0x33: {  	_ =	swait.ge [sflag:s13], $0x4000  }
0x34: {  	[sflag:s13] =	ssyncset.done $0x0  }
0x35: {  	s26 =	sadd.s32 $0xFFFFFFA0, s24;
	[sflag:s13] =	ssyncadd.s32 $0xFFFFC000  }
0x36: {  	[tilespmem:s3], [sflag:$0x1] =	stream.linear.gather [hbm4b:s26+s3], $0x100, $0x38;
	[tilespmem:$0x1C200] =	vst v63  }
0x37: {  	_ =	swait.ge [sflag:s15], $0x100  }
0x38: {  	[sflag:s15] =	ssyncset.done $0x0  }
0x39: {  	[sflag:s15] =	ssyncadd.s32 $0xFFFFFF00  }
0x3a: {  	[tilespmem:s17], [sflag:$0x3] =	stream.indirect.gather [hbm4b:s4+s16], $0x80, s3, s16, $0xb8;
	[tilespmem:$0x1C200] =	vst v63  }
0x3b: {  	_ =	swait.ge [sflag:s21], $0x4000  }
0x3c: {  	[sflag:s21] =	ssyncset.done $0x0  }
0x3d: {  	[sflag:s21] =	ssyncadd.s32 $0xFFFFC000  }
0x3e: {  	[spmem:s1] =	stream.indirect.scatter.add.f32 [tilespmem:s19], [sflag:$0x5], $0x80, s22, s16, $0xb8;
	[tilespmem:$0x1C200] =	vst v63  }
0x3f: {  	_ =	swait.ge [sflag:s13], $0x4000  }
0x40: {  	[sflag:s13] =	ssyncset.done $0x0  }
0x41: {  	s31 =	sadd.s32 $0xFFFFFFC0, s24;
	[sflag:s13] =	ssyncadd.s32 $0xFFFFC000  }
0x42: {  	[tilespmem:s14], [sflag:$0x2] =	stream.linear.gather [hbm4b:s31+s3], $0x100, $0x38;
	[tilespmem:$0x1C200] =	vst v63  }
0x43: {  	_ =	swait.ge [sflag:s18], $0x100  }
0x44: {  	[sflag:s18] =	ssyncset.done $0x0  }
0x45: {  	[sflag:s18] =	ssyncadd.s32 $0xFFFFFF00  }
0x46: {  	[tilespmem:s19], [sflag:$0x4] =	stream.indirect.gather [hbm4b:s4+s16], $0x80, s14, s16, $0xb8;
	[tilespmem:$0x1C200] =	vst v63  }
0x47: {  	_ =	swait.ge [sflag:s20], $0x4000  }
0x48: {  	p0 =	sgt.u32 s25, $0x25;
	[sflag:s20] =	ssyncset.done $0x0  }
.Ltmp2:
0x49: {  	[sflag:s20] =	ssyncadd.s32 $0xFFFFC000;
	(pc) =	sbr.rel @p0 .LBB2_4-.Ltmp2, $4  }
0x4a: {  	[spmem:s1] =	stream.indirect.scatter.add.f32 [tilespmem:s17], [sflag:$0x5], $0x80, s16, s16, $0xb8;
	[tilespmem:$0x1C200] =	vst v63  }
0x4b: {  	_ =	swait.ge [sflag:s13], $0x4000  }
0x4c: {  	[sflag:s13] =	ssyncset.done $0x0  }
0x4d: {  	[sflag:s13] =	ssyncadd.s32 $0xFFFFC000  }
0x4e: {  	s26 =	sadd.s32 $0xFFFFFFE0, s24  }
0x4f: {  	[tilespmem:s3], [sflag:$0x1] =	stream.linear.gather [hbm4b:s26+s3], $0x100, $0x38;
	[tilespmem:$0x1C200] =	vst v63  }
0x50: {  	_ =	swait.ge [sflag:s15], $0x100  }
0x51: {  	[sflag:s15] =	ssyncset.done $0x0  }
0x52: {  	[sflag:s15] =	ssyncadd.s32 $0xFFFFFF00  }
0x53: {  	[tilespmem:s17], [sflag:$0x3] =	stream.indirect.gather [hbm4b:s4+s16], $0x80, s3, s16, $0xb8;
	[tilespmem:$0x1C200] =	vst v63  }
0x54: {  	_ =	swait.ge [sflag:s21], $0x4000  }
0x55: {  	[sflag:s21] =	ssyncset.done $0x0  }
0x56: {  	[sflag:s21] =	ssyncadd.s32 $0xFFFFC000  }
0x57: {  	[spmem:s1] =	stream.indirect.scatter.add.f32 [tilespmem:s19], [sflag:$0x5], $0x80, s22, s16, $0xb8;
	[tilespmem:$0x1C200] =	vst v63  }
.Ltmp3:
0x58: {  	_ =	swait.ge [sflag:s13], $0x4000;
	(pc) =	sbr.rel .LBB2_2-.Ltmp3, $4  }
0x59: {  	[sflag:s13] =	ssyncset.done $0x0  }
0x5a: {  	[sflag:s13] =	ssyncadd.s32 $0xFFFFC000  }
0x5b: {  	[tilespmem:s14], [sflag:$0x2] =	stream.linear.gather [hbm4b:s24+s3], $0x100, $0x38;
	[tilespmem:$0x1C200] =	vst v63  }
0x5c: {  	s25 =	sadd.s32 $0x2, s25;
	s24 =	sadd.s32 $0x80, s24  }
.LBB2_5:
0x5d: {  	_ =	sfence.sel $0x180000  }
0x5e: {  	[bflag:$0x0] =	sbarrier.arrive $0xFFFF  }
0x5f: {  	p0 =	sne.s32 s2, $0x0;
	_ =	strace $0x90000050  }
0x60: {  	s0 =	sadd.s32 @!p0 $0x100000, s0;
	[bflag:$0x2] =	sbarrier.arrive $0xFFFF  }
0x61: {  	[sflag:s0] =	ssyncadd.tile.s32 @!p0 $0x1;
	_ =	shalt  }
.Lfunc_end2:
_tile_overlayer_lowered:
.L_overlay_start_2:
0x62: {  	(tag) =	ssettag $0x2  }
0x63: {  	s0 =	rddreg [dreg:$0x0];
	s2 =	stileid.u32  }
0x64: {  	s1 =	rddreg [dreg:$0x1];
	p0 =	sne.s32 s2, $0x0  }
0x65: {  	s3 =	rddreg [dreg:$0x2];
	[bflag:$0x3] =	sbarrier.arrive $0xFFFF;
	s2 =	simm.s32 @!p0 $0x1C05  }
0x66: {  	[timem:s3], [sflag:s2] =	dma.local @!p0 [hbm:s0], s1  }
0x67: {  	s0 =	simm.s32 @!p0 $0x5  }
0x68: {  	_ =	swait.ge @!p0 [sflag:s0], s1  }
0x69: {  	s1 =	ssub.s32 @!p0 $0x0, s1;
	[sflag:s0] =	ssyncset.done @!p0 $0x0  }
0x6a: {  	[sflag:s0] =	ssyncadd.s32 @!p0 s1  }
0x6b: {  	[bflag:$0x3] =	sbarrier.arrive $0xFFFF  }
0x6c: {  	_ =	shalt  }

// kernel: kernel.26.cloned.1.call-start
scs
__scs_entry_jumppad:
0x0: {  	(pc) =	sbr.rel $0x88, $3  }
0x1: {  	(tag) =	ssettag $0x0;
	lr =	simm.s32 $0x1  }
0x2: {  	[smem:$0x3F95] =	sst lr;
	_ =	strace $0xD0000000  }
0x3: {  	_ = 	snop  }
0x4: {  	_ = 	snop  }
0x5: {  	_ = 	snop  }
0x6: {  	_ = 	snop  }
0x7: {  	_ = 	snop  }
__scs_overlays_trampoline_lowered:
0x8: {  	[smem:$0x3FA4] =	sst s0  }
0x9: {  	[smem:$0x3FA5] =	sst s1  }
0xa: {  	[smem:$0x3FA6] =	sst s2  }
0xb: {  	[smem:$0x3FA7] =	sst s3  }
0xc: {  	[smem:$0x3FA8] =	sst s4  }
0xd: {  	[smem:$0x3FA9] =	sst s5  }
0xe: {  	[smem:$0x3FAA] =	sst s6  }
0xf: {  	[smem:$0x3FAB] =	sst s7  }
0x10: {  	[smem:$0x3FAC] =	sst s8  }
0x11: {  	[smem:$0x3FAD] =	sst s9;
	s0 =	simm.s32 @!p0 $0x0  }
0x12: {  	s1 =	sld [smem:$0x3F93];
	s0 =	simm.s32 @p0 $0x1  }
0x13: {  	[smem:$0x3FAE] =	sst s0;
	s0 =	simm.s32 @!p1 $0x0  }
0x14: {  	s2 =	sld [smem:$0x3F92];
	s0 =	simm.s32 @p1 $0x1  }
0x15: {  	[smem:$0x3FAF] =	sst s0;
	s0 =	simm.s32 @!p2 $0x0  }
0x16: {  	s3 =	sld [smem:$0x3FDB];
	s0 =	simm.s32 @p2 $0x1  }
0x17: {  	s4 =	simm.s32 $0x1BF5;
	[smem:$0x3FB1] =	sst s0  }
0x18: {  	s0 =	sld [smem:$0x3F94];
	_ =	swait.ge [sflag:s4], $0x0  }
0x19: {  	s7 =	sld [smem:$0x3F95]  }
0x1a: {  	s8 =	sadd.s32 $0xFFFFE003, lr  }
0x1b: {  	s9 =	sadd.s32 $0xFFFFFEF7, lr;
	s5 =	simm.s32 $0xFFFFFFFF;
	p2 =	slt.u32 s8, $0xFFFFF086  }
0x1c: {  	p1 =	slt.u32 s9, $0xF7A;
	s5 =	simm.s32 @!p2 $0x0  }
0x1d: {  	s5 =	simm.s32 @p1 $0x1;
	p0 =	seq.s32 s7, s2  }
0x1e: {  	s7 =	smul.u32 @!p0 $0xF7A, s2;
	p2 =	seq.s32 @!p0 s5, $0x0  }
0x1f: {  	s9 =	smul.u32 $0xF7A, s1;
	s8 =	simm.s32 @!p0 $0x1BF5;
	p2 =	por !p2, p0  }
0x20: {  	[sflag:s8] =	ssyncset.s32 @!p0 $0xFFFFF086;
	s6 =	sadd.s32 @!p0 s3, s7;
	s7 =	simm.s32 @!p0 $0x108  }
0x21: {  	s3 =	sadd.s32 s3, s9;
	s6 =	sadd.s32 @!p0 $0x88, s6;
	s7 =	simm.s32 @p2 $0x1082  }
0x22: {  	[simem:s7], [sflag:s8] =	dma.local @!p0 [hbm:s6], $0xF7A  }
0x23: {  	s9 =	sor.u32 $0xD0000000, s2;
	s6 =	simm.s32 $0x108;
	_ =	swait.ge @!p0 [sflag:s8], $0x0  }
0x24: {  	s3 =	sadd.s32 $0x88, s3;
	s6 =	simm.s32 @!p1 $0x1082;
	[sflag:s4] =	ssyncset.s32 $0xFFFFF086  }
0x25: {  	[simem:s6], [sflag:s4] =	dma.local [hbm:s3], $0xF7A  }
0x26: {  	[smem:$0x3F95] =	sst s1;
	(tag) =	ssettag s2;
	_ =	strace s9  }
0x27: {  	s1 =	sld [smem:$0x3FA5]  }
0x28: {  	s2 =	sld [smem:$0x3FA6]  }
0x29: {  	s4 =	sld [smem:$0x3FA8]  }
0x2a: {  	p0 =	seq.s32 s5, $0x0;
	s5 =	sld [smem:$0x3FA9]  }
0x2b: {  	s6 =	sld [smem:$0x3FAA]  }
0x2c: {  	s7 =	sld [smem:$0x3FAB]  }
0x2d: {  	s3 =	simm.s32 $0x108;
	s8 =	sld [smem:$0x3FAC]  }
0x2e: {  	s3 =	simm.s32 @!p0 $0x1082;
	s9 =	sld [smem:$0x3FAD]  }
0x2f: {  	lr =	sadd.s32 s0, s3;
	s0 =	sld [smem:$0x3FA4]  }
0x30: {  	s3 =	sld [smem:$0x3FA7]  }
0x31: {  	[smem:$0x3FB0] =	sst s10  }
0x32: {  	s10 =	sld [smem:$0x3FAE];
	_ =	sdelay $0x3  }
0x33: {  	p0 =	seq.s32 s10, $0x1;
	s10 =	sld [smem:$0x3FB0];
	_ =	sdelay $0x3  }
0x34: {  	[smem:$0x3FB0] =	sst s10  }
0x35: {  	s10 =	sld [smem:$0x3FAF];
	_ =	sdelay $0x3  }
0x36: {  	p1 =	seq.s32 s10, $0x1;
	s10 =	sld [smem:$0x3FB0];
	_ =	sdelay $0x3  }
0x37: {  	[smem:$0x3FB0] =	sst s10  }
0x38: {  	s10 =	sld [smem:$0x3FB1]  }
0x39: {  	_ = 	snop;
	(pc) =	sbr.ind lr, $3  }
0x3a: {  	_ = 	snop  }
0x3b: {  	_ = 	snop  }
0x3c: {  	p2 =	seq.s32 s10, $0x1;
	s10 =	sld [smem:$0x3FB0]  }
0x3d: {  	_ =	shalt  }
0x3e: {  	_ =	shalt  }
0x3f: {  	_ =	shalt  }
0x40: {  	_ =	shalt  }
0x41: {  	_ =	shalt  }
0x42: {  	_ =	shalt  }
0x43: {  	_ =	shalt  }
0x44: {  	_ =	shalt  }
0x45: {  	_ =	shalt  }
0x46: {  	_ =	shalt  }
0x47: {  	_ =	shalt  }
0x48: {  	_ =	shalt  }
0x49: {  	_ =	shalt  }
0x4a: {  	_ =	shalt  }
0x4b: {  	_ =	shalt  }
0x4c: {  	_ =	shalt  }
0x4d: {  	_ =	shalt  }
0x4e: {  	_ =	shalt  }
0x4f: {  	_ =	shalt  }
0x50: {  	_ =	shalt  }
0x51: {  	_ =	shalt  }
0x52: {  	_ =	shalt  }
0x53: {  	_ =	shalt  }
0x54: {  	_ =	shalt  }
0x55: {  	_ =	shalt  }
0x56: {  	_ =	shalt  }
0x57: {  	_ =	shalt  }
0x58: {  	_ =	shalt  }
0x59: {  	_ =	shalt  }
0x5a: {  	_ =	shalt  }
0x5b: {  	_ =	shalt  }
0x5c: {  	_ =	shalt  }
0x5d: {  	_ =	shalt  }
0x5e: {  	_ =	shalt  }
0x5f: {  	_ =	shalt  }
0x60: {  	_ =	shalt  }
0x61: {  	_ =	shalt  }
0x62: {  	_ =	shalt  }
0x63: {  	_ =	shalt  }
0x64: {  	_ =	shalt  }
0x65: {  	_ =	shalt  }
0x66: {  	_ =	shalt  }
0x67: {  	_ =	shalt  }
0x68: {  	_ =	shalt  }
0x69: {  	_ =	shalt  }
0x6a: {  	_ =	shalt  }
0x6b: {  	_ =	shalt  }
0x6c: {  	_ =	shalt  }
0x6d: {  	_ =	shalt  }
0x6e: {  	_ =	shalt  }
0x6f: {  	_ =	shalt  }
0x70: {  	_ =	shalt  }
0x71: {  	_ =	shalt  }
0x72: {  	_ =	shalt  }
0x73: {  	_ =	shalt  }
0x74: {  	_ =	shalt  }
0x75: {  	_ =	shalt  }
0x76: {  	_ =	shalt  }
0x77: {  	_ =	shalt  }
0x78: {  	_ =	shalt  }
0x79: {  	_ =	shalt  }
0x7a: {  	_ =	shalt  }
0x7b: {  	_ =	shalt  }
0x7c: {  	_ =	shalt  }
0x7d: {  	_ =	shalt  }
0x7e: {  	_ =	shalt  }
0x7f: {  	_ =	shalt  }
0x80: {  	_ =	shalt  }
0x81: {  	_ =	shalt  }
0x82: {  	_ =	shalt  }
0x83: {  	_ =	shalt  }
0x84: {  	_ =	shalt  }
0x85: {  	_ =	shalt  }
0x86: {  	_ =	shalt  }
0x87: {  	_ =	shalt  }
.Lfunc_end0:
.L_simem_size_0:
called_computation.4_lowered:
.L_overlay_start_0:
0x88: {  	s2 =	sld [smem:$0x3FD9]  }
0x89: {  	s3 =	sld [smem:$0x3FFE];
	_ =	sdelay $0x1  }
0x8a: {  	s1 =	srdreg.scid  }
0x8b: {  	s0 =	sand.u32 $0x1, s1  }
0x8c: {  	s16 =	sshll.u32 s0, $0xA;
	s2 =	sadd.s32 s3, s2  }
0x8d: {  	s2 =	sadd.s32 s2, s16  }
0x8e: {  	[smem:$0x3FBC] =	sst s2  }
0x8f: {  	_ = 	snop  }
0x90: {  	(tm) =	ssettm $0x1  }
0x91: {  	s17 =	sld [smem:$0x3FFB];
	_ =	sdelay $0x3  }
0x92: {  	_ =	strace s17  }
0x93: {  	s2 =	sld [smem:$0x3FFC];
	_ =	sdelay $0x3  }
0x94: {  	_ =	strace s2  }
0x95: {  	s2 =	sld [smem:$0x3FFD];
	_ =	sdelay $0x3  }
0x96: {  	_ =	strace s2  }
0x97: {  	_ =	strace $0x8FFFFFFF  }
0x98: {  	s18 =	sld [smem:$0x3FDB];
	_ =	sdelay $0x1  }
0x99: {  	s19 =	simm.s32 $_scs_section_size  }
0x9a: {  	s4 =	simm.s32 $_size__tile_overlayer_lowered;
	s5 =	simm.s32 $_tile_overlayer_lowered  }
0x9b: {  	s22 =	simm.s32 $0x1BFF;
	s21 =	sshll.u32 s5, $0x1;
	s2 =	sadd.s32 s19, s18  }
0x9c: {  	s6 =	simm.s32 $0x0;
	s20 =	sshll.u32 s4, $0x1;
	s4 =	sadd.s32 s21, s2  }
0x9d: {  	[timem:s6], [sflag:s22] =	dma.local [hbm:s4], s20  }
0x9e: {  	_ =	swait.ge [sflag:s22], s20  }
0x9f: {  	s3 =	ssub.s32 $0x0, s20;
	[sflag:s22] =	ssyncset.done $0x0  }
0xa0: {  	[sflag:s22] =	ssyncadd.s32 s3;
	_ =	sdelay $0x1  }
0xa1: {  	s23 =	simm.s32 $0x1B8B  }
0xa2: {  	_ =	swait.ge [sflag:s23], $0x1  }
0xa3: {  	[sflag:s23] =	ssyncset.done $0x0  }
0xa4: {  	s25 =	simm.s32 $0x1B8E;
	s24 =	sld [smem:$0x3FFE];
	[sflag:s23] =	ssyncadd.s32 $0xFFFFFFFF  }
0xa5: {  	s26 =	simm.s32 $execute0_lowered;
	[smem:$0x3FD2] =	sst s25  }
0xa6: {  	s4 =	sshll.u32 s26, $0x1;
	_ =	strace $0x80000052;
	[dreg:$0x1] =	wrdreg $0xFFFFFFFF  }
0xa7: {  	s28 =	simm.s32 $_size_execute0_lowered;
	s2 =	sadd.s32 s2, s4;
	[dreg:$0x0] =	wrdreg $0x0  }
0xa8: {  	s4 =	sshll.u32 s28, $0x1;
	[dreg:$0x2] =	wrdreg s2  }
0xa9: {  	[dreg:$0x3] =	wrdreg s4  }
0xaa: {  	[dreg:$0x4] =	wrdreg $0xC0  }
0xab: {  	_ =	task [dreg:s6], $0x5FFFF  }
0xac: {  	[dreg:$0x1] =	wrdreg $0xFFFFFFFF  }
0xad: {  	[dreg:$0x0] =	wrdreg $0x60  }
0xae: {  	[dreg:$0x2] =	wrdreg s24  }
0xaf: {  	[dreg:$0x3] =	wrdreg $0x82000  }
0xb0: {  	[dreg:$0x4] =	wrdreg $0x9  }
0xb1: {  	_ =	task.clear_ibuf [dreg:s6], $0x5FFFF;
	_ =	strace $0x90000052  }
0xb2: {  	s29 =	simm.s32 $0x9;
	_ =	strace $0x80000054  }
0xb3: {  	_ =	swait.ge [sflag:s29], $0x1  }
0xb4: {  	[sflag:s29] =	ssyncadd.s32 $0xFFFFFFFF  }
0xb5: {  	_ =	strace $0x90000054  }
0xb6: {  	_ =	sfence  }
0xb7: {  	s30 =	sld [smem:$0x0];
	_ =	sdelay $0x2  }
0xb8: {  	s31 =	sshll.u32 s1, $0xD;
	s1 =	sshrl.u32 s1, $0x2  }
0xb9: {  	s3 =	sand.u32 $0x4000, s31;
	s1 =	sadd.s32 s1, s30  }
0xba: {  	s0 =	sor.u32 s3, s0;
	s1 =	sshll.u32 s1, $0x11  }
0xbb: {  	s0 =	sor.u32 s1, s0  }
0xbc: {  	s0 =	sadd.s32 $0x8F2B, s0  }
0xbd: {  	[sflag:s0] =	ssyncadd.remote.s32 $0x1  }
0xbe: {  	_ =	sfence.sel $0xFFFF  }
0xbf: {  	[dreg:$0x0] =	wrdreg $0xFFFFFFFF;
	(pc) =	sbr.abs _section_cstart, $3  }
0xc0: {  	[dreg:$0x1] =	wrdreg $0xFFFFFFFF  }
0xc1: {  	_ =	task.clear_ibuf [dreg:s6], $0x2FFFF;
	_ =	strace $0x9FFFFFFF  }
0xc2: {  	(tm) =	ssettm $0x7FFFFFFF  }
0xc3: {  	_ =	shalt  }
tec
execute0_lowered:
.L_overlay_start_1:
0x0: {  	(tag) =	ssettag $0x1  }
0x1: {  	s5 =	rddreg [dreg:$0x0]  }
0x2: {  	s1 =	rddreg [dreg:$0x1]  }
0x3: {  	s0 =	rddreg [dreg:$0x2];
	s3 =	simm.s32 $0x0;
	s2 =	stileid.u32  }
0x4: {  	s7 =	srdreg.scid;
	s15 =	simm.s32 $0x1;
	s16 =	simm.s32 $0x80  }
0x5: {  	s17 =	simm.s32 $0x200;
	s18 =	simm.s32 $0x2;
	s19 =	simm.s32 $0x4200  }
0x6: {  	s20 =	simm.s32 $0x3;
	s21 =	simm.s32 $0x4;
	s22 =	simm.s32 $0x180  }
0x7: {  	s23 =	simm.s32 $0x0;
	[smem:$0x7FF] =	sst s3;
	s6 =	smul.u32 $0x14000, s2  }
0x8: {  	s4 =	sadd.s32 $0x30800, s5;
	s8 =	sadd.s32 $0x1C800, s5;
	s9 =	smul.u32 $0x2800, s2  }
0x9: {  	s7 =	sand.u32 $0x1, s7;
	s30 =	smul.u32 $0xA00, s2;
	s14 =	sshll.u32 s2, $0x6  }
0xa: {  	_ =	strace $0x80000053;
	s11 =	smul.u32 $0x28000, s7;
	s12 =	sshll.u32 s7, $0x4  }
0xb: {  	s13 =	ssub.s32 $0x2, s7;
	s7 =	smul.u32 $0xA000, s7;
	s10 =	sshrl.u32 s6, $0x3  }
0xc: {  	s12 =	sor.u32 s2, s12;
	s28 =	sshrl.u32 s13, $0x1;
	s29 =	sadd.s32 s6, s1  }
0xd: {  	s10 =	sadd.s32 s10, s5;
	s9 =	sadd.s32 s9, s11;
	s12 =	smul.u32 $0xA00, s12  }
.Ltmp0:
0xe: {  	s11 =	ssub.s32 s13, s28;
	s31 =	sadd.s32 s7, s8;
	(pc) =	sbr.rel .LBB2_1-.Ltmp0, $4  }
0xf: {  	s7 =	sor.u32 $0x1C05, s14;
	s13 =	simm.s32 $0x5;
	s14 =	simm.s32 $0x100  }
0x10: {  	s9 =	sadd.s32 s9, s5;
	s5 =	sadd.s32 $0x58800, s10;
	s10 =	smax.u32 s11, $0x1  }
0x11: {  	s6 =	sadd.s32 s8, s12;
	s12 =	sadd.s32 s30, s31;
	s9 =	sadd.s32 $0x80800, s9  }
0x12: {  	s8 =	sadd.s32 $0x20, s6;
	s11 =	sadd.s32 $0xA0, s12;
	s12 =	sshrl.u32 s29, $0x3  }
.LBB2_4:
0x13: {  	_ =	swait.ge [sflag:s21], $0x4000  }
0x14: {  	[sflag:s21] =	ssyncset.done $0x0  }
0x15: {  	[sflag:s21] =	ssyncadd.s32 $0xFFFFC000  }
0x16: {  	[spmem:s1] =	stream.indirect.scatter.add.f32 [tilespmem:s19], [sflag:$0x5], $0x80, s22, s16, $0xb8;
	[tilespmem:$0x1C200] =	vst v63  }
0x17: {  	_ =	swait.ge [sflag:s13], $0x4000  }
0x18: {  	s23 =	sadd.s32 $0x1, s23;
	[sflag:s13] =	ssyncset.done $0x0  }
0x19: {  	p0 =	sne.s32 s23, s10;
	[sflag:s13] =	ssyncadd.s32 $0xFFFFC000  }
.Ltmp1:
0x1a: {  	[bflag:$0x0] =	sbarrier.arrive $0xFFFF;
	(pc) =	sbr.rel @!p0 .LBB2_5-.Ltmp1, $4  }
0x1b: {  	[hbm:s9], [sflag:s7] =	dma.local [spmem:s12], $0x2800  }
0x1c: {  	_ =	swait.ge [sflag:s13], $0x2800  }
0x1d: {  	[sflag:s13] =	ssyncset.done $0x0  }
0x1e: {  	[sflag:s13] =	ssyncadd.s32 $0xFFFFD800  }
.LBB2_1:
0x1f: {  	[spmem:s12], [sflag:s7] =	dma.local [hbm:s5], $0x2800  }
0x20: {  	_ =	swait.ge [sflag:s13], $0x2800  }
0x21: {  	[sflag:s13] =	ssyncset.done $0x0  }
0x22: {  	[sflag:s13] =	ssyncadd.s32 $0xFFFFD800  }
0x23: {  	[bflag:$0x0] =	sbarrier.arrive $0xFFFF  }
0x24: {  	[tilespmem:s3], [sflag:$0x1] =	stream.linear.gather [hbm4b:s6+s3], $0x100, $0x38;
	[tilespmem:$0x1C200] =	vst v63  }
0x25: {  	_ = 	snop  }
0x26: {  	[tilespmem:s14], [sflag:$0x2] =	stream.linear.gather [hbm4b:s8+s3], $0x100, $0x38;
	[tilespmem:$0x1C200] =	vst v63  }
0x27: {  	_ =	swait.ge [sflag:s15], $0x100  }
0x28: {  	[sflag:s15] =	ssyncset.done $0x0  }
0x29: {  	s24 =	smov.u32 s11;
	s25 =	simm.s32 $0x0;
	[sflag:s15] =	ssyncadd.s32 $0xFFFFFF00  }
0x2a: {  	[tilespmem:s17], [sflag:$0x3] =	stream.indirect.gather [hbm4b:s4+s16], $0x80, s3, s16, $0xb8;
	[tilespmem:$0x1C200] =	vst v63  }
.LBB2_2:
0x2b: {  	_ =	swait.ge [sflag:s18], $0x100  }
0x2c: {  	[sflag:s18] =	ssyncset.done $0x0  }
0x2d: {  	[sflag:s18] =	ssyncadd.s32 $0xFFFFFF00  }
0x2e: {  	[tilespmem:s19], [sflag:$0x4] =	stream.indirect.gather [hbm4b:s4+s16], $0x80, s14, s16, $0xb8;
	[tilespmem:$0x1C200] =	vst v63  }
0x2f: {  	_ =	swait.ge [sflag:s20], $0x4000  }
0x30: {  	[sflag:s20] =	ssyncset.done $0x0  }
0x31: {  	[sflag:s20] =	ssyncadd.s32 $0xFFFFC000  }
0x32: {  	[spmem:s1] =	stream.indirect.scatter.add.f32 [tilespmem:s17], [sflag:$0x5], $0x80, s16, s16, $0xb8;
	[tilespmem:$0x1C200] =	vst v63  }
0x33: {  	_ =	swait.ge [sflag:s13], $0x4000  }
0x34: {  	[sflag:s13] =	ssyncset.done $0x0  }
0x35: {  	s26 =	sadd.s32 $0xFFFFFFA0, s24;
	[sflag:s13] =	ssyncadd.s32 $0xFFFFC000  }
0x36: {  	[tilespmem:s3], [sflag:$0x1] =	stream.linear.gather [hbm4b:s26+s3], $0x100, $0x38;
	[tilespmem:$0x1C200] =	vst v63  }
0x37: {  	_ =	swait.ge [sflag:s15], $0x100  }
0x38: {  	[sflag:s15] =	ssyncset.done $0x0  }
0x39: {  	[sflag:s15] =	ssyncadd.s32 $0xFFFFFF00  }
0x3a: {  	[tilespmem:s17], [sflag:$0x3] =	stream.indirect.gather [hbm4b:s4+s16], $0x80, s3, s16, $0xb8;
	[tilespmem:$0x1C200] =	vst v63  }
0x3b: {  	_ =	swait.ge [sflag:s21], $0x4000  }
0x3c: {  	[sflag:s21] =	ssyncset.done $0x0  }
0x3d: {  	[sflag:s21] =	ssyncadd.s32 $0xFFFFC000  }
0x3e: {  	[spmem:s1] =	stream.indirect.scatter.add.f32 [tilespmem:s19], [sflag:$0x5], $0x80, s22, s16, $0xb8;
	[tilespmem:$0x1C200] =	vst v63  }
0x3f: {  	_ =	swait.ge [sflag:s13], $0x4000  }
0x40: {  	[sflag:s13] =	ssyncset.done $0x0  }
0x41: {  	s31 =	sadd.s32 $0xFFFFFFC0, s24;
	[sflag:s13] =	ssyncadd.s32 $0xFFFFC000  }
0x42: {  	[tilespmem:s14], [sflag:$0x2] =	stream.linear.gather [hbm4b:s31+s3], $0x100, $0x38;
	[tilespmem:$0x1C200] =	vst v63  }
0x43: {  	_ =	swait.ge [sflag:s18], $0x100  }
0x44: {  	[sflag:s18] =	ssyncset.done $0x0  }
0x45: {  	[sflag:s18] =	ssyncadd.s32 $0xFFFFFF00  }
0x46: {  	[tilespmem:s19], [sflag:$0x4] =	stream.indirect.gather [hbm4b:s4+s16], $0x80, s14, s16, $0xb8;
	[tilespmem:$0x1C200] =	vst v63  }
0x47: {  	_ =	swait.ge [sflag:s20], $0x4000  }
0x48: {  	p0 =	sgt.u32 s25, $0x25;
	[sflag:s20] =	ssyncset.done $0x0  }
.Ltmp2:
0x49: {  	[sflag:s20] =	ssyncadd.s32 $0xFFFFC000;
	(pc) =	sbr.rel @p0 .LBB2_4-.Ltmp2, $4  }
0x4a: {  	[spmem:s1] =	stream.indirect.scatter.add.f32 [tilespmem:s17], [sflag:$0x5], $0x80, s16, s16, $0xb8;
	[tilespmem:$0x1C200] =	vst v63  }
0x4b: {  	_ =	swait.ge [sflag:s13], $0x4000  }
0x4c: {  	[sflag:s13] =	ssyncset.done $0x0  }
0x4d: {  	[sflag:s13] =	ssyncadd.s32 $0xFFFFC000  }
0x4e: {  	s26 =	sadd.s32 $0xFFFFFFE0, s24  }
0x4f: {  	[tilespmem:s3], [sflag:$0x1] =	stream.linear.gather [hbm4b:s26+s3], $0x100, $0x38;
	[tilespmem:$0x1C200] =	vst v63  }
0x50: {  	_ =	swait.ge [sflag:s15], $0x100  }
0x51: {  	[sflag:s15] =	ssyncset.done $0x0  }
0x52: {  	[sflag:s15] =	ssyncadd.s32 $0xFFFFFF00  }
0x53: {  	[tilespmem:s17], [sflag:$0x3] =	stream.indirect.gather [hbm4b:s4+s16], $0x80, s3, s16, $0xb8;
	[tilespmem:$0x1C200] =	vst v63  }
0x54: {  	_ =	swait.ge [sflag:s21], $0x4000  }
0x55: {  	[sflag:s21] =	ssyncset.done $0x0  }
0x56: {  	[sflag:s21] =	ssyncadd.s32 $0xFFFFC000  }
0x57: {  	[spmem:s1] =	stream.indirect.scatter.add.f32 [tilespmem:s19], [sflag:$0x5], $0x80, s22, s16, $0xb8;
	[tilespmem:$0x1C200] =	vst v63  }
.Ltmp3:
0x58: {  	_ =	swait.ge [sflag:s13], $0x4000;
	(pc) =	sbr.rel .LBB2_2-.Ltmp3, $4  }
0x59: {  	[sflag:s13] =	ssyncset.done $0x0  }
0x5a: {  	[sflag:s13] =	ssyncadd.s32 $0xFFFFC000  }
0x5b: {  	[tilespmem:s14], [sflag:$0x2] =	stream.linear.gather [hbm4b:s24+s3], $0x100, $0x38;
	[tilespmem:$0x1C200] =	vst v63  }
0x5c: {  	s25 =	sadd.s32 $0x2, s25;
	s24 =	sadd.s32 $0x80, s24  }
.LBB2_5:
0x5d: {  	_ =	sfence.sel $0x180000  }
0x5e: {  	[bflag:$0x0] =	sbarrier.arrive $0xFFFF  }
0x5f: {  	p0 =	sne.s32 s2, $0x0;
	_ =	strace $0x90000053  }
0x60: {  	s0 =	sadd.s32 @!p0 $0x100000, s0;
	[bflag:$0x2] =	sbarrier.arrive $0xFFFF  }
0x61: {  	[sflag:s0] =	ssyncadd.tile.s32 @!p0 $0x1;
	_ =	shalt  }
.Lfunc_end2:
_tile_overlayer_lowered:
.L_overlay_start_2:
0x62: {  	(tag) =	ssettag $0x2  }
0x63: {  	s0 =	rddreg [dreg:$0x0];
	s2 =	stileid.u32  }
0x64: {  	s1 =	rddreg [dreg:$0x1];
	p0 =	sne.s32 s2, $0x0  }
0x65: {  	s3 =	rddreg [dreg:$0x2];
	[bflag:$0x3] =	sbarrier.arrive $0xFFFF;
	s2 =	simm.s32 @!p0 $0x1C05  }
0x66: {  	[timem:s3], [sflag:s2] =	dma.local @!p0 [hbm:s0], s1  }
0x67: {  	s0 =	simm.s32 @!p0 $0x5  }
0x68: {  	_ =	swait.ge @!p0 [sflag:s0], s1  }
0x69: {  	s1 =	ssub.s32 @!p0 $0x0, s1;
	[sflag:s0] =	ssyncset.done @!p0 $0x0  }
0x6a: {  	[sflag:s0] =	ssyncadd.s32 @!p0 s1  }
0x6b: {  	[bflag:$0x3] =	sbarrier.arrive $0xFFFF  }
0x6c: {  	_ =	shalt  }

// kernel: kernel.29.cloned.1.call-start
scs
__scs_entry_jumppad:
0x0: {  	(pc) =	sbr.rel $0x88, $3  }
0x1: {  	(tag) =	ssettag $0x0;
	lr =	simm.s32 $0x1  }
0x2: {  	[smem:$0x3F95] =	sst lr;
	_ =	strace $0xD0000000  }
0x3: {  	_ = 	snop  }
0x4: {  	_ = 	snop  }
0x5: {  	_ = 	snop  }
0x6: {  	_ = 	snop  }
0x7: {  	_ = 	snop  }
__scs_overlays_trampoline_lowered:
0x8: {  	[smem:$0x3FA4] =	sst s0  }
0x9: {  	[smem:$0x3FA5] =	sst s1  }
0xa: {  	[smem:$0x3FA6] =	sst s2  }
0xb: {  	[smem:$0x3FA7] =	sst s3  }
0xc: {  	[smem:$0x3FA8] =	sst s4  }
0xd: {  	[smem:$0x3FA9] =	sst s5  }
0xe: {  	[smem:$0x3FAA] =	sst s6  }
0xf: {  	[smem:$0x3FAB] =	sst s7  }
0x10: {  	[smem:$0x3FAC] =	sst s8  }
0x11: {  	[smem:$0x3FAD] =	sst s9;
	s0 =	simm.s32 @!p0 $0x0  }
0x12: {  	s1 =	sld [smem:$0x3F93];
	s0 =	simm.s32 @p0 $0x1  }
0x13: {  	[smem:$0x3FAE] =	sst s0;
	s0 =	simm.s32 @!p1 $0x0  }
0x14: {  	s2 =	sld [smem:$0x3F92];
	s0 =	simm.s32 @p1 $0x1  }
0x15: {  	[smem:$0x3FAF] =	sst s0;
	s0 =	simm.s32 @!p2 $0x0  }
0x16: {  	s3 =	sld [smem:$0x3FDB];
	s0 =	simm.s32 @p2 $0x1  }
0x17: {  	s4 =	simm.s32 $0x1BF5;
	[smem:$0x3FB1] =	sst s0  }
0x18: {  	s0 =	sld [smem:$0x3F94];
	_ =	swait.ge [sflag:s4], $0x0  }
0x19: {  	s7 =	sld [smem:$0x3F95]  }
0x1a: {  	s8 =	sadd.s32 $0xFFFFE003, lr  }
0x1b: {  	s9 =	sadd.s32 $0xFFFFFEF7, lr;
	s5 =	simm.s32 $0xFFFFFFFF;
	p2 =	slt.u32 s8, $0xFFFFF086  }
0x1c: {  	p1 =	slt.u32 s9, $0xF7A;
	s5 =	simm.s32 @!p2 $0x0  }
0x1d: {  	s5 =	simm.s32 @p1 $0x1;
	p0 =	seq.s32 s7, s2  }
0x1e: {  	s7 =	smul.u32 @!p0 $0xF7A, s2;
	p2 =	seq.s32 @!p0 s5, $0x0  }
0x1f: {  	s9 =	smul.u32 $0xF7A, s1;
	s8 =	simm.s32 @!p0 $0x1BF5;
	p2 =	por !p2, p0  }
0x20: {  	[sflag:s8] =	ssyncset.s32 @!p0 $0xFFFFF086;
	s6 =	sadd.s32 @!p0 s3, s7;
	s7 =	simm.s32 @!p0 $0x108  }
0x21: {  	s3 =	sadd.s32 s3, s9;
	s6 =	sadd.s32 @!p0 $0x88, s6;
	s7 =	simm.s32 @p2 $0x1082  }
0x22: {  	[simem:s7], [sflag:s8] =	dma.local @!p0 [hbm:s6], $0xF7A  }
0x23: {  	s9 =	sor.u32 $0xD0000000, s2;
	s6 =	simm.s32 $0x108;
	_ =	swait.ge @!p0 [sflag:s8], $0x0  }
0x24: {  	s3 =	sadd.s32 $0x88, s3;
	s6 =	simm.s32 @!p1 $0x1082;
	[sflag:s4] =	ssyncset.s32 $0xFFFFF086  }
0x25: {  	[simem:s6], [sflag:s4] =	dma.local [hbm:s3], $0xF7A  }
0x26: {  	[smem:$0x3F95] =	sst s1;
	(tag) =	ssettag s2;
	_ =	strace s9  }
0x27: {  	s1 =	sld [smem:$0x3FA5]  }
0x28: {  	s2 =	sld [smem:$0x3FA6]  }
0x29: {  	s4 =	sld [smem:$0x3FA8]  }
0x2a: {  	p0 =	seq.s32 s5, $0x0;
	s5 =	sld [smem:$0x3FA9]  }
0x2b: {  	s6 =	sld [smem:$0x3FAA]  }
0x2c: {  	s7 =	sld [smem:$0x3FAB]  }
0x2d: {  	s3 =	simm.s32 $0x108;
	s8 =	sld [smem:$0x3FAC]  }
0x2e: {  	s3 =	simm.s32 @!p0 $0x1082;
	s9 =	sld [smem:$0x3FAD]  }
0x2f: {  	lr =	sadd.s32 s0, s3;
	s0 =	sld [smem:$0x3FA4]  }
0x30: {  	s3 =	sld [smem:$0x3FA7]  }
0x31: {  	[smem:$0x3FB0] =	sst s10  }
0x32: {  	s10 =	sld [smem:$0x3FAE];
	_ =	sdelay $0x3  }
0x33: {  	p0 =	seq.s32 s10, $0x1;
	s10 =	sld [smem:$0x3FB0];
	_ =	sdelay $0x3  }
0x34: {  	[smem:$0x3FB0] =	sst s10  }
0x35: {  	s10 =	sld [smem:$0x3FAF];
	_ =	sdelay $0x3  }
0x36: {  	p1 =	seq.s32 s10, $0x1;
	s10 =	sld [smem:$0x3FB0];
	_ =	sdelay $0x3  }
0x37: {  	[smem:$0x3FB0] =	sst s10  }
0x38: {  	s10 =	sld [smem:$0x3FB1]  }
0x39: {  	_ = 	snop;
	(pc) =	sbr.ind lr, $3  }
0x3a: {  	_ = 	snop  }
0x3b: {  	_ = 	snop  }
0x3c: {  	p2 =	seq.s32 s10, $0x1;
	s10 =	sld [smem:$0x3FB0]  }
0x3d: {  	_ =	shalt  }
0x3e: {  	_ =	shalt  }
0x3f: {  	_ =	shalt  }
0x40: {  	_ =	shalt  }
0x41: {  	_ =	shalt  }
0x42: {  	_ =	shalt  }
0x43: {  	_ =	shalt  }
0x44: {  	_ =	shalt  }
0x45: {  	_ =	shalt  }
0x46: {  	_ =	shalt  }
0x47: {  	_ =	shalt  }
0x48: {  	_ =	shalt  }
0x49: {  	_ =	shalt  }
0x4a: {  	_ =	shalt  }
0x4b: {  	_ =	shalt  }
0x4c: {  	_ =	shalt  }
0x4d: {  	_ =	shalt  }
0x4e: {  	_ =	shalt  }
0x4f: {  	_ =	shalt  }
0x50: {  	_ =	shalt  }
0x51: {  	_ =	shalt  }
0x52: {  	_ =	shalt  }
0x53: {  	_ =	shalt  }
0x54: {  	_ =	shalt  }
0x55: {  	_ =	shalt  }
0x56: {  	_ =	shalt  }
0x57: {  	_ =	shalt  }
0x58: {  	_ =	shalt  }
0x59: {  	_ =	shalt  }
0x5a: {  	_ =	shalt  }
0x5b: {  	_ =	shalt  }
0x5c: {  	_ =	shalt  }
0x5d: {  	_ =	shalt  }
0x5e: {  	_ =	shalt  }
0x5f: {  	_ =	shalt  }
0x60: {  	_ =	shalt  }
0x61: {  	_ =	shalt  }
0x62: {  	_ =	shalt  }
0x63: {  	_ =	shalt  }
0x64: {  	_ =	shalt  }
0x65: {  	_ =	shalt  }
0x66: {  	_ =	shalt  }
0x67: {  	_ =	shalt  }
0x68: {  	_ =	shalt  }
0x69: {  	_ =	shalt  }
0x6a: {  	_ =	shalt  }
0x6b: {  	_ =	shalt  }
0x6c: {  	_ =	shalt  }
0x6d: {  	_ =	shalt  }
0x6e: {  	_ =	shalt  }
0x6f: {  	_ =	shalt  }
0x70: {  	_ =	shalt  }
0x71: {  	_ =	shalt  }
0x72: {  	_ =	shalt  }
0x73: {  	_ =	shalt  }
0x74: {  	_ =	shalt  }
0x75: {  	_ =	shalt  }
0x76: {  	_ =	shalt  }
0x77: {  	_ =	shalt  }
0x78: {  	_ =	shalt  }
0x79: {  	_ =	shalt  }
0x7a: {  	_ =	shalt  }
0x7b: {  	_ =	shalt  }
0x7c: {  	_ =	shalt  }
0x7d: {  	_ =	shalt  }
0x7e: {  	_ =	shalt  }
0x7f: {  	_ =	shalt  }
0x80: {  	_ =	shalt  }
0x81: {  	_ =	shalt  }
0x82: {  	_ =	shalt  }
0x83: {  	_ =	shalt  }
0x84: {  	_ =	shalt  }
0x85: {  	_ =	shalt  }
0x86: {  	_ =	shalt  }
0x87: {  	_ =	shalt  }
.Lfunc_end0:
.L_simem_size_0:
called_computation.5_lowered:
.L_overlay_start_0:
0x88: {  	s2 =	sld [smem:$0x3FD9]  }
0x89: {  	s3 =	sld [smem:$0x3FFE];
	_ =	sdelay $0x1  }
0x8a: {  	s1 =	srdreg.scid  }
0x8b: {  	s0 =	sand.u32 $0x1, s1  }
0x8c: {  	s16 =	sshll.u32 s0, $0xA;
	s2 =	sadd.s32 s3, s2  }
0x8d: {  	s2 =	sadd.s32 s2, s16  }
0x8e: {  	[smem:$0x3FBC] =	sst s2  }
0x8f: {  	_ = 	snop  }
0x90: {  	(tm) =	ssettm $0x1  }
0x91: {  	s17 =	sld [smem:$0x3FFB];
	_ =	sdelay $0x3  }
0x92: {  	_ =	strace s17  }
0x93: {  	s2 =	sld [smem:$0x3FFC];
	_ =	sdelay $0x3  }
0x94: {  	_ =	strace s2  }
0x95: {  	s2 =	sld [smem:$0x3FFD];
	_ =	sdelay $0x3  }
0x96: {  	_ =	strace s2  }
0x97: {  	_ =	strace $0x8FFFFFFF  }
0x98: {  	s18 =	sld [smem:$0x3FDB];
	_ =	sdelay $0x1  }
0x99: {  	s19 =	simm.s32 $_scs_section_size  }
0x9a: {  	s4 =	simm.s32 $_size__tile_overlayer_lowered;
	s5 =	simm.s32 $_tile_overlayer_lowered  }
0x9b: {  	s22 =	simm.s32 $0x1BFF;
	s21 =	sshll.u32 s5, $0x1;
	s2 =	sadd.s32 s19, s18  }
0x9c: {  	s6 =	simm.s32 $0x0;
	s20 =	sshll.u32 s4, $0x1;
	s4 =	sadd.s32 s21, s2  }
0x9d: {  	[timem:s6], [sflag:s22] =	dma.local [hbm:s4], s20  }
0x9e: {  	_ =	swait.ge [sflag:s22], s20  }
0x9f: {  	s3 =	ssub.s32 $0x0, s20;
	[sflag:s22] =	ssyncset.done $0x0  }
0xa0: {  	[sflag:s22] =	ssyncadd.s32 s3;
	_ =	sdelay $0x1  }
0xa1: {  	s23 =	simm.s32 $0x1B8B  }
0xa2: {  	_ =	swait.ge [sflag:s23], $0x1  }
0xa3: {  	[sflag:s23] =	ssyncset.done $0x0  }
0xa4: {  	s25 =	simm.s32 $0x1B8E;
	s24 =	sld [smem:$0x3FFE];
	[sflag:s23] =	ssyncadd.s32 $0xFFFFFFFF  }
0xa5: {  	s26 =	simm.s32 $execute0_lowered;
	[smem:$0x3FD2] =	sst s25  }
0xa6: {  	s4 =	sshll.u32 s26, $0x1;
	_ =	strace $0x80000055;
	[dreg:$0x1] =	wrdreg $0xFFFFFFFF  }
0xa7: {  	s28 =	simm.s32 $_size_execute0_lowered;
	s2 =	sadd.s32 s2, s4;
	[dreg:$0x0] =	wrdreg $0x0  }
0xa8: {  	s4 =	sshll.u32 s28, $0x1;
	[dreg:$0x2] =	wrdreg s2  }
0xa9: {  	[dreg:$0x3] =	wrdreg s4  }
0xaa: {  	[dreg:$0x4] =	wrdreg $0xC0  }
0xab: {  	_ =	task [dreg:s6], $0x5FFFF  }
0xac: {  	[dreg:$0x1] =	wrdreg $0xFFFFFFFF  }
0xad: {  	[dreg:$0x0] =	wrdreg $0x60  }
0xae: {  	[dreg:$0x2] =	wrdreg s24  }
0xaf: {  	[dreg:$0x3] =	wrdreg $0x12000  }
0xb0: {  	[dreg:$0x4] =	wrdreg $0x9  }
0xb1: {  	_ =	task.clear_ibuf [dreg:s6], $0x5FFFF;
	_ =	strace $0x90000055  }
0xb2: {  	s29 =	simm.s32 $0x9;
	_ =	strace $0x80000057  }
0xb3: {  	_ =	swait.ge [sflag:s29], $0x1  }
0xb4: {  	[sflag:s29] =	ssyncadd.s32 $0xFFFFFFFF  }
0xb5: {  	_ =	strace $0x90000057  }
0xb6: {  	_ =	sfence  }
0xb7: {  	s30 =	sld [smem:$0x0];
	_ =	sdelay $0x2  }
0xb8: {  	s31 =	sshll.u32 s1, $0xD;
	s1 =	sshrl.u32 s1, $0x2  }
0xb9: {  	s3 =	sand.u32 $0x4000, s31;
	s1 =	sadd.s32 s1, s30  }
0xba: {  	s0 =	sor.u32 s3, s0;
	s1 =	sshll.u32 s1, $0x11  }
0xbb: {  	s0 =	sor.u32 s1, s0  }
0xbc: {  	s0 =	sadd.s32 $0x8F2B, s0  }
0xbd: {  	[sflag:s0] =	ssyncadd.remote.s32 $0x1  }
0xbe: {  	_ =	sfence.sel $0xFFFF  }
0xbf: {  	[dreg:$0x0] =	wrdreg $0xFFFFFFFF;
	(pc) =	sbr.abs _section_cstart, $3  }
0xc0: {  	[dreg:$0x1] =	wrdreg $0xFFFFFFFF  }
0xc1: {  	_ =	task.clear_ibuf [dreg:s6], $0x2FFFF;
	_ =	strace $0x9FFFFFFF  }
0xc2: {  	(tm) =	ssettm $0x7FFFFFFF  }
0xc3: {  	_ =	shalt  }
tec
execute0_lowered:
.L_overlay_start_1:
0x0: {  	(tag) =	ssettag $0x1  }
0x1: {  	s5 =	rddreg [dreg:$0x0]  }
0x2: {  	s1 =	rddreg [dreg:$0x1]  }
0x3: {  	s0 =	rddreg [dreg:$0x2];
	s3 =	simm.s32 $0x0;
	s2 =	stileid.u32  }
0x4: {  	s7 =	srdreg.scid;
	s15 =	simm.s32 $0x1;
	s16 =	simm.s32 $0x80  }
0x5: {  	s17 =	simm.s32 $0x200;
	s18 =	simm.s32 $0x2;
	s19 =	simm.s32 $0xA00  }
0x6: {  	s20 =	simm.s32 $0x3;
	s21 =	simm.s32 $0x4;
	s22 =	simm.s32 $0x180  }
0x7: {  	s23 =	simm.s32 $0x0;
	[smem:$0x7FF] =	sst s3;
	s6 =	smul.u32 $0x2800, s2  }
0x8: {  	s4 =	sadd.s32 $0x3800, s5;
	s8 =	sadd.s32 $0x1C800, s5;
	s9 =	smul.u32 $0x500, s2  }
0x9: {  	s7 =	sand.u32 $0x1, s7;
	s30 =	smul.u32 $0xA00, s2;
	s14 =	sshll.u32 s2, $0x6  }
0xa: {  	_ =	strace $0x80000056;
	s11 =	smul.u32 $0x5000, s7;
	s12 =	sshll.u32 s7, $0x4  }
0xb: {  	s13 =	ssub.s32 $0x2, s7;
	s7 =	smul.u32 $0xA000, s7;
	s10 =	sshrl.u32 s6, $0x3  }
0xc: {  	s12 =	sor.u32 s2, s12;
	s28 =	sshrl.u32 s13, $0x1;
	s29 =	sadd.s32 s6, s1  }
0xd: {  	s10 =	sadd.s32 s10, s5;
	s9 =	sadd.s32 s9, s11;
	s12 =	smul.u32 $0xA00, s12  }
.Ltmp0:
0xe: {  	s11 =	ssub.s32 s13, s28;
	s31 =	sadd.s32 s7, s8;
	(pc) =	sbr.rel .LBB2_1-.Ltmp0, $4  }
0xf: {  	s7 =	sor.u32 $0x1C05, s14;
	s13 =	simm.s32 $0x5;
	s14 =	simm.s32 $0x100  }
0x10: {  	s9 =	sadd.s32 s9, s5;
	s5 =	sadd.s32 $0xD800, s10;
	s10 =	smax.u32 s11, $0x1  }
0x11: {  	s6 =	sadd.s32 s8, s12;
	s12 =	sadd.s32 s30, s31;
	s9 =	sadd.s32 $0x12800, s9  }
0x12: {  	s8 =	sadd.s32 $0x20, s6;
	s11 =	sadd.s32 $0xA0, s12;
	s12 =	sshrl.u32 s29, $0x3  }
.LBB2_4:
0x13: {  	_ =	swait.ge [sflag:s21], $0x800  }
0x14: {  	[sflag:s21] =	ssyncset.done $0x0  }
0x15: {  	[sflag:s21] =	ssyncadd.s32 $0xFFFFF800  }
0x16: {  	[spmem:s1] =	stream.indirect.scatter.add.f32 [tilespmem:s19], [sflag:$0x5], $0x10, s22, s16, $0xb8;
	[tilespmem:$0x3A00] =	vst v63  }
0x17: {  	_ =	swait.ge [sflag:s13], $0x800  }
0x18: {  	s23 =	sadd.s32 $0x1, s23;
	[sflag:s13] =	ssyncset.done $0x0  }
0x19: {  	p0 =	sne.s32 s23, s10;
	[sflag:s13] =	ssyncadd.s32 $0xFFFFF800  }
.Ltmp1:
0x1a: {  	[bflag:$0x0] =	sbarrier.arrive $0xFFFF;
	(pc) =	sbr.rel @!p0 .LBB2_5-.Ltmp1, $4  }
0x1b: {  	[hbm:s9], [sflag:s7] =	dma.local [spmem:s12], $0x500  }
0x1c: {  	_ =	swait.ge [sflag:s13], $0x500  }
0x1d: {  	[sflag:s13] =	ssyncset.done $0x0  }
0x1e: {  	[sflag:s13] =	ssyncadd.s32 $0xFFFFFB00  }
.LBB2_1:
0x1f: {  	[spmem:s12], [sflag:s7] =	dma.local [hbm:s5], $0x500  }
0x20: {  	_ =	swait.ge [sflag:s13], $0x500  }
0x21: {  	[sflag:s13] =	ssyncset.done $0x0  }
0x22: {  	[sflag:s13] =	ssyncadd.s32 $0xFFFFFB00  }
0x23: {  	[bflag:$0x0] =	sbarrier.arrive $0xFFFF  }
0x24: {  	[tilespmem:s3], [sflag:$0x1] =	stream.linear.gather [hbm4b:s6+s3], $0x100, $0x38;
	[tilespmem:$0x3A00] =	vst v63  }
0x25: {  	_ = 	snop  }
0x26: {  	[tilespmem:s14], [sflag:$0x2] =	stream.linear.gather [hbm4b:s8+s3], $0x100, $0x38;
	[tilespmem:$0x3A00] =	vst v63  }
0x27: {  	_ =	swait.ge [sflag:s15], $0x100  }
0x28: {  	[sflag:s15] =	ssyncset.done $0x0  }
0x29: {  	s24 =	smov.u32 s11;
	s25 =	simm.s32 $0x0;
	[sflag:s15] =	ssyncadd.s32 $0xFFFFFF00  }
0x2a: {  	[tilespmem:s17], [sflag:$0x3] =	stream.indirect.gather [hbm4b:s4+s16], $0x10, s3, s16, $0xb8;
	[tilespmem:$0x3A00] =	vst v63  }
.LBB2_2:
0x2b: {  	_ =	swait.ge [sflag:s18], $0x100  }
0x2c: {  	[sflag:s18] =	ssyncset.done $0x0  }
0x2d: {  	[sflag:s18] =	ssyncadd.s32 $0xFFFFFF00  }
0x2e: {  	[tilespmem:s19], [sflag:$0x4] =	stream.indirect.gather [hbm4b:s4+s16], $0x10, s14, s16, $0xb8;
	[tilespmem:$0x3A00] =	vst v63  }
0x2f: {  	_ =	swait.ge [sflag:s20], $0x800  }
0x30: {  	[sflag:s20] =	ssyncset.done $0x0  }
0x31: {  	[sflag:s20] =	ssyncadd.s32 $0xFFFFF800  }
0x32: {  	[spmem:s1] =	stream.indirect.scatter.add.f32 [tilespmem:s17], [sflag:$0x5], $0x10, s16, s16, $0xb8;
	[tilespmem:$0x3A00] =	vst v63  }
0x33: {  	_ =	swait.ge [sflag:s13], $0x800  }
0x34: {  	[sflag:s13] =	ssyncset.done $0x0  }
0x35: {  	s26 =	sadd.s32 $0xFFFFFFA0, s24;
	[sflag:s13] =	ssyncadd.s32 $0xFFFFF800  }
0x36: {  	[tilespmem:s3], [sflag:$0x1] =	stream.linear.gather [hbm4b:s26+s3], $0x100, $0x38;
	[tilespmem:$0x3A00] =	vst v63  }
0x37: {  	_ =	swait.ge [sflag:s15], $0x100  }
0x38: {  	[sflag:s15] =	ssyncset.done $0x0  }
0x39: {  	[sflag:s15] =	ssyncadd.s32 $0xFFFFFF00  }
0x3a: {  	[tilespmem:s17], [sflag:$0x3] =	stream.indirect.gather [hbm4b:s4+s16], $0x10, s3, s16, $0xb8;
	[tilespmem:$0x3A00] =	vst v63  }
0x3b: {  	_ =	swait.ge [sflag:s21], $0x800  }
0x3c: {  	[sflag:s21] =	ssyncset.done $0x0  }
0x3d: {  	[sflag:s21] =	ssyncadd.s32 $0xFFFFF800  }
0x3e: {  	[spmem:s1] =	stream.indirect.scatter.add.f32 [tilespmem:s19], [sflag:$0x5], $0x10, s22, s16, $0xb8;
	[tilespmem:$0x3A00] =	vst v63  }
0x3f: {  	_ =	swait.ge [sflag:s13], $0x800  }
0x40: {  	[sflag:s13] =	ssyncset.done $0x0  }
0x41: {  	s31 =	sadd.s32 $0xFFFFFFC0, s24;
	[sflag:s13] =	ssyncadd.s32 $0xFFFFF800  }
0x42: {  	[tilespmem:s14], [sflag:$0x2] =	stream.linear.gather [hbm4b:s31+s3], $0x100, $0x38;
	[tilespmem:$0x3A00] =	vst v63  }
0x43: {  	_ =	swait.ge [sflag:s18], $0x100  }
0x44: {  	[sflag:s18] =	ssyncset.done $0x0  }
0x45: {  	[sflag:s18] =	ssyncadd.s32 $0xFFFFFF00  }
0x46: {  	[tilespmem:s19], [sflag:$0x4] =	stream.indirect.gather [hbm4b:s4+s16], $0x10, s14, s16, $0xb8;
	[tilespmem:$0x3A00] =	vst v63  }
0x47: {  	_ =	swait.ge [sflag:s20], $0x800  }
0x48: {  	p0 =	sgt.u32 s25, $0x25;
	[sflag:s20] =	ssyncset.done $0x0  }
.Ltmp2:
0x49: {  	[sflag:s20] =	ssyncadd.s32 $0xFFFFF800;
	(pc) =	sbr.rel @p0 .LBB2_4-.Ltmp2, $4  }
0x4a: {  	[spmem:s1] =	stream.indirect.scatter.add.f32 [tilespmem:s17], [sflag:$0x5], $0x10, s16, s16, $0xb8;
	[tilespmem:$0x3A00] =	vst v63  }
0x4b: {  	_ =	swait.ge [sflag:s13], $0x800  }
0x4c: {  	[sflag:s13] =	ssyncset.done $0x0  }
0x4d: {  	[sflag:s13] =	ssyncadd.s32 $0xFFFFF800  }
0x4e: {  	s26 =	sadd.s32 $0xFFFFFFE0, s24  }
0x4f: {  	[tilespmem:s3], [sflag:$0x1] =	stream.linear.gather [hbm4b:s26+s3], $0x100, $0x38;
	[tilespmem:$0x3A00] =	vst v63  }
0x50: {  	_ =	swait.ge [sflag:s15], $0x100  }
0x51: {  	[sflag:s15] =	ssyncset.done $0x0  }
0x52: {  	[sflag:s15] =	ssyncadd.s32 $0xFFFFFF00  }
0x53: {  	[tilespmem:s17], [sflag:$0x3] =	stream.indirect.gather [hbm4b:s4+s16], $0x10, s3, s16, $0xb8;
	[tilespmem:$0x3A00] =	vst v63  }
0x54: {  	_ =	swait.ge [sflag:s21], $0x800  }
0x55: {  	[sflag:s21] =	ssyncset.done $0x0  }
0x56: {  	[sflag:s21] =	ssyncadd.s32 $0xFFFFF800  }
0x57: {  	[spmem:s1] =	stream.indirect.scatter.add.f32 [tilespmem:s19], [sflag:$0x5], $0x10, s22, s16, $0xb8;
	[tilespmem:$0x3A00] =	vst v63  }
.Ltmp3:
0x58: {  	_ =	swait.ge [sflag:s13], $0x800;
	(pc) =	sbr.rel .LBB2_2-.Ltmp3, $4  }
0x59: {  	[sflag:s13] =	ssyncset.done $0x0  }
0x5a: {  	[sflag:s13] =	ssyncadd.s32 $0xFFFFF800  }
0x5b: {  	[tilespmem:s14], [sflag:$0x2] =	stream.linear.gather [hbm4b:s24+s3], $0x100, $0x38;
	[tilespmem:$0x3A00] =	vst v63  }
0x5c: {  	s25 =	sadd.s32 $0x2, s25;
	s24 =	sadd.s32 $0x80, s24  }
.LBB2_5:
0x5d: {  	_ =	sfence.sel $0x180000  }
0x5e: {  	[bflag:$0x0] =	sbarrier.arrive $0xFFFF  }
0x5f: {  	p0 =	sne.s32 s2, $0x0;
	_ =	strace $0x90000056  }
0x60: {  	s0 =	sadd.s32 @!p0 $0x100000, s0;
	[bflag:$0x2] =	sbarrier.arrive $0xFFFF  }
0x61: {  	[sflag:s0] =	ssyncadd.tile.s32 @!p0 $0x1;
	_ =	shalt  }
.Lfunc_end2:
_tile_overlayer_lowered:
.L_overlay_start_2:
0x62: {  	(tag) =	ssettag $0x2  }
0x63: {  	s0 =	rddreg [dreg:$0x0];
	s2 =	stileid.u32  }
0x64: {  	s1 =	rddreg [dreg:$0x1];
	p0 =	sne.s32 s2, $0x0  }
0x65: {  	s3 =	rddreg [dreg:$0x2];
	[bflag:$0x3] =	sbarrier.arrive $0xFFFF;
	s2 =	simm.s32 @!p0 $0x1C05  }
0x66: {  	[timem:s3], [sflag:s2] =	dma.local @!p0 [hbm:s0], s1  }
0x67: {  	s0 =	simm.s32 @!p0 $0x5  }
0x68: {  	_ =	swait.ge @!p0 [sflag:s0], s1  }
0x69: {  	s1 =	ssub.s32 @!p0 $0x0, s1;
	[sflag:s0] =	ssyncset.done @!p0 $0x0  }
0x6a: {  	[sflag:s0] =	ssyncadd.s32 @!p0 s1  }
0x6b: {  	[bflag:$0x3] =	sbarrier.arrive $0xFFFF  }
0x6c: {  	_ =	shalt  }

</sc_bundles>
